<compile_context>
chip_gen: v7x
topology: tpu7x:2x2x1
jax: 0.10.2.dev20260603
libtpu: 0.0.44.dev20260713+nightly
codegen_flags: <defaults>
</compile_context>

<pallas_src>
import functools

import jax
from jax import lax as _lax
import jax.numpy as jnp
from jax import lax
from jax.experimental import pallas as pl
from jax.experimental.pallas import tpu as pltpu
from jax.experimental.pallas import tpu_sc as plsc

NN = 10000
EE = 320000
DFEAT = 128
NH = 4
DH = 32

NC = 2
NS = 16
NW = NC * NS
BLK = 128
NEG = -1e38

_ROWS_PER_BLOCK = 1000

_GATHER_DNUMS = _lax.GatherDimensionNumbers(
    offset_dims=(), collapsed_slice_dims=(0,), start_index_map=(0,))


def _lane_perm(v, idx):
    return _lax.gather(v, idx[:, None], _GATHER_DNUMS, slice_sizes=(1,),
                       mode=_lax.GatherScatterMode.PROMISE_IN_BOUNDS)


def _lane_allreduce_sum(v):
    for s in (1, 2, 4, 8):
        idx = _lax.iota(jnp.int32, 16) ^ s
        v = v + _lane_perm(v, idx)
    return v


def _proj_body(nodes_ref, wl_ref, bl_ref, wr_ref, br_ref, ql_ref, qr_ref):
    x = nodes_ref[...]
    ql_ref[...] = jnp.dot(x, wl_ref[...], preferred_element_type=jnp.float32) + bl_ref[...]
    qr_ref[...] = jnp.dot(x, wr_ref[...], preferred_element_type=jnp.float32) + br_ref[...]


def _project(nodes, W_l, b_l, W_r, b_r):
    n = nodes.shape[0]
    k = W_l.shape[1]
    grid = n // _ROWS_PER_BLOCK
    return pl.pallas_call(
        _proj_body,
        grid=(grid,),
        in_specs=[
            pl.BlockSpec((_ROWS_PER_BLOCK, DFEAT), lambda i: (i, 0)),
            pl.BlockSpec((DFEAT, k), lambda i: (0, 0)),
            pl.BlockSpec((1, k), lambda i: (0, 0)),
            pl.BlockSpec((DFEAT, k), lambda i: (0, 0)),
            pl.BlockSpec((1, k), lambda i: (0, 0)),
        ],
        out_specs=[
            pl.BlockSpec((_ROWS_PER_BLOCK, k), lambda i: (i, 0)),
            pl.BlockSpec((_ROWS_PER_BLOCK, k), lambda i: (i, 0)),
        ],
        out_shape=[
            jax.ShapeDtypeStruct((n, k), jnp.float32),
            jax.ShapeDtypeStruct((n, k), jnp.float32),
        ],
    )(nodes, W_l, b_l.reshape(1, k), W_r, b_r.reshape(1, k))


def _edge_body(ql_h, qr_h, snd_h, rcv_h, nb_h, eb_h, wa_h, out_h,
               sidx, ridx, rsc, sent, recv, rowbuf, zrow, nb_v, eb_v, wa_v,
               bpos, bval, sem_s, sem_r):
    wid = lax.axis_index("c") * NS + lax.axis_index("s")
    pltpu.sync_copy(nb_h, nb_v)
    pltpu.sync_copy(eb_h, eb_v)
    pltpu.sync_copy(wa_h, wa_v)
    nbv = nb_v[pl.ds(wid, 16)]
    ebv = eb_v[pl.ds(wid, 16)]
    n_lo = nbv[0]
    n_hi = nbv[1]
    e0 = ebv[0]
    e1 = ebv[1]
    wa = [wa_v[pl.ds(16 * j, 16)] for j in range(2)]

    zv = jnp.zeros((16,), jnp.float32)
    for j in range(8):
        zrow[pl.ds(16 * j, 16)] = zv

    def write_row(node, dvs, avs):
        for j in range(8):
            rowbuf[pl.ds(16 * j, 16)] = avs[j] / dvs[j // 2]
        pltpu.sync_copy(rowbuf, out_h.at[node])

    def zero_rows(lo, hi):
        def zbody(g, c):
            pltpu.sync_copy(zrow, out_h.at[g])
            return c
        lax.fori_loop(lo, hi, zbody, 0)

    base0 = (e0 // BLK) * BLK
    nblk = (e1 - base0 + BLK - 1) // BLK

    negv = jnp.full((16,), NEG, jnp.float32)

    def stage_block(b, par):
        bstart = base0 + b * BLK
        pltpu.sync_copy(snd_h.at[pl.ds(bstart, BLK)], sidx.at[par])
        pltpu.sync_copy(rcv_h.at[pl.ds(bstart, BLK)], ridx.at[par])

        rbase = par * (BLK + 16)

        @pl.when(bstart == 0)
        def _():
            rsc[pl.ds(rbase, 16)] = jnp.full((16,), -1, jnp.int32)
            pltpu.sync_copy(rcv_h.at[pl.ds(0, BLK)], rsc.at[pl.ds(rbase + 8, BLK)])

        @pl.when(bstart != 0)
        def _():
            pltpu.sync_copy(rcv_h.at[pl.ds(bstart - 8, BLK + 8)],
                            rsc.at[pl.ds(rbase, BLK + 8)])

        pltpu.async_copy(ql_h.at[sidx.at[par]], sent.at[par], sem_s.at[par])
        pltpu.async_copy(qr_h.at[ridx.at[par]], recv.at[par], sem_r.at[par])

    @pl.when(nblk > 0)
    def _():
        stage_block(jnp.int32(0), jnp.int32(0))

    ones = jnp.ones((16,), jnp.float32)
    iota16 = _lax.iota(jnp.int32, 16)

    def blk_body(blk, carry):
        bstart = base0 + blk * BLK
        par = lax.rem(blk, 2)

        @pl.when(blk + 1 < nblk)
        def _():
            stage_block(blk + 1, 1 - par)

        pltpu.make_async_copy(ql_h.at[sidx.at[par]], sent.at[par],
                              sem_s.at[par]).wait()
        pltpu.make_async_copy(qr_h.at[ridx.at[par]], recv.at[par],
                              sem_r.at[par]).wait()
        lo = jnp.maximum(e0, bstart)
        hi = jnp.minimum(e1, bstart + BLK)

        cnt_vec = jnp.zeros((16,), jnp.int32)
        shift_idx = jnp.maximum(iota16 - 1, 0)
        splat15 = jnp.full((16,), 15, jnp.int32)
        rbase = par * (BLK + 16)
        lastv = _lane_perm(rsc[pl.ds(rbase, 16)], jnp.full((16,), 7, jnp.int32))
        for g in range(BLK // 16):
            curv = rsc[pl.ds(rbase + 8 + 16 * g, 16)]
            prevv = jnp.where(iota16 == 0, lastv, _lane_perm(curv, shift_idx))
            lastv = _lane_perm(curv, splat15)
            posv = bstart + 16 * g + iota16
            mask = (curv != prevv) & (posv >= lo) & (posv < hi)
            incl = plsc.cumsum(mask.astype(jnp.int32))
            idxv = cnt_vec + incl - 1
            plsc.store_scatter(bpos, [idxv], posv, mask=mask)
            plsc.store_scatter(bval, [idxv], curv, mask=mask)
            cnt_vec = cnt_vec + _lane_perm(incl, splat15)
        plsc.store_scatter(bpos, [cnt_vec], jnp.full((16,), 1, jnp.int32) * hi,
                           mask=iota16 == 0)
        cnt = cnt_vec[0]

        def seg_body(s, sc_carry):
            cur = sc_carry[0]
            start_e = sc_carry[1]
            sv = jnp.full((16,), 1, jnp.int32) * s
            end_e = plsc.load_gather(bpos, [sv])[0]
            i0 = jnp.clip(start_e - bstart, 0, BLK - 1)
            rvs = [recv[par, i0, pl.ds(16 * j, 16)] for j in range(8)]

            def edge_body(e, ec):
                ms = list(ec[0:4])
                ds = list(ec[4:8])
                avs = list(ec[8:16])
                i = e - bstart
                svs = [sent[par, i, pl.ds(16 * j, 16)] for j in range(8)]
                pvs = []
                for j in range(8):
                    z = svs[j] + rvs[j]
                    z = jnp.maximum(z, 0.2 * z)
                    pvs.append(z * wa[j % 2])
                for h in range(4):
                    lv = _lane_allreduce_sum(pvs[2 * h] + pvs[2 * h + 1])
                    diff = lv - ms[h]
                    u = jnp.exp(-jnp.abs(diff))
                    pos = diff > 0.0
                    sc = jnp.where(pos, u, ones)
                    el = jnp.where(pos, ones, u)
                    ds[h] = ds[h] * sc + el
                    avs[2 * h] = avs[2 * h] * sc + el * svs[2 * h]
                    avs[2 * h + 1] = avs[2 * h + 1] * sc + el * svs[2 * h + 1]
                    ms[h] = jnp.maximum(ms[h], lv)
                return (*ms, *ds, *avs)

            ec = lax.fori_loop(start_e, end_e, edge_body, tuple(sc_carry[2:]))
            ms = list(ec[0:4])
            ds = list(ec[4:8])
            avs = list(ec[8:16])

            fin_seg = s < cnt
            bv = plsc.load_gather(bval, [jnp.minimum(sv, 127)])[0]

            @pl.when(fin_seg)
            def _():
                @pl.when(cur >= n_lo)
                def _():
                    write_row(cur, ds, avs)
                zero_rows(cur + 1, bv)

            cur2 = jnp.where(fin_seg, bv, cur)
            ms = [jnp.where(fin_seg, negv, m) for m in ms]
            zv16 = jnp.zeros((16,), jnp.float32)
            ds = [jnp.where(fin_seg, zv16, d) for d in ds]
            avs = [jnp.where(fin_seg, zv16, a) for a in avs]
            return (cur2, end_e, *ms, *ds, *avs)

        return lax.fori_loop(0, cnt + 1, seg_body, carry)

    zvec = jnp.zeros((16,), jnp.float32)
    init = (n_lo - 1, e0,
            negv, negv, negv, negv,
            zvec, zvec, zvec, zvec,
            zvec, zvec, zvec, zvec, zvec, zvec, zvec, zvec)
    fin = lax.fori_loop(0, nblk, blk_body, init)
    cur = fin[0]
    ds = list(fin[6:10])
    avs = list(fin[10:18])

    @pl.when(cur >= n_lo)
    def _():
        write_row(cur, ds, avs)

    zero_rows(cur + 1, n_hi)


@functools.partial(
    pl.kernel,
    out_type=jax.ShapeDtypeStruct((NN, DFEAT), jnp.float32),
    mesh=plsc.VectorSubcoreMesh(core_axis_name="c", subcore_axis_name="s",
                                num_cores=NC, num_subcores=NS),
    scratch_types=[
        pltpu.VMEM((2, BLK), jnp.int32),
        pltpu.VMEM((2, BLK), jnp.int32),
        pltpu.VMEM((2 * (BLK + 16),), jnp.int32),
        pltpu.VMEM((2, BLK, DFEAT), jnp.float32),
        pltpu.VMEM((2, BLK, DFEAT), jnp.float32),
        pltpu.VMEM((DFEAT,), jnp.float32),
        pltpu.VMEM((DFEAT,), jnp.float32),
        pltpu.VMEM((48,), jnp.int32),
        pltpu.VMEM((48,), jnp.int32),
        pltpu.VMEM((32,), jnp.float32),
        pltpu.VMEM((160,), jnp.int32),
        pltpu.VMEM((160,), jnp.int32),
        pltpu.SemaphoreType.DMA((2,)),
        pltpu.SemaphoreType.DMA((2,)),
    ],
    compiler_params=pltpu.CompilerParams(needs_layout_passes=False),
)
def _edge_kernel(*refs):
    _edge_body(*refs)


def kernel(nodes, senders, receivers, W_l, b_l, W_r, b_r, W_a, b_a):
    ql, qr = _project(nodes, W_l, b_l, W_r, b_r)
    pos = jnp.arange(1, NW, dtype=jnp.int32) * (EE // NW)
    nb_mid = receivers[pos]
    node_bounds = jnp.concatenate([
        jnp.zeros((1,), jnp.int32), nb_mid,
        jnp.full((1,), NN, jnp.int32),
    ])
    edge_bounds = jnp.searchsorted(receivers, node_bounds).astype(jnp.int32)
    nb_pad = jnp.zeros((48,), jnp.int32).at[:NW + 1].set(node_bounds)
    eb_pad = jnp.zeros((48,), jnp.int32).at[:NW + 1].set(edge_bounds)
    wa = W_a.reshape(DH)
    out = _edge_kernel(ql, qr, senders, receivers, nb_pad, eb_pad, wa)
    return out

# --- scband reference (transcript-rebuilt; emitter-appended) ---
"""Pipeline reference for scband-gatlayer-19370302505052 (READ-ONLY COPY).

The authoritative reference and input builder live on the scoring server;
editing this copy changes nothing except your own understanding.
"""

import jax, jax.numpy as jnp
import numpy as np

N = 10000
E = 320000
DF = 128
H = 4
D = 32

def _vs_uniform(key, fan_in, fan_out):
    # haiku VarianceScaling(scale=1.0, mode='fan_avg', distribution='uniform')
    limit = np.sqrt(3.0 * 2.0 / (fan_in + fan_out))
    return jax.random.uniform(key, (fan_in, fan_out), jnp.float32, -limit, limit)

def setup_inputs(seed: int = 0):
    key = jax.random.key(seed)
    k1, k2, k3, k4, k5, k6 = jax.random.split(key, 6)
    nodes = jax.random.normal(k1, (N, DF), jnp.float32)
    senders = jax.random.randint(k2, (E,), 0, N, dtype=jnp.int32)
    receivers = jnp.sort(jax.random.randint(k3, (E,), 0, N, dtype=jnp.int32))
    W_l = _vs_uniform(k4, DF, H * D)
    b_l = jnp.zeros((H * D,), jnp.float32)
    W_r = _vs_uniform(k5, DF, H * D)
    b_r = jnp.zeros((H * D,), jnp.float32)
    W_a = _vs_uniform(k6, D, 1)
    b_a = jnp.zeros((1,), jnp.float32)
    return {"nodes": nodes, "senders": senders, "receivers": receivers,
            "W_l": W_l, "b_l": b_l, "W_r": W_r, "b_r": b_r, "W_a": W_a, "b_a": b_a}

def reference(nodes, senders, receivers, W_l, b_l, W_r, b_r, W_a, b_a):
    ql = (nodes @ W_l + b_l).reshape(-1, H, D)
    qr = (nodes @ W_r + b_r).reshape(-1, H, D)
    sent = ql[senders]            # [E, H, D]
    recv = qr[receivers]          # [E, H, D]
    z = jax.nn.leaky_relu(sent + recv, negative_slope=0.2)
    logits = z @ W_a + b_a        # [E, H, 1]
    # jraph.segment_softmax over receivers
    maxs = jax.ops.segment_max(logits, receivers, num_segments=N)
    maxs = jnp.where(jnp.isfinite(maxs), maxs, 0.0)
    shifted = logits - jax.lax.stop_gradient(maxs[receivers])
    unnorm = jnp.exp(shifted)
    denom = jax.ops.segment_sum(unnorm, receivers, num_segments=N)
    alpha = unnorm / denom[receivers]
    out = sent * alpha
    out = jax.ops.segment_sum(out, receivers, num_segments=N)
    out = out.reshape(N, H * D)   # concat=True
    return out

if __name__ == "__main__":
    import jax
    _d = setup_inputs()
    print(jax.jit(kernel)(*tuple(_d.values())))

</pallas_src>

<mosaic_0001>
#map = affine_map<(d0, d1) -> (0, 0)>
#map1 = affine_map<(d0, d1) -> (0)>
module attributes {stable_mosaic.version = 14 : i64} {
  func.func @_edge_kernel(%arg0: i32, %arg1: i32, %arg2: memref<10000x128xf32, #tpu.memory_space<hbm>>, %arg3: memref<10000x128xf32, #tpu.memory_space<hbm>>, %arg4: memref<320000xi32, #tpu.memory_space<hbm>>, %arg5: memref<320000xi32, #tpu.memory_space<hbm>>, %arg6: memref<48xi32, #tpu.memory_space<hbm>>, %arg7: memref<48xi32, #tpu.memory_space<hbm>>, %arg8: memref<32xf32, #tpu.memory_space<hbm>>, %arg9: memref<10000x128xf32, #tpu.memory_space<hbm>>, %arg10: memref<2x128xi32, #tpu.memory_space<vmem>>, %arg11: memref<2x128xi32, #tpu.memory_space<vmem>>, %arg12: memref<288xi32, #tpu.memory_space<vmem>>, %arg13: memref<2x128x128xf32, #tpu.memory_space<vmem>>, %arg14: memref<2x128x128xf32, #tpu.memory_space<vmem>>, %arg15: memref<128xf32, #tpu.memory_space<vmem>>, %arg16: memref<128xf32, #tpu.memory_space<vmem>>, %arg17: memref<48xi32, #tpu.memory_space<vmem>>, %arg18: memref<48xi32, #tpu.memory_space<vmem>>, %arg19: memref<32xf32, #tpu.memory_space<vmem>>, %arg20: memref<160xi32, #tpu.memory_space<vmem>>, %arg21: memref<160xi32, #tpu.memory_space<vmem>>, %arg22: memref<2x!tpu.dma_semaphore, #tpu.memory_space<semaphore_mem>>, %arg23: memref<2x!tpu.dma_semaphore, #tpu.memory_space<semaphore_mem>>) attributes {dimension_semantics = [#tpu.dimension_semantics<core_parallel>, #tpu.dimension_semantics<subcore_parallel>], iteration_bounds = array<i64: 2, 16>, scalar_prefetch = 0 : i64, scratch_operands = 14 : i64, tpu.core_type = #tpu.core_type<sc_vector_subcore>, window_params = [{transform_indices = #map}, {transform_indices = #map}, {transform_indices = #map1}, {transform_indices = #map1}, {transform_indices = #map1}, {transform_indices = #map1}, {transform_indices = #map1}, {transform_indices = #map}]} {
    %mul3A = arith.constant 16 : i32
    %mul3A_0 = arith.muli %arg0, %mul3A : i32
    %add3A = arith.addi %mul3A_0, %arg1 : i32
    "tpu.region"() ({
      %run_scoped3A = tpu.sem_alloc : memref<!tpu.dma_semaphore, #tpu.memory_space<semaphore_mem>>
      tpu.enqueue_dma source(%arg6 : memref<48xi32, #tpu.memory_space<hbm>>) target(%arg17 : memref<48xi32, #tpu.memory_space<vmem>>) target_semaphore(%run_scoped3A : memref<!tpu.dma_semaphore, #tpu.memory_space<semaphore_mem>>)
      tpu.wait_dma2 semaphore(%run_scoped3A : memref<!tpu.dma_semaphore, #tpu.memory_space<semaphore_mem>>) src(%arg6 : memref<48xi32, #tpu.memory_space<hbm>>) dst(%arg17 : memref<48xi32, #tpu.memory_space<vmem>>)
      tpu.yield
    }) : () -> ()
    "tpu.region"() ({
      %run_scoped3A = tpu.sem_alloc : memref<!tpu.dma_semaphore, #tpu.memory_space<semaphore_mem>>
      tpu.enqueue_dma source(%arg7 : memref<48xi32, #tpu.memory_space<hbm>>) target(%arg18 : memref<48xi32, #tpu.memory_space<vmem>>) target_semaphore(%run_scoped3A : memref<!tpu.dma_semaphore, #tpu.memory_space<semaphore_mem>>)
      tpu.wait_dma2 semaphore(%run_scoped3A : memref<!tpu.dma_semaphore, #tpu.memory_space<semaphore_mem>>) src(%arg7 : memref<48xi32, #tpu.memory_space<hbm>>) dst(%arg18 : memref<48xi32, #tpu.memory_space<vmem>>)
      tpu.yield
    }) : () -> ()
    "tpu.region"() ({
      %run_scoped3A = tpu.sem_alloc : memref<!tpu.dma_semaphore, #tpu.memory_space<semaphore_mem>>
      tpu.enqueue_dma source(%arg8 : memref<32xf32, #tpu.memory_space<hbm>>) target(%arg19 : memref<32xf32, #tpu.memory_space<vmem>>) target_semaphore(%run_scoped3A : memref<!tpu.dma_semaphore, #tpu.memory_space<semaphore_mem>>)
      tpu.wait_dma2 semaphore(%run_scoped3A : memref<!tpu.dma_semaphore, #tpu.memory_space<semaphore_mem>>) src(%arg8 : memref<32xf32, #tpu.memory_space<hbm>>) dst(%arg19 : memref<32xf32, #tpu.memory_space<vmem>>)
      tpu.yield
    }) : () -> ()
    %get3A = arith.index_cast %add3A : i32 to index
    %get3A_1 = tpu.vector_load %arg17[%get3A] {strides = array<i32>} : memref<48xi32, #tpu.memory_space<vmem>>, vector<16xi32>,
    %get3A_2 = arith.index_cast %add3A : i32 to index
    %get3A_3 = tpu.vector_load %arg18[%get3A_2] {strides = array<i32>} : memref<48xi32, #tpu.memory_space<vmem>>, vector<16xi32>,
    %slice3A = vector.extract_strided_slice %get3A_1 {offsets = [0], sizes = [1], strides = [1]} : vector<16xi32> to vector<1xi32>
    %squeeze3A = vector.extract %slice3A[0] : i32 from vector<1xi32>
    %slice3A_4 = vector.extract_strided_slice %get3A_1 {offsets = [1], sizes = [1], strides = [1]} : vector<16xi32> to vector<1xi32>
    %squeeze3A_5 = vector.extract %slice3A_4[0] : i32 from vector<1xi32>
    %slice3A_6 = vector.extract_strided_slice %get3A_3 {offsets = [0], sizes = [1], strides = [1]} : vector<16xi32> to vector<1xi32>
    %squeeze3A_7 = vector.extract %slice3A_6[0] : i32 from vector<1xi32>
    %slice3A_8 = vector.extract_strided_slice %get3A_3 {offsets = [1], sizes = [1], strides = [1]} : vector<16xi32> to vector<1xi32>
    %squeeze3A_9 = vector.extract %slice3A_8[0] : i32 from vector<1xi32>
    %get3A_10 = arith.constant 0 : index
    %get3A_11 = tpu.vector_load %arg19[%get3A_10] {strides = array<i32>} : memref<32xf32, #tpu.memory_space<vmem>>, vector<16xf32>,
    %get3A_12 = arith.constant 16 : index
    %get3A_13 = tpu.vector_load %arg19[%get3A_12] {strides = array<i32>} : memref<32xf32, #tpu.memory_space<vmem>>, vector<16xf32>,
    %broadcast_in_dim3A = arith.constant 0.000000e+00 : f32
    %broadcast_in_dim3A_14 = vector.broadcast %broadcast_in_dim3A : f32 to vector<16xf32>
    %swap3A = arith.constant 0 : index
    %swap3A_15 = tpu.vector_load %arg16[%swap3A] {strides = array<i32>} : memref<128xf32, #tpu.memory_space<vmem>>, vector<16xf32>,
    tpu.vector_store %arg16[%swap3A], %broadcast_in_dim3A_14 {strides = array<i32>} : memref<128xf32, #tpu.memory_space<vmem>>, vector<16xf32>,
    %swap3A_16 = arith.constant 16 : index
    %swap3A_17 = tpu.vector_load %arg16[%swap3A_16] {strides = array<i32>} : memref<128xf32, #tpu.memory_space<vmem>>, vector<16xf32>,
    tpu.vector_store %arg16[%swap3A_16], %broadcast_in_dim3A_14 {strides = array<i32>} : memref<128xf32, #tpu.memory_space<vmem>>, vector<16xf32>,
    %swap3A_18 = arith.constant 32 : index
    %swap3A_19 = tpu.vector_load %arg16[%swap3A_18] {strides = array<i32>} : memref<128xf32, #tpu.memory_space<vmem>>, vector<16xf32>,
    tpu.vector_store %arg16[%swap3A_18], %broadcast_in_dim3A_14 {strides = array<i32>} : memref<128xf32, #tpu.memory_space<vmem>>, vector<16xf32>,
    %swap3A_20 = arith.constant 48 : index
    %swap3A_21 = tpu.vector_load %arg16[%swap3A_20] {strides = array<i32>} : memref<128xf32, #tpu.memory_space<vmem>>, vector<16xf32>,
    tpu.vector_store %arg16[%swap3A_20], %broadcast_in_dim3A_14 {strides = array<i32>} : memref<128xf32, #tpu.memory_space<vmem>>, vector<16xf32>,
    %swap3A_22 = arith.constant 64 : index
    %swap3A_23 = tpu.vector_load %arg16[%swap3A_22] {strides = array<i32>} : memref<128xf32, #tpu.memory_space<vmem>>, vector<16xf32>,
    tpu.vector_store %arg16[%swap3A_22], %broadcast_in_dim3A_14 {strides = array<i32>} : memref<128xf32, #tpu.memory_space<vmem>>, vector<16xf32>,
    %swap3A_24 = arith.constant 80 : index
    %swap3A_25 = tpu.vector_load %arg16[%swap3A_24] {strides = array<i32>} : memref<128xf32, #tpu.memory_space<vmem>>, vector<16xf32>,
    tpu.vector_store %arg16[%swap3A_24], %broadcast_in_dim3A_14 {strides = array<i32>} : memref<128xf32, #tpu.memory_space<vmem>>, vector<16xf32>,
    %swap3A_26 = arith.constant 96 : index
    %swap3A_27 = tpu.vector_load %arg16[%swap3A_26] {strides = array<i32>} : memref<128xf32, #tpu.memory_space<vmem>>, vector<16xf32>,
    tpu.vector_store %arg16[%swap3A_26], %broadcast_in_dim3A_14 {strides = array<i32>} : memref<128xf32, #tpu.memory_space<vmem>>, vector<16xf32>,
    %swap3A_28 = arith.constant 112 : index
    %swap3A_29 = tpu.vector_load %arg16[%swap3A_28] {strides = array<i32>} : memref<128xf32, #tpu.memory_space<vmem>>, vector<16xf32>,
    tpu.vector_store %arg16[%swap3A_28], %broadcast_in_dim3A_14 {strides = array<i32>} : memref<128xf32, #tpu.memory_space<vmem>>, vector<16xf32>,
    %jit3A = arith.constant 128 : i32
    %div3A = arith.divsi %squeeze3A_7, %jit3A : i32
    %sign3A = arith.constant 0 : i32
    %sign3A_30 = arith.cmpi sgt, %squeeze3A_7, %sign3A : i32
    %sign3A_31 = arith.extui %sign3A_30 : i1 to i32
    %sign3A_32 = arith.constant 0 : i32
    %sign3A_33 = arith.cmpi slt, %squeeze3A_7, %sign3A_32 : i32
    %sign3A_34 = arith.extui %sign3A_33 : i1 to i32
    %sign3A_35 = arith.subi %sign3A_31, %sign3A_34 : i32
    %sign3A_36 = arith.constant 0 : i32
    %sign3A_37 = arith.cmpi sgt, %jit3A, %sign3A_36 : i32
    %sign3A_38 = arith.extui %sign3A_37 : i1 to i32
    %sign3A_39 = arith.constant 0 : i32
    %sign3A_40 = arith.cmpi slt, %jit3A, %sign3A_39 : i32
    %sign3A_41 = arith.extui %sign3A_40 : i1 to i32
    %sign3A_42 = arith.subi %sign3A_38, %sign3A_41 : i32
    %ne3A = arith.cmpi ne, %sign3A_35, %sign3A_42 : i32
    %rem3A = arith.remsi %squeeze3A_7, %jit3A : i32
    %ne3A_43 = arith.constant 0 : i32
    %ne3A_44 = arith.cmpi ne, %rem3A, %ne3A_43 : i32
    %and3A = arith.andi %ne3A, %ne3A_44 : i1
    %sub3A = arith.constant 1 : i32
    %sub3A_45 = arith.subi %div3A, %sub3A : i32
    %select_n3A = arith.select %and3A, %sub3A_45, %div3A : i32
    %mul3A_46 = arith.constant 128 : i32
    %mul3A_47 = arith.muli %select_n3A, %mul3A_46 : i32
    %sub3A_48 = arith.subi %squeeze3A_9, %mul3A_47 : i32
    %add3A_49 = arith.constant 128 : i32
    %add3A_50 = arith.addi %sub3A_48, %add3A_49 : i32
    %sub3A_51 = arith.constant 1 : i32
    %sub3A_52 = arith.subi %add3A_50, %sub3A_51 : i32
    %jit3A_53 = arith.constant 128 : i32
    %div3A_54 = arith.divsi %sub3A_52, %jit3A_53 : i32
    %sign3A_55 = arith.constant 0 : i32
    %sign3A_56 = arith.cmpi sgt, %sub3A_52, %sign3A_55 : i32
    %sign3A_57 = arith.extui %sign3A_56 : i1 to i32
    %sign3A_58 = arith.constant 0 : i32
    %sign3A_59 = arith.cmpi slt, %sub3A_52, %sign3A_58 : i32
    %sign3A_60 = arith.extui %sign3A_59 : i1 to i32
    %sign3A_61 = arith.subi %sign3A_57, %sign3A_60 : i32
    %sign3A_62 = arith.constant 0 : i32
    %sign3A_63 = arith.cmpi sgt, %jit3A_53, %sign3A_62 : i32
    %sign3A_64 = arith.extui %sign3A_63 : i1 to i32
    %sign3A_65 = arith.constant 0 : i32
    %sign3A_66 = arith.cmpi slt, %jit3A_53, %sign3A_65 : i32
    %sign3A_67 = arith.extui %sign3A_66 : i1 to i32
    %sign3A_68 = arith.subi %sign3A_64, %sign3A_67 : i32
    %ne3A_69 = arith.cmpi ne, %sign3A_61, %sign3A_68 : i32
    %rem3A_70 = arith.remsi %sub3A_52, %jit3A_53 : i32
    %ne3A_71 = arith.constant 0 : i32
    %ne3A_72 = arith.cmpi ne, %rem3A_70, %ne3A_71 : i32
    %and3A_73 = arith.andi %ne3A_69, %ne3A_72 : i1
    %sub3A_74 = arith.constant 1 : i32
    %sub3A_75 = arith.subi %div3A_54, %sub3A_74 : i32
    %select_n3A_76 = arith.select %and3A_73, %sub3A_75, %div3A_54 : i32
    %broadcast_in_dim3A_77 = arith.constant -9.99999968E+37 : f32
    %broadcast_in_dim3A_78 = vector.broadcast %broadcast_in_dim3A_77 : f32 to vector<16xf32>
    %gt3A = arith.constant 0 : i32
    %gt3A_79 = arith.cmpi sgt, %select_n3A_76, %gt3A : i32
    %convert_element_type3A = arith.extui %gt3A_79 : i1 to i32
    %cond3A = arith.constant 0 : i32
    %cond3A_80 = arith.cmpi ne, %convert_element_type3A, %cond3A : i32
    scf.if %cond3A_80 {
      %mul3A_111 = arith.constant 0 : i32
      %mul3A_112 = arith.constant 128 : i32
      %mul3A_113 = arith.muli %mul3A_111, %mul3A_112 : i32
      %add3A_114 = arith.addi %mul3A_47, %mul3A_113 : i32
      %run_scoped3A = arith.constant 0 : i32
      "tpu.region"() ({
        %run_scoped3A_157 = tpu.sem_alloc : memref<!tpu.dma_semaphore, #tpu.memory_space<semaphore_mem>>
        %dma_start3A_158 = arith.constant 0 : i32
        %dma_start3A_159 = tpu.memref_slice %arg10[%run_scoped3A, %dma_start3A_158] : memref<2x128xi32, #tpu.memory_space<vmem>> -> memref<1x128xi32, #tpu.memory_space<vmem>>
        %dma_start3A_160 = tpu.memref_squeeze %dma_start3A_159 : memref<1x128xi32, #tpu.memory_space<vmem>> -> memref<128xi32, #tpu.memory_space<vmem>>
        %dma_start3A_161 = tpu.memref_slice %arg4[%add3A_114] : memref<320000xi32, #tpu.memory_space<hbm>> -> memref<128xi32, #tpu.memory_space<hbm>>
        %dma_start3A_162 = arith.constant 0 : i32
        %dma_start3A_163 = tpu.memref_slice %arg10[%run_scoped3A, %dma_start3A_162] : memref<2x128xi32, #tpu.memory_space<vmem>> -> memref<1x128xi32, #tpu.memory_space<vmem>>
        %dma_start3A_164 = tpu.memref_squeeze %dma_start3A_163 : memref<1x128xi32, #tpu.memory_space<vmem>> -> memref<128xi32, #tpu.memory_space<vmem>>
        %dma_start3A_165 = tpu.memref_slice %arg4[%add3A_114] : memref<320000xi32, #tpu.memory_space<hbm>> -> memref<128xi32, #tpu.memory_space<hbm>>
        tpu.enqueue_dma source(%dma_start3A_165 : memref<128xi32, #tpu.memory_space<hbm>>) target(%dma_start3A_164 : memref<128xi32, #tpu.memory_space<vmem>>) target_semaphore(%run_scoped3A_157 : memref<!tpu.dma_semaphore, #tpu.memory_space<semaphore_mem>>)
        %dma_wait3A = arith.constant 0 : i32
        %dma_wait3A_166 = tpu.memref_slice %arg10[%run_scoped3A, %dma_wait3A] : memref<2x128xi32, #tpu.memory_space<vmem>> -> memref<1x128xi32, #tpu.memory_space<vmem>>
        %dma_wait3A_167 = tpu.memref_squeeze %dma_wait3A_166 : memref<1x128xi32, #tpu.memory_space<vmem>> -> memref<128xi32, #tpu.memory_space<vmem>>
        %dma_wait3A_168 = tpu.memref_slice %arg4[%add3A_114] : memref<320000xi32, #tpu.memory_space<hbm>> -> memref<128xi32, #tpu.memory_space<hbm>>
        %dma_wait3A_169 = arith.constant 0 : i32
        %dma_wait3A_170 = tpu.memref_slice %arg10[%run_scoped3A, %dma_wait3A_169] : memref<2x128xi32, #tpu.memory_space<vmem>> -> memref<1x128xi32, #tpu.memory_space<vmem>>
        %dma_wait3A_171 = tpu.memref_squeeze %dma_wait3A_170 : memref<1x128xi32, #tpu.memory_space<vmem>> -> memref<128xi32, #tpu.memory_space<vmem>>
        %dma_wait3A_172 = tpu.memref_slice %arg4[%add3A_114] : memref<320000xi32, #tpu.memory_space<hbm>> -> memref<128xi32, #tpu.memory_space<hbm>>
        tpu.wait_dma2 semaphore(%run_scoped3A_157 : memref<!tpu.dma_semaphore, #tpu.memory_space<semaphore_mem>>) src(%dma_wait3A_172 : memref<128xi32, #tpu.memory_space<hbm>>) dst(%dma_wait3A_171 : memref<128xi32, #tpu.memory_space<vmem>>)
        tpu.yield
      }) : () -> ()
      %run_scoped3A_115 = arith.constant 0 : i32
      "tpu.region"() ({
        %run_scoped3A_157 = tpu.sem_alloc : memref<!tpu.dma_semaphore, #tpu.memory_space<semaphore_mem>>
        %dma_start3A_158 = arith.constant 0 : i32
        %dma_start3A_159 = tpu.memref_slice %arg11[%run_scoped3A_115, %dma_start3A_158] : memref<2x128xi32, #tpu.memory_space<vmem>> -> memref<1x128xi32, #tpu.memory_space<vmem>>
        %dma_start3A_160 = tpu.memref_squeeze %dma_start3A_159 : memref<1x128xi32, #tpu.memory_space<vmem>> -> memref<128xi32, #tpu.memory_space<vmem>>
        %dma_start3A_161 = tpu.memref_slice %arg5[%add3A_114] : memref<320000xi32, #tpu.memory_space<hbm>> -> memref<128xi32, #tpu.memory_space<hbm>>
        %dma_start3A_162 = arith.constant 0 : i32
        %dma_start3A_163 = tpu.memref_slice %arg11[%run_scoped3A_115, %dma_start3A_162] : memref<2x128xi32, #tpu.memory_space<vmem>> -> memref<1x128xi32, #tpu.memory_space<vmem>>
        %dma_start3A_164 = tpu.memref_squeeze %dma_start3A_163 : memref<1x128xi32, #tpu.memory_space<vmem>> -> memref<128xi32, #tpu.memory_space<vmem>>
        %dma_start3A_165 = tpu.memref_slice %arg5[%add3A_114] : memref<320000xi32, #tpu.memory_space<hbm>> -> memref<128xi32, #tpu.memory_space<hbm>>
        tpu.enqueue_dma source(%dma_start3A_165 : memref<128xi32, #tpu.memory_space<hbm>>) target(%dma_start3A_164 : memref<128xi32, #tpu.memory_space<vmem>>) target_semaphore(%run_scoped3A_157 : memref<!tpu.dma_semaphore, #tpu.memory_space<semaphore_mem>>)
        %dma_wait3A = arith.constant 0 : i32
        %dma_wait3A_166 = tpu.memref_slice %arg11[%run_scoped3A_115, %dma_wait3A] : memref<2x128xi32, #tpu.memory_space<vmem>> -> memref<1x128xi32, #tpu.memory_space<vmem>>
        %dma_wait3A_167 = tpu.memref_squeeze %dma_wait3A_166 : memref<1x128xi32, #tpu.memory_space<vmem>> -> memref<128xi32, #tpu.memory_space<vmem>>
        %dma_wait3A_168 = tpu.memref_slice %arg5[%add3A_114] : memref<320000xi32, #tpu.memory_space<hbm>> -> memref<128xi32, #tpu.memory_space<hbm>>
        %dma_wait3A_169 = arith.constant 0 : i32
        %dma_wait3A_170 = tpu.memref_slice %arg11[%run_scoped3A_115, %dma_wait3A_169] : memref<2x128xi32, #tpu.memory_space<vmem>> -> memref<1x128xi32, #tpu.memory_space<vmem>>
        %dma_wait3A_171 = tpu.memref_squeeze %dma_wait3A_170 : memref<1x128xi32, #tpu.memory_space<vmem>> -> memref<128xi32, #tpu.memory_space<vmem>>
        %dma_wait3A_172 = tpu.memref_slice %arg5[%add3A_114] : memref<320000xi32, #tpu.memory_space<hbm>> -> memref<128xi32, #tpu.memory_space<hbm>>
        tpu.wait_dma2 semaphore(%run_scoped3A_157 : memref<!tpu.dma_semaphore, #tpu.memory_space<semaphore_mem>>) src(%dma_wait3A_172 : memref<128xi32, #tpu.memory_space<hbm>>) dst(%dma_wait3A_171 : memref<128xi32, #tpu.memory_space<vmem>>)
        tpu.yield
      }) : () -> ()
      %mul3A_116 = arith.constant 0 : i32
      %mul3A_117 = arith.constant 144 : i32
      %mul3A_118 = arith.muli %mul3A_116, %mul3A_117 : i32
      %eq3A = arith.constant 0 : i32
      %eq3A_119 = arith.cmpi eq, %add3A_114, %eq3A : i32
      %convert_element_type3A_120 = arith.extui %eq3A_119 : i1 to i32
      %cond3A_121 = arith.constant 0 : i32
      %cond3A_122 = arith.cmpi ne, %convert_element_type3A_120, %cond3A_121 : i32
      scf.if %cond3A_122 {
        %broadcast_in_dim3A_157 = arith.constant -1 : i32
        %broadcast_in_dim3A_158 = vector.broadcast %broadcast_in_dim3A_157 : i32 to vector<16xi32>
        %swap3A_159 = arith.index_cast %mul3A_118 : i32 to index
        %swap3A_160 = tpu.vector_load %arg12[%swap3A_159] {strides = array<i32>} : memref<288xi32, #tpu.memory_space<vmem>>, vector<16xi32>,
        tpu.vector_store %arg12[%swap3A_159], %broadcast_in_dim3A_158 {strides = array<i32>} : memref<288xi32, #tpu.memory_space<vmem>>, vector<16xi32>,
        %add3A_161 = arith.constant 8 : i32
        %add3A_162 = arith.addi %mul3A_118, %add3A_161 : i32
        "tpu.region"() ({
          %run_scoped3A_163 = tpu.sem_alloc : memref<!tpu.dma_semaphore, #tpu.memory_space<semaphore_mem>>
          %dma_start3A_164 = tpu.memref_slice %arg12[%add3A_162] : memref<288xi32, #tpu.memory_space<vmem>> -> memref<128xi32, #tpu.memory_space<vmem>>
          %dma_start3A_165 = arith.constant 0 : i32
          %dma_start3A_166 = tpu.memref_slice %arg5[%dma_start3A_165] : memref<320000xi32, #tpu.memory_space<hbm>> -> memref<128xi32, #tpu.memory_space<hbm>>
          %dma_start3A_167 = tpu.memref_slice %arg12[%add3A_162] : memref<288xi32, #tpu.memory_space<vmem>> -> memref<128xi32, #tpu.memory_space<vmem>>
          %dma_start3A_168 = arith.constant 0 : i32
          %dma_start3A_169 = tpu.memref_slice %arg5[%dma_start3A_168] : memref<320000xi32, #tpu.memory_space<hbm>> -> memref<128xi32, #tpu.memory_space<hbm>>
          tpu.enqueue_dma source(%dma_start3A_169 : memref<128xi32, #tpu.memory_space<hbm>>) target(%dma_start3A_167 : memref<128xi32, #tpu.memory_space<vmem>>) target_semaphore(%run_scoped3A_163 : memref<!tpu.dma_semaphore, #tpu.memory_space<semaphore_mem>>)
          %dma_wait3A = tpu.memref_slice %arg12[%add3A_162] : memref<288xi32, #tpu.memory_space<vmem>> -> memref<128xi32, #tpu.memory_space<vmem>>
          %dma_wait3A_170 = arith.constant 0 : i32
          %dma_wait3A_171 = tpu.memref_slice %arg5[%dma_wait3A_170] : memref<320000xi32, #tpu.memory_space<hbm>> -> memref<128xi32, #tpu.memory_space<hbm>>
          %dma_wait3A_172 = tpu.memref_slice %arg12[%add3A_162] : memref<288xi32, #tpu.memory_space<vmem>> -> memref<128xi32, #tpu.memory_space<vmem>>
          %dma_wait3A_173 = arith.constant 0 : i32
          %dma_wait3A_174 = tpu.memref_slice %arg5[%dma_wait3A_173] : memref<320000xi32, #tpu.memory_space<hbm>> -> memref<128xi32, #tpu.memory_space<hbm>>
          tpu.wait_dma2 semaphore(%run_scoped3A_163 : memref<!tpu.dma_semaphore, #tpu.memory_space<semaphore_mem>>) src(%dma_wait3A_174 : memref<128xi32, #tpu.memory_space<hbm>>) dst(%dma_wait3A_172 : memref<128xi32, #tpu.memory_space<vmem>>)
          tpu.yield
        }) : () -> ()
      } else {
      }
      %ne3A_123 = arith.constant 0 : i32
      %ne3A_124 = arith.cmpi ne, %add3A_114, %ne3A_123 : i32
      %convert_element_type3A_125 = arith.extui %ne3A_124 : i1 to i32
      %cond3A_126 = arith.constant 0 : i32
      %cond3A_127 = arith.cmpi ne, %convert_element_type3A_125, %cond3A_126 : i32
      scf.if %cond3A_127 {
        %sub3A_157 = arith.constant 8 : i32
        %sub3A_158 = arith.subi %add3A_114, %sub3A_157 : i32
        "tpu.region"() ({
          %run_scoped3A_159 = tpu.sem_alloc : memref<!tpu.dma_semaphore, #tpu.memory_space<semaphore_mem>>
          %dma_start3A_160 = tpu.memref_slice %arg12[%mul3A_118] : memref<288xi32, #tpu.memory_space<vmem>> -> memref<136xi32, #tpu.memory_space<vmem>>
          %dma_start3A_161 = tpu.memref_slice %arg5[%sub3A_158] : memref<320000xi32, #tpu.memory_space<hbm>> -> memref<136xi32, #tpu.memory_space<hbm>>
          %dma_start3A_162 = tpu.memref_slice %arg12[%mul3A_118] : memref<288xi32, #tpu.memory_space<vmem>> -> memref<136xi32, #tpu.memory_space<vmem>>
          %dma_start3A_163 = tpu.memref_slice %arg5[%sub3A_158] : memref<320000xi32, #tpu.memory_space<hbm>> -> memref<136xi32, #tpu.memory_space<hbm>>
          tpu.enqueue_dma source(%dma_start3A_163 : memref<136xi32, #tpu.memory_space<hbm>>) target(%dma_start3A_162 : memref<136xi32, #tpu.memory_space<vmem>>) target_semaphore(%run_scoped3A_159 : memref<!tpu.dma_semaphore, #tpu.memory_space<semaphore_mem>>)
          %dma_wait3A = tpu.memref_slice %arg12[%mul3A_118] : memref<288xi32, #tpu.memory_space<vmem>> -> memref<136xi32, #tpu.memory_space<vmem>>
          %dma_wait3A_164 = tpu.memref_slice %arg5[%sub3A_158] : memref<320000xi32, #tpu.memory_space<hbm>> -> memref<136xi32, #tpu.memory_space<hbm>>
          %dma_wait3A_165 = tpu.memref_slice %arg12[%mul3A_118] : memref<288xi32, #tpu.memory_space<vmem>> -> memref<136xi32, #tpu.memory_space<vmem>>
          %dma_wait3A_166 = tpu.memref_slice %arg5[%sub3A_158] : memref<320000xi32, #tpu.memory_space<hbm>> -> memref<136xi32, #tpu.memory_space<hbm>>
          tpu.wait_dma2 semaphore(%run_scoped3A_159 : memref<!tpu.dma_semaphore, #tpu.memory_space<semaphore_mem>>) src(%dma_wait3A_166 : memref<136xi32, #tpu.memory_space<hbm>>) dst(%dma_wait3A_165 : memref<136xi32, #tpu.memory_space<vmem>>)
          tpu.yield
        }) : () -> ()
      } else {
      }
      %dma_start3A = arith.constant 0 : i32
      %dma_start3A_128 = arith.constant 0 : i32
      %dma_start3A_129 = arith.constant 0 : i32
      %dma_start3A_130 = arith.constant 0 : i32
      %dma_start3A_131 = arith.constant 0 : i32
      %dma_start3A_132 = tpu.memref_slice %arg13[%dma_start3A_128, %dma_start3A_130, %dma_start3A_131] : memref<2x128x128xf32, #tpu.memory_space<vmem>> -> memref<1x128x128xf32, #tpu.memory_space<vmem>>
      %dma_start3A_133 = tpu.memref_squeeze %dma_start3A_132 : memref<1x128x128xf32, #tpu.memory_space<vmem>> -> memref<128x128xf32, #tpu.memory_space<vmem>>
      %dma_start3A_134 = arith.constant 0 : i32
      %dma_start3A_135 = tpu.memref_slice %arg10[%dma_start3A, %dma_start3A_134] : memref<2x128xi32, #tpu.memory_space<vmem>> -> memref<1x128xi32, #tpu.memory_space<vmem>>
      %dma_start3A_136 = tpu.memref_squeeze %dma_start3A_135 : memref<1x128xi32, #tpu.memory_space<vmem>> -> memref<128xi32, #tpu.memory_space<vmem>>
      %dma_start3A_137 = arith.constant 0 : i32
      %dma_start3A_138 = arith.constant 0 : i32
      %dma_start3A_139 = tpu.memref_slice %arg2[%dma_start3A_137, %dma_start3A_138] : memref<10000x128xf32, #tpu.memory_space<hbm>> -> memref<10000x128xf32, #tpu.memory_space<hbm>>
      %dma_start3A_140 = tpu.memref_slice %arg22[%dma_start3A_129] : memref<2x!tpu.dma_semaphore, #tpu.memory_space<semaphore_mem>> -> memref<1x!tpu.dma_semaphore, #tpu.memory_space<semaphore_mem>>
      %dma_start3A_141 = tpu.memref_squeeze %dma_start3A_140 : memref<1x!tpu.dma_semaphore, #tpu.memory_space<semaphore_mem>> -> memref<!tpu.dma_semaphore, #tpu.memory_space<semaphore_mem>>
      tpu.enqueue_indirect_dma source(%dma_start3A_139 : memref<10000x128xf32, #tpu.memory_space<hbm>>) target(%dma_start3A_133 : memref<128x128xf32, #tpu.memory_space<vmem>>) offsets(%dma_start3A_136 : memref<128xi32, #tpu.memory_space<vmem>>) semaphore(%dma_start3A_141 : memref<!tpu.dma_semaphore, #tpu.memory_space<semaphore_mem>>)
      %dma_start3A_142 = arith.constant 0 : i32
      %dma_start3A_143 = arith.constant 0 : i32
      %dma_start3A_144 = arith.constant 0 : i32
      %dma_start3A_145 = arith.constant 0 : i32
      %dma_start3A_146 = arith.constant 0 : i32
      %dma_start3A_147 = tpu.memref_slice %arg14[%dma_start3A_143, %dma_start3A_145, %dma_start3A_146] : memref<2x128x128xf32, #tpu.memory_space<vmem>> -> memref<1x128x128xf32, #tpu.memory_space<vmem>>
      %dma_start3A_148 = tpu.memref_squeeze %dma_start3A_147 : memref<1x128x128xf32, #tpu.memory_space<vmem>> -> memref<128x128xf32, #tpu.memory_space<vmem>>
      %dma_start3A_149 = arith.constant 0 : i32
      %dma_start3A_150 = tpu.memref_slice %arg11[%dma_start3A_142, %dma_start3A_149] : memref<2x128xi32, #tpu.memory_space<vmem>> -> memref<1x128xi32, #tpu.memory_space<vmem>>
      %dma_start3A_151 = tpu.memref_squeeze %dma_start3A_150 : memref<1x128xi32, #tpu.memory_space<vmem>> -> memref<128xi32, #tpu.memory_space<vmem>>
      %dma_start3A_152 = arith.constant 0 : i32
      %dma_start3A_153 = arith.constant 0 : i32
      %dma_start3A_154 = tpu.memref_slice %arg3[%dma_start3A_152, %dma_start3A_153] : memref<10000x128xf32, #tpu.memory_space<hbm>> -> memref<10000x128xf32, #tpu.memory_space<hbm>>
      %dma_start3A_155 = tpu.memref_slice %arg23[%dma_start3A_144] : memref<2x!tpu.dma_semaphore, #tpu.memory_space<semaphore_mem>> -> memref<1x!tpu.dma_semaphore, #tpu.memory_space<semaphore_mem>>
      %dma_start3A_156 = tpu.memref_squeeze %dma_start3A_155 : memref<1x!tpu.dma_semaphore, #tpu.memory_space<semaphore_mem>> -> memref<!tpu.dma_semaphore, #tpu.memory_space<semaphore_mem>>
      tpu.enqueue_indirect_dma source(%dma_start3A_154 : memref<10000x128xf32, #tpu.memory_space<hbm>>) target(%dma_start3A_148 : memref<128x128xf32, #tpu.memory_space<vmem>>) offsets(%dma_start3A_151 : memref<128xi32, #tpu.memory_space<vmem>>) semaphore(%dma_start3A_156 : memref<!tpu.dma_semaphore, #tpu.memory_space<semaphore_mem>>)
    } else {
    }
    %broadcast_in_dim3A_81 = arith.constant 1.000000e+00 : f32
    %broadcast_in_dim3A_82 = vector.broadcast %broadcast_in_dim3A_81 : f32 to vector<16xf32>
    %iota3A = tpu.iota {dimensions = array<i32: 0>} : vector<16xi32>
    %broadcast_in_dim3A_83 = arith.constant 0.000000e+00 : f32
    %broadcast_in_dim3A_84 = vector.broadcast %broadcast_in_dim3A_83 : f32 to vector<16xf32>
    %sub3A_85 = arith.constant 1 : i32
    %sub3A_86 = arith.subi %squeeze3A, %sub3A_85 : i32
    %while3A = arith.constant 0 : i32
    %while3A_87 = arith.subi %select_n3A_76, %while3A : i32
    %while3A_88 = arith.addi %while3A, %while3A_87 : i32
    %while3A_89 = arith.constant 1 : i32
    %while3A_90 = arith.divsi %while3A_87, %while3A_89 : i32
    %while3A_91 = arith.muli %while3A_90, %while3A_89 : i32
    %while3A_92 = arith.addi %while3A, %while3A_91 : i32
    %while3A_93 = arith.constant 1 : i32
    %while3A_94:18 = scf.for %while3A_111 = %while3A to %while3A_92 step %while3A_93 iter_args(%while3A_112 = %sub3A_86, %while3A_113 = %squeeze3A_7, %while3A_114 = %broadcast_in_dim3A_78, %while3A_115 = %broadcast_in_dim3A_78, %while3A_116 = %broadcast_in_dim3A_78, %while3A_117 = %broadcast_in_dim3A_78, %while3A_118 = %broadcast_in_dim3A_84, %while3A_119 = %broadcast_in_dim3A_84, %while3A_120 = %broadcast_in_dim3A_84, %while3A_121 = %broadcast_in_dim3A_84, %while3A_122 = %broadcast_in_dim3A_84, %while3A_123 = %broadcast_in_dim3A_84, %while3A_124 = %broadcast_in_dim3A_84, %while3A_125 = %broadcast_in_dim3A_84, %while3A_126 = %broadcast_in_dim3A_84, %while3A_127 = %broadcast_in_dim3A_84, %while3A_128 = %broadcast_in_dim3A_84, %while3A_129 = %broadcast_in_dim3A_84) -> (i32, i32, vector<16xf32>, vector<16xf32>, vector<16xf32>, vector<16xf32>, vector<16xf32>, vector<16xf32>, vector<16xf32>, vector<16xf32>, vector<16xf32>, vector<16xf32>, vector<16xf32>, vector<16xf32>, vector<16xf32>, vector<16xf32>, vector<16xf32>, vector<16xf32>)  : i32 {
      %mul3A_130 = arith.constant 128 : i32
      %mul3A_131 = arith.muli %while3A_111, %mul3A_130 : i32
      %add3A_132 = arith.addi %mul3A_47, %mul3A_131 : i32
      %rem3A_133 = arith.constant 2 : i32
      %rem3A_134 = arith.remsi %while3A_111, %rem3A_133 : i32
      %add3A_135 = arith.constant 1 : i32
      %add3A_136 = arith.addi %while3A_111, %add3A_135 : i32
      %lt3A = arith.cmpi slt, %add3A_136, %select_n3A_76 : i32
      %convert_element_type3A_137 = arith.extui %lt3A : i1 to i32
      %cond3A_138 = arith.constant 0 : i32
      %cond3A_139 = arith.cmpi ne, %convert_element_type3A_137, %cond3A_138 : i32
      scf.if %cond3A_139 {
        %add3A_515 = arith.constant 1 : i32
        %add3A_516 = arith.addi %while3A_111, %add3A_515 : i32
        %sub3A_517 = arith.constant 1 : i32
        %sub3A_518 = arith.subi %sub3A_517, %rem3A_134 : i32
        %mul3A_519 = arith.constant 128 : i32
        %mul3A_520 = arith.muli %add3A_516, %mul3A_519 : i32
        %add3A_521 = arith.addi %mul3A_47, %mul3A_520 : i32
        "tpu.region"() ({
          %run_scoped3A = tpu.sem_alloc : memref<!tpu.dma_semaphore, #tpu.memory_space<semaphore_mem>>
          %dma_start3A_557 = arith.constant 0 : i32
          %dma_start3A_558 = tpu.memref_slice %arg10[%sub3A_518, %dma_start3A_557] : memref<2x128xi32, #tpu.memory_space<vmem>> -> memref<1x128xi32, #tpu.memory_space<vmem>>
          %dma_start3A_559 = tpu.memref_squeeze %dma_start3A_558 : memref<1x128xi32, #tpu.memory_space<vmem>> -> memref<128xi32, #tpu.memory_space<vmem>>
          %dma_start3A_560 = tpu.memref_slice %arg4[%add3A_521] : memref<320000xi32, #tpu.memory_space<hbm>> -> memref<128xi32, #tpu.memory_space<hbm>>
          %dma_start3A_561 = arith.constant 0 : i32
          %dma_start3A_562 = tpu.memref_slice %arg10[%sub3A_518, %dma_start3A_561] : memref<2x128xi32, #tpu.memory_space<vmem>> -> memref<1x128xi32, #tpu.memory_space<vmem>>
          %dma_start3A_563 = tpu.memref_squeeze %dma_start3A_562 : memref<1x128xi32, #tpu.memory_space<vmem>> -> memref<128xi32, #tpu.memory_space<vmem>>
          %dma_start3A_564 = tpu.memref_slice %arg4[%add3A_521] : memref<320000xi32, #tpu.memory_space<hbm>> -> memref<128xi32, #tpu.memory_space<hbm>>
          tpu.enqueue_dma source(%dma_start3A_564 : memref<128xi32, #tpu.memory_space<hbm>>) target(%dma_start3A_563 : memref<128xi32, #tpu.memory_space<vmem>>) target_semaphore(%run_scoped3A : memref<!tpu.dma_semaphore, #tpu.memory_space<semaphore_mem>>)
          %dma_wait3A_565 = arith.constant 0 : i32
          %dma_wait3A_566 = tpu.memref_slice %arg10[%sub3A_518, %dma_wait3A_565] : memref<2x128xi32, #tpu.memory_space<vmem>> -> memref<1x128xi32, #tpu.memory_space<vmem>>
          %dma_wait3A_567 = tpu.memref_squeeze %dma_wait3A_566 : memref<1x128xi32, #tpu.memory_space<vmem>> -> memref<128xi32, #tpu.memory_space<vmem>>
          %dma_wait3A_568 = tpu.memref_slice %arg4[%add3A_521] : memref<320000xi32, #tpu.memory_space<hbm>> -> memref<128xi32, #tpu.memory_space<hbm>>
          %dma_wait3A_569 = arith.constant 0 : i32
          %dma_wait3A_570 = tpu.memref_slice %arg10[%sub3A_518, %dma_wait3A_569] : memref<2x128xi32, #tpu.memory_space<vmem>> -> memref<1x128xi32, #tpu.memory_space<vmem>>
          %dma_wait3A_571 = tpu.memref_squeeze %dma_wait3A_570 : memref<1x128xi32, #tpu.memory_space<vmem>> -> memref<128xi32, #tpu.memory_space<vmem>>
          %dma_wait3A_572 = tpu.memref_slice %arg4[%add3A_521] : memref<320000xi32, #tpu.memory_space<hbm>> -> memref<128xi32, #tpu.memory_space<hbm>>
          tpu.wait_dma2 semaphore(%run_scoped3A : memref<!tpu.dma_semaphore, #tpu.memory_space<semaphore_mem>>) src(%dma_wait3A_572 : memref<128xi32, #tpu.memory_space<hbm>>) dst(%dma_wait3A_571 : memref<128xi32, #tpu.memory_space<vmem>>)
          tpu.yield
        }) : () -> ()
        "tpu.region"() ({
          %run_scoped3A = tpu.sem_alloc : memref<!tpu.dma_semaphore, #tpu.memory_space<semaphore_mem>>
          %dma_start3A_557 = arith.constant 0 : i32
          %dma_start3A_558 = tpu.memref_slice %arg11[%sub3A_518, %dma_start3A_557] : memref<2x128xi32, #tpu.memory_space<vmem>> -> memref<1x128xi32, #tpu.memory_space<vmem>>
          %dma_start3A_559 = tpu.memref_squeeze %dma_start3A_558 : memref<1x128xi32, #tpu.memory_space<vmem>> -> memref<128xi32, #tpu.memory_space<vmem>>
          %dma_start3A_560 = tpu.memref_slice %arg5[%add3A_521] : memref<320000xi32, #tpu.memory_space<hbm>> -> memref<128xi32, #tpu.memory_space<hbm>>
          %dma_start3A_561 = arith.constant 0 : i32
          %dma_start3A_562 = tpu.memref_slice %arg11[%sub3A_518, %dma_start3A_561] : memref<2x128xi32, #tpu.memory_space<vmem>> -> memref<1x128xi32, #tpu.memory_space<vmem>>
          %dma_start3A_563 = tpu.memref_squeeze %dma_start3A_562 : memref<1x128xi32, #tpu.memory_space<vmem>> -> memref<128xi32, #tpu.memory_space<vmem>>
          %dma_start3A_564 = tpu.memref_slice %arg5[%add3A_521] : memref<320000xi32, #tpu.memory_space<hbm>> -> memref<128xi32, #tpu.memory_space<hbm>>
          tpu.enqueue_dma source(%dma_start3A_564 : memref<128xi32, #tpu.memory_space<hbm>>) target(%dma_start3A_563 : memref<128xi32, #tpu.memory_space<vmem>>) target_semaphore(%run_scoped3A : memref<!tpu.dma_semaphore, #tpu.memory_space<semaphore_mem>>)
          %dma_wait3A_565 = arith.constant 0 : i32
          %dma_wait3A_566 = tpu.memref_slice %arg11[%sub3A_518, %dma_wait3A_565] : memref<2x128xi32, #tpu.memory_space<vmem>> -> memref<1x128xi32, #tpu.memory_space<vmem>>
          %dma_wait3A_567 = tpu.memref_squeeze %dma_wait3A_566 : memref<1x128xi32, #tpu.memory_space<vmem>> -> memref<128xi32, #tpu.memory_space<vmem>>
          %dma_wait3A_568 = tpu.memref_slice %arg5[%add3A_521] : memref<320000xi32, #tpu.memory_space<hbm>> -> memref<128xi32, #tpu.memory_space<hbm>>
          %dma_wait3A_569 = arith.constant 0 : i32
          %dma_wait3A_570 = tpu.memref_slice %arg11[%sub3A_518, %dma_wait3A_569] : memref<2x128xi32, #tpu.memory_space<vmem>> -> memref<1x128xi32, #tpu.memory_space<vmem>>
          %dma_wait3A_571 = tpu.memref_squeeze %dma_wait3A_570 : memref<1x128xi32, #tpu.memory_space<vmem>> -> memref<128xi32, #tpu.memory_space<vmem>>
          %dma_wait3A_572 = tpu.memref_slice %arg5[%add3A_521] : memref<320000xi32, #tpu.memory_space<hbm>> -> memref<128xi32, #tpu.memory_space<hbm>>
          tpu.wait_dma2 semaphore(%run_scoped3A : memref<!tpu.dma_semaphore, #tpu.memory_space<semaphore_mem>>) src(%dma_wait3A_572 : memref<128xi32, #tpu.memory_space<hbm>>) dst(%dma_wait3A_571 : memref<128xi32, #tpu.memory_space<vmem>>)
          tpu.yield
        }) : () -> ()
        %mul3A_522 = arith.constant 144 : i32
        %mul3A_523 = arith.muli %sub3A_518, %mul3A_522 : i32
        %eq3A_524 = arith.constant 0 : i32
        %eq3A_525 = arith.cmpi eq, %add3A_521, %eq3A_524 : i32
        %convert_element_type3A_526 = arith.extui %eq3A_525 : i1 to i32
        %cond3A_527 = arith.constant 0 : i32
        %cond3A_528 = arith.cmpi ne, %convert_element_type3A_526, %cond3A_527 : i32
        scf.if %cond3A_528 {
          %broadcast_in_dim3A_557 = arith.constant -1 : i32
          %broadcast_in_dim3A_558 = vector.broadcast %broadcast_in_dim3A_557 : i32 to vector<16xi32>
          %swap3A_559 = arith.index_cast %mul3A_523 : i32 to index
          %swap3A_560 = tpu.vector_load %arg12[%swap3A_559] {strides = array<i32>} : memref<288xi32, #tpu.memory_space<vmem>>, vector<16xi32>,
          tpu.vector_store %arg12[%swap3A_559], %broadcast_in_dim3A_558 {strides = array<i32>} : memref<288xi32, #tpu.memory_space<vmem>>, vector<16xi32>,
          %add3A_561 = arith.constant 8 : i32
          %add3A_562 = arith.addi %mul3A_523, %add3A_561 : i32
          "tpu.region"() ({
            %run_scoped3A = tpu.sem_alloc : memref<!tpu.dma_semaphore, #tpu.memory_space<semaphore_mem>>
            %dma_start3A_563 = tpu.memref_slice %arg12[%add3A_562] : memref<288xi32, #tpu.memory_space<vmem>> -> memref<128xi32, #tpu.memory_space<vmem>>
            %dma_start3A_564 = arith.constant 0 : i32
            %dma_start3A_565 = tpu.memref_slice %arg5[%dma_start3A_564] : memref<320000xi32, #tpu.memory_space<hbm>> -> memref<128xi32, #tpu.memory_space<hbm>>
            %dma_start3A_566 = tpu.memref_slice %arg12[%add3A_562] : memref<288xi32, #tpu.memory_space<vmem>> -> memref<128xi32, #tpu.memory_space<vmem>>
            %dma_start3A_567 = arith.constant 0 : i32
            %dma_start3A_568 = tpu.memref_slice %arg5[%dma_start3A_567] : memref<320000xi32, #tpu.memory_space<hbm>> -> memref<128xi32, #tpu.memory_space<hbm>>
            tpu.enqueue_dma source(%dma_start3A_568 : memref<128xi32, #tpu.memory_space<hbm>>) target(%dma_start3A_566 : memref<128xi32, #tpu.memory_space<vmem>>) target_semaphore(%run_scoped3A : memref<!tpu.dma_semaphore, #tpu.memory_space<semaphore_mem>>)
            %dma_wait3A_569 = tpu.memref_slice %arg12[%add3A_562] : memref<288xi32, #tpu.memory_space<vmem>> -> memref<128xi32, #tpu.memory_space<vmem>>
            %dma_wait3A_570 = arith.constant 0 : i32
            %dma_wait3A_571 = tpu.memref_slice %arg5[%dma_wait3A_570] : memref<320000xi32, #tpu.memory_space<hbm>> -> memref<128xi32, #tpu.memory_space<hbm>>
            %dma_wait3A_572 = tpu.memref_slice %arg12[%add3A_562] : memref<288xi32, #tpu.memory_space<vmem>> -> memref<128xi32, #tpu.memory_space<vmem>>
            %dma_wait3A_573 = arith.constant 0 : i32
            %dma_wait3A_574 = tpu.memref_slice %arg5[%dma_wait3A_573] : memref<320000xi32, #tpu.memory_space<hbm>> -> memref<128xi32, #tpu.memory_space<hbm>>
            tpu.wait_dma2 semaphore(%run_scoped3A : memref<!tpu.dma_semaphore, #tpu.memory_space<semaphore_mem>>) src(%dma_wait3A_574 : memref<128xi32, #tpu.memory_space<hbm>>) dst(%dma_wait3A_572 : memref<128xi32, #tpu.memory_space<vmem>>)
            tpu.yield
          }) : () -> ()
        } else {
        }
        %ne3A_529 = arith.constant 0 : i32
        %ne3A_530 = arith.cmpi ne, %add3A_521, %ne3A_529 : i32
        %convert_element_type3A_531 = arith.extui %ne3A_530 : i1 to i32
        %cond3A_532 = arith.constant 0 : i32
        %cond3A_533 = arith.cmpi ne, %convert_element_type3A_531, %cond3A_532 : i32
        scf.if %cond3A_533 {
          %sub3A_557 = arith.constant 8 : i32
          %sub3A_558 = arith.subi %add3A_521, %sub3A_557 : i32
          "tpu.region"() ({
            %run_scoped3A = tpu.sem_alloc : memref<!tpu.dma_semaphore, #tpu.memory_space<semaphore_mem>>
            %dma_start3A_559 = tpu.memref_slice %arg12[%mul3A_523] : memref<288xi32, #tpu.memory_space<vmem>> -> memref<136xi32, #tpu.memory_space<vmem>>
            %dma_start3A_560 = tpu.memref_slice %arg5[%sub3A_558] : memref<320000xi32, #tpu.memory_space<hbm>> -> memref<136xi32, #tpu.memory_space<hbm>>
            %dma_start3A_561 = tpu.memref_slice %arg12[%mul3A_523] : memref<288xi32, #tpu.memory_space<vmem>> -> memref<136xi32, #tpu.memory_space<vmem>>
            %dma_start3A_562 = tpu.memref_slice %arg5[%sub3A_558] : memref<320000xi32, #tpu.memory_space<hbm>> -> memref<136xi32, #tpu.memory_space<hbm>>
            tpu.enqueue_dma source(%dma_start3A_562 : memref<136xi32, #tpu.memory_space<hbm>>) target(%dma_start3A_561 : memref<136xi32, #tpu.memory_space<vmem>>) target_semaphore(%run_scoped3A : memref<!tpu.dma_semaphore, #tpu.memory_space<semaphore_mem>>)
            %dma_wait3A_563 = tpu.memref_slice %arg12[%mul3A_523] : memref<288xi32, #tpu.memory_space<vmem>> -> memref<136xi32, #tpu.memory_space<vmem>>
            %dma_wait3A_564 = tpu.memref_slice %arg5[%sub3A_558] : memref<320000xi32, #tpu.memory_space<hbm>> -> memref<136xi32, #tpu.memory_space<hbm>>
            %dma_wait3A_565 = tpu.memref_slice %arg12[%mul3A_523] : memref<288xi32, #tpu.memory_space<vmem>> -> memref<136xi32, #tpu.memory_space<vmem>>
            %dma_wait3A_566 = tpu.memref_slice %arg5[%sub3A_558] : memref<320000xi32, #tpu.memory_space<hbm>> -> memref<136xi32, #tpu.memory_space<hbm>>
            tpu.wait_dma2 semaphore(%run_scoped3A : memref<!tpu.dma_semaphore, #tpu.memory_space<semaphore_mem>>) src(%dma_wait3A_566 : memref<136xi32, #tpu.memory_space<hbm>>) dst(%dma_wait3A_565 : memref<136xi32, #tpu.memory_space<vmem>>)
            tpu.yield
          }) : () -> ()
        } else {
        }
        %dma_start3A = arith.constant 0 : i32
        %dma_start3A_534 = arith.constant 0 : i32
        %dma_start3A_535 = tpu.memref_slice %arg13[%sub3A_518, %dma_start3A, %dma_start3A_534] : memref<2x128x128xf32, #tpu.memory_space<vmem>> -> memref<1x128x128xf32, #tpu.memory_space<vmem>>
        %dma_start3A_536 = tpu.memref_squeeze %dma_start3A_535 : memref<1x128x128xf32, #tpu.memory_space<vmem>> -> memref<128x128xf32, #tpu.memory_space<vmem>>
        %dma_start3A_537 = arith.constant 0 : i32
        %dma_start3A_538 = tpu.memref_slice %arg10[%sub3A_518, %dma_start3A_537] : memref<2x128xi32, #tpu.memory_space<vmem>> -> memref<1x128xi32, #tpu.memory_space<vmem>>
        %dma_start3A_539 = tpu.memref_squeeze %dma_start3A_538 : memref<1x128xi32, #tpu.memory_space<vmem>> -> memref<128xi32, #tpu.memory_space<vmem>>
        %dma_start3A_540 = arith.constant 0 : i32
        %dma_start3A_541 = arith.constant 0 : i32
        %dma_start3A_542 = tpu.memref_slice %arg2[%dma_start3A_540, %dma_start3A_541] : memref<10000x128xf32, #tpu.memory_space<hbm>> -> memref<10000x128xf32, #tpu.memory_space<hbm>>
        %dma_start3A_543 = tpu.memref_slice %arg22[%sub3A_518] : memref<2x!tpu.dma_semaphore, #tpu.memory_space<semaphore_mem>> -> memref<1x!tpu.dma_semaphore, #tpu.memory_space<semaphore_mem>>
        %dma_start3A_544 = tpu.memref_squeeze %dma_start3A_543 : memref<1x!tpu.dma_semaphore, #tpu.memory_space<semaphore_mem>> -> memref<!tpu.dma_semaphore, #tpu.memory_space<semaphore_mem>>
        tpu.enqueue_indirect_dma source(%dma_start3A_542 : memref<10000x128xf32, #tpu.memory_space<hbm>>) target(%dma_start3A_536 : memref<128x128xf32, #tpu.memory_space<vmem>>) offsets(%dma_start3A_539 : memref<128xi32, #tpu.memory_space<vmem>>) semaphore(%dma_start3A_544 : memref<!tpu.dma_semaphore, #tpu.memory_space<semaphore_mem>>)
        %dma_start3A_545 = arith.constant 0 : i32
        %dma_start3A_546 = arith.constant 0 : i32
        %dma_start3A_547 = tpu.memref_slice %arg14[%sub3A_518, %dma_start3A_545, %dma_start3A_546] : memref<2x128x128xf32, #tpu.memory_space<vmem>> -> memref<1x128x128xf32, #tpu.memory_space<vmem>>
        %dma_start3A_548 = tpu.memref_squeeze %dma_start3A_547 : memref<1x128x128xf32, #tpu.memory_space<vmem>> -> memref<128x128xf32, #tpu.memory_space<vmem>>
        %dma_start3A_549 = arith.constant 0 : i32
        %dma_start3A_550 = tpu.memref_slice %arg11[%sub3A_518, %dma_start3A_549] : memref<2x128xi32, #tpu.memory_space<vmem>> -> memref<1x128xi32, #tpu.memory_space<vmem>>
        %dma_start3A_551 = tpu.memref_squeeze %dma_start3A_550 : memref<1x128xi32, #tpu.memory_space<vmem>> -> memref<128xi32, #tpu.memory_space<vmem>>
        %dma_start3A_552 = arith.constant 0 : i32
        %dma_start3A_553 = arith.constant 0 : i32
        %dma_start3A_554 = tpu.memref_slice %arg3[%dma_start3A_552, %dma_start3A_553] : memref<10000x128xf32, #tpu.memory_space<hbm>> -> memref<10000x128xf32, #tpu.memory_space<hbm>>
        %dma_start3A_555 = tpu.memref_slice %arg23[%sub3A_518] : memref<2x!tpu.dma_semaphore, #tpu.memory_space<semaphore_mem>> -> memref<1x!tpu.dma_semaphore, #tpu.memory_space<semaphore_mem>>
        %dma_start3A_556 = tpu.memref_squeeze %dma_start3A_555 : memref<1x!tpu.dma_semaphore, #tpu.memory_space<semaphore_mem>> -> memref<!tpu.dma_semaphore, #tpu.memory_space<semaphore_mem>>
        tpu.enqueue_indirect_dma source(%dma_start3A_554 : memref<10000x128xf32, #tpu.memory_space<hbm>>) target(%dma_start3A_548 : memref<128x128xf32, #tpu.memory_space<vmem>>) offsets(%dma_start3A_551 : memref<128xi32, #tpu.memory_space<vmem>>) semaphore(%dma_start3A_556 : memref<!tpu.dma_semaphore, #tpu.memory_space<semaphore_mem>>)
      } else {
      }
      %dma_wait3A = arith.constant 0 : i32
      %dma_wait3A_140 = arith.constant 0 : i32
      %dma_wait3A_141 = tpu.memref_slice %arg13[%rem3A_134, %dma_wait3A, %dma_wait3A_140] : memref<2x128x128xf32, #tpu.memory_space<vmem>> -> memref<1x128x128xf32, #tpu.memory_space<vmem>>
      %dma_wait3A_142 = tpu.memref_squeeze %dma_wait3A_141 : memref<1x128x128xf32, #tpu.memory_space<vmem>> -> memref<128x128xf32, #tpu.memory_space<vmem>>
      %dma_wait3A_143 = arith.constant 0 : i32
      %dma_wait3A_144 = tpu.memref_slice %arg10[%rem3A_134, %dma_wait3A_143] : memref<2x128xi32, #tpu.memory_space<vmem>> -> memref<1x128xi32, #tpu.memory_space<vmem>>
      %dma_wait3A_145 = tpu.memref_squeeze %dma_wait3A_144 : memref<1x128xi32, #tpu.memory_space<vmem>> -> memref<128xi32, #tpu.memory_space<vmem>>
      %dma_wait3A_146 = arith.constant 0 : i32
      %dma_wait3A_147 = arith.constant 0 : i32
      %dma_wait3A_148 = tpu.memref_slice %arg2[%dma_wait3A_146, %dma_wait3A_147] : memref<10000x128xf32, #tpu.memory_space<hbm>> -> memref<10000x128xf32, #tpu.memory_space<hbm>>
      %dma_wait3A_149 = tpu.memref_slice %arg22[%rem3A_134] : memref<2x!tpu.dma_semaphore, #tpu.memory_space<semaphore_mem>> -> memref<1x!tpu.dma_semaphore, #tpu.memory_space<semaphore_mem>>
      %dma_wait3A_150 = tpu.memref_squeeze %dma_wait3A_149 : memref<1x!tpu.dma_semaphore, #tpu.memory_space<semaphore_mem>> -> memref<!tpu.dma_semaphore, #tpu.memory_space<semaphore_mem>>
      tpu.wait_indirect_dma semaphore(%dma_wait3A_150 : memref<!tpu.dma_semaphore, #tpu.memory_space<semaphore_mem>>) src(%dma_wait3A_148 : memref<10000x128xf32, #tpu.memory_space<hbm>>) dst(%dma_wait3A_142 : memref<128x128xf32, #tpu.memory_space<vmem>>)
      %dma_wait3A_151 = arith.constant 0 : i32
      %dma_wait3A_152 = arith.constant 0 : i32
      %dma_wait3A_153 = tpu.memref_slice %arg14[%rem3A_134, %dma_wait3A_151, %dma_wait3A_152] : memref<2x128x128xf32, #tpu.memory_space<vmem>> -> memref<1x128x128xf32, #tpu.memory_space<vmem>>
      %dma_wait3A_154 = tpu.memref_squeeze %dma_wait3A_153 : memref<1x128x128xf32, #tpu.memory_space<vmem>> -> memref<128x128xf32, #tpu.memory_space<vmem>>
      %dma_wait3A_155 = arith.constant 0 : i32
      %dma_wait3A_156 = tpu.memref_slice %arg11[%rem3A_134, %dma_wait3A_155] : memref<2x128xi32, #tpu.memory_space<vmem>> -> memref<1x128xi32, #tpu.memory_space<vmem>>
      %dma_wait3A_157 = tpu.memref_squeeze %dma_wait3A_156 : memref<1x128xi32, #tpu.memory_space<vmem>> -> memref<128xi32, #tpu.memory_space<vmem>>
      %dma_wait3A_158 = arith.constant 0 : i32
      %dma_wait3A_159 = arith.constant 0 : i32
      %dma_wait3A_160 = tpu.memref_slice %arg3[%dma_wait3A_158, %dma_wait3A_159] : memref<10000x128xf32, #tpu.memory_space<hbm>> -> memref<10000x128xf32, #tpu.memory_space<hbm>>
      %dma_wait3A_161 = tpu.memref_slice %arg23[%rem3A_134] : memref<2x!tpu.dma_semaphore, #tpu.memory_space<semaphore_mem>> -> memref<1x!tpu.dma_semaphore, #tpu.memory_space<semaphore_mem>>
      %dma_wait3A_162 = tpu.memref_squeeze %dma_wait3A_161 : memref<1x!tpu.dma_semaphore, #tpu.memory_space<semaphore_mem>> -> memref<!tpu.dma_semaphore, #tpu.memory_space<semaphore_mem>>
      tpu.wait_indirect_dma semaphore(%dma_wait3A_162 : memref<!tpu.dma_semaphore, #tpu.memory_space<semaphore_mem>>) src(%dma_wait3A_160 : memref<10000x128xf32, #tpu.memory_space<hbm>>) dst(%dma_wait3A_154 : memref<128x128xf32, #tpu.memory_space<vmem>>)
      %max3A = arith.maxsi %squeeze3A_7, %add3A_132 : i32
      %add3A_163 = arith.constant 128 : i32
      %add3A_164 = arith.addi %add3A_132, %add3A_163 : i32
      %min3A = arith.minsi %squeeze3A_9, %add3A_164 : i32
      %broadcast_in_dim3A_165 = arith.constant 0 : i32
      %broadcast_in_dim3A_166 = vector.broadcast %broadcast_in_dim3A_165 : i32 to vector<16xi32>
      %sub3A_167 = arith.constant 1 : i32
      %sub3A_168 = vector.broadcast %sub3A_167 : i32 to vector<16xi32>
      %sub3A_169 = arith.subi %iota3A, %sub3A_168 : vector<16xi32>
      %max3A_170 = arith.constant 0 : i32
      %max3A_171 = vector.broadcast %max3A_170 : i32 to vector<16xi32>
      %max3A_172 = arith.maxsi %sub3A_169, %max3A_171 : vector<16xi32>
      %broadcast_in_dim3A_173 = arith.constant 15 : i32
      %broadcast_in_dim3A_174 = vector.broadcast %broadcast_in_dim3A_173 : i32 to vector<16xi32>
      %mul3A_175 = arith.constant 144 : i32
      %mul3A_176 = arith.muli %rem3A_134, %mul3A_175 : i32
      %get3A_177 = arith.index_cast %mul3A_176 : i32 to index
      %get3A_178 = tpu.vector_load %arg12[%get3A_177] {strides = array<i32>} : memref<288xi32, #tpu.memory_space<vmem>>, vector<16xi32>,
      %broadcast_in_dim3A_179 = arith.constant 7 : i32
      %broadcast_in_dim3A_180 = vector.broadcast %broadcast_in_dim3A_179 : i32 to vector<16xi32>
      %broadcast_in_dim3A_181 = vector.shape_cast %broadcast_in_dim3A_180 : vector<16xi32> to vector<16x1xi32>
      %gather3A = vector.shape_cast %broadcast_in_dim3A_181 : vector<16x1xi32> to vector<16xi32>
      %gather3A_182 = tpu.dynamic_gather %get3A_178[%gather3A] in [0] : vector<16xi32>, vector<16xi32> -> vector<16xi32>
      %add3A_183 = arith.constant 8 : i32
      %add3A_184 = arith.addi %mul3A_176, %add3A_183 : i32
      %add3A_185 = arith.constant 0 : i32
      %add3A_186 = arith.addi %add3A_184, %add3A_185 : i32
      %get3A_187 = arith.index_cast %add3A_186 : i32 to index
      %get3A_188 = tpu.vector_load %arg12[%get3A_187] {strides = array<i32>} : memref<288xi32, #tpu.memory_space<vmem>>, vector<16xi32>,
      %eq3A = arith.constant 0 : i32
      %eq3A_189 = vector.broadcast %eq3A : i32 to vector<16xi32>
      %eq3A_190 = arith.cmpi eq, %iota3A, %eq3A_189 : vector<16xi32>
      %broadcast_in_dim3A_191 = vector.shape_cast %max3A_172 : vector<16xi32> to vector<16x1xi32>
      %gather3A_192 = vector.shape_cast %broadcast_in_dim3A_191 : vector<16x1xi32> to vector<16xi32>
      %gather3A_193 = tpu.dynamic_gather %get3A_188[%gather3A_192] in [0] : vector<16xi32>, vector<16xi32> -> vector<16xi32>
      %select_n3A_194 = arith.select %eq3A_190, %gather3A_182, %gather3A_193 : vector<16xi1>, vector<16xi32>
      %broadcast_in_dim3A_195 = vector.shape_cast %broadcast_in_dim3A_174 : vector<16xi32> to vector<16x1xi32>
      %gather3A_196 = vector.shape_cast %broadcast_in_dim3A_195 : vector<16x1xi32> to vector<16xi32>
      %gather3A_197 = tpu.dynamic_gather %get3A_188[%gather3A_196] in [0] : vector<16xi32>, vector<16xi32> -> vector<16xi32>
      %add3A_198 = arith.constant 0 : i32
      %add3A_199 = arith.addi %add3A_132, %add3A_198 : i32
      %add3A_200 = vector.broadcast %add3A_199 : i32 to vector<16xi32>
      %add3A_201 = arith.addi %add3A_200, %iota3A : vector<16xi32>
      %ne3A_202 = arith.cmpi ne, %get3A_188, %select_n3A_194 : vector<16xi32>
      %ge3A_203 = vector.broadcast %max3A : i32 to vector<16xi32>
      %ge3A_204 = arith.cmpi sge, %add3A_201, %ge3A_203 : vector<16xi32>
      %and3A_205 = arith.andi %ne3A_202, %ge3A_204 : vector<16xi1>
      %lt3A_206 = vector.broadcast %min3A : i32 to vector<16xi32>
      %lt3A_207 = arith.cmpi slt, %add3A_201, %lt3A_206 : vector<16xi32>
      %and3A_208 = arith.andi %and3A_205, %lt3A_207 : vector<16xi1>
      %convert_element_type3A_209 = arith.extui %and3A_208 : vector<16xi1> to vector<16xi32>
      %broadcast_in_dim3A_210 = arith.constant true
      %broadcast_in_dim3A_211 = vector.broadcast %broadcast_in_dim3A_210 : i1 to vector<16xi1>
      %masked_cumsum3A = tpu.scan <sum>, %convert_element_type3A_209 masked %broadcast_in_dim3A_211 : vector<16xi32>, vector<16xi1> -> vector<16xi32>
      %add3A_212 = arith.addi %broadcast_in_dim3A_166, %masked_cumsum3A : vector<16xi32>
      %sub3A_213 = arith.constant 1 : i32
      %sub3A_214 = vector.broadcast %sub3A_213 : i32 to vector<16xi32>
      %sub3A_215 = arith.subi %add3A_212, %sub3A_214 : vector<16xi32>
      tpu.vector_store_idx %arg20[%sub3A_215], %add3A_201 masked %and3A_208 : memref<160xi32, #tpu.memory_space<vmem>>[vector<16xi32>], vector<16xi32>, vector<16xi1>
      tpu.vector_store_idx %arg21[%sub3A_215], %get3A_188 masked %and3A_208 : memref<160xi32, #tpu.memory_space<vmem>>[vector<16xi32>], vector<16xi32>, vector<16xi1>
      %broadcast_in_dim3A_216 = vector.shape_cast %broadcast_in_dim3A_174 : vector<16xi32> to vector<16x1xi32>
      %gather3A_217 = vector.shape_cast %broadcast_in_dim3A_216 : vector<16x1xi32> to vector<16xi32>
      %gather3A_218 = tpu.dynamic_gather %masked_cumsum3A[%gather3A_217] in [0] : vector<16xi32>, vector<16xi32> -> vector<16xi32>
      %add3A_219 = arith.addi %broadcast_in_dim3A_166, %gather3A_218 : vector<16xi32>
      %add3A_220 = arith.constant 8 : i32
      %add3A_221 = arith.addi %mul3A_176, %add3A_220 : i32
      %add3A_222 = arith.constant 16 : i32
      %add3A_223 = arith.addi %add3A_221, %add3A_222 : i32
      %get3A_224 = arith.index_cast %add3A_223 : i32 to index
      %get3A_225 = tpu.vector_load %arg12[%get3A_224] {strides = array<i32>} : memref<288xi32, #tpu.memory_space<vmem>>, vector<16xi32>,
      %eq3A_226 = arith.constant 0 : i32
      %eq3A_227 = vector.broadcast %eq3A_226 : i32 to vector<16xi32>
      %eq3A_228 = arith.cmpi eq, %iota3A, %eq3A_227 : vector<16xi32>
      %broadcast_in_dim3A_229 = vector.shape_cast %max3A_172 : vector<16xi32> to vector<16x1xi32>
      %gather3A_230 = vector.shape_cast %broadcast_in_dim3A_229 : vector<16x1xi32> to vector<16xi32>
      %gather3A_231 = tpu.dynamic_gather %get3A_225[%gather3A_230] in [0] : vector<16xi32>, vector<16xi32> -> vector<16xi32>
      %select_n3A_232 = arith.select %eq3A_228, %gather3A_197, %gather3A_231 : vector<16xi1>, vector<16xi32>
      %broadcast_in_dim3A_233 = vector.shape_cast %broadcast_in_dim3A_174 : vector<16xi32> to vector<16x1xi32>
      %gather3A_234 = vector.shape_cast %broadcast_in_dim3A_233 : vector<16x1xi32> to vector<16xi32>
      %gather3A_235 = tpu.dynamic_gather %get3A_225[%gather3A_234] in [0] : vector<16xi32>, vector<16xi32> -> vector<16xi32>
      %add3A_236 = arith.constant 16 : i32
      %add3A_237 = arith.addi %add3A_132, %add3A_236 : i32
      %add3A_238 = vector.broadcast %add3A_237 : i32 to vector<16xi32>
      %add3A_239 = arith.addi %add3A_238, %iota3A : vector<16xi32>
      %ne3A_240 = arith.cmpi ne, %get3A_225, %select_n3A_232 : vector<16xi32>
      %ge3A_241 = vector.broadcast %max3A : i32 to vector<16xi32>
      %ge3A_242 = arith.cmpi sge, %add3A_239, %ge3A_241 : vector<16xi32>
      %and3A_243 = arith.andi %ne3A_240, %ge3A_242 : vector<16xi1>
      %lt3A_244 = vector.broadcast %min3A : i32 to vector<16xi32>
      %lt3A_245 = arith.cmpi slt, %add3A_239, %lt3A_244 : vector<16xi32>
      %and3A_246 = arith.andi %and3A_243, %lt3A_245 : vector<16xi1>
      %convert_element_type3A_247 = arith.extui %and3A_246 : vector<16xi1> to vector<16xi32>
      %broadcast_in_dim3A_248 = arith.constant true
      %broadcast_in_dim3A_249 = vector.broadcast %broadcast_in_dim3A_248 : i1 to vector<16xi1>
      %masked_cumsum3A_250 = tpu.scan <sum>, %convert_element_type3A_247 masked %broadcast_in_dim3A_249 : vector<16xi32>, vector<16xi1> -> vector<16xi32>
      %add3A_251 = arith.addi %add3A_219, %masked_cumsum3A_250 : vector<16xi32>
      %sub3A_252 = arith.constant 1 : i32
      %sub3A_253 = vector.broadcast %sub3A_252 : i32 to vector<16xi32>
      %sub3A_254 = arith.subi %add3A_251, %sub3A_253 : vector<16xi32>
      tpu.vector_store_idx %arg20[%sub3A_254], %add3A_239 masked %and3A_246 : memref<160xi32, #tpu.memory_space<vmem>>[vector<16xi32>], vector<16xi32>, vector<16xi1>
      tpu.vector_store_idx %arg21[%sub3A_254], %get3A_225 masked %and3A_246 : memref<160xi32, #tpu.memory_space<vmem>>[vector<16xi32>], vector<16xi32>, vector<16xi1>
      %broadcast_in_dim3A_255 = vector.shape_cast %broadcast_in_dim3A_174 : vector<16xi32> to vector<16x1xi32>
      %gather3A_256 = vector.shape_cast %broadcast_in_dim3A_255 : vector<16x1xi32> to vector<16xi32>
      %gather3A_257 = tpu.dynamic_gather %masked_cumsum3A_250[%gather3A_256] in [0] : vector<16xi32>, vector<16xi32> -> vector<16xi32>
      %add3A_258 = arith.addi %add3A_219, %gather3A_257 : vector<16xi32>
      %add3A_259 = arith.constant 8 : i32
      %add3A_260 = arith.addi %mul3A_176, %add3A_259 : i32
      %add3A_261 = arith.constant 32 : i32
      %add3A_262 = arith.addi %add3A_260, %add3A_261 : i32
      %get3A_263 = arith.index_cast %add3A_262 : i32 to index
      %get3A_264 = tpu.vector_load %arg12[%get3A_263] {strides = array<i32>} : memref<288xi32, #tpu.memory_space<vmem>>, vector<16xi32>,
      %eq3A_265 = arith.constant 0 : i32
      %eq3A_266 = vector.broadcast %eq3A_265 : i32 to vector<16xi32>
      %eq3A_267 = arith.cmpi eq, %iota3A, %eq3A_266 : vector<16xi32>
      %broadcast_in_dim3A_268 = vector.shape_cast %max3A_172 : vector<16xi32> to vector<16x1xi32>
      %gather3A_269 = vector.shape_cast %broadcast_in_dim3A_268 : vector<16x1xi32> to vector<16xi32>
      %gather3A_270 = tpu.dynamic_gather %get3A_264[%gather3A_269] in [0] : vector<16xi32>, vector<16xi32> -> vector<16xi32>
      %select_n3A_271 = arith.select %eq3A_267, %gather3A_235, %gather3A_270 : vector<16xi1>, vector<16xi32>
      %broadcast_in_dim3A_272 = vector.shape_cast %broadcast_in_dim3A_174 : vector<16xi32> to vector<16x1xi32>
      %gather3A_273 = vector.shape_cast %broadcast_in_dim3A_272 : vector<16x1xi32> to vector<16xi32>
      %gather3A_274 = tpu.dynamic_gather %get3A_264[%gather3A_273] in [0] : vector<16xi32>, vector<16xi32> -> vector<16xi32>
      %add3A_275 = arith.constant 32 : i32
      %add3A_276 = arith.addi %add3A_132, %add3A_275 : i32
      %add3A_277 = vector.broadcast %add3A_276 : i32 to vector<16xi32>
      %add3A_278 = arith.addi %add3A_277, %iota3A : vector<16xi32>
      %ne3A_279 = arith.cmpi ne, %get3A_264, %select_n3A_271 : vector<16xi32>
      %ge3A_280 = vector.broadcast %max3A : i32 to vector<16xi32>
      %ge3A_281 = arith.cmpi sge, %add3A_278, %ge3A_280 : vector<16xi32>
      %and3A_282 = arith.andi %ne3A_279, %ge3A_281 : vector<16xi1>
      %lt3A_283 = vector.broadcast %min3A : i32 to vector<16xi32>
      %lt3A_284 = arith.cmpi slt, %add3A_278, %lt3A_283 : vector<16xi32>
      %and3A_285 = arith.andi %and3A_282, %lt3A_284 : vector<16xi1>
      %convert_element_type3A_286 = arith.extui %and3A_285 : vector<16xi1> to vector<16xi32>
      %broadcast_in_dim3A_287 = arith.constant true
      %broadcast_in_dim3A_288 = vector.broadcast %broadcast_in_dim3A_287 : i1 to vector<16xi1>
      %masked_cumsum3A_289 = tpu.scan <sum>, %convert_element_type3A_286 masked %broadcast_in_dim3A_288 : vector<16xi32>, vector<16xi1> -> vector<16xi32>
      %add3A_290 = arith.addi %add3A_258, %masked_cumsum3A_289 : vector<16xi32>
      %sub3A_291 = arith.constant 1 : i32
      %sub3A_292 = vector.broadcast %sub3A_291 : i32 to vector<16xi32>
      %sub3A_293 = arith.subi %add3A_290, %sub3A_292 : vector<16xi32>
      tpu.vector_store_idx %arg20[%sub3A_293], %add3A_278 masked %and3A_285 : memref<160xi32, #tpu.memory_space<vmem>>[vector<16xi32>], vector<16xi32>, vector<16xi1>
      tpu.vector_store_idx %arg21[%sub3A_293], %get3A_264 masked %and3A_285 : memref<160xi32, #tpu.memory_space<vmem>>[vector<16xi32>], vector<16xi32>, vector<16xi1>
      %broadcast_in_dim3A_294 = vector.shape_cast %broadcast_in_dim3A_174 : vector<16xi32> to vector<16x1xi32>
      %gather3A_295 = vector.shape_cast %broadcast_in_dim3A_294 : vector<16x1xi32> to vector<16xi32>
      %gather3A_296 = tpu.dynamic_gather %masked_cumsum3A_289[%gather3A_295] in [0] : vector<16xi32>, vector<16xi32> -> vector<16xi32>
      %add3A_297 = arith.addi %add3A_258, %gather3A_296 : vector<16xi32>
      %add3A_298 = arith.constant 8 : i32
      %add3A_299 = arith.addi %mul3A_176, %add3A_298 : i32
      %add3A_300 = arith.constant 48 : i32
      %add3A_301 = arith.addi %add3A_299, %add3A_300 : i32
      %get3A_302 = arith.index_cast %add3A_301 : i32 to index
      %get3A_303 = tpu.vector_load %arg12[%get3A_302] {strides = array<i32>} : memref<288xi32, #tpu.memory_space<vmem>>, vector<16xi32>,
      %eq3A_304 = arith.constant 0 : i32
      %eq3A_305 = vector.broadcast %eq3A_304 : i32 to vector<16xi32>
      %eq3A_306 = arith.cmpi eq, %iota3A, %eq3A_305 : vector<16xi32>
      %broadcast_in_dim3A_307 = vector.shape_cast %max3A_172 : vector<16xi32> to vector<16x1xi32>
      %gather3A_308 = vector.shape_cast %broadcast_in_dim3A_307 : vector<16x1xi32> to vector<16xi32>
      %gather3A_309 = tpu.dynamic_gather %get3A_303[%gather3A_308] in [0] : vector<16xi32>, vector<16xi32> -> vector<16xi32>
      %select_n3A_310 = arith.select %eq3A_306, %gather3A_274, %gather3A_309 : vector<16xi1>, vector<16xi32>
      %broadcast_in_dim3A_311 = vector.shape_cast %broadcast_in_dim3A_174 : vector<16xi32> to vector<16x1xi32>
      %gather3A_312 = vector.shape_cast %broadcast_in_dim3A_311 : vector<16x1xi32> to vector<16xi32>
      %gather3A_313 = tpu.dynamic_gather %get3A_303[%gather3A_312] in [0] : vector<16xi32>, vector<16xi32> -> vector<16xi32>
      %add3A_314 = arith.constant 48 : i32
      %add3A_315 = arith.addi %add3A_132, %add3A_314 : i32
      %add3A_316 = vector.broadcast %add3A_315 : i32 to vector<16xi32>
      %add3A_317 = arith.addi %add3A_316, %iota3A : vector<16xi32>
      %ne3A_318 = arith.cmpi ne, %get3A_303, %select_n3A_310 : vector<16xi32>
      %ge3A_319 = vector.broadcast %max3A : i32 to vector<16xi32>
      %ge3A_320 = arith.cmpi sge, %add3A_317, %ge3A_319 : vector<16xi32>
      %and3A_321 = arith.andi %ne3A_318, %ge3A_320 : vector<16xi1>
      %lt3A_322 = vector.broadcast %min3A : i32 to vector<16xi32>
      %lt3A_323 = arith.cmpi slt, %add3A_317, %lt3A_322 : vector<16xi32>
      %and3A_324 = arith.andi %and3A_321, %lt3A_323 : vector<16xi1>
      %convert_element_type3A_325 = arith.extui %and3A_324 : vector<16xi1> to vector<16xi32>
      %broadcast_in_dim3A_326 = arith.constant true
      %broadcast_in_dim3A_327 = vector.broadcast %broadcast_in_dim3A_326 : i1 to vector<16xi1>
      %masked_cumsum3A_328 = tpu.scan <sum>, %convert_element_type3A_325 masked %broadcast_in_dim3A_327 : vector<16xi32>, vector<16xi1> -> vector<16xi32>
      %add3A_329 = arith.addi %add3A_297, %masked_cumsum3A_328 : vector<16xi32>
      %sub3A_330 = arith.constant 1 : i32
      %sub3A_331 = vector.broadcast %sub3A_330 : i32 to vector<16xi32>
      %sub3A_332 = arith.subi %add3A_329, %sub3A_331 : vector<16xi32>
      tpu.vector_store_idx %arg20[%sub3A_332], %add3A_317 masked %and3A_324 : memref<160xi32, #tpu.memory_space<vmem>>[vector<16xi32>], vector<16xi32>, vector<16xi1>
      tpu.vector_store_idx %arg21[%sub3A_332], %get3A_303 masked %and3A_324 : memref<160xi32, #tpu.memory_space<vmem>>[vector<16xi32>], vector<16xi32>, vector<16xi1>
      %broadcast_in_dim3A_333 = vector.shape_cast %broadcast_in_dim3A_174 : vector<16xi32> to vector<16x1xi32>
      %gather3A_334 = vector.shape_cast %broadcast_in_dim3A_333 : vector<16x1xi32> to vector<16xi32>
      %gather3A_335 = tpu.dynamic_gather %masked_cumsum3A_328[%gather3A_334] in [0] : vector<16xi32>, vector<16xi32> -> vector<16xi32>
      %add3A_336 = arith.addi %add3A_297, %gather3A_335 : vector<16xi32>
      %add3A_337 = arith.constant 8 : i32
      %add3A_338 = arith.addi %mul3A_176, %add3A_337 : i32
      %add3A_339 = arith.constant 64 : i32
      %add3A_340 = arith.addi %add3A_338, %add3A_339 : i32
      %get3A_341 = arith.index_cast %add3A_340 : i32 to index
      %get3A_342 = tpu.vector_load %arg12[%get3A_341] {strides = array<i32>} : memref<288xi32, #tpu.memory_space<vmem>>, vector<16xi32>,
      %eq3A_343 = arith.constant 0 : i32
      %eq3A_344 = vector.broadcast %eq3A_343 : i32 to vector<16xi32>
      %eq3A_345 = arith.cmpi eq, %iota3A, %eq3A_344 : vector<16xi32>
      %broadcast_in_dim3A_346 = vector.shape_cast %max3A_172 : vector<16xi32> to vector<16x1xi32>
      %gather3A_347 = vector.shape_cast %broadcast_in_dim3A_346 : vector<16x1xi32> to vector<16xi32>
      %gather3A_348 = tpu.dynamic_gather %get3A_342[%gather3A_347] in [0] : vector<16xi32>, vector<16xi32> -> vector<16xi32>
      %select_n3A_349 = arith.select %eq3A_345, %gather3A_313, %gather3A_348 : vector<16xi1>, vector<16xi32>
      %broadcast_in_dim3A_350 = vector.shape_cast %broadcast_in_dim3A_174 : vector<16xi32> to vector<16x1xi32>
      %gather3A_351 = vector.shape_cast %broadcast_in_dim3A_350 : vector<16x1xi32> to vector<16xi32>
      %gather3A_352 = tpu.dynamic_gather %get3A_342[%gather3A_351] in [0] : vector<16xi32>, vector<16xi32> -> vector<16xi32>
      %add3A_353 = arith.constant 64 : i32
      %add3A_354 = arith.addi %add3A_132, %add3A_353 : i32
      %add3A_355 = vector.broadcast %add3A_354 : i32 to vector<16xi32>
      %add3A_356 = arith.addi %add3A_355, %iota3A : vector<16xi32>
      %ne3A_357 = arith.cmpi ne, %get3A_342, %select_n3A_349 : vector<16xi32>
      %ge3A_358 = vector.broadcast %max3A : i32 to vector<16xi32>
      %ge3A_359 = arith.cmpi sge, %add3A_356, %ge3A_358 : vector<16xi32>
      %and3A_360 = arith.andi %ne3A_357, %ge3A_359 : vector<16xi1>
      %lt3A_361 = vector.broadcast %min3A : i32 to vector<16xi32>
      %lt3A_362 = arith.cmpi slt, %add3A_356, %lt3A_361 : vector<16xi32>
      %and3A_363 = arith.andi %and3A_360, %lt3A_362 : vector<16xi1>
      %convert_element_type3A_364 = arith.extui %and3A_363 : vector<16xi1> to vector<16xi32>
      %broadcast_in_dim3A_365 = arith.constant true
      %broadcast_in_dim3A_366 = vector.broadcast %broadcast_in_dim3A_365 : i1 to vector<16xi1>
      %masked_cumsum3A_367 = tpu.scan <sum>, %convert_element_type3A_364 masked %broadcast_in_dim3A_366 : vector<16xi32>, vector<16xi1> -> vector<16xi32>
      %add3A_368 = arith.addi %add3A_336, %masked_cumsum3A_367 : vector<16xi32>
      %sub3A_369 = arith.constant 1 : i32
      %sub3A_370 = vector.broadcast %sub3A_369 : i32 to vector<16xi32>
      %sub3A_371 = arith.subi %add3A_368, %sub3A_370 : vector<16xi32>
      tpu.vector_store_idx %arg20[%sub3A_371], %add3A_356 masked %and3A_363 : memref<160xi32, #tpu.memory_space<vmem>>[vector<16xi32>], vector<16xi32>, vector<16xi1>
      tpu.vector_store_idx %arg21[%sub3A_371], %get3A_342 masked %and3A_363 : memref<160xi32, #tpu.memory_space<vmem>>[vector<16xi32>], vector<16xi32>, vector<16xi1>
      %broadcast_in_dim3A_372 = vector.shape_cast %broadcast_in_dim3A_174 : vector<16xi32> to vector<16x1xi32>
      %gather3A_373 = vector.shape_cast %broadcast_in_dim3A_372 : vector<16x1xi32> to vector<16xi32>
      %gather3A_374 = tpu.dynamic_gather %masked_cumsum3A_367[%gather3A_373] in [0] : vector<16xi32>, vector<16xi32> -> vector<16xi32>
      %add3A_375 = arith.addi %add3A_336, %gather3A_374 : vector<16xi32>
      %add3A_376 = arith.constant 8 : i32
      %add3A_377 = arith.addi %mul3A_176, %add3A_376 : i32
      %add3A_378 = arith.constant 80 : i32
      %add3A_379 = arith.addi %add3A_377, %add3A_378 : i32
      %get3A_380 = arith.index_cast %add3A_379 : i32 to index
      %get3A_381 = tpu.vector_load %arg12[%get3A_380] {strides = array<i32>} : memref<288xi32, #tpu.memory_space<vmem>>, vector<16xi32>,
      %eq3A_382 = arith.constant 0 : i32
      %eq3A_383 = vector.broadcast %eq3A_382 : i32 to vector<16xi32>
      %eq3A_384 = arith.cmpi eq, %iota3A, %eq3A_383 : vector<16xi32>
      %broadcast_in_dim3A_385 = vector.shape_cast %max3A_172 : vector<16xi32> to vector<16x1xi32>
      %gather3A_386 = vector.shape_cast %broadcast_in_dim3A_385 : vector<16x1xi32> to vector<16xi32>
      %gather3A_387 = tpu.dynamic_gather %get3A_381[%gather3A_386] in [0] : vector<16xi32>, vector<16xi32> -> vector<16xi32>
      %select_n3A_388 = arith.select %eq3A_384, %gather3A_352, %gather3A_387 : vector<16xi1>, vector<16xi32>
      %broadcast_in_dim3A_389 = vector.shape_cast %broadcast_in_dim3A_174 : vector<16xi32> to vector<16x1xi32>
      %gather3A_390 = vector.shape_cast %broadcast_in_dim3A_389 : vector<16x1xi32> to vector<16xi32>
      %gather3A_391 = tpu.dynamic_gather %get3A_381[%gather3A_390] in [0] : vector<16xi32>, vector<16xi32> -> vector<16xi32>
      %add3A_392 = arith.constant 80 : i32
      %add3A_393 = arith.addi %add3A_132, %add3A_392 : i32
      %add3A_394 = vector.broadcast %add3A_393 : i32 to vector<16xi32>
      %add3A_395 = arith.addi %add3A_394, %iota3A : vector<16xi32>
      %ne3A_396 = arith.cmpi ne, %get3A_381, %select_n3A_388 : vector<16xi32>
      %ge3A_397 = vector.broadcast %max3A : i32 to vector<16xi32>
      %ge3A_398 = arith.cmpi sge, %add3A_395, %ge3A_397 : vector<16xi32>
      %and3A_399 = arith.andi %ne3A_396, %ge3A_398 : vector<16xi1>
      %lt3A_400 = vector.broadcast %min3A : i32 to vector<16xi32>
      %lt3A_401 = arith.cmpi slt, %add3A_395, %lt3A_400 : vector<16xi32>
      %and3A_402 = arith.andi %and3A_399, %lt3A_401 : vector<16xi1>
      %convert_element_type3A_403 = arith.extui %and3A_402 : vector<16xi1> to vector<16xi32>
      %broadcast_in_dim3A_404 = arith.constant true
      %broadcast_in_dim3A_405 = vector.broadcast %broadcast_in_dim3A_404 : i1 to vector<16xi1>
      %masked_cumsum3A_406 = tpu.scan <sum>, %convert_element_type3A_403 masked %broadcast_in_dim3A_405 : vector<16xi32>, vector<16xi1> -> vector<16xi32>
      %add3A_407 = arith.addi %add3A_375, %masked_cumsum3A_406 : vector<16xi32>
      %sub3A_408 = arith.constant 1 : i32
      %sub3A_409 = vector.broadcast %sub3A_408 : i32 to vector<16xi32>
      %sub3A_410 = arith.subi %add3A_407, %sub3A_409 : vector<16xi32>
      tpu.vector_store_idx %arg20[%sub3A_410], %add3A_395 masked %and3A_402 : memref<160xi32, #tpu.memory_space<vmem>>[vector<16xi32>], vector<16xi32>, vector<16xi1>
      tpu.vector_store_idx %arg21[%sub3A_410], %get3A_381 masked %and3A_402 : memref<160xi32, #tpu.memory_space<vmem>>[vector<16xi32>], vector<16xi32>, vector<16xi1>
      %broadcast_in_dim3A_411 = vector.shape_cast %broadcast_in_dim3A_174 : vector<16xi32> to vector<16x1xi32>
      %gather3A_412 = vector.shape_cast %broadcast_in_dim3A_411 : vector<16x1xi32> to vector<16xi32>
      %gather3A_413 = tpu.dynamic_gather %masked_cumsum3A_406[%gather3A_412] in [0] : vector<16xi32>, vector<16xi32> -> vector<16xi32>
      %add3A_414 = arith.addi %add3A_375, %gather3A_413 : vector<16xi32>
      %add3A_415 = arith.constant 8 : i32
      %add3A_416 = arith.addi %mul3A_176, %add3A_415 : i32
      %add3A_417 = arith.constant 96 : i32
      %add3A_418 = arith.addi %add3A_416, %add3A_417 : i32
      %get3A_419 = arith.index_cast %add3A_418 : i32 to index
      %get3A_420 = tpu.vector_load %arg12[%get3A_419] {strides = array<i32>} : memref<288xi32, #tpu.memory_space<vmem>>, vector<16xi32>,
      %eq3A_421 = arith.constant 0 : i32
      %eq3A_422 = vector.broadcast %eq3A_421 : i32 to vector<16xi32>
      %eq3A_423 = arith.cmpi eq, %iota3A, %eq3A_422 : vector<16xi32>
      %broadcast_in_dim3A_424 = vector.shape_cast %max3A_172 : vector<16xi32> to vector<16x1xi32>
      %gather3A_425 = vector.shape_cast %broadcast_in_dim3A_424 : vector<16x1xi32> to vector<16xi32>
      %gather3A_426 = tpu.dynamic_gather %get3A_420[%gather3A_425] in [0] : vector<16xi32>, vector<16xi32> -> vector<16xi32>
      %select_n3A_427 = arith.select %eq3A_423, %gather3A_391, %gather3A_426 : vector<16xi1>, vector<16xi32>
      %broadcast_in_dim3A_428 = vector.shape_cast %broadcast_in_dim3A_174 : vector<16xi32> to vector<16x1xi32>
      %gather3A_429 = vector.shape_cast %broadcast_in_dim3A_428 : vector<16x1xi32> to vector<16xi32>
      %gather3A_430 = tpu.dynamic_gather %get3A_420[%gather3A_429] in [0] : vector<16xi32>, vector<16xi32> -> vector<16xi32>
      %add3A_431 = arith.constant 96 : i32
      %add3A_432 = arith.addi %add3A_132, %add3A_431 : i32
      %add3A_433 = vector.broadcast %add3A_432 : i32 to vector<16xi32>
      %add3A_434 = arith.addi %add3A_433, %iota3A : vector<16xi32>
      %ne3A_435 = arith.cmpi ne, %get3A_420, %select_n3A_427 : vector<16xi32>
      %ge3A_436 = vector.broadcast %max3A : i32 to vector<16xi32>
      %ge3A_437 = arith.cmpi sge, %add3A_434, %ge3A_436 : vector<16xi32>
      %and3A_438 = arith.andi %ne3A_435, %ge3A_437 : vector<16xi1>
      %lt3A_439 = vector.broadcast %min3A : i32 to vector<16xi32>
      %lt3A_440 = arith.cmpi slt, %add3A_434, %lt3A_439 : vector<16xi32>
      %and3A_441 = arith.andi %and3A_438, %lt3A_440 : vector<16xi1>
      %convert_element_type3A_442 = arith.extui %and3A_441 : vector<16xi1> to vector<16xi32>
      %broadcast_in_dim3A_443 = arith.constant true
      %broadcast_in_dim3A_444 = vector.broadcast %broadcast_in_dim3A_443 : i1 to vector<16xi1>
      %masked_cumsum3A_445 = tpu.scan <sum>, %convert_element_type3A_442 masked %broadcast_in_dim3A_444 : vector<16xi32>, vector<16xi1> -> vector<16xi32>
      %add3A_446 = arith.addi %add3A_414, %masked_cumsum3A_445 : vector<16xi32>
      %sub3A_447 = arith.constant 1 : i32
      %sub3A_448 = vector.broadcast %sub3A_447 : i32 to vector<16xi32>
      %sub3A_449 = arith.subi %add3A_446, %sub3A_448 : vector<16xi32>
      tpu.vector_store_idx %arg20[%sub3A_449], %add3A_434 masked %and3A_441 : memref<160xi32, #tpu.memory_space<vmem>>[vector<16xi32>], vector<16xi32>, vector<16xi1>
      tpu.vector_store_idx %arg21[%sub3A_449], %get3A_420 masked %and3A_441 : memref<160xi32, #tpu.memory_space<vmem>>[vector<16xi32>], vector<16xi32>, vector<16xi1>
      %broadcast_in_dim3A_450 = vector.shape_cast %broadcast_in_dim3A_174 : vector<16xi32> to vector<16x1xi32>
      %gather3A_451 = vector.shape_cast %broadcast_in_dim3A_450 : vector<16x1xi32> to vector<16xi32>
      %gather3A_452 = tpu.dynamic_gather %masked_cumsum3A_445[%gather3A_451] in [0] : vector<16xi32>, vector<16xi32> -> vector<16xi32>
      %add3A_453 = arith.addi %add3A_414, %gather3A_452 : vector<16xi32>
      %add3A_454 = arith.constant 8 : i32
      %add3A_455 = arith.addi %mul3A_176, %add3A_454 : i32
      %add3A_456 = arith.constant 112 : i32
      %add3A_457 = arith.addi %add3A_455, %add3A_456 : i32
      %get3A_458 = arith.index_cast %add3A_457 : i32 to index
      %get3A_459 = tpu.vector_load %arg12[%get3A_458] {strides = array<i32>} : memref<288xi32, #tpu.memory_space<vmem>>, vector<16xi32>,
      %eq3A_460 = arith.constant 0 : i32
      %eq3A_461 = vector.broadcast %eq3A_460 : i32 to vector<16xi32>
      %eq3A_462 = arith.cmpi eq, %iota3A, %eq3A_461 : vector<16xi32>
      %broadcast_in_dim3A_463 = vector.shape_cast %max3A_172 : vector<16xi32> to vector<16x1xi32>
      %gather3A_464 = vector.shape_cast %broadcast_in_dim3A_463 : vector<16x1xi32> to vector<16xi32>
      %gather3A_465 = tpu.dynamic_gather %get3A_459[%gather3A_464] in [0] : vector<16xi32>, vector<16xi32> -> vector<16xi32>
      %select_n3A_466 = arith.select %eq3A_462, %gather3A_430, %gather3A_465 : vector<16xi1>, vector<16xi32>
      %broadcast_in_dim3A_467 = vector.shape_cast %broadcast_in_dim3A_174 : vector<16xi32> to vector<16x1xi32>
      %gather3A_468 = vector.shape_cast %broadcast_in_dim3A_467 : vector<16x1xi32> to vector<16xi32>
      %gather3A_469 = tpu.dynamic_gather %get3A_459[%gather3A_468] in [0] : vector<16xi32>, vector<16xi32> -> vector<16xi32>
      %add3A_470 = arith.constant 112 : i32
      %add3A_471 = arith.addi %add3A_132, %add3A_470 : i32
      %add3A_472 = vector.broadcast %add3A_471 : i32 to vector<16xi32>
      %add3A_473 = arith.addi %add3A_472, %iota3A : vector<16xi32>
      %ne3A_474 = arith.cmpi ne, %get3A_459, %select_n3A_466 : vector<16xi32>
      %ge3A_475 = vector.broadcast %max3A : i32 to vector<16xi32>
      %ge3A_476 = arith.cmpi sge, %add3A_473, %ge3A_475 : vector<16xi32>
      %and3A_477 = arith.andi %ne3A_474, %ge3A_476 : vector<16xi1>
      %lt3A_478 = vector.broadcast %min3A : i32 to vector<16xi32>
      %lt3A_479 = arith.cmpi slt, %add3A_473, %lt3A_478 : vector<16xi32>
      %and3A_480 = arith.andi %and3A_477, %lt3A_479 : vector<16xi1>
      %convert_element_type3A_481 = arith.extui %and3A_480 : vector<16xi1> to vector<16xi32>
      %broadcast_in_dim3A_482 = arith.constant true
      %broadcast_in_dim3A_483 = vector.broadcast %broadcast_in_dim3A_482 : i1 to vector<16xi1>
      %masked_cumsum3A_484 = tpu.scan <sum>, %convert_element_type3A_481 masked %broadcast_in_dim3A_483 : vector<16xi32>, vector<16xi1> -> vector<16xi32>
      %add3A_485 = arith.addi %add3A_453, %masked_cumsum3A_484 : vector<16xi32>
      %sub3A_486 = arith.constant 1 : i32
      %sub3A_487 = vector.broadcast %sub3A_486 : i32 to vector<16xi32>
      %sub3A_488 = arith.subi %add3A_485, %sub3A_487 : vector<16xi32>
      tpu.vector_store_idx %arg20[%sub3A_488], %add3A_473 masked %and3A_480 : memref<160xi32, #tpu.memory_space<vmem>>[vector<16xi32>], vector<16xi32>, vector<16xi1>
      tpu.vector_store_idx %arg21[%sub3A_488], %get3A_459 masked %and3A_480 : memref<160xi32, #tpu.memory_space<vmem>>[vector<16xi32>], vector<16xi32>, vector<16xi1>
      %broadcast_in_dim3A_489 = vector.shape_cast %broadcast_in_dim3A_174 : vector<16xi32> to vector<16x1xi32>
      %gather3A_490 = vector.shape_cast %broadcast_in_dim3A_489 : vector<16x1xi32> to vector<16xi32>
      %gather3A_491 = tpu.dynamic_gather %masked_cumsum3A_484[%gather3A_490] in [0] : vector<16xi32>, vector<16xi32> -> vector<16xi32>
      %add3A_492 = arith.addi %add3A_453, %gather3A_491 : vector<16xi32>
      %broadcast_in_dim3A_493 = arith.constant 1 : i32
      %broadcast_in_dim3A_494 = vector.broadcast %broadcast_in_dim3A_493 : i32 to vector<16xi32>
      %mul3A_495 = vector.broadcast %min3A : i32 to vector<16xi32>
      %mul3A_496 = arith.muli %broadcast_in_dim3A_494, %mul3A_495 : vector<16xi32>
      %eq3A_497 = arith.constant 0 : i32
      %eq3A_498 = vector.broadcast %eq3A_497 : i32 to vector<16xi32>
      %eq3A_499 = arith.cmpi eq, %iota3A, %eq3A_498 : vector<16xi32>
      tpu.vector_store_idx %arg20[%add3A_492], %mul3A_496 masked %eq3A_499 : memref<160xi32, #tpu.memory_space<vmem>>[vector<16xi32>], vector<16xi32>, vector<16xi1>
      %slice3A_500 = vector.extract_strided_slice %add3A_492 {offsets = [0], sizes = [1], strides = [1]} : vector<16xi32> to vector<1xi32>
      %squeeze3A_501 = vector.extract %slice3A_500[0] : i32 from vector<1xi32>
      %add3A_502 = arith.constant 1 : i32
      %add3A_503 = arith.addi %squeeze3A_501, %add3A_502 : i32
      %while3A_504 = arith.constant 0 : i32
      %while3A_505 = arith.subi %add3A_503, %while3A_504 : i32
      %while3A_506 = arith.addi %while3A_504, %while3A_505 : i32
      %while3A_507 = arith.constant 1 : i32
      %while3A_508 = arith.divsi %while3A_505, %while3A_507 : i32
      %while3A_509 = arith.muli %while3A_508, %while3A_507 : i32
      %while3A_510 = arith.addi %while3A_504, %while3A_509 : i32
      %while3A_511 = arith.constant 1 : i32
      %while3A_512:18 = scf.for %while3A_515 = %while3A_504 to %while3A_510 step %while3A_511 iter_args(%while3A_516 = %while3A_112, %while3A_517 = %while3A_113, %while3A_518 = %while3A_114, %while3A_519 = %while3A_115, %while3A_520 = %while3A_116, %while3A_521 = %while3A_117, %while3A_522 = %while3A_118, %while3A_523 = %while3A_119, %while3A_524 = %while3A_120, %while3A_525 = %while3A_121, %while3A_526 = %while3A_122, %while3A_527 = %while3A_123, %while3A_528 = %while3A_124, %while3A_529 = %while3A_125, %while3A_530 = %while3A_126, %while3A_531 = %while3A_127, %while3A_532 = %while3A_128, %while3A_533 = %while3A_129) -> (i32, i32, vector<16xf32>, vector<16xf32>, vector<16xf32>, vector<16xf32>, vector<16xf32>, vector<16xf32>, vector<16xf32>, vector<16xf32>, vector<16xf32>, vector<16xf32>, vector<16xf32>, vector<16xf32>, vector<16xf32>, vector<16xf32>, vector<16xf32>, vector<16xf32>)  : i32 {
        %broadcast_in_dim3A_534 = arith.constant 1 : i32
        %broadcast_in_dim3A_535 = vector.broadcast %broadcast_in_dim3A_534 : i32 to vector<16xi32>
        %mul3A_536 = vector.broadcast %while3A_515 : i32 to vector<16xi32>
        %mul3A_537 = arith.muli %broadcast_in_dim3A_535, %mul3A_536 : vector<16xi32>
        %gather3A_538 = tpu.vector_load_idx %arg20[%mul3A_537] : memref<160xi32, #tpu.memory_space<vmem>>[vector<16xi32>], vector<16xi32>,
        %slice3A_539 = vector.extract_strided_slice %gather3A_538 {offsets = [0], sizes = [1], strides = [1]} : vector<16xi32> to vector<1xi32>
        %squeeze3A_540 = vector.extract %slice3A_539[0] : i32 from vector<1xi32>
        %sub3A_541 = arith.subi %while3A_517, %add3A_132 : i32
        %jit3A_542 = arith.constant 0 : i32
        %jit3A_543 = arith.constant 127 : i32
        %max3A_544 = arith.maxsi %jit3A_542, %sub3A_541 : i32
        %min3A_545 = arith.minsi %jit3A_543, %max3A_544 : i32
        %get3A_546 = arith.index_cast %rem3A_134 : i32 to index
        %get3A_547 = arith.index_cast %min3A_545 : i32 to index
        %get3A_548 = arith.constant 0 : index
        %get3A_549 = tpu.vector_load %arg14[%get3A_546, %get3A_547, %get3A_548] {strides = array<i32>} : memref<2x128x128xf32, #tpu.memory_space<vmem>>, vector<16xf32>,
        %get3A_550 = arith.index_cast %rem3A_134 : i32 to index
        %get3A_551 = arith.index_cast %min3A_545 : i32 to index
        %get3A_552 = arith.constant 16 : index
        %get3A_553 = tpu.vector_load %arg14[%get3A_550, %get3A_551, %get3A_552] {strides = array<i32>} : memref<2x128x128xf32, #tpu.memory_space<vmem>>, vector<16xf32>,
        %get3A_554 = arith.index_cast %rem3A_134 : i32 to index
        %get3A_555 = arith.index_cast %min3A_545 : i32 to index
        %get3A_556 = arith.constant 32 : index
        %get3A_557 = tpu.vector_load %arg14[%get3A_554, %get3A_555, %get3A_556] {strides = array<i32>} : memref<2x128x128xf32, #tpu.memory_space<vmem>>, vector<16xf32>,
        %get3A_558 = arith.index_cast %rem3A_134 : i32 to index
        %get3A_559 = arith.index_cast %min3A_545 : i32 to index
        %get3A_560 = arith.constant 48 : index
        %get3A_561 = tpu.vector_load %arg14[%get3A_558, %get3A_559, %get3A_560] {strides = array<i32>} : memref<2x128x128xf32, #tpu.memory_space<vmem>>, vector<16xf32>,
        %get3A_562 = arith.index_cast %rem3A_134 : i32 to index
        %get3A_563 = arith.index_cast %min3A_545 : i32 to index
        %get3A_564 = arith.constant 64 : index
        %get3A_565 = tpu.vector_load %arg14[%get3A_562, %get3A_563, %get3A_564] {strides = array<i32>} : memref<2x128x128xf32, #tpu.memory_space<vmem>>, vector<16xf32>,
        %get3A_566 = arith.index_cast %rem3A_134 : i32 to index
        %get3A_567 = arith.index_cast %min3A_545 : i32 to index
        %get3A_568 = arith.constant 80 : index
        %get3A_569 = tpu.vector_load %arg14[%get3A_566, %get3A_567, %get3A_568] {strides = array<i32>} : memref<2x128x128xf32, #tpu.memory_space<vmem>>, vector<16xf32>,
        %get3A_570 = arith.index_cast %rem3A_134 : i32 to index
        %get3A_571 = arith.index_cast %min3A_545 : i32 to index
        %get3A_572 = arith.constant 96 : index
        %get3A_573 = tpu.vector_load %arg14[%get3A_570, %get3A_571, %get3A_572] {strides = array<i32>} : memref<2x128x128xf32, #tpu.memory_space<vmem>>, vector<16xf32>,
        %get3A_574 = arith.index_cast %rem3A_134 : i32 to index
        %get3A_575 = arith.index_cast %min3A_545 : i32 to index
        %get3A_576 = arith.constant 112 : index
        %get3A_577 = tpu.vector_load %arg14[%get3A_574, %get3A_575, %get3A_576] {strides = array<i32>} : memref<2x128x128xf32, #tpu.memory_space<vmem>>, vector<16xf32>,
        %while3A_578 = arith.subi %squeeze3A_540, %while3A_517 : i32
        %while3A_579 = arith.addi %while3A_517, %while3A_578 : i32
        %while3A_580 = arith.constant 1 : i32
        %while3A_581 = arith.divsi %while3A_578, %while3A_580 : i32
        %while3A_582 = arith.muli %while3A_581, %while3A_580 : i32
        %while3A_583 = arith.addi %while3A_517, %while3A_582 : i32
        %while3A_584 = arith.constant 1 : i32
        %while3A_585:16 = scf.for %while3A_617 = %while3A_517 to %while3A_583 step %while3A_584 iter_args(%while3A_618 = %while3A_518, %while3A_619 = %while3A_519, %while3A_620 = %while3A_520, %while3A_621 = %while3A_521, %while3A_622 = %while3A_522, %while3A_623 = %while3A_523, %while3A_624 = %while3A_524, %while3A_625 = %while3A_525, %while3A_626 = %while3A_526, %while3A_627 = %while3A_527, %while3A_628 = %while3A_528, %while3A_629 = %while3A_529, %while3A_630 = %while3A_530, %while3A_631 = %while3A_531, %while3A_632 = %while3A_532, %while3A_633 = %while3A_533) -> (vector<16xf32>, vector<16xf32>, vector<16xf32>, vector<16xf32>, vector<16xf32>, vector<16xf32>, vector<16xf32>, vector<16xf32>, vector<16xf32>, vector<16xf32>, vector<16xf32>, vector<16xf32>, vector<16xf32>, vector<16xf32>, vector<16xf32>, vector<16xf32>)  : i32 {
          %sub3A_634 = arith.subi %while3A_617, %add3A_132 : i32
          %get3A_635 = arith.index_cast %rem3A_134 : i32 to index
          %get3A_636 = arith.index_cast %sub3A_634 : i32 to index
          %get3A_637 = arith.constant 0 : index
          %get3A_638 = tpu.vector_load %arg13[%get3A_635, %get3A_636, %get3A_637] {strides = array<i32>} : memref<2x128x128xf32, #tpu.memory_space<vmem>>, vector<16xf32>,
          %get3A_639 = arith.index_cast %rem3A_134 : i32 to index
          %get3A_640 = arith.index_cast %sub3A_634 : i32 to index
          %get3A_641 = arith.constant 16 : index
          %get3A_642 = tpu.vector_load %arg13[%get3A_639, %get3A_640, %get3A_641] {strides = array<i32>} : memref<2x128x128xf32, #tpu.memory_space<vmem>>, vector<16xf32>,
          %get3A_643 = arith.index_cast %rem3A_134 : i32 to index
          %get3A_644 = arith.index_cast %sub3A_634 : i32 to index
          %get3A_645 = arith.constant 32 : index
          %get3A_646 = tpu.vector_load %arg13[%get3A_643, %get3A_644, %get3A_645] {strides = array<i32>} : memref<2x128x128xf32, #tpu.memory_space<vmem>>, vector<16xf32>,
          %get3A_647 = arith.index_cast %rem3A_134 : i32 to index
          %get3A_648 = arith.index_cast %sub3A_634 : i32 to index
          %get3A_649 = arith.constant 48 : index
          %get3A_650 = tpu.vector_load %arg13[%get3A_647, %get3A_648, %get3A_649] {strides = array<i32>} : memref<2x128x128xf32, #tpu.memory_space<vmem>>, vector<16xf32>,
          %get3A_651 = arith.index_cast %rem3A_134 : i32 to index
          %get3A_652 = arith.index_cast %sub3A_634 : i32 to index
          %get3A_653 = arith.constant 64 : index
          %get3A_654 = tpu.vector_load %arg13[%get3A_651, %get3A_652, %get3A_653] {strides = array<i32>} : memref<2x128x128xf32, #tpu.memory_space<vmem>>, vector<16xf32>,
          %get3A_655 = arith.index_cast %rem3A_134 : i32 to index
          %get3A_656 = arith.index_cast %sub3A_634 : i32 to index
          %get3A_657 = arith.constant 80 : index
          %get3A_658 = tpu.vector_load %arg13[%get3A_655, %get3A_656, %get3A_657] {strides = array<i32>} : memref<2x128x128xf32, #tpu.memory_space<vmem>>, vector<16xf32>,
          %get3A_659 = arith.index_cast %rem3A_134 : i32 to index
          %get3A_660 = arith.index_cast %sub3A_634 : i32 to index
          %get3A_661 = arith.constant 96 : index
          %get3A_662 = tpu.vector_load %arg13[%get3A_659, %get3A_660, %get3A_661] {strides = array<i32>} : memref<2x128x128xf32, #tpu.memory_space<vmem>>, vector<16xf32>,
          %get3A_663 = arith.index_cast %rem3A_134 : i32 to index
          %get3A_664 = arith.index_cast %sub3A_634 : i32 to index
          %get3A_665 = arith.constant 112 : index
          %get3A_666 = tpu.vector_load %arg13[%get3A_663, %get3A_664, %get3A_665] {strides = array<i32>} : memref<2x128x128xf32, #tpu.memory_space<vmem>>, vector<16xf32>,
          %add3A_667 = arith.addf %get3A_638, %get3A_549 : vector<16xf32>
          %mul3A_668 = arith.constant 2.000000e-01 : f32
          %mul3A_669 = vector.broadcast %mul3A_668 : f32 to vector<16xf32>
          %mul3A_670 = arith.mulf %mul3A_669, %add3A_667 : vector<16xf32>
          %max3A_671 = arith.maximumf %add3A_667, %mul3A_670 : vector<16xf32>
          %mul3A_672 = arith.mulf %max3A_671, %get3A_11 : vector<16xf32>
          %add3A_673 = arith.addf %get3A_642, %get3A_553 : vector<16xf32>
          %mul3A_674 = arith.constant 2.000000e-01 : f32
          %mul3A_675 = vector.broadcast %mul3A_674 : f32 to vector<16xf32>
          %mul3A_676 = arith.mulf %mul3A_675, %add3A_673 : vector<16xf32>
          %max3A_677 = arith.maximumf %add3A_673, %mul3A_676 : vector<16xf32>
          %mul3A_678 = arith.mulf %max3A_677, %get3A_13 : vector<16xf32>
          %add3A_679 = arith.addf %get3A_646, %get3A_557 : vector<16xf32>
          %mul3A_680 = arith.constant 2.000000e-01 : f32
          %mul3A_681 = vector.broadcast %mul3A_680 : f32 to vector<16xf32>
          %mul3A_682 = arith.mulf %mul3A_681, %add3A_679 : vector<16xf32>
          %max3A_683 = arith.maximumf %add3A_679, %mul3A_682 : vector<16xf32>
          %mul3A_684 = arith.mulf %max3A_683, %get3A_11 : vector<16xf32>
          %add3A_685 = arith.addf %get3A_650, %get3A_561 : vector<16xf32>
          %mul3A_686 = arith.constant 2.000000e-01 : f32
          %mul3A_687 = vector.broadcast %mul3A_686 : f32 to vector<16xf32>
          %mul3A_688 = arith.mulf %mul3A_687, %add3A_685 : vector<16xf32>
          %max3A_689 = arith.maximumf %add3A_685, %mul3A_688 : vector<16xf32>
          %mul3A_690 = arith.mulf %max3A_689, %get3A_13 : vector<16xf32>
          %add3A_691 = arith.addf %get3A_654, %get3A_565 : vector<16xf32>
          %mul3A_692 = arith.constant 2.000000e-01 : f32
          %mul3A_693 = vector.broadcast %mul3A_692 : f32 to vector<16xf32>
          %mul3A_694 = arith.mulf %mul3A_693, %add3A_691 : vector<16xf32>
          %max3A_695 = arith.maximumf %add3A_691, %mul3A_694 : vector<16xf32>
          %mul3A_696 = arith.mulf %max3A_695, %get3A_11 : vector<16xf32>
          %add3A_697 = arith.addf %get3A_658, %get3A_569 : vector<16xf32>
          %mul3A_698 = arith.constant 2.000000e-01 : f32
          %mul3A_699 = vector.broadcast %mul3A_698 : f32 to vector<16xf32>
          %mul3A_700 = arith.mulf %mul3A_699, %add3A_697 : vector<16xf32>
          %max3A_701 = arith.maximumf %add3A_697, %mul3A_700 : vector<16xf32>
          %mul3A_702 = arith.mulf %max3A_701, %get3A_13 : vector<16xf32>
          %add3A_703 = arith.addf %get3A_662, %get3A_573 : vector<16xf32>
          %mul3A_704 = arith.constant 2.000000e-01 : f32
          %mul3A_705 = vector.broadcast %mul3A_704 : f32 to vector<16xf32>
          %mul3A_706 = arith.mulf %mul3A_705, %add3A_703 : vector<16xf32>
          %max3A_707 = arith.maximumf %add3A_703, %mul3A_706 : vector<16xf32>
          %mul3A_708 = arith.mulf %max3A_707, %get3A_11 : vector<16xf32>
          %add3A_709 = arith.addf %get3A_666, %get3A_577 : vector<16xf32>
          %mul3A_710 = arith.constant 2.000000e-01 : f32
          %mul3A_711 = vector.broadcast %mul3A_710 : f32 to vector<16xf32>
          %mul3A_712 = arith.mulf %mul3A_711, %add3A_709 : vector<16xf32>
          %max3A_713 = arith.maximumf %add3A_709, %mul3A_712 : vector<16xf32>
          %mul3A_714 = arith.mulf %max3A_713, %get3A_13 : vector<16xf32>
          %add3A_715 = arith.addf %mul3A_672, %mul3A_678 : vector<16xf32>
          %iota3A_716 = tpu.iota {dimensions = array<i32: 0>} : vector<16xi32>
          %xor3A = arith.constant 1 : i32
          %xor3A_717 = vector.broadcast %xor3A : i32 to vector<16xi32>
          %xor3A_718 = arith.xori %iota3A_716, %xor3A_717 : vector<16xi32>
          %broadcast_in_dim3A_719 = vector.shape_cast %xor3A_718 : vector<16xi32> to vector<16x1xi32>
          %gather3A_720 = vector.shape_cast %broadcast_in_dim3A_719 : vector<16x1xi32> to vector<16xi32>
          %gather3A_721 = tpu.dynamic_gather %add3A_715[%gather3A_720] in [0] : vector<16xf32>, vector<16xi32> -> vector<16xf32>
          %add3A_722 = arith.addf %add3A_715, %gather3A_721 : vector<16xf32>
          %iota3A_723 = tpu.iota {dimensions = array<i32: 0>} : vector<16xi32>
          %xor3A_724 = arith.constant 2 : i32
          %xor3A_725 = vector.broadcast %xor3A_724 : i32 to vector<16xi32>
          %xor3A_726 = arith.xori %iota3A_723, %xor3A_725 : vector<16xi32>
          %broadcast_in_dim3A_727 = vector.shape_cast %xor3A_726 : vector<16xi32> to vector<16x1xi32>
          %gather3A_728 = vector.shape_cast %broadcast_in_dim3A_727 : vector<16x1xi32> to vector<16xi32>
          %gather3A_729 = tpu.dynamic_gather %add3A_722[%gather3A_728] in [0] : vector<16xf32>, vector<16xi32> -> vector<16xf32>
          %add3A_730 = arith.addf %add3A_722, %gather3A_729 : vector<16xf32>
          %iota3A_731 = tpu.iota {dimensions = array<i32: 0>} : vector<16xi32>
          %xor3A_732 = arith.constant 4 : i32
          %xor3A_733 = vector.broadcast %xor3A_732 : i32 to vector<16xi32>
          %xor3A_734 = arith.xori %iota3A_731, %xor3A_733 : vector<16xi32>
          %broadcast_in_dim3A_735 = vector.shape_cast %xor3A_734 : vector<16xi32> to vector<16x1xi32>
          %gather3A_736 = vector.shape_cast %broadcast_in_dim3A_735 : vector<16x1xi32> to vector<16xi32>
          %gather3A_737 = tpu.dynamic_gather %add3A_730[%gather3A_736] in [0] : vector<16xf32>, vector<16xi32> -> vector<16xf32>
          %add3A_738 = arith.addf %add3A_730, %gather3A_737 : vector<16xf32>
          %iota3A_739 = tpu.iota {dimensions = array<i32: 0>} : vector<16xi32>
          %xor3A_740 = arith.constant 8 : i32
          %xor3A_741 = vector.broadcast %xor3A_740 : i32 to vector<16xi32>
          %xor3A_742 = arith.xori %iota3A_739, %xor3A_741 : vector<16xi32>
          %broadcast_in_dim3A_743 = vector.shape_cast %xor3A_742 : vector<16xi32> to vector<16x1xi32>
          %gather3A_744 = vector.shape_cast %broadcast_in_dim3A_743 : vector<16x1xi32> to vector<16xi32>
          %gather3A_745 = tpu.dynamic_gather %add3A_738[%gather3A_744] in [0] : vector<16xf32>, vector<16xi32> -> vector<16xf32>
          %add3A_746 = arith.addf %add3A_738, %gather3A_745 : vector<16xf32>
          %sub3A_747 = arith.subf %add3A_746, %while3A_618 : vector<16xf32>
          %abs3A = math.absf %sub3A_747 : vector<16xf32>
          %neg3A = arith.constant 0.000000e+00 : f32
          %neg3A_748 = vector.broadcast %neg3A : f32 to vector<16xf32>
          %neg3A_749 = arith.subf %neg3A_748, %abs3A : vector<16xf32>
          %exp3A = math.exp %neg3A_749 : vector<16xf32>
          %gt3A_750 = arith.constant 0.000000e+00 : f32
          %gt3A_751 = vector.broadcast %gt3A_750 : f32 to vector<16xf32>
          %gt3A_752 = arith.cmpf ogt, %sub3A_747, %gt3A_751 : vector<16xf32>
          %select_n3A_753 = arith.select %gt3A_752, %exp3A, %broadcast_in_dim3A_82 : vector<16xi1>, vector<16xf32>
          %select_n3A_754 = arith.select %gt3A_752, %broadcast_in_dim3A_82, %exp3A : vector<16xi1>, vector<16xf32>
          %mul3A_755 = arith.mulf %while3A_622, %select_n3A_753 : vector<16xf32>
          %add3A_756 = arith.addf %mul3A_755, %select_n3A_754 : vector<16xf32>
          %mul3A_757 = arith.mulf %while3A_626, %select_n3A_753 : vector<16xf32>
          %mul3A_758 = arith.mulf %select_n3A_754, %get3A_638 : vector<16xf32>
          %add3A_759 = arith.addf %mul3A_757, %mul3A_758 : vector<16xf32>
          %mul3A_760 = arith.mulf %while3A_627, %select_n3A_753 : vector<16xf32>
          %mul3A_761 = arith.mulf %select_n3A_754, %get3A_642 : vector<16xf32>
          %add3A_762 = arith.addf %mul3A_760, %mul3A_761 : vector<16xf32>
          %max3A_763 = arith.maximumf %while3A_618, %add3A_746 : vector<16xf32>
          %add3A_764 = arith.addf %mul3A_684, %mul3A_690 : vector<16xf32>
          %iota3A_765 = tpu.iota {dimensions = array<i32: 0>} : vector<16xi32>
          %xor3A_766 = arith.constant 1 : i32
          %xor3A_767 = vector.broadcast %xor3A_766 : i32 to vector<16xi32>
          %xor3A_768 = arith.xori %iota3A_765, %xor3A_767 : vector<16xi32>
          %broadcast_in_dim3A_769 = vector.shape_cast %xor3A_768 : vector<16xi32> to vector<16x1xi32>
          %gather3A_770 = vector.shape_cast %broadcast_in_dim3A_769 : vector<16x1xi32> to vector<16xi32>
          %gather3A_771 = tpu.dynamic_gather %add3A_764[%gather3A_770] in [0] : vector<16xf32>, vector<16xi32> -> vector<16xf32>
          %add3A_772 = arith.addf %add3A_764, %gather3A_771 : vector<16xf32>
          %iota3A_773 = tpu.iota {dimensions = array<i32: 0>} : vector<16xi32>
          %xor3A_774 = arith.constant 2 : i32
          %xor3A_775 = vector.broadcast %xor3A_774 : i32 to vector<16xi32>
          %xor3A_776 = arith.xori %iota3A_773, %xor3A_775 : vector<16xi32>
          %broadcast_in_dim3A_777 = vector.shape_cast %xor3A_776 : vector<16xi32> to vector<16x1xi32>
          %gather3A_778 = vector.shape_cast %broadcast_in_dim3A_777 : vector<16x1xi32> to vector<16xi32>
          %gather3A_779 = tpu.dynamic_gather %add3A_772[%gather3A_778] in [0] : vector<16xf32>, vector<16xi32> -> vector<16xf32>
          %add3A_780 = arith.addf %add3A_772, %gather3A_779 : vector<16xf32>
          %iota3A_781 = tpu.iota {dimensions = array<i32: 0>} : vector<16xi32>
          %xor3A_782 = arith.constant 4 : i32
          %xor3A_783 = vector.broadcast %xor3A_782 : i32 to vector<16xi32>
          %xor3A_784 = arith.xori %iota3A_781, %xor3A_783 : vector<16xi32>
          %broadcast_in_dim3A_785 = vector.shape_cast %xor3A_784 : vector<16xi32> to vector<16x1xi32>
          %gather3A_786 = vector.shape_cast %broadcast_in_dim3A_785 : vector<16x1xi32> to vector<16xi32>
          %gather3A_787 = tpu.dynamic_gather %add3A_780[%gather3A_786] in [0] : vector<16xf32>, vector<16xi32> -> vector<16xf32>
          %add3A_788 = arith.addf %add3A_780, %gather3A_787 : vector<16xf32>
          %iota3A_789 = tpu.iota {dimensions = array<i32: 0>} : vector<16xi32>
          %xor3A_790 = arith.constant 8 : i32
          %xor3A_791 = vector.broadcast %xor3A_790 : i32 to vector<16xi32>
          %xor3A_792 = arith.xori %iota3A_789, %xor3A_791 : vector<16xi32>
          %broadcast_in_dim3A_793 = vector.shape_cast %xor3A_792 : vector<16xi32> to vector<16x1xi32>
          %gather3A_794 = vector.shape_cast %broadcast_in_dim3A_793 : vector<16x1xi32> to vector<16xi32>
          %gather3A_795 = tpu.dynamic_gather %add3A_788[%gather3A_794] in [0] : vector<16xf32>, vector<16xi32> -> vector<16xf32>
          %add3A_796 = arith.addf %add3A_788, %gather3A_795 : vector<16xf32>
          %sub3A_797 = arith.subf %add3A_796, %while3A_619 : vector<16xf32>
          %abs3A_798 = math.absf %sub3A_797 : vector<16xf32>
          %neg3A_799 = arith.constant 0.000000e+00 : f32
          %neg3A_800 = vector.broadcast %neg3A_799 : f32 to vector<16xf32>
          %neg3A_801 = arith.subf %neg3A_800, %abs3A_798 : vector<16xf32>
          %exp3A_802 = math.exp %neg3A_801 : vector<16xf32>
          %gt3A_803 = arith.constant 0.000000e+00 : f32
          %gt3A_804 = vector.broadcast %gt3A_803 : f32 to vector<16xf32>
          %gt3A_805 = arith.cmpf ogt, %sub3A_797, %gt3A_804 : vector<16xf32>
          %select_n3A_806 = arith.select %gt3A_805, %exp3A_802, %broadcast_in_dim3A_82 : vector<16xi1>, vector<16xf32>
          %select_n3A_807 = arith.select %gt3A_805, %broadcast_in_dim3A_82, %exp3A_802 : vector<16xi1>, vector<16xf32>
          %mul3A_808 = arith.mulf %while3A_623, %select_n3A_806 : vector<16xf32>
          %add3A_809 = arith.addf %mul3A_808, %select_n3A_807 : vector<16xf32>
          %mul3A_810 = arith.mulf %while3A_628, %select_n3A_806 : vector<16xf32>
          %mul3A_811 = arith.mulf %select_n3A_807, %get3A_646 : vector<16xf32>
          %add3A_812 = arith.addf %mul3A_810, %mul3A_811 : vector<16xf32>
          %mul3A_813 = arith.mulf %while3A_629, %select_n3A_806 : vector<16xf32>
          %mul3A_814 = arith.mulf %select_n3A_807, %get3A_650 : vector<16xf32>
          %add3A_815 = arith.addf %mul3A_813, %mul3A_814 : vector<16xf32>
          %max3A_816 = arith.maximumf %while3A_619, %add3A_796 : vector<16xf32>
          %add3A_817 = arith.addf %mul3A_696, %mul3A_702 : vector<16xf32>
          %iota3A_818 = tpu.iota {dimensions = array<i32: 0>} : vector<16xi32>
          %xor3A_819 = arith.constant 1 : i32
          %xor3A_820 = vector.broadcast %xor3A_819 : i32 to vector<16xi32>
          %xor3A_821 = arith.xori %iota3A_818, %xor3A_820 : vector<16xi32>
          %broadcast_in_dim3A_822 = vector.shape_cast %xor3A_821 : vector<16xi32> to vector<16x1xi32>
          %gather3A_823 = vector.shape_cast %broadcast_in_dim3A_822 : vector<16x1xi32> to vector<16xi32>
          %gather3A_824 = tpu.dynamic_gather %add3A_817[%gather3A_823] in [0] : vector<16xf32>, vector<16xi32> -> vector<16xf32>
          %add3A_825 = arith.addf %add3A_817, %gather3A_824 : vector<16xf32>
          %iota3A_826 = tpu.iota {dimensions = array<i32: 0>} : vector<16xi32>
          %xor3A_827 = arith.constant 2 : i32
          %xor3A_828 = vector.broadcast %xor3A_827 : i32 to vector<16xi32>
          %xor3A_829 = arith.xori %iota3A_826, %xor3A_828 : vector<16xi32>
          %broadcast_in_dim3A_830 = vector.shape_cast %xor3A_829 : vector<16xi32> to vector<16x1xi32>
          %gather3A_831 = vector.shape_cast %broadcast_in_dim3A_830 : vector<16x1xi32> to vector<16xi32>
          %gather3A_832 = tpu.dynamic_gather %add3A_825[%gather3A_831] in [0] : vector<16xf32>, vector<16xi32> -> vector<16xf32>
          %add3A_833 = arith.addf %add3A_825, %gather3A_832 : vector<16xf32>
          %iota3A_834 = tpu.iota {dimensions = array<i32: 0>} : vector<16xi32>
          %xor3A_835 = arith.constant 4 : i32
          %xor3A_836 = vector.broadcast %xor3A_835 : i32 to vector<16xi32>
          %xor3A_837 = arith.xori %iota3A_834, %xor3A_836 : vector<16xi32>
          %broadcast_in_dim3A_838 = vector.shape_cast %xor3A_837 : vector<16xi32> to vector<16x1xi32>
          %gather3A_839 = vector.shape_cast %broadcast_in_dim3A_838 : vector<16x1xi32> to vector<16xi32>
          %gather3A_840 = tpu.dynamic_gather %add3A_833[%gather3A_839] in [0] : vector<16xf32>, vector<16xi32> -> vector<16xf32>
          %add3A_841 = arith.addf %add3A_833, %gather3A_840 : vector<16xf32>
          %iota3A_842 = tpu.iota {dimensions = array<i32: 0>} : vector<16xi32>
          %xor3A_843 = arith.constant 8 : i32
          %xor3A_844 = vector.broadcast %xor3A_843 : i32 to vector<16xi32>
          %xor3A_845 = arith.xori %iota3A_842, %xor3A_844 : vector<16xi32>
          %broadcast_in_dim3A_846 = vector.shape_cast %xor3A_845 : vector<16xi32> to vector<16x1xi32>
          %gather3A_847 = vector.shape_cast %broadcast_in_dim3A_846 : vector<16x1xi32> to vector<16xi32>
          %gather3A_848 = tpu.dynamic_gather %add3A_841[%gather3A_847] in [0] : vector<16xf32>, vector<16xi32> -> vector<16xf32>
          %add3A_849 = arith.addf %add3A_841, %gather3A_848 : vector<16xf32>
          %sub3A_850 = arith.subf %add3A_849, %while3A_620 : vector<16xf32>
          %abs3A_851 = math.absf %sub3A_850 : vector<16xf32>
          %neg3A_852 = arith.constant 0.000000e+00 : f32
          %neg3A_853 = vector.broadcast %neg3A_852 : f32 to vector<16xf32>
          %neg3A_854 = arith.subf %neg3A_853, %abs3A_851 : vector<16xf32>
          %exp3A_855 = math.exp %neg3A_854 : vector<16xf32>
          %gt3A_856 = arith.constant 0.000000e+00 : f32
          %gt3A_857 = vector.broadcast %gt3A_856 : f32 to vector<16xf32>
          %gt3A_858 = arith.cmpf ogt, %sub3A_850, %gt3A_857 : vector<16xf32>
          %select_n3A_859 = arith.select %gt3A_858, %exp3A_855, %broadcast_in_dim3A_82 : vector<16xi1>, vector<16xf32>
          %select_n3A_860 = arith.select %gt3A_858, %broadcast_in_dim3A_82, %exp3A_855 : vector<16xi1>, vector<16xf32>
          %mul3A_861 = arith.mulf %while3A_624, %select_n3A_859 : vector<16xf32>
          %add3A_862 = arith.addf %mul3A_861, %select_n3A_860 : vector<16xf32>
          %mul3A_863 = arith.mulf %while3A_630, %select_n3A_859 : vector<16xf32>
          %mul3A_864 = arith.mulf %select_n3A_860, %get3A_654 : vector<16xf32>
          %add3A_865 = arith.addf %mul3A_863, %mul3A_864 : vector<16xf32>
          %mul3A_866 = arith.mulf %while3A_631, %select_n3A_859 : vector<16xf32>
          %mul3A_867 = arith.mulf %select_n3A_860, %get3A_658 : vector<16xf32>
          %add3A_868 = arith.addf %mul3A_866, %mul3A_867 : vector<16xf32>
          %max3A_869 = arith.maximumf %while3A_620, %add3A_849 : vector<16xf32>
          %add3A_870 = arith.addf %mul3A_708, %mul3A_714 : vector<16xf32>
          %iota3A_871 = tpu.iota {dimensions = array<i32: 0>} : vector<16xi32>
          %xor3A_872 = arith.constant 1 : i32
          %xor3A_873 = vector.broadcast %xor3A_872 : i32 to vector<16xi32>
          %xor3A_874 = arith.xori %iota3A_871, %xor3A_873 : vector<16xi32>
          %broadcast_in_dim3A_875 = vector.shape_cast %xor3A_874 : vector<16xi32> to vector<16x1xi32>
          %gather3A_876 = vector.shape_cast %broadcast_in_dim3A_875 : vector<16x1xi32> to vector<16xi32>
          %gather3A_877 = tpu.dynamic_gather %add3A_870[%gather3A_876] in [0] : vector<16xf32>, vector<16xi32> -> vector<16xf32>
          %add3A_878 = arith.addf %add3A_870, %gather3A_877 : vector<16xf32>
          %iota3A_879 = tpu.iota {dimensions = array<i32: 0>} : vector<16xi32>
          %xor3A_880 = arith.constant 2 : i32
          %xor3A_881 = vector.broadcast %xor3A_880 : i32 to vector<16xi32>
          %xor3A_882 = arith.xori %iota3A_879, %xor3A_881 : vector<16xi32>
          %broadcast_in_dim3A_883 = vector.shape_cast %xor3A_882 : vector<16xi32> to vector<16x1xi32>
          %gather3A_884 = vector.shape_cast %broadcast_in_dim3A_883 : vector<16x1xi32> to vector<16xi32>
          %gather3A_885 = tpu.dynamic_gather %add3A_878[%gather3A_884] in [0] : vector<16xf32>, vector<16xi32> -> vector<16xf32>
          %add3A_886 = arith.addf %add3A_878, %gather3A_885 : vector<16xf32>
          %iota3A_887 = tpu.iota {dimensions = array<i32: 0>} : vector<16xi32>
          %xor3A_888 = arith.constant 4 : i32
          %xor3A_889 = vector.broadcast %xor3A_888 : i32 to vector<16xi32>
          %xor3A_890 = arith.xori %iota3A_887, %xor3A_889 : vector<16xi32>
          %broadcast_in_dim3A_891 = vector.shape_cast %xor3A_890 : vector<16xi32> to vector<16x1xi32>
          %gather3A_892 = vector.shape_cast %broadcast_in_dim3A_891 : vector<16x1xi32> to vector<16xi32>
          %gather3A_893 = tpu.dynamic_gather %add3A_886[%gather3A_892] in [0] : vector<16xf32>, vector<16xi32> -> vector<16xf32>
          %add3A_894 = arith.addf %add3A_886, %gather3A_893 : vector<16xf32>
          %iota3A_895 = tpu.iota {dimensions = array<i32: 0>} : vector<16xi32>
          %xor3A_896 = arith.constant 8 : i32
          %xor3A_897 = vector.broadcast %xor3A_896 : i32 to vector<16xi32>
          %xor3A_898 = arith.xori %iota3A_895, %xor3A_897 : vector<16xi32>
          %broadcast_in_dim3A_899 = vector.shape_cast %xor3A_898 : vector<16xi32> to vector<16x1xi32>
          %gather3A_900 = vector.shape_cast %broadcast_in_dim3A_899 : vector<16x1xi32> to vector<16xi32>
          %gather3A_901 = tpu.dynamic_gather %add3A_894[%gather3A_900] in [0] : vector<16xf32>, vector<16xi32> -> vector<16xf32>
          %add3A_902 = arith.addf %add3A_894, %gather3A_901 : vector<16xf32>
          %sub3A_903 = arith.subf %add3A_902, %while3A_621 : vector<16xf32>
          %abs3A_904 = math.absf %sub3A_903 : vector<16xf32>
          %neg3A_905 = arith.constant 0.000000e+00 : f32
          %neg3A_906 = vector.broadcast %neg3A_905 : f32 to vector<16xf32>
          %neg3A_907 = arith.subf %neg3A_906, %abs3A_904 : vector<16xf32>
          %exp3A_908 = math.exp %neg3A_907 : vector<16xf32>
          %gt3A_909 = arith.constant 0.000000e+00 : f32
          %gt3A_910 = vector.broadcast %gt3A_909 : f32 to vector<16xf32>
          %gt3A_911 = arith.cmpf ogt, %sub3A_903, %gt3A_910 : vector<16xf32>
          %select_n3A_912 = arith.select %gt3A_911, %exp3A_908, %broadcast_in_dim3A_82 : vector<16xi1>, vector<16xf32>
          %select_n3A_913 = arith.select %gt3A_911, %broadcast_in_dim3A_82, %exp3A_908 : vector<16xi1>, vector<16xf32>
          %mul3A_914 = arith.mulf %while3A_625, %select_n3A_912 : vector<16xf32>
          %add3A_915 = arith.addf %mul3A_914, %select_n3A_913 : vector<16xf32>
          %mul3A_916 = arith.mulf %while3A_632, %select_n3A_912 : vector<16xf32>
          %mul3A_917 = arith.mulf %select_n3A_913, %get3A_662 : vector<16xf32>
          %add3A_918 = arith.addf %mul3A_916, %mul3A_917 : vector<16xf32>
          %mul3A_919 = arith.mulf %while3A_633, %select_n3A_912 : vector<16xf32>
          %mul3A_920 = arith.mulf %select_n3A_913, %get3A_666 : vector<16xf32>
          %add3A_921 = arith.addf %mul3A_919, %mul3A_920 : vector<16xf32>
          %max3A_922 = arith.maximumf %while3A_621, %add3A_902 : vector<16xf32>
          scf.yield %max3A_763, %max3A_816, %max3A_869, %max3A_922, %add3A_756, %add3A_809, %add3A_862, %add3A_915, %add3A_759, %add3A_762, %add3A_812, %add3A_815, %add3A_865, %add3A_868, %add3A_918, %add3A_921 : vector<16xf32>, vector<16xf32>, vector<16xf32>, vector<16xf32>, vector<16xf32>, vector<16xf32>, vector<16xf32>, vector<16xf32>, vector<16xf32>, vector<16xf32>, vector<16xf32>, vector<16xf32>, vector<16xf32>, vector<16xf32>, vector<16xf32>, vector<16xf32>
        }
        %while3A_586 = arith.constant 1 : i32
        %while3A_587:16 = scf.for %while3A_617 = %while3A_583 to %while3A_579 step %while3A_586 iter_args(%while3A_618 = %while3A_585#0, %while3A_619 = %while3A_585#1, %while3A_620 = %while3A_585#2, %while3A_621 = %while3A_585#3, %while3A_622 = %while3A_585#4, %while3A_623 = %while3A_585#5, %while3A_624 = %while3A_585#6, %while3A_625 = %while3A_585#7, %while3A_626 = %while3A_585#8, %while3A_627 = %while3A_585#9, %while3A_628 = %while3A_585#10, %while3A_629 = %while3A_585#11, %while3A_630 = %while3A_585#12, %while3A_631 = %while3A_585#13, %while3A_632 = %while3A_585#14, %while3A_633 = %while3A_585#15) -> (vector<16xf32>, vector<16xf32>, vector<16xf32>, vector<16xf32>, vector<16xf32>, vector<16xf32>, vector<16xf32>, vector<16xf32>, vector<16xf32>, vector<16xf32>, vector<16xf32>, vector<16xf32>, vector<16xf32>, vector<16xf32>, vector<16xf32>, vector<16xf32>)  : i32 {
          %sub3A_634 = arith.subi %while3A_617, %add3A_132 : i32
          %get3A_635 = arith.index_cast %rem3A_134 : i32 to index
          %get3A_636 = arith.index_cast %sub3A_634 : i32 to index
          %get3A_637 = arith.constant 0 : index
          %get3A_638 = tpu.vector_load %arg13[%get3A_635, %get3A_636, %get3A_637] {strides = array<i32>} : memref<2x128x128xf32, #tpu.memory_space<vmem>>, vector<16xf32>,
          %get3A_639 = arith.index_cast %rem3A_134 : i32 to index
          %get3A_640 = arith.index_cast %sub3A_634 : i32 to index
          %get3A_641 = arith.constant 16 : index
          %get3A_642 = tpu.vector_load %arg13[%get3A_639, %get3A_640, %get3A_641] {strides = array<i32>} : memref<2x128x128xf32, #tpu.memory_space<vmem>>, vector<16xf32>,
          %get3A_643 = arith.index_cast %rem3A_134 : i32 to index
          %get3A_644 = arith.index_cast %sub3A_634 : i32 to index
          %get3A_645 = arith.constant 32 : index
          %get3A_646 = tpu.vector_load %arg13[%get3A_643, %get3A_644, %get3A_645] {strides = array<i32>} : memref<2x128x128xf32, #tpu.memory_space<vmem>>, vector<16xf32>,
          %get3A_647 = arith.index_cast %rem3A_134 : i32 to index
          %get3A_648 = arith.index_cast %sub3A_634 : i32 to index
          %get3A_649 = arith.constant 48 : index
          %get3A_650 = tpu.vector_load %arg13[%get3A_647, %get3A_648, %get3A_649] {strides = array<i32>} : memref<2x128x128xf32, #tpu.memory_space<vmem>>, vector<16xf32>,
          %get3A_651 = arith.index_cast %rem3A_134 : i32 to index
          %get3A_652 = arith.index_cast %sub3A_634 : i32 to index
          %get3A_653 = arith.constant 64 : index
          %get3A_654 = tpu.vector_load %arg13[%get3A_651, %get3A_652, %get3A_653] {strides = array<i32>} : memref<2x128x128xf32, #tpu.memory_space<vmem>>, vector<16xf32>,
          %get3A_655 = arith.index_cast %rem3A_134 : i32 to index
          %get3A_656 = arith.index_cast %sub3A_634 : i32 to index
          %get3A_657 = arith.constant 80 : index
          %get3A_658 = tpu.vector_load %arg13[%get3A_655, %get3A_656, %get3A_657] {strides = array<i32>} : memref<2x128x128xf32, #tpu.memory_space<vmem>>, vector<16xf32>,
          %get3A_659 = arith.index_cast %rem3A_134 : i32 to index
          %get3A_660 = arith.index_cast %sub3A_634 : i32 to index
          %get3A_661 = arith.constant 96 : index
          %get3A_662 = tpu.vector_load %arg13[%get3A_659, %get3A_660, %get3A_661] {strides = array<i32>} : memref<2x128x128xf32, #tpu.memory_space<vmem>>, vector<16xf32>,
          %get3A_663 = arith.index_cast %rem3A_134 : i32 to index
          %get3A_664 = arith.index_cast %sub3A_634 : i32 to index
          %get3A_665 = arith.constant 112 : index
          %get3A_666 = tpu.vector_load %arg13[%get3A_663, %get3A_664, %get3A_665] {strides = array<i32>} : memref<2x128x128xf32, #tpu.memory_space<vmem>>, vector<16xf32>,
          %add3A_667 = arith.addf %get3A_638, %get3A_549 : vector<16xf32>
          %mul3A_668 = arith.constant 2.000000e-01 : f32
          %mul3A_669 = vector.broadcast %mul3A_668 : f32 to vector<16xf32>
          %mul3A_670 = arith.mulf %mul3A_669, %add3A_667 : vector<16xf32>
          %max3A_671 = arith.maximumf %add3A_667, %mul3A_670 : vector<16xf32>
          %mul3A_672 = arith.mulf %max3A_671, %get3A_11 : vector<16xf32>
          %add3A_673 = arith.addf %get3A_642, %get3A_553 : vector<16xf32>
          %mul3A_674 = arith.constant 2.000000e-01 : f32
          %mul3A_675 = vector.broadcast %mul3A_674 : f32 to vector<16xf32>
          %mul3A_676 = arith.mulf %mul3A_675, %add3A_673 : vector<16xf32>
          %max3A_677 = arith.maximumf %add3A_673, %mul3A_676 : vector<16xf32>
          %mul3A_678 = arith.mulf %max3A_677, %get3A_13 : vector<16xf32>
          %add3A_679 = arith.addf %get3A_646, %get3A_557 : vector<16xf32>
          %mul3A_680 = arith.constant 2.000000e-01 : f32
          %mul3A_681 = vector.broadcast %mul3A_680 : f32 to vector<16xf32>
          %mul3A_682 = arith.mulf %mul3A_681, %add3A_679 : vector<16xf32>
          %max3A_683 = arith.maximumf %add3A_679, %mul3A_682 : vector<16xf32>
          %mul3A_684 = arith.mulf %max3A_683, %get3A_11 : vector<16xf32>
          %add3A_685 = arith.addf %get3A_650, %get3A_561 : vector<16xf32>
          %mul3A_686 = arith.constant 2.000000e-01 : f32
          %mul3A_687 = vector.broadcast %mul3A_686 : f32 to vector<16xf32>
          %mul3A_688 = arith.mulf %mul3A_687, %add3A_685 : vector<16xf32>
          %max3A_689 = arith.maximumf %add3A_685, %mul3A_688 : vector<16xf32>
          %mul3A_690 = arith.mulf %max3A_689, %get3A_13 : vector<16xf32>
          %add3A_691 = arith.addf %get3A_654, %get3A_565 : vector<16xf32>
          %mul3A_692 = arith.constant 2.000000e-01 : f32
          %mul3A_693 = vector.broadcast %mul3A_692 : f32 to vector<16xf32>
          %mul3A_694 = arith.mulf %mul3A_693, %add3A_691 : vector<16xf32>
          %max3A_695 = arith.maximumf %add3A_691, %mul3A_694 : vector<16xf32>
          %mul3A_696 = arith.mulf %max3A_695, %get3A_11 : vector<16xf32>
          %add3A_697 = arith.addf %get3A_658, %get3A_569 : vector<16xf32>
          %mul3A_698 = arith.constant 2.000000e-01 : f32
          %mul3A_699 = vector.broadcast %mul3A_698 : f32 to vector<16xf32>
          %mul3A_700 = arith.mulf %mul3A_699, %add3A_697 : vector<16xf32>
          %max3A_701 = arith.maximumf %add3A_697, %mul3A_700 : vector<16xf32>
          %mul3A_702 = arith.mulf %max3A_701, %get3A_13 : vector<16xf32>
          %add3A_703 = arith.addf %get3A_662, %get3A_573 : vector<16xf32>
          %mul3A_704 = arith.constant 2.000000e-01 : f32
          %mul3A_705 = vector.broadcast %mul3A_704 : f32 to vector<16xf32>
          %mul3A_706 = arith.mulf %mul3A_705, %add3A_703 : vector<16xf32>
          %max3A_707 = arith.maximumf %add3A_703, %mul3A_706 : vector<16xf32>
          %mul3A_708 = arith.mulf %max3A_707, %get3A_11 : vector<16xf32>
          %add3A_709 = arith.addf %get3A_666, %get3A_577 : vector<16xf32>
          %mul3A_710 = arith.constant 2.000000e-01 : f32
          %mul3A_711 = vector.broadcast %mul3A_710 : f32 to vector<16xf32>
          %mul3A_712 = arith.mulf %mul3A_711, %add3A_709 : vector<16xf32>
          %max3A_713 = arith.maximumf %add3A_709, %mul3A_712 : vector<16xf32>
          %mul3A_714 = arith.mulf %max3A_713, %get3A_13 : vector<16xf32>
          %add3A_715 = arith.addf %mul3A_672, %mul3A_678 : vector<16xf32>
          %iota3A_716 = tpu.iota {dimensions = array<i32: 0>} : vector<16xi32>
          %xor3A = arith.constant 1 : i32
          %xor3A_717 = vector.broadcast %xor3A : i32 to vector<16xi32>
          %xor3A_718 = arith.xori %iota3A_716, %xor3A_717 : vector<16xi32>
          %broadcast_in_dim3A_719 = vector.shape_cast %xor3A_718 : vector<16xi32> to vector<16x1xi32>
          %gather3A_720 = vector.shape_cast %broadcast_in_dim3A_719 : vector<16x1xi32> to vector<16xi32>
          %gather3A_721 = tpu.dynamic_gather %add3A_715[%gather3A_720] in [0] : vector<16xf32>, vector<16xi32> -> vector<16xf32>
          %add3A_722 = arith.addf %add3A_715, %gather3A_721 : vector<16xf32>
          %iota3A_723 = tpu.iota {dimensions = array<i32: 0>} : vector<16xi32>
          %xor3A_724 = arith.constant 2 : i32
          %xor3A_725 = vector.broadcast %xor3A_724 : i32 to vector<16xi32>
          %xor3A_726 = arith.xori %iota3A_723, %xor3A_725 : vector<16xi32>
          %broadcast_in_dim3A_727 = vector.shape_cast %xor3A_726 : vector<16xi32> to vector<16x1xi32>
          %gather3A_728 = vector.shape_cast %broadcast_in_dim3A_727 : vector<16x1xi32> to vector<16xi32>
          %gather3A_729 = tpu.dynamic_gather %add3A_722[%gather3A_728] in [0] : vector<16xf32>, vector<16xi32> -> vector<16xf32>
          %add3A_730 = arith.addf %add3A_722, %gather3A_729 : vector<16xf32>
          %iota3A_731 = tpu.iota {dimensions = array<i32: 0>} : vector<16xi32>
          %xor3A_732 = arith.constant 4 : i32
          %xor3A_733 = vector.broadcast %xor3A_732 : i32 to vector<16xi32>
          %xor3A_734 = arith.xori %iota3A_731, %xor3A_733 : vector<16xi32>
          %broadcast_in_dim3A_735 = vector.shape_cast %xor3A_734 : vector<16xi32> to vector<16x1xi32>
          %gather3A_736 = vector.shape_cast %broadcast_in_dim3A_735 : vector<16x1xi32> to vector<16xi32>
          %gather3A_737 = tpu.dynamic_gather %add3A_730[%gather3A_736] in [0] : vector<16xf32>, vector<16xi32> -> vector<16xf32>
          %add3A_738 = arith.addf %add3A_730, %gather3A_737 : vector<16xf32>
          %iota3A_739 = tpu.iota {dimensions = array<i32: 0>} : vector<16xi32>
          %xor3A_740 = arith.constant 8 : i32
          %xor3A_741 = vector.broadcast %xor3A_740 : i32 to vector<16xi32>
          %xor3A_742 = arith.xori %iota3A_739, %xor3A_741 : vector<16xi32>
          %broadcast_in_dim3A_743 = vector.shape_cast %xor3A_742 : vector<16xi32> to vector<16x1xi32>
          %gather3A_744 = vector.shape_cast %broadcast_in_dim3A_743 : vector<16x1xi32> to vector<16xi32>
          %gather3A_745 = tpu.dynamic_gather %add3A_738[%gather3A_744] in [0] : vector<16xf32>, vector<16xi32> -> vector<16xf32>
          %add3A_746 = arith.addf %add3A_738, %gather3A_745 : vector<16xf32>
          %sub3A_747 = arith.subf %add3A_746, %while3A_618 : vector<16xf32>
          %abs3A = math.absf %sub3A_747 : vector<16xf32>
          %neg3A = arith.constant 0.000000e+00 : f32
          %neg3A_748 = vector.broadcast %neg3A : f32 to vector<16xf32>
          %neg3A_749 = arith.subf %neg3A_748, %abs3A : vector<16xf32>
          %exp3A = math.exp %neg3A_749 : vector<16xf32>
          %gt3A_750 = arith.constant 0.000000e+00 : f32
          %gt3A_751 = vector.broadcast %gt3A_750 : f32 to vector<16xf32>
          %gt3A_752 = arith.cmpf ogt, %sub3A_747, %gt3A_751 : vector<16xf32>
          %select_n3A_753 = arith.select %gt3A_752, %exp3A, %broadcast_in_dim3A_82 : vector<16xi1>, vector<16xf32>
          %select_n3A_754 = arith.select %gt3A_752, %broadcast_in_dim3A_82, %exp3A : vector<16xi1>, vector<16xf32>
          %mul3A_755 = arith.mulf %while3A_622, %select_n3A_753 : vector<16xf32>
          %add3A_756 = arith.addf %mul3A_755, %select_n3A_754 : vector<16xf32>
          %mul3A_757 = arith.mulf %while3A_626, %select_n3A_753 : vector<16xf32>
          %mul3A_758 = arith.mulf %select_n3A_754, %get3A_638 : vector<16xf32>
          %add3A_759 = arith.addf %mul3A_757, %mul3A_758 : vector<16xf32>
          %mul3A_760 = arith.mulf %while3A_627, %select_n3A_753 : vector<16xf32>
          %mul3A_761 = arith.mulf %select_n3A_754, %get3A_642 : vector<16xf32>
          %add3A_762 = arith.addf %mul3A_760, %mul3A_761 : vector<16xf32>
          %max3A_763 = arith.maximumf %while3A_618, %add3A_746 : vector<16xf32>
          %add3A_764 = arith.addf %mul3A_684, %mul3A_690 : vector<16xf32>
          %iota3A_765 = tpu.iota {dimensions = array<i32: 0>} : vector<16xi32>
          %xor3A_766 = arith.constant 1 : i32
          %xor3A_767 = vector.broadcast %xor3A_766 : i32 to vector<16xi32>
          %xor3A_768 = arith.xori %iota3A_765, %xor3A_767 : vector<16xi32>
          %broadcast_in_dim3A_769 = vector.shape_cast %xor3A_768 : vector<16xi32> to vector<16x1xi32>
          %gather3A_770 = vector.shape_cast %broadcast_in_dim3A_769 : vector<16x1xi32> to vector<16xi32>
          %gather3A_771 = tpu.dynamic_gather %add3A_764[%gather3A_770] in [0] : vector<16xf32>, vector<16xi32> -> vector<16xf32>
          %add3A_772 = arith.addf %add3A_764, %gather3A_771 : vector<16xf32>
          %iota3A_773 = tpu.iota {dimensions = array<i32: 0>} : vector<16xi32>
          %xor3A_774 = arith.constant 2 : i32
          %xor3A_775 = vector.broadcast %xor3A_774 : i32 to vector<16xi32>
          %xor3A_776 = arith.xori %iota3A_773, %xor3A_775 : vector<16xi32>
          %broadcast_in_dim3A_777 = vector.shape_cast %xor3A_776 : vector<16xi32> to vector<16x1xi32>
          %gather3A_778 = vector.shape_cast %broadcast_in_dim3A_777 : vector<16x1xi32> to vector<16xi32>
          %gather3A_779 = tpu.dynamic_gather %add3A_772[%gather3A_778] in [0] : vector<16xf32>, vector<16xi32> -> vector<16xf32>
          %add3A_780 = arith.addf %add3A_772, %gather3A_779 : vector<16xf32>
          %iota3A_781 = tpu.iota {dimensions = array<i32: 0>} : vector<16xi32>
          %xor3A_782 = arith.constant 4 : i32
          %xor3A_783 = vector.broadcast %xor3A_782 : i32 to vector<16xi32>
          %xor3A_784 = arith.xori %iota3A_781, %xor3A_783 : vector<16xi32>
          %broadcast_in_dim3A_785 = vector.shape_cast %xor3A_784 : vector<16xi32> to vector<16x1xi32>
          %gather3A_786 = vector.shape_cast %broadcast_in_dim3A_785 : vector<16x1xi32> to vector<16xi32>
          %gather3A_787 = tpu.dynamic_gather %add3A_780[%gather3A_786] in [0] : vector<16xf32>, vector<16xi32> -> vector<16xf32>
          %add3A_788 = arith.addf %add3A_780, %gather3A_787 : vector<16xf32>
          %iota3A_789 = tpu.iota {dimensions = array<i32: 0>} : vector<16xi32>
          %xor3A_790 = arith.constant 8 : i32
          %xor3A_791 = vector.broadcast %xor3A_790 : i32 to vector<16xi32>
          %xor3A_792 = arith.xori %iota3A_789, %xor3A_791 : vector<16xi32>
          %broadcast_in_dim3A_793 = vector.shape_cast %xor3A_792 : vector<16xi32> to vector<16x1xi32>
          %gather3A_794 = vector.shape_cast %broadcast_in_dim3A_793 : vector<16x1xi32> to vector<16xi32>
          %gather3A_795 = tpu.dynamic_gather %add3A_788[%gather3A_794] in [0] : vector<16xf32>, vector<16xi32> -> vector<16xf32>
          %add3A_796 = arith.addf %add3A_788, %gather3A_795 : vector<16xf32>
          %sub3A_797 = arith.subf %add3A_796, %while3A_619 : vector<16xf32>
          %abs3A_798 = math.absf %sub3A_797 : vector<16xf32>
          %neg3A_799 = arith.constant 0.000000e+00 : f32
          %neg3A_800 = vector.broadcast %neg3A_799 : f32 to vector<16xf32>
          %neg3A_801 = arith.subf %neg3A_800, %abs3A_798 : vector<16xf32>
          %exp3A_802 = math.exp %neg3A_801 : vector<16xf32>
          %gt3A_803 = arith.constant 0.000000e+00 : f32
          %gt3A_804 = vector.broadcast %gt3A_803 : f32 to vector<16xf32>
          %gt3A_805 = arith.cmpf ogt, %sub3A_797, %gt3A_804 : vector<16xf32>
          %select_n3A_806 = arith.select %gt3A_805, %exp3A_802, %broadcast_in_dim3A_82 : vector<16xi1>, vector<16xf32>
          %select_n3A_807 = arith.select %gt3A_805, %broadcast_in_dim3A_82, %exp3A_802 : vector<16xi1>, vector<16xf32>
          %mul3A_808 = arith.mulf %while3A_623, %select_n3A_806 : vector<16xf32>
          %add3A_809 = arith.addf %mul3A_808, %select_n3A_807 : vector<16xf32>
          %mul3A_810 = arith.mulf %while3A_628, %select_n3A_806 : vector<16xf32>
          %mul3A_811 = arith.mulf %select_n3A_807, %get3A_646 : vector<16xf32>
          %add3A_812 = arith.addf %mul3A_810, %mul3A_811 : vector<16xf32>
          %mul3A_813 = arith.mulf %while3A_629, %select_n3A_806 : vector<16xf32>
          %mul3A_814 = arith.mulf %select_n3A_807, %get3A_650 : vector<16xf32>
          %add3A_815 = arith.addf %mul3A_813, %mul3A_814 : vector<16xf32>
          %max3A_816 = arith.maximumf %while3A_619, %add3A_796 : vector<16xf32>
          %add3A_817 = arith.addf %mul3A_696, %mul3A_702 : vector<16xf32>
          %iota3A_818 = tpu.iota {dimensions = array<i32: 0>} : vector<16xi32>
          %xor3A_819 = arith.constant 1 : i32
          %xor3A_820 = vector.broadcast %xor3A_819 : i32 to vector<16xi32>
          %xor3A_821 = arith.xori %iota3A_818, %xor3A_820 : vector<16xi32>
          %broadcast_in_dim3A_822 = vector.shape_cast %xor3A_821 : vector<16xi32> to vector<16x1xi32>
          %gather3A_823 = vector.shape_cast %broadcast_in_dim3A_822 : vector<16x1xi32> to vector<16xi32>
          %gather3A_824 = tpu.dynamic_gather %add3A_817[%gather3A_823] in [0] : vector<16xf32>, vector<16xi32> -> vector<16xf32>
          %add3A_825 = arith.addf %add3A_817, %gather3A_824 : vector<16xf32>
          %iota3A_826 = tpu.iota {dimensions = array<i32: 0>} : vector<16xi32>
          %xor3A_827 = arith.constant 2 : i32
          %xor3A_828 = vector.broadcast %xor3A_827 : i32 to vector<16xi32>
          %xor3A_829 = arith.xori %iota3A_826, %xor3A_828 : vector<16xi32>
          %broadcast_in_dim3A_830 = vector.shape_cast %xor3A_829 : vector<16xi32> to vector<16x1xi32>
          %gather3A_831 = vector.shape_cast %broadcast_in_dim3A_830 : vector<16x1xi32> to vector<16xi32>
          %gather3A_832 = tpu.dynamic_gather %add3A_825[%gather3A_831] in [0] : vector<16xf32>, vector<16xi32> -> vector<16xf32>
          %add3A_833 = arith.addf %add3A_825, %gather3A_832 : vector<16xf32>
          %iota3A_834 = tpu.iota {dimensions = array<i32: 0>} : vector<16xi32>
          %xor3A_835 = arith.constant 4 : i32
          %xor3A_836 = vector.broadcast %xor3A_835 : i32 to vector<16xi32>
          %xor3A_837 = arith.xori %iota3A_834, %xor3A_836 : vector<16xi32>
          %broadcast_in_dim3A_838 = vector.shape_cast %xor3A_837 : vector<16xi32> to vector<16x1xi32>
          %gather3A_839 = vector.shape_cast %broadcast_in_dim3A_838 : vector<16x1xi32> to vector<16xi32>
          %gather3A_840 = tpu.dynamic_gather %add3A_833[%gather3A_839] in [0] : vector<16xf32>, vector<16xi32> -> vector<16xf32>
          %add3A_841 = arith.addf %add3A_833, %gather3A_840 : vector<16xf32>
          %iota3A_842 = tpu.iota {dimensions = array<i32: 0>} : vector<16xi32>
          %xor3A_843 = arith.constant 8 : i32
          %xor3A_844 = vector.broadcast %xor3A_843 : i32 to vector<16xi32>
          %xor3A_845 = arith.xori %iota3A_842, %xor3A_844 : vector<16xi32>
          %broadcast_in_dim3A_846 = vector.shape_cast %xor3A_845 : vector<16xi32> to vector<16x1xi32>
          %gather3A_847 = vector.shape_cast %broadcast_in_dim3A_846 : vector<16x1xi32> to vector<16xi32>
          %gather3A_848 = tpu.dynamic_gather %add3A_841[%gather3A_847] in [0] : vector<16xf32>, vector<16xi32> -> vector<16xf32>
          %add3A_849 = arith.addf %add3A_841, %gather3A_848 : vector<16xf32>
          %sub3A_850 = arith.subf %add3A_849, %while3A_620 : vector<16xf32>
          %abs3A_851 = math.absf %sub3A_850 : vector<16xf32>
          %neg3A_852 = arith.constant 0.000000e+00 : f32
          %neg3A_853 = vector.broadcast %neg3A_852 : f32 to vector<16xf32>
          %neg3A_854 = arith.subf %neg3A_853, %abs3A_851 : vector<16xf32>
          %exp3A_855 = math.exp %neg3A_854 : vector<16xf32>
          %gt3A_856 = arith.constant 0.000000e+00 : f32
          %gt3A_857 = vector.broadcast %gt3A_856 : f32 to vector<16xf32>
          %gt3A_858 = arith.cmpf ogt, %sub3A_850, %gt3A_857 : vector<16xf32>
          %select_n3A_859 = arith.select %gt3A_858, %exp3A_855, %broadcast_in_dim3A_82 : vector<16xi1>, vector<16xf32>
          %select_n3A_860 = arith.select %gt3A_858, %broadcast_in_dim3A_82, %exp3A_855 : vector<16xi1>, vector<16xf32>
          %mul3A_861 = arith.mulf %while3A_624, %select_n3A_859 : vector<16xf32>
          %add3A_862 = arith.addf %mul3A_861, %select_n3A_860 : vector<16xf32>
          %mul3A_863 = arith.mulf %while3A_630, %select_n3A_859 : vector<16xf32>
          %mul3A_864 = arith.mulf %select_n3A_860, %get3A_654 : vector<16xf32>
          %add3A_865 = arith.addf %mul3A_863, %mul3A_864 : vector<16xf32>
          %mul3A_866 = arith.mulf %while3A_631, %select_n3A_859 : vector<16xf32>
          %mul3A_867 = arith.mulf %select_n3A_860, %get3A_658 : vector<16xf32>
          %add3A_868 = arith.addf %mul3A_866, %mul3A_867 : vector<16xf32>
          %max3A_869 = arith.maximumf %while3A_620, %add3A_849 : vector<16xf32>
          %add3A_870 = arith.addf %mul3A_708, %mul3A_714 : vector<16xf32>
          %iota3A_871 = tpu.iota {dimensions = array<i32: 0>} : vector<16xi32>
          %xor3A_872 = arith.constant 1 : i32
          %xor3A_873 = vector.broadcast %xor3A_872 : i32 to vector<16xi32>
          %xor3A_874 = arith.xori %iota3A_871, %xor3A_873 : vector<16xi32>
          %broadcast_in_dim3A_875 = vector.shape_cast %xor3A_874 : vector<16xi32> to vector<16x1xi32>
          %gather3A_876 = vector.shape_cast %broadcast_in_dim3A_875 : vector<16x1xi32> to vector<16xi32>
          %gather3A_877 = tpu.dynamic_gather %add3A_870[%gather3A_876] in [0] : vector<16xf32>, vector<16xi32> -> vector<16xf32>
          %add3A_878 = arith.addf %add3A_870, %gather3A_877 : vector<16xf32>
          %iota3A_879 = tpu.iota {dimensions = array<i32: 0>} : vector<16xi32>
          %xor3A_880 = arith.constant 2 : i32
          %xor3A_881 = vector.broadcast %xor3A_880 : i32 to vector<16xi32>
          %xor3A_882 = arith.xori %iota3A_879, %xor3A_881 : vector<16xi32>
          %broadcast_in_dim3A_883 = vector.shape_cast %xor3A_882 : vector<16xi32> to vector<16x1xi32>
          %gather3A_884 = vector.shape_cast %broadcast_in_dim3A_883 : vector<16x1xi32> to vector<16xi32>
          %gather3A_885 = tpu.dynamic_gather %add3A_878[%gather3A_884] in [0] : vector<16xf32>, vector<16xi32> -> vector<16xf32>
          %add3A_886 = arith.addf %add3A_878, %gather3A_885 : vector<16xf32>
          %iota3A_887 = tpu.iota {dimensions = array<i32: 0>} : vector<16xi32>
          %xor3A_888 = arith.constant 4 : i32
          %xor3A_889 = vector.broadcast %xor3A_888 : i32 to vector<16xi32>
          %xor3A_890 = arith.xori %iota3A_887, %xor3A_889 : vector<16xi32>
          %broadcast_in_dim3A_891 = vector.shape_cast %xor3A_890 : vector<16xi32> to vector<16x1xi32>
          %gather3A_892 = vector.shape_cast %broadcast_in_dim3A_891 : vector<16x1xi32> to vector<16xi32>
          %gather3A_893 = tpu.dynamic_gather %add3A_886[%gather3A_892] in [0] : vector<16xf32>, vector<16xi32> -> vector<16xf32>
          %add3A_894 = arith.addf %add3A_886, %gather3A_893 : vector<16xf32>
          %iota3A_895 = tpu.iota {dimensions = array<i32: 0>} : vector<16xi32>
          %xor3A_896 = arith.constant 8 : i32
          %xor3A_897 = vector.broadcast %xor3A_896 : i32 to vector<16xi32>
          %xor3A_898 = arith.xori %iota3A_895, %xor3A_897 : vector<16xi32>
          %broadcast_in_dim3A_899 = vector.shape_cast %xor3A_898 : vector<16xi32> to vector<16x1xi32>
          %gather3A_900 = vector.shape_cast %broadcast_in_dim3A_899 : vector<16x1xi32> to vector<16xi32>
          %gather3A_901 = tpu.dynamic_gather %add3A_894[%gather3A_900] in [0] : vector<16xf32>, vector<16xi32> -> vector<16xf32>
          %add3A_902 = arith.addf %add3A_894, %gather3A_901 : vector<16xf32>
          %sub3A_903 = arith.subf %add3A_902, %while3A_621 : vector<16xf32>
          %abs3A_904 = math.absf %sub3A_903 : vector<16xf32>
          %neg3A_905 = arith.constant 0.000000e+00 : f32
          %neg3A_906 = vector.broadcast %neg3A_905 : f32 to vector<16xf32>
          %neg3A_907 = arith.subf %neg3A_906, %abs3A_904 : vector<16xf32>
          %exp3A_908 = math.exp %neg3A_907 : vector<16xf32>
          %gt3A_909 = arith.constant 0.000000e+00 : f32
          %gt3A_910 = vector.broadcast %gt3A_909 : f32 to vector<16xf32>
          %gt3A_911 = arith.cmpf ogt, %sub3A_903, %gt3A_910 : vector<16xf32>
          %select_n3A_912 = arith.select %gt3A_911, %exp3A_908, %broadcast_in_dim3A_82 : vector<16xi1>, vector<16xf32>
          %select_n3A_913 = arith.select %gt3A_911, %broadcast_in_dim3A_82, %exp3A_908 : vector<16xi1>, vector<16xf32>
          %mul3A_914 = arith.mulf %while3A_625, %select_n3A_912 : vector<16xf32>
          %add3A_915 = arith.addf %mul3A_914, %select_n3A_913 : vector<16xf32>
          %mul3A_916 = arith.mulf %while3A_632, %select_n3A_912 : vector<16xf32>
          %mul3A_917 = arith.mulf %select_n3A_913, %get3A_662 : vector<16xf32>
          %add3A_918 = arith.addf %mul3A_916, %mul3A_917 : vector<16xf32>
          %mul3A_919 = arith.mulf %while3A_633, %select_n3A_912 : vector<16xf32>
          %mul3A_920 = arith.mulf %select_n3A_913, %get3A_666 : vector<16xf32>
          %add3A_921 = arith.addf %mul3A_919, %mul3A_920 : vector<16xf32>
          %max3A_922 = arith.maximumf %while3A_621, %add3A_902 : vector<16xf32>
          scf.yield %max3A_763, %max3A_816, %max3A_869, %max3A_922, %add3A_756, %add3A_809, %add3A_862, %add3A_915, %add3A_759, %add3A_762, %add3A_812, %add3A_815, %add3A_865, %add3A_868, %add3A_918, %add3A_921 : vector<16xf32>, vector<16xf32>, vector<16xf32>, vector<16xf32>, vector<16xf32>, vector<16xf32>, vector<16xf32>, vector<16xf32>, vector<16xf32>, vector<16xf32>, vector<16xf32>, vector<16xf32>, vector<16xf32>, vector<16xf32>, vector<16xf32>, vector<16xf32>
        }
        %lt3A_588 = arith.cmpi slt, %while3A_515, %squeeze3A_501 : i32
        %min3A_589 = arith.constant 127 : i32
        %min3A_590 = vector.broadcast %min3A_589 : i32 to vector<16xi32>
        %min3A_591 = arith.minsi %mul3A_537, %min3A_590 : vector<16xi32>
        %gather3A_592 = tpu.vector_load_idx %arg21[%min3A_591] : memref<160xi32, #tpu.memory_space<vmem>>[vector<16xi32>], vector<16xi32>,
        %slice3A_593 = vector.extract_strided_slice %gather3A_592 {offsets = [0], sizes = [1], strides = [1]} : vector<16xi32> to vector<1xi32>
        %squeeze3A_594 = vector.extract %slice3A_593[0] : i32 from vector<1xi32>
        %convert_element_type3A_595 = arith.extui %lt3A_588 : i1 to i32
        %cond3A_596 = arith.constant 0 : i32
        %cond3A_597 = arith.cmpi ne, %convert_element_type3A_595, %cond3A_596 : i32
        scf.if %cond3A_597 {
          %ge3A_617 = arith.cmpi sge, %while3A_516, %squeeze3A : i32
          %convert_element_type3A_618 = arith.extui %ge3A_617 : i1 to i32
          %cond3A_619 = arith.constant 0 : i32
          %cond3A_620 = arith.cmpi ne, %convert_element_type3A_618, %cond3A_619 : i32
          scf.if %cond3A_620 {
            %div3A_632 = arith.divf %while3A_587#8, %while3A_587#4 : vector<16xf32>
            %swap3A_633 = arith.constant 0 : index
            %swap3A_634 = tpu.vector_load %arg15[%swap3A_633] {strides = array<i32>} : memref<128xf32, #tpu.memory_space<vmem>>, vector<16xf32>,
            tpu.vector_store %arg15[%swap3A_633], %div3A_632 {strides = array<i32>} : memref<128xf32, #tpu.memory_space<vmem>>, vector<16xf32>,
            %div3A_635 = arith.divf %while3A_587#9, %while3A_587#4 : vector<16xf32>
            %swap3A_636 = arith.constant 16 : index
            %swap3A_637 = tpu.vector_load %arg15[%swap3A_636] {strides = array<i32>} : memref<128xf32, #tpu.memory_space<vmem>>, vector<16xf32>,
            tpu.vector_store %arg15[%swap3A_636], %div3A_635 {strides = array<i32>} : memref<128xf32, #tpu.memory_space<vmem>>, vector<16xf32>,
            %div3A_638 = arith.divf %while3A_587#10, %while3A_587#5 : vector<16xf32>
            %swap3A_639 = arith.constant 32 : index
            %swap3A_640 = tpu.vector_load %arg15[%swap3A_639] {strides = array<i32>} : memref<128xf32, #tpu.memory_space<vmem>>, vector<16xf32>,
            tpu.vector_store %arg15[%swap3A_639], %div3A_638 {strides = array<i32>} : memref<128xf32, #tpu.memory_space<vmem>>, vector<16xf32>,
            %div3A_641 = arith.divf %while3A_587#11, %while3A_587#5 : vector<16xf32>
            %swap3A_642 = arith.constant 48 : index
            %swap3A_643 = tpu.vector_load %arg15[%swap3A_642] {strides = array<i32>} : memref<128xf32, #tpu.memory_space<vmem>>, vector<16xf32>,
            tpu.vector_store %arg15[%swap3A_642], %div3A_641 {strides = array<i32>} : memref<128xf32, #tpu.memory_space<vmem>>, vector<16xf32>,
            %div3A_644 = arith.divf %while3A_587#12, %while3A_587#6 : vector<16xf32>
            %swap3A_645 = arith.constant 64 : index
            %swap3A_646 = tpu.vector_load %arg15[%swap3A_645] {strides = array<i32>} : memref<128xf32, #tpu.memory_space<vmem>>, vector<16xf32>,
            tpu.vector_store %arg15[%swap3A_645], %div3A_644 {strides = array<i32>} : memref<128xf32, #tpu.memory_space<vmem>>, vector<16xf32>,
            %div3A_647 = arith.divf %while3A_587#13, %while3A_587#6 : vector<16xf32>
            %swap3A_648 = arith.constant 80 : index
            %swap3A_649 = tpu.vector_load %arg15[%swap3A_648] {strides = array<i32>} : memref<128xf32, #tpu.memory_space<vmem>>, vector<16xf32>,
            tpu.vector_store %arg15[%swap3A_648], %div3A_647 {strides = array<i32>} : memref<128xf32, #tpu.memory_space<vmem>>, vector<16xf32>,
            %div3A_650 = arith.divf %while3A_587#14, %while3A_587#7 : vector<16xf32>
            %swap3A_651 = arith.constant 96 : index
            %swap3A_652 = tpu.vector_load %arg15[%swap3A_651] {strides = array<i32>} : memref<128xf32, #tpu.memory_space<vmem>>, vector<16xf32>,
            tpu.vector_store %arg15[%swap3A_651], %div3A_650 {strides = array<i32>} : memref<128xf32, #tpu.memory_space<vmem>>, vector<16xf32>,
            %div3A_653 = arith.divf %while3A_587#15, %while3A_587#7 : vector<16xf32>
            %swap3A_654 = arith.constant 112 : index
            %swap3A_655 = tpu.vector_load %arg15[%swap3A_654] {strides = array<i32>} : memref<128xf32, #tpu.memory_space<vmem>>, vector<16xf32>,
            tpu.vector_store %arg15[%swap3A_654], %div3A_653 {strides = array<i32>} : memref<128xf32, #tpu.memory_space<vmem>>, vector<16xf32>,
            "tpu.region"() ({
              %run_scoped3A = tpu.sem_alloc : memref<!tpu.dma_semaphore, #tpu.memory_space<semaphore_mem>>
              %dma_start3A = arith.constant 0 : i32
              %dma_start3A_656 = tpu.memref_slice %arg9[%while3A_516, %dma_start3A] : memref<10000x128xf32, #tpu.memory_space<hbm>> -> memref<1x128xf32, #tpu.memory_space<hbm>>
              %dma_start3A_657 = tpu.memref_squeeze %dma_start3A_656 : memref<1x128xf32, #tpu.memory_space<hbm>> -> memref<128xf32, #tpu.memory_space<hbm>>
              %dma_start3A_658 = arith.constant 0 : i32
              %dma_start3A_659 = tpu.memref_slice %arg9[%while3A_516, %dma_start3A_658] : memref<10000x128xf32, #tpu.memory_space<hbm>> -> memref<1x128xf32, #tpu.memory_space<hbm>>
              %dma_start3A_660 = tpu.memref_squeeze %dma_start3A_659 : memref<1x128xf32, #tpu.memory_space<hbm>> -> memref<128xf32, #tpu.memory_space<hbm>>
              tpu.enqueue_dma source(%arg15 : memref<128xf32, #tpu.memory_space<vmem>>) target(%dma_start3A_660 : memref<128xf32, #tpu.memory_space<hbm>>) target_semaphore(%run_scoped3A : memref<!tpu.dma_semaphore, #tpu.memory_space<semaphore_mem>>)
              %dma_wait3A_661 = arith.constant 0 : i32
              %dma_wait3A_662 = tpu.memref_slice %arg9[%while3A_516, %dma_wait3A_661] : memref<10000x128xf32, #tpu.memory_space<hbm>> -> memref<1x128xf32, #tpu.memory_space<hbm>>
              %dma_wait3A_663 = tpu.memref_squeeze %dma_wait3A_662 : memref<1x128xf32, #tpu.memory_space<hbm>> -> memref<128xf32, #tpu.memory_space<hbm>>
              %dma_wait3A_664 = arith.constant 0 : i32
              %dma_wait3A_665 = tpu.memref_slice %arg9[%while3A_516, %dma_wait3A_664] : memref<10000x128xf32, #tpu.memory_space<hbm>> -> memref<1x128xf32, #tpu.memory_space<hbm>>
              %dma_wait3A_666 = tpu.memref_squeeze %dma_wait3A_665 : memref<1x128xf32, #tpu.memory_space<hbm>> -> memref<128xf32, #tpu.memory_space<hbm>>
              tpu.wait_dma2 semaphore(%run_scoped3A : memref<!tpu.dma_semaphore, #tpu.memory_space<semaphore_mem>>) src(%arg15 : memref<128xf32, #tpu.memory_space<vmem>>) dst(%dma_wait3A_666 : memref<128xf32, #tpu.memory_space<hbm>>)
              tpu.yield
            }) : () -> ()
          } else {
          }
          %add3A_621 = arith.constant 1 : i32
          %add3A_622 = arith.addi %while3A_516, %add3A_621 : i32
          %while3A_623 = arith.constant 0 : i32
          %while3A_624 = arith.subi %squeeze3A_594, %add3A_622 : i32
          %while3A_625 = arith.addi %add3A_622, %while3A_624 : i32
          %while3A_626 = arith.constant 1 : i32
          %while3A_627 = arith.divsi %while3A_624, %while3A_626 : i32
          %while3A_628 = arith.muli %while3A_627, %while3A_626 : i32
          %while3A_629 = arith.addi %add3A_622, %while3A_628 : i32
          %while3A_630 = arith.constant 1 : i32
          scf.for %while3A_632 = %add3A_622 to %while3A_629 step %while3A_630  : i32 {
            "tpu.region"() ({
              %run_scoped3A = tpu.sem_alloc : memref<!tpu.dma_semaphore, #tpu.memory_space<semaphore_mem>>
              %dma_start3A = arith.constant 0 : i32
              %dma_start3A_633 = tpu.memref_slice %arg9[%while3A_632, %dma_start3A] : memref<10000x128xf32, #tpu.memory_space<hbm>> -> memref<1x128xf32, #tpu.memory_space<hbm>>
              %dma_start3A_634 = tpu.memref_squeeze %dma_start3A_633 : memref<1x128xf32, #tpu.memory_space<hbm>> -> memref<128xf32, #tpu.memory_space<hbm>>
              %dma_start3A_635 = arith.constant 0 : i32
              %dma_start3A_636 = tpu.memref_slice %arg9[%while3A_632, %dma_start3A_635] : memref<10000x128xf32, #tpu.memory_space<hbm>> -> memref<1x128xf32, #tpu.memory_space<hbm>>
              %dma_start3A_637 = tpu.memref_squeeze %dma_start3A_636 : memref<1x128xf32, #tpu.memory_space<hbm>> -> memref<128xf32, #tpu.memory_space<hbm>>
              tpu.enqueue_dma source(%arg16 : memref<128xf32, #tpu.memory_space<vmem>>) target(%dma_start3A_637 : memref<128xf32, #tpu.memory_space<hbm>>) target_semaphore(%run_scoped3A : memref<!tpu.dma_semaphore, #tpu.memory_space<semaphore_mem>>)
              %dma_wait3A_638 = arith.constant 0 : i32
              %dma_wait3A_639 = tpu.memref_slice %arg9[%while3A_632, %dma_wait3A_638] : memref<10000x128xf32, #tpu.memory_space<hbm>> -> memref<1x128xf32, #tpu.memory_space<hbm>>
              %dma_wait3A_640 = tpu.memref_squeeze %dma_wait3A_639 : memref<1x128xf32, #tpu.memory_space<hbm>> -> memref<128xf32, #tpu.memory_space<hbm>>
              %dma_wait3A_641 = arith.constant 0 : i32
              %dma_wait3A_642 = tpu.memref_slice %arg9[%while3A_632, %dma_wait3A_641] : memref<10000x128xf32, #tpu.memory_space<hbm>> -> memref<1x128xf32, #tpu.memory_space<hbm>>
              %dma_wait3A_643 = tpu.memref_squeeze %dma_wait3A_642 : memref<1x128xf32, #tpu.memory_space<hbm>> -> memref<128xf32, #tpu.memory_space<hbm>>
              tpu.wait_dma2 semaphore(%run_scoped3A : memref<!tpu.dma_semaphore, #tpu.memory_space<semaphore_mem>>) src(%arg16 : memref<128xf32, #tpu.memory_space<vmem>>) dst(%dma_wait3A_643 : memref<128xf32, #tpu.memory_space<hbm>>)
              tpu.yield
            }) : () -> ()
          }
          %while3A_631 = arith.constant 1 : i32
          scf.for %while3A_632 = %while3A_629 to %while3A_625 step %while3A_631  : i32 {
            "tpu.region"() ({
              %run_scoped3A = tpu.sem_alloc : memref<!tpu.dma_semaphore, #tpu.memory_space<semaphore_mem>>
              %dma_start3A = arith.constant 0 : i32
              %dma_start3A_633 = tpu.memref_slice %arg9[%while3A_632, %dma_start3A] : memref<10000x128xf32, #tpu.memory_space<hbm>> -> memref<1x128xf32, #tpu.memory_space<hbm>>
              %dma_start3A_634 = tpu.memref_squeeze %dma_start3A_633 : memref<1x128xf32, #tpu.memory_space<hbm>> -> memref<128xf32, #tpu.memory_space<hbm>>
              %dma_start3A_635 = arith.constant 0 : i32
              %dma_start3A_636 = tpu.memref_slice %arg9[%while3A_632, %dma_start3A_635] : memref<10000x128xf32, #tpu.memory_space<hbm>> -> memref<1x128xf32, #tpu.memory_space<hbm>>
              %dma_start3A_637 = tpu.memref_squeeze %dma_start3A_636 : memref<1x128xf32, #tpu.memory_space<hbm>> -> memref<128xf32, #tpu.memory_space<hbm>>
              tpu.enqueue_dma source(%arg16 : memref<128xf32, #tpu.memory_space<vmem>>) target(%dma_start3A_637 : memref<128xf32, #tpu.memory_space<hbm>>) target_semaphore(%run_scoped3A : memref<!tpu.dma_semaphore, #tpu.memory_space<semaphore_mem>>)
              %dma_wait3A_638 = arith.constant 0 : i32
              %dma_wait3A_639 = tpu.memref_slice %arg9[%while3A_632, %dma_wait3A_638] : memref<10000x128xf32, #tpu.memory_space<hbm>> -> memref<1x128xf32, #tpu.memory_space<hbm>>
              %dma_wait3A_640 = tpu.memref_squeeze %dma_wait3A_639 : memref<1x128xf32, #tpu.memory_space<hbm>> -> memref<128xf32, #tpu.memory_space<hbm>>
              %dma_wait3A_641 = arith.constant 0 : i32
              %dma_wait3A_642 = tpu.memref_slice %arg9[%while3A_632, %dma_wait3A_641] : memref<10000x128xf32, #tpu.memory_space<hbm>> -> memref<1x128xf32, #tpu.memory_space<hbm>>
              %dma_wait3A_643 = tpu.memref_squeeze %dma_wait3A_642 : memref<1x128xf32, #tpu.memory_space<hbm>> -> memref<128xf32, #tpu.memory_space<hbm>>
              tpu.wait_dma2 semaphore(%run_scoped3A : memref<!tpu.dma_semaphore, #tpu.memory_space<semaphore_mem>>) src(%arg16 : memref<128xf32, #tpu.memory_space<vmem>>) dst(%dma_wait3A_643 : memref<128xf32, #tpu.memory_space<hbm>>)
              tpu.yield
            }) : () -> ()
          }
        } else {
        }
        %select_n3A_598 = arith.select %lt3A_588, %squeeze3A_594, %while3A_516 : i32
        %select_n3A_599 = arith.select %lt3A_588, %broadcast_in_dim3A_78, %while3A_587#0 : vector<16xf32>
        %select_n3A_600 = arith.select %lt3A_588, %broadcast_in_dim3A_78, %while3A_587#1 : vector<16xf32>
        %select_n3A_601 = arith.select %lt3A_588, %broadcast_in_dim3A_78, %while3A_587#2 : vector<16xf32>
        %select_n3A_602 = arith.select %lt3A_588, %broadcast_in_dim3A_78, %while3A_587#3 : vector<16xf32>
        %broadcast_in_dim3A_603 = arith.constant 0.000000e+00 : f32
        %broadcast_in_dim3A_604 = vector.broadcast %broadcast_in_dim3A_603 : f32 to vector<16xf32>
        %select_n3A_605 = arith.select %lt3A_588, %broadcast_in_dim3A_604, %while3A_587#4 : vector<16xf32>
        %select_n3A_606 = arith.select %lt3A_588, %broadcast_in_dim3A_604, %while3A_587#5 : vector<16xf32>
        %select_n3A_607 = arith.select %lt3A_588, %broadcast_in_dim3A_604, %while3A_587#6 : vector<16xf32>
        %select_n3A_608 = arith.select %lt3A_588, %broadcast_in_dim3A_604, %while3A_587#7 : vector<16xf32>
        %select_n3A_609 = arith.select %lt3A_588, %broadcast_in_dim3A_604, %while3A_587#8 : vector<16xf32>
        %select_n3A_610 = arith.select %lt3A_588, %broadcast_in_dim3A_604, %while3A_587#9 : vector<16xf32>
        %select_n3A_611 = arith.select %lt3A_588, %broadcast_in_dim3A_604, %while3A_587#10 : vector<16xf32>
        %select_n3A_612 = arith.select %lt3A_588, %broadcast_in_dim3A_604, %while3A_587#11 : vector<16xf32>
        %select_n3A_613 = arith.select %lt3A_588, %broadcast_in_dim3A_604, %while3A_587#12 : vector<16xf32>
        %select_n3A_614 = arith.select %lt3A_588, %broadcast_in_dim3A_604, %while3A_587#13 : vector<16xf32>
        %select_n3A_615 = arith.select %lt3A_588, %broadcast_in_dim3A_604, %while3A_587#14 : vector<16xf32>
        %select_n3A_616 = arith.select %lt3A_588, %broadcast_in_dim3A_604, %while3A_587#15 : vector<16xf32>
        scf.yield %select_n3A_598, %squeeze3A_540, %select_n3A_599, %select_n3A_600, %select_n3A_601, %select_n3A_602, %select_n3A_605, %select_n3A_606, %select_n3A_607, %select_n3A_608, %select_n3A_609, %select_n3A_610, %select_n3A_611, %select_n3A_612, %select_n3A_613, %select_n3A_614, %select_n3A_615, %select_n3A_616 : i32, i32, vector<16xf32>, vector<16xf32>, vector<16xf32>, vector<16xf32>, vector<16xf32>, vector<16xf32>, vector<16xf32>, vector<16xf32>, vector<16xf32>, vector<16xf32>, vector<16xf32>, vector<16xf32>, vector<16xf32>, vector<16xf32>, vector<16xf32>, vector<16xf32>
      }
      %while3A_513 = arith.constant 1 : i32
      %while3A_514:18 = scf.for %while3A_515 = %while3A_510 to %while3A_506 step %while3A_513 iter_args(%while3A_516 = %while3A_512#0, %while3A_517 = %while3A_512#1, %while3A_518 = %while3A_512#2, %while3A_519 = %while3A_512#3, %while3A_520 = %while3A_512#4, %while3A_521 = %while3A_512#5, %while3A_522 = %while3A_512#6, %while3A_523 = %while3A_512#7, %while3A_524 = %while3A_512#8, %while3A_525 = %while3A_512#9, %while3A_526 = %while3A_512#10, %while3A_527 = %while3A_512#11, %while3A_528 = %while3A_512#12, %while3A_529 = %while3A_512#13, %while3A_530 = %while3A_512#14, %while3A_531 = %while3A_512#15, %while3A_532 = %while3A_512#16, %while3A_533 = %while3A_512#17) -> (i32, i32, vector<16xf32>, vector<16xf32>, vector<16xf32>, vector<16xf32>, vector<16xf32>, vector<16xf32>, vector<16xf32>, vector<16xf32>, vector<16xf32>, vector<16xf32>, vector<16xf32>, vector<16xf32>, vector<16xf32>, vector<16xf32>, vector<16xf32>, vector<16xf32>)  : i32 {
        %broadcast_in_dim3A_534 = arith.constant 1 : i32
        %broadcast_in_dim3A_535 = vector.broadcast %broadcast_in_dim3A_534 : i32 to vector<16xi32>
        %mul3A_536 = vector.broadcast %while3A_515 : i32 to vector<16xi32>
        %mul3A_537 = arith.muli %broadcast_in_dim3A_535, %mul3A_536 : vector<16xi32>
        %gather3A_538 = tpu.vector_load_idx %arg20[%mul3A_537] : memref<160xi32, #tpu.memory_space<vmem>>[vector<16xi32>], vector<16xi32>,
        %slice3A_539 = vector.extract_strided_slice %gather3A_538 {offsets = [0], sizes = [1], strides = [1]} : vector<16xi32> to vector<1xi32>
        %squeeze3A_540 = vector.extract %slice3A_539[0] : i32 from vector<1xi32>
        %sub3A_541 = arith.subi %while3A_517, %add3A_132 : i32
        %jit3A_542 = arith.constant 0 : i32
        %jit3A_543 = arith.constant 127 : i32
        %max3A_544 = arith.maxsi %jit3A_542, %sub3A_541 : i32
        %min3A_545 = arith.minsi %jit3A_543, %max3A_544 : i32
        %get3A_546 = arith.index_cast %rem3A_134 : i32 to index
        %get3A_547 = arith.index_cast %min3A_545 : i32 to index
        %get3A_548 = arith.constant 0 : index
        %get3A_549 = tpu.vector_load %arg14[%get3A_546, %get3A_547, %get3A_548] {strides = array<i32>} : memref<2x128x128xf32, #tpu.memory_space<vmem>>, vector<16xf32>,
        %get3A_550 = arith.index_cast %rem3A_134 : i32 to index
        %get3A_551 = arith.index_cast %min3A_545 : i32 to index
        %get3A_552 = arith.constant 16 : index
        %get3A_553 = tpu.vector_load %arg14[%get3A_550, %get3A_551, %get3A_552] {strides = array<i32>} : memref<2x128x128xf32, #tpu.memory_space<vmem>>, vector<16xf32>,
        %get3A_554 = arith.index_cast %rem3A_134 : i32 to index
        %get3A_555 = arith.index_cast %min3A_545 : i32 to index
        %get3A_556 = arith.constant 32 : index
        %get3A_557 = tpu.vector_load %arg14[%get3A_554, %get3A_555, %get3A_556] {strides = array<i32>} : memref<2x128x128xf32, #tpu.memory_space<vmem>>, vector<16xf32>,
        %get3A_558 = arith.index_cast %rem3A_134 : i32 to index
        %get3A_559 = arith.index_cast %min3A_545 : i32 to index
        %get3A_560 = arith.constant 48 : index
        %get3A_561 = tpu.vector_load %arg14[%get3A_558, %get3A_559, %get3A_560] {strides = array<i32>} : memref<2x128x128xf32, #tpu.memory_space<vmem>>, vector<16xf32>,
        %get3A_562 = arith.index_cast %rem3A_134 : i32 to index
        %get3A_563 = arith.index_cast %min3A_545 : i32 to index
        %get3A_564 = arith.constant 64 : index
        %get3A_565 = tpu.vector_load %arg14[%get3A_562, %get3A_563, %get3A_564] {strides = array<i32>} : memref<2x128x128xf32, #tpu.memory_space<vmem>>, vector<16xf32>,
        %get3A_566 = arith.index_cast %rem3A_134 : i32 to index
        %get3A_567 = arith.index_cast %min3A_545 : i32 to index
        %get3A_568 = arith.constant 80 : index
        %get3A_569 = tpu.vector_load %arg14[%get3A_566, %get3A_567, %get3A_568] {strides = array<i32>} : memref<2x128x128xf32, #tpu.memory_space<vmem>>, vector<16xf32>,
        %get3A_570 = arith.index_cast %rem3A_134 : i32 to index
        %get3A_571 = arith.index_cast %min3A_545 : i32 to index
        %get3A_572 = arith.constant 96 : index
        %get3A_573 = tpu.vector_load %arg14[%get3A_570, %get3A_571, %get3A_572] {strides = array<i32>} : memref<2x128x128xf32, #tpu.memory_space<vmem>>, vector<16xf32>,
        %get3A_574 = arith.index_cast %rem3A_134 : i32 to index
        %get3A_575 = arith.index_cast %min3A_545 : i32 to index
        %get3A_576 = arith.constant 112 : index
        %get3A_577 = tpu.vector_load %arg14[%get3A_574, %get3A_575, %get3A_576] {strides = array<i32>} : memref<2x128x128xf32, #tpu.memory_space<vmem>>, vector<16xf32>,
        %while3A_578 = arith.subi %squeeze3A_540, %while3A_517 : i32
        %while3A_579 = arith.addi %while3A_517, %while3A_578 : i32
        %while3A_580 = arith.constant 1 : i32
        %while3A_581 = arith.divsi %while3A_578, %while3A_580 : i32
        %while3A_582 = arith.muli %while3A_581, %while3A_580 : i32
        %while3A_583 = arith.addi %while3A_517, %while3A_582 : i32
        %while3A_584 = arith.constant 1 : i32
        %while3A_585:16 = scf.for %while3A_617 = %while3A_517 to %while3A_583 step %while3A_584 iter_args(%while3A_618 = %while3A_518, %while3A_619 = %while3A_519, %while3A_620 = %while3A_520, %while3A_621 = %while3A_521, %while3A_622 = %while3A_522, %while3A_623 = %while3A_523, %while3A_624 = %while3A_524, %while3A_625 = %while3A_525, %while3A_626 = %while3A_526, %while3A_627 = %while3A_527, %while3A_628 = %while3A_528, %while3A_629 = %while3A_529, %while3A_630 = %while3A_530, %while3A_631 = %while3A_531, %while3A_632 = %while3A_532, %while3A_633 = %while3A_533) -> (vector<16xf32>, vector<16xf32>, vector<16xf32>, vector<16xf32>, vector<16xf32>, vector<16xf32>, vector<16xf32>, vector<16xf32>, vector<16xf32>, vector<16xf32>, vector<16xf32>, vector<16xf32>, vector<16xf32>, vector<16xf32>, vector<16xf32>, vector<16xf32>)  : i32 {
          %sub3A_634 = arith.subi %while3A_617, %add3A_132 : i32
          %get3A_635 = arith.index_cast %rem3A_134 : i32 to index
          %get3A_636 = arith.index_cast %sub3A_634 : i32 to index
          %get3A_637 = arith.constant 0 : index
          %get3A_638 = tpu.vector_load %arg13[%get3A_635, %get3A_636, %get3A_637] {strides = array<i32>} : memref<2x128x128xf32, #tpu.memory_space<vmem>>, vector<16xf32>,
          %get3A_639 = arith.index_cast %rem3A_134 : i32 to index
          %get3A_640 = arith.index_cast %sub3A_634 : i32 to index
          %get3A_641 = arith.constant 16 : index
          %get3A_642 = tpu.vector_load %arg13[%get3A_639, %get3A_640, %get3A_641] {strides = array<i32>} : memref<2x128x128xf32, #tpu.memory_space<vmem>>, vector<16xf32>,
          %get3A_643 = arith.index_cast %rem3A_134 : i32 to index
          %get3A_644 = arith.index_cast %sub3A_634 : i32 to index
          %get3A_645 = arith.constant 32 : index
          %get3A_646 = tpu.vector_load %arg13[%get3A_643, %get3A_644, %get3A_645] {strides = array<i32>} : memref<2x128x128xf32, #tpu.memory_space<vmem>>, vector<16xf32>,
          %get3A_647 = arith.index_cast %rem3A_134 : i32 to index
          %get3A_648 = arith.index_cast %sub3A_634 : i32 to index
          %get3A_649 = arith.constant 48 : index
          %get3A_650 = tpu.vector_load %arg13[%get3A_647, %get3A_648, %get3A_649] {strides = array<i32>} : memref<2x128x128xf32, #tpu.memory_space<vmem>>, vector<16xf32>,
          %get3A_651 = arith.index_cast %rem3A_134 : i32 to index
          %get3A_652 = arith.index_cast %sub3A_634 : i32 to index
          %get3A_653 = arith.constant 64 : index
          %get3A_654 = tpu.vector_load %arg13[%get3A_651, %get3A_652, %get3A_653] {strides = array<i32>} : memref<2x128x128xf32, #tpu.memory_space<vmem>>, vector<16xf32>,
          %get3A_655 = arith.index_cast %rem3A_134 : i32 to index
          %get3A_656 = arith.index_cast %sub3A_634 : i32 to index
          %get3A_657 = arith.constant 80 : index
          %get3A_658 = tpu.vector_load %arg13[%get3A_655, %get3A_656, %get3A_657] {strides = array<i32>} : memref<2x128x128xf32, #tpu.memory_space<vmem>>, vector<16xf32>,
          %get3A_659 = arith.index_cast %rem3A_134 : i32 to index
          %get3A_660 = arith.index_cast %sub3A_634 : i32 to index
          %get3A_661 = arith.constant 96 : index
          %get3A_662 = tpu.vector_load %arg13[%get3A_659, %get3A_660, %get3A_661] {strides = array<i32>} : memref<2x128x128xf32, #tpu.memory_space<vmem>>, vector<16xf32>,
          %get3A_663 = arith.index_cast %rem3A_134 : i32 to index
          %get3A_664 = arith.index_cast %sub3A_634 : i32 to index
          %get3A_665 = arith.constant 112 : index
          %get3A_666 = tpu.vector_load %arg13[%get3A_663, %get3A_664, %get3A_665] {strides = array<i32>} : memref<2x128x128xf32, #tpu.memory_space<vmem>>, vector<16xf32>,
          %add3A_667 = arith.addf %get3A_638, %get3A_549 : vector<16xf32>
          %mul3A_668 = arith.constant 2.000000e-01 : f32
          %mul3A_669 = vector.broadcast %mul3A_668 : f32 to vector<16xf32>
          %mul3A_670 = arith.mulf %mul3A_669, %add3A_667 : vector<16xf32>
          %max3A_671 = arith.maximumf %add3A_667, %mul3A_670 : vector<16xf32>
          %mul3A_672 = arith.mulf %max3A_671, %get3A_11 : vector<16xf32>
          %add3A_673 = arith.addf %get3A_642, %get3A_553 : vector<16xf32>
          %mul3A_674 = arith.constant 2.000000e-01 : f32
          %mul3A_675 = vector.broadcast %mul3A_674 : f32 to vector<16xf32>
          %mul3A_676 = arith.mulf %mul3A_675, %add3A_673 : vector<16xf32>
          %max3A_677 = arith.maximumf %add3A_673, %mul3A_676 : vector<16xf32>
          %mul3A_678 = arith.mulf %max3A_677, %get3A_13 : vector<16xf32>
          %add3A_679 = arith.addf %get3A_646, %get3A_557 : vector<16xf32>
          %mul3A_680 = arith.constant 2.000000e-01 : f32
          %mul3A_681 = vector.broadcast %mul3A_680 : f32 to vector<16xf32>
          %mul3A_682 = arith.mulf %mul3A_681, %add3A_679 : vector<16xf32>
          %max3A_683 = arith.maximumf %add3A_679, %mul3A_682 : vector<16xf32>
          %mul3A_684 = arith.mulf %max3A_683, %get3A_11 : vector<16xf32>
          %add3A_685 = arith.addf %get3A_650, %get3A_561 : vector<16xf32>
          %mul3A_686 = arith.constant 2.000000e-01 : f32
          %mul3A_687 = vector.broadcast %mul3A_686 : f32 to vector<16xf32>
          %mul3A_688 = arith.mulf %mul3A_687, %add3A_685 : vector<16xf32>
          %max3A_689 = arith.maximumf %add3A_685, %mul3A_688 : vector<16xf32>
          %mul3A_690 = arith.mulf %max3A_689, %get3A_13 : vector<16xf32>
          %add3A_691 = arith.addf %get3A_654, %get3A_565 : vector<16xf32>
          %mul3A_692 = arith.constant 2.000000e-01 : f32
          %mul3A_693 = vector.broadcast %mul3A_692 : f32 to vector<16xf32>
          %mul3A_694 = arith.mulf %mul3A_693, %add3A_691 : vector<16xf32>
          %max3A_695 = arith.maximumf %add3A_691, %mul3A_694 : vector<16xf32>
          %mul3A_696 = arith.mulf %max3A_695, %get3A_11 : vector<16xf32>
          %add3A_697 = arith.addf %get3A_658, %get3A_569 : vector<16xf32>
          %mul3A_698 = arith.constant 2.000000e-01 : f32
          %mul3A_699 = vector.broadcast %mul3A_698 : f32 to vector<16xf32>
          %mul3A_700 = arith.mulf %mul3A_699, %add3A_697 : vector<16xf32>
          %max3A_701 = arith.maximumf %add3A_697, %mul3A_700 : vector<16xf32>
          %mul3A_702 = arith.mulf %max3A_701, %get3A_13 : vector<16xf32>
          %add3A_703 = arith.addf %get3A_662, %get3A_573 : vector<16xf32>
          %mul3A_704 = arith.constant 2.000000e-01 : f32
          %mul3A_705 = vector.broadcast %mul3A_704 : f32 to vector<16xf32>
          %mul3A_706 = arith.mulf %mul3A_705, %add3A_703 : vector<16xf32>
          %max3A_707 = arith.maximumf %add3A_703, %mul3A_706 : vector<16xf32>
          %mul3A_708 = arith.mulf %max3A_707, %get3A_11 : vector<16xf32>
          %add3A_709 = arith.addf %get3A_666, %get3A_577 : vector<16xf32>
          %mul3A_710 = arith.constant 2.000000e-01 : f32
          %mul3A_711 = vector.broadcast %mul3A_710 : f32 to vector<16xf32>
          %mul3A_712 = arith.mulf %mul3A_711, %add3A_709 : vector<16xf32>
          %max3A_713 = arith.maximumf %add3A_709, %mul3A_712 : vector<16xf32>
          %mul3A_714 = arith.mulf %max3A_713, %get3A_13 : vector<16xf32>
          %add3A_715 = arith.addf %mul3A_672, %mul3A_678 : vector<16xf32>
          %iota3A_716 = tpu.iota {dimensions = array<i32: 0>} : vector<16xi32>
          %xor3A = arith.constant 1 : i32
          %xor3A_717 = vector.broadcast %xor3A : i32 to vector<16xi32>
          %xor3A_718 = arith.xori %iota3A_716, %xor3A_717 : vector<16xi32>
          %broadcast_in_dim3A_719 = vector.shape_cast %xor3A_718 : vector<16xi32> to vector<16x1xi32>
          %gather3A_720 = vector.shape_cast %broadcast_in_dim3A_719 : vector<16x1xi32> to vector<16xi32>
          %gather3A_721 = tpu.dynamic_gather %add3A_715[%gather3A_720] in [0] : vector<16xf32>, vector<16xi32> -> vector<16xf32>
          %add3A_722 = arith.addf %add3A_715, %gather3A_721 : vector<16xf32>
          %iota3A_723 = tpu.iota {dimensions = array<i32: 0>} : vector<16xi32>
          %xor3A_724 = arith.constant 2 : i32
          %xor3A_725 = vector.broadcast %xor3A_724 : i32 to vector<16xi32>
          %xor3A_726 = arith.xori %iota3A_723, %xor3A_725 : vector<16xi32>
          %broadcast_in_dim3A_727 = vector.shape_cast %xor3A_726 : vector<16xi32> to vector<16x1xi32>
          %gather3A_728 = vector.shape_cast %broadcast_in_dim3A_727 : vector<16x1xi32> to vector<16xi32>
          %gather3A_729 = tpu.dynamic_gather %add3A_722[%gather3A_728] in [0] : vector<16xf32>, vector<16xi32> -> vector<16xf32>
          %add3A_730 = arith.addf %add3A_722, %gather3A_729 : vector<16xf32>
          %iota3A_731 = tpu.iota {dimensions = array<i32: 0>} : vector<16xi32>
          %xor3A_732 = arith.constant 4 : i32
          %xor3A_733 = vector.broadcast %xor3A_732 : i32 to vector<16xi32>
          %xor3A_734 = arith.xori %iota3A_731, %xor3A_733 : vector<16xi32>
          %broadcast_in_dim3A_735 = vector.shape_cast %xor3A_734 : vector<16xi32> to vector<16x1xi32>
          %gather3A_736 = vector.shape_cast %broadcast_in_dim3A_735 : vector<16x1xi32> to vector<16xi32>
          %gather3A_737 = tpu.dynamic_gather %add3A_730[%gather3A_736] in [0] : vector<16xf32>, vector<16xi32> -> vector<16xf32>
          %add3A_738 = arith.addf %add3A_730, %gather3A_737 : vector<16xf32>
          %iota3A_739 = tpu.iota {dimensions = array<i32: 0>} : vector<16xi32>
          %xor3A_740 = arith.constant 8 : i32
          %xor3A_741 = vector.broadcast %xor3A_740 : i32 to vector<16xi32>
          %xor3A_742 = arith.xori %iota3A_739, %xor3A_741 : vector<16xi32>
          %broadcast_in_dim3A_743 = vector.shape_cast %xor3A_742 : vector<16xi32> to vector<16x1xi32>
          %gather3A_744 = vector.shape_cast %broadcast_in_dim3A_743 : vector<16x1xi32> to vector<16xi32>
          %gather3A_745 = tpu.dynamic_gather %add3A_738[%gather3A_744] in [0] : vector<16xf32>, vector<16xi32> -> vector<16xf32>
          %add3A_746 = arith.addf %add3A_738, %gather3A_745 : vector<16xf32>
          %sub3A_747 = arith.subf %add3A_746, %while3A_618 : vector<16xf32>
          %abs3A = math.absf %sub3A_747 : vector<16xf32>
          %neg3A = arith.constant 0.000000e+00 : f32
          %neg3A_748 = vector.broadcast %neg3A : f32 to vector<16xf32>
          %neg3A_749 = arith.subf %neg3A_748, %abs3A : vector<16xf32>
          %exp3A = math.exp %neg3A_749 : vector<16xf32>
          %gt3A_750 = arith.constant 0.000000e+00 : f32
          %gt3A_751 = vector.broadcast %gt3A_750 : f32 to vector<16xf32>
          %gt3A_752 = arith.cmpf ogt, %sub3A_747, %gt3A_751 : vector<16xf32>
          %select_n3A_753 = arith.select %gt3A_752, %exp3A, %broadcast_in_dim3A_82 : vector<16xi1>, vector<16xf32>
          %select_n3A_754 = arith.select %gt3A_752, %broadcast_in_dim3A_82, %exp3A : vector<16xi1>, vector<16xf32>
          %mul3A_755 = arith.mulf %while3A_622, %select_n3A_753 : vector<16xf32>
          %add3A_756 = arith.addf %mul3A_755, %select_n3A_754 : vector<16xf32>
          %mul3A_757 = arith.mulf %while3A_626, %select_n3A_753 : vector<16xf32>
          %mul3A_758 = arith.mulf %select_n3A_754, %get3A_638 : vector<16xf32>
          %add3A_759 = arith.addf %mul3A_757, %mul3A_758 : vector<16xf32>
          %mul3A_760 = arith.mulf %while3A_627, %select_n3A_753 : vector<16xf32>
          %mul3A_761 = arith.mulf %select_n3A_754, %get3A_642 : vector<16xf32>
          %add3A_762 = arith.addf %mul3A_760, %mul3A_761 : vector<16xf32>
          %max3A_763 = arith.maximumf %while3A_618, %add3A_746 : vector<16xf32>
          %add3A_764 = arith.addf %mul3A_684, %mul3A_690 : vector<16xf32>
          %iota3A_765 = tpu.iota {dimensions = array<i32: 0>} : vector<16xi32>
          %xor3A_766 = arith.constant 1 : i32
          %xor3A_767 = vector.broadcast %xor3A_766 : i32 to vector<16xi32>
          %xor3A_768 = arith.xori %iota3A_765, %xor3A_767 : vector<16xi32>
          %broadcast_in_dim3A_769 = vector.shape_cast %xor3A_768 : vector<16xi32> to vector<16x1xi32>
          %gather3A_770 = vector.shape_cast %broadcast_in_dim3A_769 : vector<16x1xi32> to vector<16xi32>
          %gather3A_771 = tpu.dynamic_gather %add3A_764[%gather3A_770] in [0] : vector<16xf32>, vector<16xi32> -> vector<16xf32>
          %add3A_772 = arith.addf %add3A_764, %gather3A_771 : vector<16xf32>
          %iota3A_773 = tpu.iota {dimensions = array<i32: 0>} : vector<16xi32>
          %xor3A_774 = arith.constant 2 : i32
          %xor3A_775 = vector.broadcast %xor3A_774 : i32 to vector<16xi32>
          %xor3A_776 = arith.xori %iota3A_773, %xor3A_775 : vector<16xi32>
          %broadcast_in_dim3A_777 = vector.shape_cast %xor3A_776 : vector<16xi32> to vector<16x1xi32>
          %gather3A_778 = vector.shape_cast %broadcast_in_dim3A_777 : vector<16x1xi32> to vector<16xi32>
          %gather3A_779 = tpu.dynamic_gather %add3A_772[%gather3A_778] in [0] : vector<16xf32>, vector<16xi32> -> vector<16xf32>
          %add3A_780 = arith.addf %add3A_772, %gather3A_779 : vector<16xf32>
          %iota3A_781 = tpu.iota {dimensions = array<i32: 0>} : vector<16xi32>
          %xor3A_782 = arith.constant 4 : i32
          %xor3A_783 = vector.broadcast %xor3A_782 : i32 to vector<16xi32>
          %xor3A_784 = arith.xori %iota3A_781, %xor3A_783 : vector<16xi32>
          %broadcast_in_dim3A_785 = vector.shape_cast %xor3A_784 : vector<16xi32> to vector<16x1xi32>
          %gather3A_786 = vector.shape_cast %broadcast_in_dim3A_785 : vector<16x1xi32> to vector<16xi32>
          %gather3A_787 = tpu.dynamic_gather %add3A_780[%gather3A_786] in [0] : vector<16xf32>, vector<16xi32> -> vector<16xf32>
          %add3A_788 = arith.addf %add3A_780, %gather3A_787 : vector<16xf32>
          %iota3A_789 = tpu.iota {dimensions = array<i32: 0>} : vector<16xi32>
          %xor3A_790 = arith.constant 8 : i32
          %xor3A_791 = vector.broadcast %xor3A_790 : i32 to vector<16xi32>
          %xor3A_792 = arith.xori %iota3A_789, %xor3A_791 : vector<16xi32>
          %broadcast_in_dim3A_793 = vector.shape_cast %xor3A_792 : vector<16xi32> to vector<16x1xi32>
          %gather3A_794 = vector.shape_cast %broadcast_in_dim3A_793 : vector<16x1xi32> to vector<16xi32>
          %gather3A_795 = tpu.dynamic_gather %add3A_788[%gather3A_794] in [0] : vector<16xf32>, vector<16xi32> -> vector<16xf32>
          %add3A_796 = arith.addf %add3A_788, %gather3A_795 : vector<16xf32>
          %sub3A_797 = arith.subf %add3A_796, %while3A_619 : vector<16xf32>
          %abs3A_798 = math.absf %sub3A_797 : vector<16xf32>
          %neg3A_799 = arith.constant 0.000000e+00 : f32
          %neg3A_800 = vector.broadcast %neg3A_799 : f32 to vector<16xf32>
          %neg3A_801 = arith.subf %neg3A_800, %abs3A_798 : vector<16xf32>
          %exp3A_802 = math.exp %neg3A_801 : vector<16xf32>
          %gt3A_803 = arith.constant 0.000000e+00 : f32
          %gt3A_804 = vector.broadcast %gt3A_803 : f32 to vector<16xf32>
          %gt3A_805 = arith.cmpf ogt, %sub3A_797, %gt3A_804 : vector<16xf32>
          %select_n3A_806 = arith.select %gt3A_805, %exp3A_802, %broadcast_in_dim3A_82 : vector<16xi1>, vector<16xf32>
          %select_n3A_807 = arith.select %gt3A_805, %broadcast_in_dim3A_82, %exp3A_802 : vector<16xi1>, vector<16xf32>
          %mul3A_808 = arith.mulf %while3A_623, %select_n3A_806 : vector<16xf32>
          %add3A_809 = arith.addf %mul3A_808, %select_n3A_807 : vector<16xf32>
          %mul3A_810 = arith.mulf %while3A_628, %select_n3A_806 : vector<16xf32>
          %mul3A_811 = arith.mulf %select_n3A_807, %get3A_646 : vector<16xf32>
          %add3A_812 = arith.addf %mul3A_810, %mul3A_811 : vector<16xf32>
          %mul3A_813 = arith.mulf %while3A_629, %select_n3A_806 : vector<16xf32>
          %mul3A_814 = arith.mulf %select_n3A_807, %get3A_650 : vector<16xf32>
          %add3A_815 = arith.addf %mul3A_813, %mul3A_814 : vector<16xf32>
          %max3A_816 = arith.maximumf %while3A_619, %add3A_796 : vector<16xf32>
          %add3A_817 = arith.addf %mul3A_696, %mul3A_702 : vector<16xf32>
          %iota3A_818 = tpu.iota {dimensions = array<i32: 0>} : vector<16xi32>
          %xor3A_819 = arith.constant 1 : i32
          %xor3A_820 = vector.broadcast %xor3A_819 : i32 to vector<16xi32>
          %xor3A_821 = arith.xori %iota3A_818, %xor3A_820 : vector<16xi32>
          %broadcast_in_dim3A_822 = vector.shape_cast %xor3A_821 : vector<16xi32> to vector<16x1xi32>
          %gather3A_823 = vector.shape_cast %broadcast_in_dim3A_822 : vector<16x1xi32> to vector<16xi32>
          %gather3A_824 = tpu.dynamic_gather %add3A_817[%gather3A_823] in [0] : vector<16xf32>, vector<16xi32> -> vector<16xf32>
          %add3A_825 = arith.addf %add3A_817, %gather3A_824 : vector<16xf32>
          %iota3A_826 = tpu.iota {dimensions = array<i32: 0>} : vector<16xi32>
          %xor3A_827 = arith.constant 2 : i32
          %xor3A_828 = vector.broadcast %xor3A_827 : i32 to vector<16xi32>
          %xor3A_829 = arith.xori %iota3A_826, %xor3A_828 : vector<16xi32>
          %broadcast_in_dim3A_830 = vector.shape_cast %xor3A_829 : vector<16xi32> to vector<16x1xi32>
          %gather3A_831 = vector.shape_cast %broadcast_in_dim3A_830 : vector<16x1xi32> to vector<16xi32>
          %gather3A_832 = tpu.dynamic_gather %add3A_825[%gather3A_831] in [0] : vector<16xf32>, vector<16xi32> -> vector<16xf32>
          %add3A_833 = arith.addf %add3A_825, %gather3A_832 : vector<16xf32>
          %iota3A_834 = tpu.iota {dimensions = array<i32: 0>} : vector<16xi32>
          %xor3A_835 = arith.constant 4 : i32
          %xor3A_836 = vector.broadcast %xor3A_835 : i32 to vector<16xi32>
          %xor3A_837 = arith.xori %iota3A_834, %xor3A_836 : vector<16xi32>
          %broadcast_in_dim3A_838 = vector.shape_cast %xor3A_837 : vector<16xi32> to vector<16x1xi32>
          %gather3A_839 = vector.shape_cast %broadcast_in_dim3A_838 : vector<16x1xi32> to vector<16xi32>
          %gather3A_840 = tpu.dynamic_gather %add3A_833[%gather3A_839] in [0] : vector<16xf32>, vector<16xi32> -> vector<16xf32>
          %add3A_841 = arith.addf %add3A_833, %gather3A_840 : vector<16xf32>
          %iota3A_842 = tpu.iota {dimensions = array<i32: 0>} : vector<16xi32>
          %xor3A_843 = arith.constant 8 : i32
          %xor3A_844 = vector.broadcast %xor3A_843 : i32 to vector<16xi32>
          %xor3A_845 = arith.xori %iota3A_842, %xor3A_844 : vector<16xi32>
          %broadcast_in_dim3A_846 = vector.shape_cast %xor3A_845 : vector<16xi32> to vector<16x1xi32>
          %gather3A_847 = vector.shape_cast %broadcast_in_dim3A_846 : vector<16x1xi32> to vector<16xi32>
          %gather3A_848 = tpu.dynamic_gather %add3A_841[%gather3A_847] in [0] : vector<16xf32>, vector<16xi32> -> vector<16xf32>
          %add3A_849 = arith.addf %add3A_841, %gather3A_848 : vector<16xf32>
          %sub3A_850 = arith.subf %add3A_849, %while3A_620 : vector<16xf32>
          %abs3A_851 = math.absf %sub3A_850 : vector<16xf32>
          %neg3A_852 = arith.constant 0.000000e+00 : f32
          %neg3A_853 = vector.broadcast %neg3A_852 : f32 to vector<16xf32>
          %neg3A_854 = arith.subf %neg3A_853, %abs3A_851 : vector<16xf32>
          %exp3A_855 = math.exp %neg3A_854 : vector<16xf32>
          %gt3A_856 = arith.constant 0.000000e+00 : f32
          %gt3A_857 = vector.broadcast %gt3A_856 : f32 to vector<16xf32>
          %gt3A_858 = arith.cmpf ogt, %sub3A_850, %gt3A_857 : vector<16xf32>
          %select_n3A_859 = arith.select %gt3A_858, %exp3A_855, %broadcast_in_dim3A_82 : vector<16xi1>, vector<16xf32>
          %select_n3A_860 = arith.select %gt3A_858, %broadcast_in_dim3A_82, %exp3A_855 : vector<16xi1>, vector<16xf32>
          %mul3A_861 = arith.mulf %while3A_624, %select_n3A_859 : vector<16xf32>
          %add3A_862 = arith.addf %mul3A_861, %select_n3A_860 : vector<16xf32>
          %mul3A_863 = arith.mulf %while3A_630, %select_n3A_859 : vector<16xf32>
          %mul3A_864 = arith.mulf %select_n3A_860, %get3A_654 : vector<16xf32>
          %add3A_865 = arith.addf %mul3A_863, %mul3A_864 : vector<16xf32>
          %mul3A_866 = arith.mulf %while3A_631, %select_n3A_859 : vector<16xf32>
          %mul3A_867 = arith.mulf %select_n3A_860, %get3A_658 : vector<16xf32>
          %add3A_868 = arith.addf %mul3A_866, %mul3A_867 : vector<16xf32>
          %max3A_869 = arith.maximumf %while3A_620, %add3A_849 : vector<16xf32>
          %add3A_870 = arith.addf %mul3A_708, %mul3A_714 : vector<16xf32>
          %iota3A_871 = tpu.iota {dimensions = array<i32: 0>} : vector<16xi32>
          %xor3A_872 = arith.constant 1 : i32
          %xor3A_873 = vector.broadcast %xor3A_872 : i32 to vector<16xi32>
          %xor3A_874 = arith.xori %iota3A_871, %xor3A_873 : vector<16xi32>
          %broadcast_in_dim3A_875 = vector.shape_cast %xor3A_874 : vector<16xi32> to vector<16x1xi32>
          %gather3A_876 = vector.shape_cast %broadcast_in_dim3A_875 : vector<16x1xi32> to vector<16xi32>
          %gather3A_877 = tpu.dynamic_gather %add3A_870[%gather3A_876] in [0] : vector<16xf32>, vector<16xi32> -> vector<16xf32>
          %add3A_878 = arith.addf %add3A_870, %gather3A_877 : vector<16xf32>
          %iota3A_879 = tpu.iota {dimensions = array<i32: 0>} : vector<16xi32>
          %xor3A_880 = arith.constant 2 : i32
          %xor3A_881 = vector.broadcast %xor3A_880 : i32 to vector<16xi32>
          %xor3A_882 = arith.xori %iota3A_879, %xor3A_881 : vector<16xi32>
          %broadcast_in_dim3A_883 = vector.shape_cast %xor3A_882 : vector<16xi32> to vector<16x1xi32>
          %gather3A_884 = vector.shape_cast %broadcast_in_dim3A_883 : vector<16x1xi32> to vector<16xi32>
          %gather3A_885 = tpu.dynamic_gather %add3A_878[%gather3A_884] in [0] : vector<16xf32>, vector<16xi32> -> vector<16xf32>
          %add3A_886 = arith.addf %add3A_878, %gather3A_885 : vector<16xf32>
          %iota3A_887 = tpu.iota {dimensions = array<i32: 0>} : vector<16xi32>
          %xor3A_888 = arith.constant 4 : i32
          %xor3A_889 = vector.broadcast %xor3A_888 : i32 to vector<16xi32>
          %xor3A_890 = arith.xori %iota3A_887, %xor3A_889 : vector<16xi32>
          %broadcast_in_dim3A_891 = vector.shape_cast %xor3A_890 : vector<16xi32> to vector<16x1xi32>
          %gather3A_892 = vector.shape_cast %broadcast_in_dim3A_891 : vector<16x1xi32> to vector<16xi32>
          %gather3A_893 = tpu.dynamic_gather %add3A_886[%gather3A_892] in [0] : vector<16xf32>, vector<16xi32> -> vector<16xf32>
          %add3A_894 = arith.addf %add3A_886, %gather3A_893 : vector<16xf32>
          %iota3A_895 = tpu.iota {dimensions = array<i32: 0>} : vector<16xi32>
          %xor3A_896 = arith.constant 8 : i32
          %xor3A_897 = vector.broadcast %xor3A_896 : i32 to vector<16xi32>
          %xor3A_898 = arith.xori %iota3A_895, %xor3A_897 : vector<16xi32>
          %broadcast_in_dim3A_899 = vector.shape_cast %xor3A_898 : vector<16xi32> to vector<16x1xi32>
          %gather3A_900 = vector.shape_cast %broadcast_in_dim3A_899 : vector<16x1xi32> to vector<16xi32>
          %gather3A_901 = tpu.dynamic_gather %add3A_894[%gather3A_900] in [0] : vector<16xf32>, vector<16xi32> -> vector<16xf32>
          %add3A_902 = arith.addf %add3A_894, %gather3A_901 : vector<16xf32>
          %sub3A_903 = arith.subf %add3A_902, %while3A_621 : vector<16xf32>
          %abs3A_904 = math.absf %sub3A_903 : vector<16xf32>
          %neg3A_905 = arith.constant 0.000000e+00 : f32
          %neg3A_906 = vector.broadcast %neg3A_905 : f32 to vector<16xf32>
          %neg3A_907 = arith.subf %neg3A_906, %abs3A_904 : vector<16xf32>
          %exp3A_908 = math.exp %neg3A_907 : vector<16xf32>
          %gt3A_909 = arith.constant 0.000000e+00 : f32
          %gt3A_910 = vector.broadcast %gt3A_909 : f32 to vector<16xf32>
          %gt3A_911 = arith.cmpf ogt, %sub3A_903, %gt3A_910 : vector<16xf32>
          %select_n3A_912 = arith.select %gt3A_911, %exp3A_908, %broadcast_in_dim3A_82 : vector<16xi1>, vector<16xf32>
          %select_n3A_913 = arith.select %gt3A_911, %broadcast_in_dim3A_82, %exp3A_908 : vector<16xi1>, vector<16xf32>
          %mul3A_914 = arith.mulf %while3A_625, %select_n3A_912 : vector<16xf32>
          %add3A_915 = arith.addf %mul3A_914, %select_n3A_913 : vector<16xf32>
          %mul3A_916 = arith.mulf %while3A_632, %select_n3A_912 : vector<16xf32>
          %mul3A_917 = arith.mulf %select_n3A_913, %get3A_662 : vector<16xf32>
          %add3A_918 = arith.addf %mul3A_916, %mul3A_917 : vector<16xf32>
          %mul3A_919 = arith.mulf %while3A_633, %select_n3A_912 : vector<16xf32>
          %mul3A_920 = arith.mulf %select_n3A_913, %get3A_666 : vector<16xf32>
          %add3A_921 = arith.addf %mul3A_919, %mul3A_920 : vector<16xf32>
          %max3A_922 = arith.maximumf %while3A_621, %add3A_902 : vector<16xf32>
          scf.yield %max3A_763, %max3A_816, %max3A_869, %max3A_922, %add3A_756, %add3A_809, %add3A_862, %add3A_915, %add3A_759, %add3A_762, %add3A_812, %add3A_815, %add3A_865, %add3A_868, %add3A_918, %add3A_921 : vector<16xf32>, vector<16xf32>, vector<16xf32>, vector<16xf32>, vector<16xf32>, vector<16xf32>, vector<16xf32>, vector<16xf32>, vector<16xf32>, vector<16xf32>, vector<16xf32>, vector<16xf32>, vector<16xf32>, vector<16xf32>, vector<16xf32>, vector<16xf32>
        }
        %while3A_586 = arith.constant 1 : i32
        %while3A_587:16 = scf.for %while3A_617 = %while3A_583 to %while3A_579 step %while3A_586 iter_args(%while3A_618 = %while3A_585#0, %while3A_619 = %while3A_585#1, %while3A_620 = %while3A_585#2, %while3A_621 = %while3A_585#3, %while3A_622 = %while3A_585#4, %while3A_623 = %while3A_585#5, %while3A_624 = %while3A_585#6, %while3A_625 = %while3A_585#7, %while3A_626 = %while3A_585#8, %while3A_627 = %while3A_585#9, %while3A_628 = %while3A_585#10, %while3A_629 = %while3A_585#11, %while3A_630 = %while3A_585#12, %while3A_631 = %while3A_585#13, %while3A_632 = %while3A_585#14, %while3A_633 = %while3A_585#15) -> (vector<16xf32>, vector<16xf32>, vector<16xf32>, vector<16xf32>, vector<16xf32>, vector<16xf32>, vector<16xf32>, vector<16xf32>, vector<16xf32>, vector<16xf32>, vector<16xf32>, vector<16xf32>, vector<16xf32>, vector<16xf32>, vector<16xf32>, vector<16xf32>)  : i32 {
          %sub3A_634 = arith.subi %while3A_617, %add3A_132 : i32
          %get3A_635 = arith.index_cast %rem3A_134 : i32 to index
          %get3A_636 = arith.index_cast %sub3A_634 : i32 to index
          %get3A_637 = arith.constant 0 : index
          %get3A_638 = tpu.vector_load %arg13[%get3A_635, %get3A_636, %get3A_637] {strides = array<i32>} : memref<2x128x128xf32, #tpu.memory_space<vmem>>, vector<16xf32>,
          %get3A_639 = arith.index_cast %rem3A_134 : i32 to index
          %get3A_640 = arith.index_cast %sub3A_634 : i32 to index
          %get3A_641 = arith.constant 16 : index
          %get3A_642 = tpu.vector_load %arg13[%get3A_639, %get3A_640, %get3A_641] {strides = array<i32>} : memref<2x128x128xf32, #tpu.memory_space<vmem>>, vector<16xf32>,
          %get3A_643 = arith.index_cast %rem3A_134 : i32 to index
          %get3A_644 = arith.index_cast %sub3A_634 : i32 to index
          %get3A_645 = arith.constant 32 : index
          %get3A_646 = tpu.vector_load %arg13[%get3A_643, %get3A_644, %get3A_645] {strides = array<i32>} : memref<2x128x128xf32, #tpu.memory_space<vmem>>, vector<16xf32>,
          %get3A_647 = arith.index_cast %rem3A_134 : i32 to index
          %get3A_648 = arith.index_cast %sub3A_634 : i32 to index
          %get3A_649 = arith.constant 48 : index
          %get3A_650 = tpu.vector_load %arg13[%get3A_647, %get3A_648, %get3A_649] {strides = array<i32>} : memref<2x128x128xf32, #tpu.memory_space<vmem>>, vector<16xf32>,
          %get3A_651 = arith.index_cast %rem3A_134 : i32 to index
          %get3A_652 = arith.index_cast %sub3A_634 : i32 to index
          %get3A_653 = arith.constant 64 : index
          %get3A_654 = tpu.vector_load %arg13[%get3A_651, %get3A_652, %get3A_653] {strides = array<i32>} : memref<2x128x128xf32, #tpu.memory_space<vmem>>, vector<16xf32>,
          %get3A_655 = arith.index_cast %rem3A_134 : i32 to index
          %get3A_656 = arith.index_cast %sub3A_634 : i32 to index
          %get3A_657 = arith.constant 80 : index
          %get3A_658 = tpu.vector_load %arg13[%get3A_655, %get3A_656, %get3A_657] {strides = array<i32>} : memref<2x128x128xf32, #tpu.memory_space<vmem>>, vector<16xf32>,
          %get3A_659 = arith.index_cast %rem3A_134 : i32 to index
          %get3A_660 = arith.index_cast %sub3A_634 : i32 to index
          %get3A_661 = arith.constant 96 : index
          %get3A_662 = tpu.vector_load %arg13[%get3A_659, %get3A_660, %get3A_661] {strides = array<i32>} : memref<2x128x128xf32, #tpu.memory_space<vmem>>, vector<16xf32>,
          %get3A_663 = arith.index_cast %rem3A_134 : i32 to index
          %get3A_664 = arith.index_cast %sub3A_634 : i32 to index
          %get3A_665 = arith.constant 112 : index
          %get3A_666 = tpu.vector_load %arg13[%get3A_663, %get3A_664, %get3A_665] {strides = array<i32>} : memref<2x128x128xf32, #tpu.memory_space<vmem>>, vector<16xf32>,
          %add3A_667 = arith.addf %get3A_638, %get3A_549 : vector<16xf32>
          %mul3A_668 = arith.constant 2.000000e-01 : f32
          %mul3A_669 = vector.broadcast %mul3A_668 : f32 to vector<16xf32>
          %mul3A_670 = arith.mulf %mul3A_669, %add3A_667 : vector<16xf32>
          %max3A_671 = arith.maximumf %add3A_667, %mul3A_670 : vector<16xf32>
          %mul3A_672 = arith.mulf %max3A_671, %get3A_11 : vector<16xf32>
          %add3A_673 = arith.addf %get3A_642, %get3A_553 : vector<16xf32>
          %mul3A_674 = arith.constant 2.000000e-01 : f32
          %mul3A_675 = vector.broadcast %mul3A_674 : f32 to vector<16xf32>
          %mul3A_676 = arith.mulf %mul3A_675, %add3A_673 : vector<16xf32>
          %max3A_677 = arith.maximumf %add3A_673, %mul3A_676 : vector<16xf32>
          %mul3A_678 = arith.mulf %max3A_677, %get3A_13 : vector<16xf32>
          %add3A_679 = arith.addf %get3A_646, %get3A_557 : vector<16xf32>
          %mul3A_680 = arith.constant 2.000000e-01 : f32
          %mul3A_681 = vector.broadcast %mul3A_680 : f32 to vector<16xf32>
          %mul3A_682 = arith.mulf %mul3A_681, %add3A_679 : vector<16xf32>
          %max3A_683 = arith.maximumf %add3A_679, %mul3A_682 : vector<16xf32>
          %mul3A_684 = arith.mulf %max3A_683, %get3A_11 : vector<16xf32>
          %add3A_685 = arith.addf %get3A_650, %get3A_561 : vector<16xf32>
          %mul3A_686 = arith.constant 2.000000e-01 : f32
          %mul3A_687 = vector.broadcast %mul3A_686 : f32 to vector<16xf32>
          %mul3A_688 = arith.mulf %mul3A_687, %add3A_685 : vector<16xf32>
          %max3A_689 = arith.maximumf %add3A_685, %mul3A_688 : vector<16xf32>
          %mul3A_690 = arith.mulf %max3A_689, %get3A_13 : vector<16xf32>
          %add3A_691 = arith.addf %get3A_654, %get3A_565 : vector<16xf32>
          %mul3A_692 = arith.constant 2.000000e-01 : f32
          %mul3A_693 = vector.broadcast %mul3A_692 : f32 to vector<16xf32>
          %mul3A_694 = arith.mulf %mul3A_693, %add3A_691 : vector<16xf32>
          %max3A_695 = arith.maximumf %add3A_691, %mul3A_694 : vector<16xf32>
          %mul3A_696 = arith.mulf %max3A_695, %get3A_11 : vector<16xf32>
          %add3A_697 = arith.addf %get3A_658, %get3A_569 : vector<16xf32>
          %mul3A_698 = arith.constant 2.000000e-01 : f32
          %mul3A_699 = vector.broadcast %mul3A_698 : f32 to vector<16xf32>
          %mul3A_700 = arith.mulf %mul3A_699, %add3A_697 : vector<16xf32>
          %max3A_701 = arith.maximumf %add3A_697, %mul3A_700 : vector<16xf32>
          %mul3A_702 = arith.mulf %max3A_701, %get3A_13 : vector<16xf32>
          %add3A_703 = arith.addf %get3A_662, %get3A_573 : vector<16xf32>
          %mul3A_704 = arith.constant 2.000000e-01 : f32
          %mul3A_705 = vector.broadcast %mul3A_704 : f32 to vector<16xf32>
          %mul3A_706 = arith.mulf %mul3A_705, %add3A_703 : vector<16xf32>
          %max3A_707 = arith.maximumf %add3A_703, %mul3A_706 : vector<16xf32>
          %mul3A_708 = arith.mulf %max3A_707, %get3A_11 : vector<16xf32>
          %add3A_709 = arith.addf %get3A_666, %get3A_577 : vector<16xf32>
          %mul3A_710 = arith.constant 2.000000e-01 : f32
          %mul3A_711 = vector.broadcast %mul3A_710 : f32 to vector<16xf32>
          %mul3A_712 = arith.mulf %mul3A_711, %add3A_709 : vector<16xf32>
          %max3A_713 = arith.maximumf %add3A_709, %mul3A_712 : vector<16xf32>
          %mul3A_714 = arith.mulf %max3A_713, %get3A_13 : vector<16xf32>
          %add3A_715 = arith.addf %mul3A_672, %mul3A_678 : vector<16xf32>
          %iota3A_716 = tpu.iota {dimensions = array<i32: 0>} : vector<16xi32>
          %xor3A = arith.constant 1 : i32
          %xor3A_717 = vector.broadcast %xor3A : i32 to vector<16xi32>
          %xor3A_718 = arith.xori %iota3A_716, %xor3A_717 : vector<16xi32>
          %broadcast_in_dim3A_719 = vector.shape_cast %xor3A_718 : vector<16xi32> to vector<16x1xi32>
          %gather3A_720 = vector.shape_cast %broadcast_in_dim3A_719 : vector<16x1xi32> to vector<16xi32>
          %gather3A_721 = tpu.dynamic_gather %add3A_715[%gather3A_720] in [0] : vector<16xf32>, vector<16xi32> -> vector<16xf32>
          %add3A_722 = arith.addf %add3A_715, %gather3A_721 : vector<16xf32>
          %iota3A_723 = tpu.iota {dimensions = array<i32: 0>} : vector<16xi32>
          %xor3A_724 = arith.constant 2 : i32
          %xor3A_725 = vector.broadcast %xor3A_724 : i32 to vector<16xi32>
          %xor3A_726 = arith.xori %iota3A_723, %xor3A_725 : vector<16xi32>
          %broadcast_in_dim3A_727 = vector.shape_cast %xor3A_726 : vector<16xi32> to vector<16x1xi32>
          %gather3A_728 = vector.shape_cast %broadcast_in_dim3A_727 : vector<16x1xi32> to vector<16xi32>
          %gather3A_729 = tpu.dynamic_gather %add3A_722[%gather3A_728] in [0] : vector<16xf32>, vector<16xi32> -> vector<16xf32>
          %add3A_730 = arith.addf %add3A_722, %gather3A_729 : vector<16xf32>
          %iota3A_731 = tpu.iota {dimensions = array<i32: 0>} : vector<16xi32>
          %xor3A_732 = arith.constant 4 : i32
          %xor3A_733 = vector.broadcast %xor3A_732 : i32 to vector<16xi32>
          %xor3A_734 = arith.xori %iota3A_731, %xor3A_733 : vector<16xi32>
          %broadcast_in_dim3A_735 = vector.shape_cast %xor3A_734 : vector<16xi32> to vector<16x1xi32>
          %gather3A_736 = vector.shape_cast %broadcast_in_dim3A_735 : vector<16x1xi32> to vector<16xi32>
          %gather3A_737 = tpu.dynamic_gather %add3A_730[%gather3A_736] in [0] : vector<16xf32>, vector<16xi32> -> vector<16xf32>
          %add3A_738 = arith.addf %add3A_730, %gather3A_737 : vector<16xf32>
          %iota3A_739 = tpu.iota {dimensions = array<i32: 0>} : vector<16xi32>
          %xor3A_740 = arith.constant 8 : i32
          %xor3A_741 = vector.broadcast %xor3A_740 : i32 to vector<16xi32>
          %xor3A_742 = arith.xori %iota3A_739, %xor3A_741 : vector<16xi32>
          %broadcast_in_dim3A_743 = vector.shape_cast %xor3A_742 : vector<16xi32> to vector<16x1xi32>
          %gather3A_744 = vector.shape_cast %broadcast_in_dim3A_743 : vector<16x1xi32> to vector<16xi32>
          %gather3A_745 = tpu.dynamic_gather %add3A_738[%gather3A_744] in [0] : vector<16xf32>, vector<16xi32> -> vector<16xf32>
          %add3A_746 = arith.addf %add3A_738, %gather3A_745 : vector<16xf32>
          %sub3A_747 = arith.subf %add3A_746, %while3A_618 : vector<16xf32>
          %abs3A = math.absf %sub3A_747 : vector<16xf32>
          %neg3A = arith.constant 0.000000e+00 : f32
          %neg3A_748 = vector.broadcast %neg3A : f32 to vector<16xf32>
          %neg3A_749 = arith.subf %neg3A_748, %abs3A : vector<16xf32>
          %exp3A = math.exp %neg3A_749 : vector<16xf32>
          %gt3A_750 = arith.constant 0.000000e+00 : f32
          %gt3A_751 = vector.broadcast %gt3A_750 : f32 to vector<16xf32>
          %gt3A_752 = arith.cmpf ogt, %sub3A_747, %gt3A_751 : vector<16xf32>
          %select_n3A_753 = arith.select %gt3A_752, %exp3A, %broadcast_in_dim3A_82 : vector<16xi1>, vector<16xf32>
          %select_n3A_754 = arith.select %gt3A_752, %broadcast_in_dim3A_82, %exp3A : vector<16xi1>, vector<16xf32>
          %mul3A_755 = arith.mulf %while3A_622, %select_n3A_753 : vector<16xf32>
          %add3A_756 = arith.addf %mul3A_755, %select_n3A_754 : vector<16xf32>
          %mul3A_757 = arith.mulf %while3A_626, %select_n3A_753 : vector<16xf32>
          %mul3A_758 = arith.mulf %select_n3A_754, %get3A_638 : vector<16xf32>
          %add3A_759 = arith.addf %mul3A_757, %mul3A_758 : vector<16xf32>
          %mul3A_760 = arith.mulf %while3A_627, %select_n3A_753 : vector<16xf32>
          %mul3A_761 = arith.mulf %select_n3A_754, %get3A_642 : vector<16xf32>
          %add3A_762 = arith.addf %mul3A_760, %mul3A_761 : vector<16xf32>
          %max3A_763 = arith.maximumf %while3A_618, %add3A_746 : vector<16xf32>
          %add3A_764 = arith.addf %mul3A_684, %mul3A_690 : vector<16xf32>
          %iota3A_765 = tpu.iota {dimensions = array<i32: 0>} : vector<16xi32>
          %xor3A_766 = arith.constant 1 : i32
          %xor3A_767 = vector.broadcast %xor3A_766 : i32 to vector<16xi32>
          %xor3A_768 = arith.xori %iota3A_765, %xor3A_767 : vector<16xi32>
          %broadcast_in_dim3A_769 = vector.shape_cast %xor3A_768 : vector<16xi32> to vector<16x1xi32>
          %gather3A_770 = vector.shape_cast %broadcast_in_dim3A_769 : vector<16x1xi32> to vector<16xi32>
          %gather3A_771 = tpu.dynamic_gather %add3A_764[%gather3A_770] in [0] : vector<16xf32>, vector<16xi32> -> vector<16xf32>
          %add3A_772 = arith.addf %add3A_764, %gather3A_771 : vector<16xf32>
          %iota3A_773 = tpu.iota {dimensions = array<i32: 0>} : vector<16xi32>
          %xor3A_774 = arith.constant 2 : i32
          %xor3A_775 = vector.broadcast %xor3A_774 : i32 to vector<16xi32>
          %xor3A_776 = arith.xori %iota3A_773, %xor3A_775 : vector<16xi32>
          %broadcast_in_dim3A_777 = vector.shape_cast %xor3A_776 : vector<16xi32> to vector<16x1xi32>
          %gather3A_778 = vector.shape_cast %broadcast_in_dim3A_777 : vector<16x1xi32> to vector<16xi32>
          %gather3A_779 = tpu.dynamic_gather %add3A_772[%gather3A_778] in [0] : vector<16xf32>, vector<16xi32> -> vector<16xf32>
          %add3A_780 = arith.addf %add3A_772, %gather3A_779 : vector<16xf32>
          %iota3A_781 = tpu.iota {dimensions = array<i32: 0>} : vector<16xi32>
          %xor3A_782 = arith.constant 4 : i32
          %xor3A_783 = vector.broadcast %xor3A_782 : i32 to vector<16xi32>
          %xor3A_784 = arith.xori %iota3A_781, %xor3A_783 : vector<16xi32>
          %broadcast_in_dim3A_785 = vector.shape_cast %xor3A_784 : vector<16xi32> to vector<16x1xi32>
          %gather3A_786 = vector.shape_cast %broadcast_in_dim3A_785 : vector<16x1xi32> to vector<16xi32>
          %gather3A_787 = tpu.dynamic_gather %add3A_780[%gather3A_786] in [0] : vector<16xf32>, vector<16xi32> -> vector<16xf32>
          %add3A_788 = arith.addf %add3A_780, %gather3A_787 : vector<16xf32>
          %iota3A_789 = tpu.iota {dimensions = array<i32: 0>} : vector<16xi32>
          %xor3A_790 = arith.constant 8 : i32
          %xor3A_791 = vector.broadcast %xor3A_790 : i32 to vector<16xi32>
          %xor3A_792 = arith.xori %iota3A_789, %xor3A_791 : vector<16xi32>
          %broadcast_in_dim3A_793 = vector.shape_cast %xor3A_792 : vector<16xi32> to vector<16x1xi32>
          %gather3A_794 = vector.shape_cast %broadcast_in_dim3A_793 : vector<16x1xi32> to vector<16xi32>
          %gather3A_795 = tpu.dynamic_gather %add3A_788[%gather3A_794] in [0] : vector<16xf32>, vector<16xi32> -> vector<16xf32>
          %add3A_796 = arith.addf %add3A_788, %gather3A_795 : vector<16xf32>
          %sub3A_797 = arith.subf %add3A_796, %while3A_619 : vector<16xf32>
          %abs3A_798 = math.absf %sub3A_797 : vector<16xf32>
          %neg3A_799 = arith.constant 0.000000e+00 : f32
          %neg3A_800 = vector.broadcast %neg3A_799 : f32 to vector<16xf32>
          %neg3A_801 = arith.subf %neg3A_800, %abs3A_798 : vector<16xf32>
          %exp3A_802 = math.exp %neg3A_801 : vector<16xf32>
          %gt3A_803 = arith.constant 0.000000e+00 : f32
          %gt3A_804 = vector.broadcast %gt3A_803 : f32 to vector<16xf32>
          %gt3A_805 = arith.cmpf ogt, %sub3A_797, %gt3A_804 : vector<16xf32>
          %select_n3A_806 = arith.select %gt3A_805, %exp3A_802, %broadcast_in_dim3A_82 : vector<16xi1>, vector<16xf32>
          %select_n3A_807 = arith.select %gt3A_805, %broadcast_in_dim3A_82, %exp3A_802 : vector<16xi1>, vector<16xf32>
          %mul3A_808 = arith.mulf %while3A_623, %select_n3A_806 : vector<16xf32>
          %add3A_809 = arith.addf %mul3A_808, %select_n3A_807 : vector<16xf32>
          %mul3A_810 = arith.mulf %while3A_628, %select_n3A_806 : vector<16xf32>
          %mul3A_811 = arith.mulf %select_n3A_807, %get3A_646 : vector<16xf32>
          %add3A_812 = arith.addf %mul3A_810, %mul3A_811 : vector<16xf32>
          %mul3A_813 = arith.mulf %while3A_629, %select_n3A_806 : vector<16xf32>
          %mul3A_814 = arith.mulf %select_n3A_807, %get3A_650 : vector<16xf32>
          %add3A_815 = arith.addf %mul3A_813, %mul3A_814 : vector<16xf32>
          %max3A_816 = arith.maximumf %while3A_619, %add3A_796 : vector<16xf32>
          %add3A_817 = arith.addf %mul3A_696, %mul3A_702 : vector<16xf32>
          %iota3A_818 = tpu.iota {dimensions = array<i32: 0>} : vector<16xi32>
          %xor3A_819 = arith.constant 1 : i32
          %xor3A_820 = vector.broadcast %xor3A_819 : i32 to vector<16xi32>
          %xor3A_821 = arith.xori %iota3A_818, %xor3A_820 : vector<16xi32>
          %broadcast_in_dim3A_822 = vector.shape_cast %xor3A_821 : vector<16xi32> to vector<16x1xi32>
          %gather3A_823 = vector.shape_cast %broadcast_in_dim3A_822 : vector<16x1xi32> to vector<16xi32>
          %gather3A_824 = tpu.dynamic_gather %add3A_817[%gather3A_823] in [0] : vector<16xf32>, vector<16xi32> -> vector<16xf32>
          %add3A_825 = arith.addf %add3A_817, %gather3A_824 : vector<16xf32>
          %iota3A_826 = tpu.iota {dimensions = array<i32: 0>} : vector<16xi32>
          %xor3A_827 = arith.constant 2 : i32
          %xor3A_828 = vector.broadcast %xor3A_827 : i32 to vector<16xi32>
          %xor3A_829 = arith.xori %iota3A_826, %xor3A_828 : vector<16xi32>
          %broadcast_in_dim3A_830 = vector.shape_cast %xor3A_829 : vector<16xi32> to vector<16x1xi32>
          %gather3A_831 = vector.shape_cast %broadcast_in_dim3A_830 : vector<16x1xi32> to vector<16xi32>
          %gather3A_832 = tpu.dynamic_gather %add3A_825[%gather3A_831] in [0] : vector<16xf32>, vector<16xi32> -> vector<16xf32>
          %add3A_833 = arith.addf %add3A_825, %gather3A_832 : vector<16xf32>
          %iota3A_834 = tpu.iota {dimensions = array<i32: 0>} : vector<16xi32>
          %xor3A_835 = arith.constant 4 : i32
          %xor3A_836 = vector.broadcast %xor3A_835 : i32 to vector<16xi32>
          %xor3A_837 = arith.xori %iota3A_834, %xor3A_836 : vector<16xi32>
          %broadcast_in_dim3A_838 = vector.shape_cast %xor3A_837 : vector<16xi32> to vector<16x1xi32>
          %gather3A_839 = vector.shape_cast %broadcast_in_dim3A_838 : vector<16x1xi32> to vector<16xi32>
          %gather3A_840 = tpu.dynamic_gather %add3A_833[%gather3A_839] in [0] : vector<16xf32>, vector<16xi32> -> vector<16xf32>
          %add3A_841 = arith.addf %add3A_833, %gather3A_840 : vector<16xf32>
          %iota3A_842 = tpu.iota {dimensions = array<i32: 0>} : vector<16xi32>
          %xor3A_843 = arith.constant 8 : i32
          %xor3A_844 = vector.broadcast %xor3A_843 : i32 to vector<16xi32>
          %xor3A_845 = arith.xori %iota3A_842, %xor3A_844 : vector<16xi32>
          %broadcast_in_dim3A_846 = vector.shape_cast %xor3A_845 : vector<16xi32> to vector<16x1xi32>
          %gather3A_847 = vector.shape_cast %broadcast_in_dim3A_846 : vector<16x1xi32> to vector<16xi32>
          %gather3A_848 = tpu.dynamic_gather %add3A_841[%gather3A_847] in [0] : vector<16xf32>, vector<16xi32> -> vector<16xf32>
          %add3A_849 = arith.addf %add3A_841, %gather3A_848 : vector<16xf32>
          %sub3A_850 = arith.subf %add3A_849, %while3A_620 : vector<16xf32>
          %abs3A_851 = math.absf %sub3A_850 : vector<16xf32>
          %neg3A_852 = arith.constant 0.000000e+00 : f32
          %neg3A_853 = vector.broadcast %neg3A_852 : f32 to vector<16xf32>
          %neg3A_854 = arith.subf %neg3A_853, %abs3A_851 : vector<16xf32>
          %exp3A_855 = math.exp %neg3A_854 : vector<16xf32>
          %gt3A_856 = arith.constant 0.000000e+00 : f32
          %gt3A_857 = vector.broadcast %gt3A_856 : f32 to vector<16xf32>
          %gt3A_858 = arith.cmpf ogt, %sub3A_850, %gt3A_857 : vector<16xf32>
          %select_n3A_859 = arith.select %gt3A_858, %exp3A_855, %broadcast_in_dim3A_82 : vector<16xi1>, vector<16xf32>
          %select_n3A_860 = arith.select %gt3A_858, %broadcast_in_dim3A_82, %exp3A_855 : vector<16xi1>, vector<16xf32>
          %mul3A_861 = arith.mulf %while3A_624, %select_n3A_859 : vector<16xf32>
          %add3A_862 = arith.addf %mul3A_861, %select_n3A_860 : vector<16xf32>
          %mul3A_863 = arith.mulf %while3A_630, %select_n3A_859 : vector<16xf32>
          %mul3A_864 = arith.mulf %select_n3A_860, %get3A_654 : vector<16xf32>
          %add3A_865 = arith.addf %mul3A_863, %mul3A_864 : vector<16xf32>
          %mul3A_866 = arith.mulf %while3A_631, %select_n3A_859 : vector<16xf32>
          %mul3A_867 = arith.mulf %select_n3A_860, %get3A_658 : vector<16xf32>
          %add3A_868 = arith.addf %mul3A_866, %mul3A_867 : vector<16xf32>
          %max3A_869 = arith.maximumf %while3A_620, %add3A_849 : vector<16xf32>
          %add3A_870 = arith.addf %mul3A_708, %mul3A_714 : vector<16xf32>
          %iota3A_871 = tpu.iota {dimensions = array<i32: 0>} : vector<16xi32>
          %xor3A_872 = arith.constant 1 : i32
          %xor3A_873 = vector.broadcast %xor3A_872 : i32 to vector<16xi32>
          %xor3A_874 = arith.xori %iota3A_871, %xor3A_873 : vector<16xi32>
          %broadcast_in_dim3A_875 = vector.shape_cast %xor3A_874 : vector<16xi32> to vector<16x1xi32>
          %gather3A_876 = vector.shape_cast %broadcast_in_dim3A_875 : vector<16x1xi32> to vector<16xi32>
          %gather3A_877 = tpu.dynamic_gather %add3A_870[%gather3A_876] in [0] : vector<16xf32>, vector<16xi32> -> vector<16xf32>
          %add3A_878 = arith.addf %add3A_870, %gather3A_877 : vector<16xf32>
          %iota3A_879 = tpu.iota {dimensions = array<i32: 0>} : vector<16xi32>
          %xor3A_880 = arith.constant 2 : i32
          %xor3A_881 = vector.broadcast %xor3A_880 : i32 to vector<16xi32>
          %xor3A_882 = arith.xori %iota3A_879, %xor3A_881 : vector<16xi32>
          %broadcast_in_dim3A_883 = vector.shape_cast %xor3A_882 : vector<16xi32> to vector<16x1xi32>
          %gather3A_884 = vector.shape_cast %broadcast_in_dim3A_883 : vector<16x1xi32> to vector<16xi32>
          %gather3A_885 = tpu.dynamic_gather %add3A_878[%gather3A_884] in [0] : vector<16xf32>, vector<16xi32> -> vector<16xf32>
          %add3A_886 = arith.addf %add3A_878, %gather3A_885 : vector<16xf32>
          %iota3A_887 = tpu.iota {dimensions = array<i32: 0>} : vector<16xi32>
          %xor3A_888 = arith.constant 4 : i32
          %xor3A_889 = vector.broadcast %xor3A_888 : i32 to vector<16xi32>
          %xor3A_890 = arith.xori %iota3A_887, %xor3A_889 : vector<16xi32>
          %broadcast_in_dim3A_891 = vector.shape_cast %xor3A_890 : vector<16xi32> to vector<16x1xi32>
          %gather3A_892 = vector.shape_cast %broadcast_in_dim3A_891 : vector<16x1xi32> to vector<16xi32>
          %gather3A_893 = tpu.dynamic_gather %add3A_886[%gather3A_892] in [0] : vector<16xf32>, vector<16xi32> -> vector<16xf32>
          %add3A_894 = arith.addf %add3A_886, %gather3A_893 : vector<16xf32>
          %iota3A_895 = tpu.iota {dimensions = array<i32: 0>} : vector<16xi32>
          %xor3A_896 = arith.constant 8 : i32
          %xor3A_897 = vector.broadcast %xor3A_896 : i32 to vector<16xi32>
          %xor3A_898 = arith.xori %iota3A_895, %xor3A_897 : vector<16xi32>
          %broadcast_in_dim3A_899 = vector.shape_cast %xor3A_898 : vector<16xi32> to vector<16x1xi32>
          %gather3A_900 = vector.shape_cast %broadcast_in_dim3A_899 : vector<16x1xi32> to vector<16xi32>
          %gather3A_901 = tpu.dynamic_gather %add3A_894[%gather3A_900] in [0] : vector<16xf32>, vector<16xi32> -> vector<16xf32>
          %add3A_902 = arith.addf %add3A_894, %gather3A_901 : vector<16xf32>
          %sub3A_903 = arith.subf %add3A_902, %while3A_621 : vector<16xf32>
          %abs3A_904 = math.absf %sub3A_903 : vector<16xf32>
          %neg3A_905 = arith.constant 0.000000e+00 : f32
          %neg3A_906 = vector.broadcast %neg3A_905 : f32 to vector<16xf32>
          %neg3A_907 = arith.subf %neg3A_906, %abs3A_904 : vector<16xf32>
          %exp3A_908 = math.exp %neg3A_907 : vector<16xf32>
          %gt3A_909 = arith.constant 0.000000e+00 : f32
          %gt3A_910 = vector.broadcast %gt3A_909 : f32 to vector<16xf32>
          %gt3A_911 = arith.cmpf ogt, %sub3A_903, %gt3A_910 : vector<16xf32>
          %select_n3A_912 = arith.select %gt3A_911, %exp3A_908, %broadcast_in_dim3A_82 : vector<16xi1>, vector<16xf32>
          %select_n3A_913 = arith.select %gt3A_911, %broadcast_in_dim3A_82, %exp3A_908 : vector<16xi1>, vector<16xf32>
          %mul3A_914 = arith.mulf %while3A_625, %select_n3A_912 : vector<16xf32>
          %add3A_915 = arith.addf %mul3A_914, %select_n3A_913 : vector<16xf32>
          %mul3A_916 = arith.mulf %while3A_632, %select_n3A_912 : vector<16xf32>
          %mul3A_917 = arith.mulf %select_n3A_913, %get3A_662 : vector<16xf32>
          %add3A_918 = arith.addf %mul3A_916, %mul3A_917 : vector<16xf32>
          %mul3A_919 = arith.mulf %while3A_633, %select_n3A_912 : vector<16xf32>
          %mul3A_920 = arith.mulf %select_n3A_913, %get3A_666 : vector<16xf32>
          %add3A_921 = arith.addf %mul3A_919, %mul3A_920 : vector<16xf32>
          %max3A_922 = arith.maximumf %while3A_621, %add3A_902 : vector<16xf32>
          scf.yield %max3A_763, %max3A_816, %max3A_869, %max3A_922, %add3A_756, %add3A_809, %add3A_862, %add3A_915, %add3A_759, %add3A_762, %add3A_812, %add3A_815, %add3A_865, %add3A_868, %add3A_918, %add3A_921 : vector<16xf32>, vector<16xf32>, vector<16xf32>, vector<16xf32>, vector<16xf32>, vector<16xf32>, vector<16xf32>, vector<16xf32>, vector<16xf32>, vector<16xf32>, vector<16xf32>, vector<16xf32>, vector<16xf32>, vector<16xf32>, vector<16xf32>, vector<16xf32>
        }
        %lt3A_588 = arith.cmpi slt, %while3A_515, %squeeze3A_501 : i32
        %min3A_589 = arith.constant 127 : i32
        %min3A_590 = vector.broadcast %min3A_589 : i32 to vector<16xi32>
        %min3A_591 = arith.minsi %mul3A_537, %min3A_590 : vector<16xi32>
        %gather3A_592 = tpu.vector_load_idx %arg21[%min3A_591] : memref<160xi32, #tpu.memory_space<vmem>>[vector<16xi32>], vector<16xi32>,
        %slice3A_593 = vector.extract_strided_slice %gather3A_592 {offsets = [0], sizes = [1], strides = [1]} : vector<16xi32> to vector<1xi32>
        %squeeze3A_594 = vector.extract %slice3A_593[0] : i32 from vector<1xi32>
        %convert_element_type3A_595 = arith.extui %lt3A_588 : i1 to i32
        %cond3A_596 = arith.constant 0 : i32
        %cond3A_597 = arith.cmpi ne, %convert_element_type3A_595, %cond3A_596 : i32
        scf.if %cond3A_597 {
          %ge3A_617 = arith.cmpi sge, %while3A_516, %squeeze3A : i32
          %convert_element_type3A_618 = arith.extui %ge3A_617 : i1 to i32
          %cond3A_619 = arith.constant 0 : i32
          %cond3A_620 = arith.cmpi ne, %convert_element_type3A_618, %cond3A_619 : i32
          scf.if %cond3A_620 {
            %div3A_632 = arith.divf %while3A_587#8, %while3A_587#4 : vector<16xf32>
            %swap3A_633 = arith.constant 0 : index
            %swap3A_634 = tpu.vector_load %arg15[%swap3A_633] {strides = array<i32>} : memref<128xf32, #tpu.memory_space<vmem>>, vector<16xf32>,
            tpu.vector_store %arg15[%swap3A_633], %div3A_632 {strides = array<i32>} : memref<128xf32, #tpu.memory_space<vmem>>, vector<16xf32>,
            %div3A_635 = arith.divf %while3A_587#9, %while3A_587#4 : vector<16xf32>
            %swap3A_636 = arith.constant 16 : index
            %swap3A_637 = tpu.vector_load %arg15[%swap3A_636] {strides = array<i32>} : memref<128xf32, #tpu.memory_space<vmem>>, vector<16xf32>,
            tpu.vector_store %arg15[%swap3A_636], %div3A_635 {strides = array<i32>} : memref<128xf32, #tpu.memory_space<vmem>>, vector<16xf32>,
            %div3A_638 = arith.divf %while3A_587#10, %while3A_587#5 : vector<16xf32>
            %swap3A_639 = arith.constant 32 : index
            %swap3A_640 = tpu.vector_load %arg15[%swap3A_639] {strides = array<i32>} : memref<128xf32, #tpu.memory_space<vmem>>, vector<16xf32>,
            tpu.vector_store %arg15[%swap3A_639], %div3A_638 {strides = array<i32>} : memref<128xf32, #tpu.memory_space<vmem>>, vector<16xf32>,
            %div3A_641 = arith.divf %while3A_587#11, %while3A_587#5 : vector<16xf32>
            %swap3A_642 = arith.constant 48 : index
            %swap3A_643 = tpu.vector_load %arg15[%swap3A_642] {strides = array<i32>} : memref<128xf32, #tpu.memory_space<vmem>>, vector<16xf32>,
            tpu.vector_store %arg15[%swap3A_642], %div3A_641 {strides = array<i32>} : memref<128xf32, #tpu.memory_space<vmem>>, vector<16xf32>,
            %div3A_644 = arith.divf %while3A_587#12, %while3A_587#6 : vector<16xf32>
            %swap3A_645 = arith.constant 64 : index
            %swap3A_646 = tpu.vector_load %arg15[%swap3A_645] {strides = array<i32>} : memref<128xf32, #tpu.memory_space<vmem>>, vector<16xf32>,
            tpu.vector_store %arg15[%swap3A_645], %div3A_644 {strides = array<i32>} : memref<128xf32, #tpu.memory_space<vmem>>, vector<16xf32>,
            %div3A_647 = arith.divf %while3A_587#13, %while3A_587#6 : vector<16xf32>
            %swap3A_648 = arith.constant 80 : index
            %swap3A_649 = tpu.vector_load %arg15[%swap3A_648] {strides = array<i32>} : memref<128xf32, #tpu.memory_space<vmem>>, vector<16xf32>,
            tpu.vector_store %arg15[%swap3A_648], %div3A_647 {strides = array<i32>} : memref<128xf32, #tpu.memory_space<vmem>>, vector<16xf32>,
            %div3A_650 = arith.divf %while3A_587#14, %while3A_587#7 : vector<16xf32>
            %swap3A_651 = arith.constant 96 : index
            %swap3A_652 = tpu.vector_load %arg15[%swap3A_651] {strides = array<i32>} : memref<128xf32, #tpu.memory_space<vmem>>, vector<16xf32>,
            tpu.vector_store %arg15[%swap3A_651], %div3A_650 {strides = array<i32>} : memref<128xf32, #tpu.memory_space<vmem>>, vector<16xf32>,
            %div3A_653 = arith.divf %while3A_587#15, %while3A_587#7 : vector<16xf32>
            %swap3A_654 = arith.constant 112 : index
            %swap3A_655 = tpu.vector_load %arg15[%swap3A_654] {strides = array<i32>} : memref<128xf32, #tpu.memory_space<vmem>>, vector<16xf32>,
            tpu.vector_store %arg15[%swap3A_654], %div3A_653 {strides = array<i32>} : memref<128xf32, #tpu.memory_space<vmem>>, vector<16xf32>,
            "tpu.region"() ({
              %run_scoped3A = tpu.sem_alloc : memref<!tpu.dma_semaphore, #tpu.memory_space<semaphore_mem>>
              %dma_start3A = arith.constant 0 : i32
              %dma_start3A_656 = tpu.memref_slice %arg9[%while3A_516, %dma_start3A] : memref<10000x128xf32, #tpu.memory_space<hbm>> -> memref<1x128xf32, #tpu.memory_space<hbm>>
              %dma_start3A_657 = tpu.memref_squeeze %dma_start3A_656 : memref<1x128xf32, #tpu.memory_space<hbm>> -> memref<128xf32, #tpu.memory_space<hbm>>
              %dma_start3A_658 = arith.constant 0 : i32
              %dma_start3A_659 = tpu.memref_slice %arg9[%while3A_516, %dma_start3A_658] : memref<10000x128xf32, #tpu.memory_space<hbm>> -> memref<1x128xf32, #tpu.memory_space<hbm>>
              %dma_start3A_660 = tpu.memref_squeeze %dma_start3A_659 : memref<1x128xf32, #tpu.memory_space<hbm>> -> memref<128xf32, #tpu.memory_space<hbm>>
              tpu.enqueue_dma source(%arg15 : memref<128xf32, #tpu.memory_space<vmem>>) target(%dma_start3A_660 : memref<128xf32, #tpu.memory_space<hbm>>) target_semaphore(%run_scoped3A : memref<!tpu.dma_semaphore, #tpu.memory_space<semaphore_mem>>)
              %dma_wait3A_661 = arith.constant 0 : i32
              %dma_wait3A_662 = tpu.memref_slice %arg9[%while3A_516, %dma_wait3A_661] : memref<10000x128xf32, #tpu.memory_space<hbm>> -> memref<1x128xf32, #tpu.memory_space<hbm>>
              %dma_wait3A_663 = tpu.memref_squeeze %dma_wait3A_662 : memref<1x128xf32, #tpu.memory_space<hbm>> -> memref<128xf32, #tpu.memory_space<hbm>>
              %dma_wait3A_664 = arith.constant 0 : i32
              %dma_wait3A_665 = tpu.memref_slice %arg9[%while3A_516, %dma_wait3A_664] : memref<10000x128xf32, #tpu.memory_space<hbm>> -> memref<1x128xf32, #tpu.memory_space<hbm>>
              %dma_wait3A_666 = tpu.memref_squeeze %dma_wait3A_665 : memref<1x128xf32, #tpu.memory_space<hbm>> -> memref<128xf32, #tpu.memory_space<hbm>>
              tpu.wait_dma2 semaphore(%run_scoped3A : memref<!tpu.dma_semaphore, #tpu.memory_space<semaphore_mem>>) src(%arg15 : memref<128xf32, #tpu.memory_space<vmem>>) dst(%dma_wait3A_666 : memref<128xf32, #tpu.memory_space<hbm>>)
              tpu.yield
            }) : () -> ()
          } else {
          }
          %add3A_621 = arith.constant 1 : i32
          %add3A_622 = arith.addi %while3A_516, %add3A_621 : i32
          %while3A_623 = arith.constant 0 : i32
          %while3A_624 = arith.subi %squeeze3A_594, %add3A_622 : i32
          %while3A_625 = arith.addi %add3A_622, %while3A_624 : i32
          %while3A_626 = arith.constant 1 : i32
          %while3A_627 = arith.divsi %while3A_624, %while3A_626 : i32
          %while3A_628 = arith.muli %while3A_627, %while3A_626 : i32
          %while3A_629 = arith.addi %add3A_622, %while3A_628 : i32
          %while3A_630 = arith.constant 1 : i32
          scf.for %while3A_632 = %add3A_622 to %while3A_629 step %while3A_630  : i32 {
            "tpu.region"() ({
              %run_scoped3A = tpu.sem_alloc : memref<!tpu.dma_semaphore, #tpu.memory_space<semaphore_mem>>
              %dma_start3A = arith.constant 0 : i32
              %dma_start3A_633 = tpu.memref_slice %arg9[%while3A_632, %dma_start3A] : memref<10000x128xf32, #tpu.memory_space<hbm>> -> memref<1x128xf32, #tpu.memory_space<hbm>>
              %dma_start3A_634 = tpu.memref_squeeze %dma_start3A_633 : memref<1x128xf32, #tpu.memory_space<hbm>> -> memref<128xf32, #tpu.memory_space<hbm>>
              %dma_start3A_635 = arith.constant 0 : i32
              %dma_start3A_636 = tpu.memref_slice %arg9[%while3A_632, %dma_start3A_635] : memref<10000x128xf32, #tpu.memory_space<hbm>> -> memref<1x128xf32, #tpu.memory_space<hbm>>
              %dma_start3A_637 = tpu.memref_squeeze %dma_start3A_636 : memref<1x128xf32, #tpu.memory_space<hbm>> -> memref<128xf32, #tpu.memory_space<hbm>>
              tpu.enqueue_dma source(%arg16 : memref<128xf32, #tpu.memory_space<vmem>>) target(%dma_start3A_637 : memref<128xf32, #tpu.memory_space<hbm>>) target_semaphore(%run_scoped3A : memref<!tpu.dma_semaphore, #tpu.memory_space<semaphore_mem>>)
              %dma_wait3A_638 = arith.constant 0 : i32
              %dma_wait3A_639 = tpu.memref_slice %arg9[%while3A_632, %dma_wait3A_638] : memref<10000x128xf32, #tpu.memory_space<hbm>> -> memref<1x128xf32, #tpu.memory_space<hbm>>
              %dma_wait3A_640 = tpu.memref_squeeze %dma_wait3A_639 : memref<1x128xf32, #tpu.memory_space<hbm>> -> memref<128xf32, #tpu.memory_space<hbm>>
              %dma_wait3A_641 = arith.constant 0 : i32
              %dma_wait3A_642 = tpu.memref_slice %arg9[%while3A_632, %dma_wait3A_641] : memref<10000x128xf32, #tpu.memory_space<hbm>> -> memref<1x128xf32, #tpu.memory_space<hbm>>
              %dma_wait3A_643 = tpu.memref_squeeze %dma_wait3A_642 : memref<1x128xf32, #tpu.memory_space<hbm>> -> memref<128xf32, #tpu.memory_space<hbm>>
              tpu.wait_dma2 semaphore(%run_scoped3A : memref<!tpu.dma_semaphore, #tpu.memory_space<semaphore_mem>>) src(%arg16 : memref<128xf32, #tpu.memory_space<vmem>>) dst(%dma_wait3A_643 : memref<128xf32, #tpu.memory_space<hbm>>)
              tpu.yield
            }) : () -> ()
          }
          %while3A_631 = arith.constant 1 : i32
          scf.for %while3A_632 = %while3A_629 to %while3A_625 step %while3A_631  : i32 {
            "tpu.region"() ({
              %run_scoped3A = tpu.sem_alloc : memref<!tpu.dma_semaphore, #tpu.memory_space<semaphore_mem>>
              %dma_start3A = arith.constant 0 : i32
              %dma_start3A_633 = tpu.memref_slice %arg9[%while3A_632, %dma_start3A] : memref<10000x128xf32, #tpu.memory_space<hbm>> -> memref<1x128xf32, #tpu.memory_space<hbm>>
              %dma_start3A_634 = tpu.memref_squeeze %dma_start3A_633 : memref<1x128xf32, #tpu.memory_space<hbm>> -> memref<128xf32, #tpu.memory_space<hbm>>
              %dma_start3A_635 = arith.constant 0 : i32
              %dma_start3A_636 = tpu.memref_slice %arg9[%while3A_632, %dma_start3A_635] : memref<10000x128xf32, #tpu.memory_space<hbm>> -> memref<1x128xf32, #tpu.memory_space<hbm>>
              %dma_start3A_637 = tpu.memref_squeeze %dma_start3A_636 : memref<1x128xf32, #tpu.memory_space<hbm>> -> memref<128xf32, #tpu.memory_space<hbm>>
              tpu.enqueue_dma source(%arg16 : memref<128xf32, #tpu.memory_space<vmem>>) target(%dma_start3A_637 : memref<128xf32, #tpu.memory_space<hbm>>) target_semaphore(%run_scoped3A : memref<!tpu.dma_semaphore, #tpu.memory_space<semaphore_mem>>)
              %dma_wait3A_638 = arith.constant 0 : i32
              %dma_wait3A_639 = tpu.memref_slice %arg9[%while3A_632, %dma_wait3A_638] : memref<10000x128xf32, #tpu.memory_space<hbm>> -> memref<1x128xf32, #tpu.memory_space<hbm>>
              %dma_wait3A_640 = tpu.memref_squeeze %dma_wait3A_639 : memref<1x128xf32, #tpu.memory_space<hbm>> -> memref<128xf32, #tpu.memory_space<hbm>>
              %dma_wait3A_641 = arith.constant 0 : i32
              %dma_wait3A_642 = tpu.memref_slice %arg9[%while3A_632, %dma_wait3A_641] : memref<10000x128xf32, #tpu.memory_space<hbm>> -> memref<1x128xf32, #tpu.memory_space<hbm>>
              %dma_wait3A_643 = tpu.memref_squeeze %dma_wait3A_642 : memref<1x128xf32, #tpu.memory_space<hbm>> -> memref<128xf32, #tpu.memory_space<hbm>>
              tpu.wait_dma2 semaphore(%run_scoped3A : memref<!tpu.dma_semaphore, #tpu.memory_space<semaphore_mem>>) src(%arg16 : memref<128xf32, #tpu.memory_space<vmem>>) dst(%dma_wait3A_643 : memref<128xf32, #tpu.memory_space<hbm>>)
              tpu.yield
            }) : () -> ()
          }
        } else {
        }
        %select_n3A_598 = arith.select %lt3A_588, %squeeze3A_594, %while3A_516 : i32
        %select_n3A_599 = arith.select %lt3A_588, %broadcast_in_dim3A_78, %while3A_587#0 : vector<16xf32>
        %select_n3A_600 = arith.select %lt3A_588, %broadcast_in_dim3A_78, %while3A_587#1 : vector<16xf32>
        %select_n3A_601 = arith.select %lt3A_588, %broadcast_in_dim3A_78, %while3A_587#2 : vector<16xf32>
        %select_n3A_602 = arith.select %lt3A_588, %broadcast_in_dim3A_78, %while3A_587#3 : vector<16xf32>
        %broadcast_in_dim3A_603 = arith.constant 0.000000e+00 : f32
        %broadcast_in_dim3A_604 = vector.broadcast %broadcast_in_dim3A_603 : f32 to vector<16xf32>
        %select_n3A_605 = arith.select %lt3A_588, %broadcast_in_dim3A_604, %while3A_587#4 : vector<16xf32>
        %select_n3A_606 = arith.select %lt3A_588, %broadcast_in_dim3A_604, %while3A_587#5 : vector<16xf32>
        %select_n3A_607 = arith.select %lt3A_588, %broadcast_in_dim3A_604, %while3A_587#6 : vector<16xf32>
        %select_n3A_608 = arith.select %lt3A_588, %broadcast_in_dim3A_604, %while3A_587#7 : vector<16xf32>
        %select_n3A_609 = arith.select %lt3A_588, %broadcast_in_dim3A_604, %while3A_587#8 : vector<16xf32>
        %select_n3A_610 = arith.select %lt3A_588, %broadcast_in_dim3A_604, %while3A_587#9 : vector<16xf32>
        %select_n3A_611 = arith.select %lt3A_588, %broadcast_in_dim3A_604, %while3A_587#10 : vector<16xf32>
        %select_n3A_612 = arith.select %lt3A_588, %broadcast_in_dim3A_604, %while3A_587#11 : vector<16xf32>
        %select_n3A_613 = arith.select %lt3A_588, %broadcast_in_dim3A_604, %while3A_587#12 : vector<16xf32>
        %select_n3A_614 = arith.select %lt3A_588, %broadcast_in_dim3A_604, %while3A_587#13 : vector<16xf32>
        %select_n3A_615 = arith.select %lt3A_588, %broadcast_in_dim3A_604, %while3A_587#14 : vector<16xf32>
        %select_n3A_616 = arith.select %lt3A_588, %broadcast_in_dim3A_604, %while3A_587#15 : vector<16xf32>
        scf.yield %select_n3A_598, %squeeze3A_540, %select_n3A_599, %select_n3A_600, %select_n3A_601, %select_n3A_602, %select_n3A_605, %select_n3A_606, %select_n3A_607, %select_n3A_608, %select_n3A_609, %select_n3A_610, %select_n3A_611, %select_n3A_612, %select_n3A_613, %select_n3A_614, %select_n3A_615, %select_n3A_616 : i32, i32, vector<16xf32>, vector<16xf32>, vector<16xf32>, vector<16xf32>, vector<16xf32>, vector<16xf32>, vector<16xf32>, vector<16xf32>, vector<16xf32>, vector<16xf32>, vector<16xf32>, vector<16xf32>, vector<16xf32>, vector<16xf32>, vector<16xf32>, vector<16xf32>
      }
      scf.yield %while3A_514#0, %while3A_514#1, %while3A_514#2, %while3A_514#3, %while3A_514#4, %while3A_514#5, %while3A_514#6, %while3A_514#7, %while3A_514#8, %while3A_514#9, %while3A_514#10, %while3A_514#11, %while3A_514#12, %while3A_514#13, %while3A_514#14, %while3A_514#15, %while3A_514#16, %while3A_514#17 : i32, i32, vector<16xf32>, vector<16xf32>, vector<16xf32>, vector<16xf32>, vector<16xf32>, vector<16xf32>, vector<16xf32>, vector<16xf32>, vector<16xf32>, vector<16xf32>, vector<16xf32>, vector<16xf32>, vector<16xf32>, vector<16xf32>, vector<16xf32>, vector<16xf32>
    }
    %while3A_95 = arith.constant 1 : i32
    %while3A_96:18 = scf.for %while3A_111 = %while3A_92 to %while3A_88 step %while3A_95 iter_args(%while3A_112 = %while3A_94#0, %while3A_113 = %while3A_94#1, %while3A_114 = %while3A_94#2, %while3A_115 = %while3A_94#3, %while3A_116 = %while3A_94#4, %while3A_117 = %while3A_94#5, %while3A_118 = %while3A_94#6, %while3A_119 = %while3A_94#7, %while3A_120 = %while3A_94#8, %while3A_121 = %while3A_94#9, %while3A_122 = %while3A_94#10, %while3A_123 = %while3A_94#11, %while3A_124 = %while3A_94#12, %while3A_125 = %while3A_94#13, %while3A_126 = %while3A_94#14, %while3A_127 = %while3A_94#15, %while3A_128 = %while3A_94#16, %while3A_129 = %while3A_94#17) -> (i32, i32, vector<16xf32>, vector<16xf32>, vector<16xf32>, vector<16xf32>, vector<16xf32>, vector<16xf32>, vector<16xf32>, vector<16xf32>, vector<16xf32>, vector<16xf32>, vector<16xf32>, vector<16xf32>, vector<16xf32>, vector<16xf32>, vector<16xf32>, vector<16xf32>)  : i32 {
      %mul3A_130 = arith.constant 128 : i32
      %mul3A_131 = arith.muli %while3A_111, %mul3A_130 : i32
      %add3A_132 = arith.addi %mul3A_47, %mul3A_131 : i32
      %rem3A_133 = arith.constant 2 : i32
      %rem3A_134 = arith.remsi %while3A_111, %rem3A_133 : i32
      %add3A_135 = arith.constant 1 : i32
      %add3A_136 = arith.addi %while3A_111, %add3A_135 : i32
      %lt3A = arith.cmpi slt, %add3A_136, %select_n3A_76 : i32
      %convert_element_type3A_137 = arith.extui %lt3A : i1 to i32
      %cond3A_138 = arith.constant 0 : i32
      %cond3A_139 = arith.cmpi ne, %convert_element_type3A_137, %cond3A_138 : i32
      scf.if %cond3A_139 {
        %add3A_515 = arith.constant 1 : i32
        %add3A_516 = arith.addi %while3A_111, %add3A_515 : i32
        %sub3A_517 = arith.constant 1 : i32
        %sub3A_518 = arith.subi %sub3A_517, %rem3A_134 : i32
        %mul3A_519 = arith.constant 128 : i32
        %mul3A_520 = arith.muli %add3A_516, %mul3A_519 : i32
        %add3A_521 = arith.addi %mul3A_47, %mul3A_520 : i32
        "tpu.region"() ({
          %run_scoped3A = tpu.sem_alloc : memref<!tpu.dma_semaphore, #tpu.memory_space<semaphore_mem>>
          %dma_start3A_557 = arith.constant 0 : i32
          %dma_start3A_558 = tpu.memref_slice %arg10[%sub3A_518, %dma_start3A_557] : memref<2x128xi32, #tpu.memory_space<vmem>> -> memref<1x128xi32, #tpu.memory_space<vmem>>
          %dma_start3A_559 = tpu.memref_squeeze %dma_start3A_558 : memref<1x128xi32, #tpu.memory_space<vmem>> -> memref<128xi32, #tpu.memory_space<vmem>>
          %dma_start3A_560 = tpu.memref_slice %arg4[%add3A_521] : memref<320000xi32, #tpu.memory_space<hbm>> -> memref<128xi32, #tpu.memory_space<hbm>>
          %dma_start3A_561 = arith.constant 0 : i32
          %dma_start3A_562 = tpu.memref_slice %arg10[%sub3A_518, %dma_start3A_561] : memref<2x128xi32, #tpu.memory_space<vmem>> -> memref<1x128xi32, #tpu.memory_space<vmem>>
          %dma_start3A_563 = tpu.memref_squeeze %dma_start3A_562 : memref<1x128xi32, #tpu.memory_space<vmem>> -> memref<128xi32, #tpu.memory_space<vmem>>
          %dma_start3A_564 = tpu.memref_slice %arg4[%add3A_521] : memref<320000xi32, #tpu.memory_space<hbm>> -> memref<128xi32, #tpu.memory_space<hbm>>
          tpu.enqueue_dma source(%dma_start3A_564 : memref<128xi32, #tpu.memory_space<hbm>>) target(%dma_start3A_563 : memref<128xi32, #tpu.memory_space<vmem>>) target_semaphore(%run_scoped3A : memref<!tpu.dma_semaphore, #tpu.memory_space<semaphore_mem>>)
          %dma_wait3A_565 = arith.constant 0 : i32
          %dma_wait3A_566 = tpu.memref_slice %arg10[%sub3A_518, %dma_wait3A_565] : memref<2x128xi32, #tpu.memory_space<vmem>> -> memref<1x128xi32, #tpu.memory_space<vmem>>
          %dma_wait3A_567 = tpu.memref_squeeze %dma_wait3A_566 : memref<1x128xi32, #tpu.memory_space<vmem>> -> memref<128xi32, #tpu.memory_space<vmem>>
          %dma_wait3A_568 = tpu.memref_slice %arg4[%add3A_521] : memref<320000xi32, #tpu.memory_space<hbm>> -> memref<128xi32, #tpu.memory_space<hbm>>
          %dma_wait3A_569 = arith.constant 0 : i32
          %dma_wait3A_570 = tpu.memref_slice %arg10[%sub3A_518, %dma_wait3A_569] : memref<2x128xi32, #tpu.memory_space<vmem>> -> memref<1x128xi32, #tpu.memory_space<vmem>>
          %dma_wait3A_571 = tpu.memref_squeeze %dma_wait3A_570 : memref<1x128xi32, #tpu.memory_space<vmem>> -> memref<128xi32, #tpu.memory_space<vmem>>
          %dma_wait3A_572 = tpu.memref_slice %arg4[%add3A_521] : memref<320000xi32, #tpu.memory_space<hbm>> -> memref<128xi32, #tpu.memory_space<hbm>>
          tpu.wait_dma2 semaphore(%run_scoped3A : memref<!tpu.dma_semaphore, #tpu.memory_space<semaphore_mem>>) src(%dma_wait3A_572 : memref<128xi32, #tpu.memory_space<hbm>>) dst(%dma_wait3A_571 : memref<128xi32, #tpu.memory_space<vmem>>)
          tpu.yield
        }) : () -> ()
        "tpu.region"() ({
          %run_scoped3A = tpu.sem_alloc : memref<!tpu.dma_semaphore, #tpu.memory_space<semaphore_mem>>
          %dma_start3A_557 = arith.constant 0 : i32
          %dma_start3A_558 = tpu.memref_slice %arg11[%sub3A_518, %dma_start3A_557] : memref<2x128xi32, #tpu.memory_space<vmem>> -> memref<1x128xi32, #tpu.memory_space<vmem>>
          %dma_start3A_559 = tpu.memref_squeeze %dma_start3A_558 : memref<1x128xi32, #tpu.memory_space<vmem>> -> memref<128xi32, #tpu.memory_space<vmem>>
          %dma_start3A_560 = tpu.memref_slice %arg5[%add3A_521] : memref<320000xi32, #tpu.memory_space<hbm>> -> memref<128xi32, #tpu.memory_space<hbm>>
          %dma_start3A_561 = arith.constant 0 : i32
          %dma_start3A_562 = tpu.memref_slice %arg11[%sub3A_518, %dma_start3A_561] : memref<2x128xi32, #tpu.memory_space<vmem>> -> memref<1x128xi32, #tpu.memory_space<vmem>>
          %dma_start3A_563 = tpu.memref_squeeze %dma_start3A_562 : memref<1x128xi32, #tpu.memory_space<vmem>> -> memref<128xi32, #tpu.memory_space<vmem>>
          %dma_start3A_564 = tpu.memref_slice %arg5[%add3A_521] : memref<320000xi32, #tpu.memory_space<hbm>> -> memref<128xi32, #tpu.memory_space<hbm>>
          tpu.enqueue_dma source(%dma_start3A_564 : memref<128xi32, #tpu.memory_space<hbm>>) target(%dma_start3A_563 : memref<128xi32, #tpu.memory_space<vmem>>) target_semaphore(%run_scoped3A : memref<!tpu.dma_semaphore, #tpu.memory_space<semaphore_mem>>)
          %dma_wait3A_565 = arith.constant 0 : i32
          %dma_wait3A_566 = tpu.memref_slice %arg11[%sub3A_518, %dma_wait3A_565] : memref<2x128xi32, #tpu.memory_space<vmem>> -> memref<1x128xi32, #tpu.memory_space<vmem>>
          %dma_wait3A_567 = tpu.memref_squeeze %dma_wait3A_566 : memref<1x128xi32, #tpu.memory_space<vmem>> -> memref<128xi32, #tpu.memory_space<vmem>>
          %dma_wait3A_568 = tpu.memref_slice %arg5[%add3A_521] : memref<320000xi32, #tpu.memory_space<hbm>> -> memref<128xi32, #tpu.memory_space<hbm>>
          %dma_wait3A_569 = arith.constant 0 : i32
          %dma_wait3A_570 = tpu.memref_slice %arg11[%sub3A_518, %dma_wait3A_569] : memref<2x128xi32, #tpu.memory_space<vmem>> -> memref<1x128xi32, #tpu.memory_space<vmem>>
          %dma_wait3A_571 = tpu.memref_squeeze %dma_wait3A_570 : memref<1x128xi32, #tpu.memory_space<vmem>> -> memref<128xi32, #tpu.memory_space<vmem>>
          %dma_wait3A_572 = tpu.memref_slice %arg5[%add3A_521] : memref<320000xi32, #tpu.memory_space<hbm>> -> memref<128xi32, #tpu.memory_space<hbm>>
          tpu.wait_dma2 semaphore(%run_scoped3A : memref<!tpu.dma_semaphore, #tpu.memory_space<semaphore_mem>>) src(%dma_wait3A_572 : memref<128xi32, #tpu.memory_space<hbm>>) dst(%dma_wait3A_571 : memref<128xi32, #tpu.memory_space<vmem>>)
          tpu.yield
        }) : () -> ()
        %mul3A_522 = arith.constant 144 : i32
        %mul3A_523 = arith.muli %sub3A_518, %mul3A_522 : i32
        %eq3A_524 = arith.constant 0 : i32
        %eq3A_525 = arith.cmpi eq, %add3A_521, %eq3A_524 : i32
        %convert_element_type3A_526 = arith.extui %eq3A_525 : i1 to i32
        %cond3A_527 = arith.constant 0 : i32
        %cond3A_528 = arith.cmpi ne, %convert_element_type3A_526, %cond3A_527 : i32
        scf.if %cond3A_528 {
          %broadcast_in_dim3A_557 = arith.constant -1 : i32
          %broadcast_in_dim3A_558 = vector.broadcast %broadcast_in_dim3A_557 : i32 to vector<16xi32>
          %swap3A_559 = arith.index_cast %mul3A_523 : i32 to index
          %swap3A_560 = tpu.vector_load %arg12[%swap3A_559] {strides = array<i32>} : memref<288xi32, #tpu.memory_space<vmem>>, vector<16xi32>,
          tpu.vector_store %arg12[%swap3A_559], %broadcast_in_dim3A_558 {strides = array<i32>} : memref<288xi32, #tpu.memory_space<vmem>>, vector<16xi32>,
          %add3A_561 = arith.constant 8 : i32
          %add3A_562 = arith.addi %mul3A_523, %add3A_561 : i32
          "tpu.region"() ({
            %run_scoped3A = tpu.sem_alloc : memref<!tpu.dma_semaphore, #tpu.memory_space<semaphore_mem>>
            %dma_start3A_563 = tpu.memref_slice %arg12[%add3A_562] : memref<288xi32, #tpu.memory_space<vmem>> -> memref<128xi32, #tpu.memory_space<vmem>>
            %dma_start3A_564 = arith.constant 0 : i32
            %dma_start3A_565 = tpu.memref_slice %arg5[%dma_start3A_564] : memref<320000xi32, #tpu.memory_space<hbm>> -> memref<128xi32, #tpu.memory_space<hbm>>
            %dma_start3A_566 = tpu.memref_slice %arg12[%add3A_562] : memref<288xi32, #tpu.memory_space<vmem>> -> memref<128xi32, #tpu.memory_space<vmem>>
            %dma_start3A_567 = arith.constant 0 : i32
            %dma_start3A_568 = tpu.memref_slice %arg5[%dma_start3A_567] : memref<320000xi32, #tpu.memory_space<hbm>> -> memref<128xi32, #tpu.memory_space<hbm>>
            tpu.enqueue_dma source(%dma_start3A_568 : memref<128xi32, #tpu.memory_space<hbm>>) target(%dma_start3A_566 : memref<128xi32, #tpu.memory_space<vmem>>) target_semaphore(%run_scoped3A : memref<!tpu.dma_semaphore, #tpu.memory_space<semaphore_mem>>)
            %dma_wait3A_569 = tpu.memref_slice %arg12[%add3A_562] : memref<288xi32, #tpu.memory_space<vmem>> -> memref<128xi32, #tpu.memory_space<vmem>>
            %dma_wait3A_570 = arith.constant 0 : i32
            %dma_wait3A_571 = tpu.memref_slice %arg5[%dma_wait3A_570] : memref<320000xi32, #tpu.memory_space<hbm>> -> memref<128xi32, #tpu.memory_space<hbm>>
            %dma_wait3A_572 = tpu.memref_slice %arg12[%add3A_562] : memref<288xi32, #tpu.memory_space<vmem>> -> memref<128xi32, #tpu.memory_space<vmem>>
            %dma_wait3A_573 = arith.constant 0 : i32
            %dma_wait3A_574 = tpu.memref_slice %arg5[%dma_wait3A_573] : memref<320000xi32, #tpu.memory_space<hbm>> -> memref<128xi32, #tpu.memory_space<hbm>>
            tpu.wait_dma2 semaphore(%run_scoped3A : memref<!tpu.dma_semaphore, #tpu.memory_space<semaphore_mem>>) src(%dma_wait3A_574 : memref<128xi32, #tpu.memory_space<hbm>>) dst(%dma_wait3A_572 : memref<128xi32, #tpu.memory_space<vmem>>)
            tpu.yield
          }) : () -> ()
        } else {
        }
        %ne3A_529 = arith.constant 0 : i32
        %ne3A_530 = arith.cmpi ne, %add3A_521, %ne3A_529 : i32
        %convert_element_type3A_531 = arith.extui %ne3A_530 : i1 to i32
        %cond3A_532 = arith.constant 0 : i32
        %cond3A_533 = arith.cmpi ne, %convert_element_type3A_531, %cond3A_532 : i32
        scf.if %cond3A_533 {
          %sub3A_557 = arith.constant 8 : i32
          %sub3A_558 = arith.subi %add3A_521, %sub3A_557 : i32
          "tpu.region"() ({
            %run_scoped3A = tpu.sem_alloc : memref<!tpu.dma_semaphore, #tpu.memory_space<semaphore_mem>>
            %dma_start3A_559 = tpu.memref_slice %arg12[%mul3A_523] : memref<288xi32, #tpu.memory_space<vmem>> -> memref<136xi32, #tpu.memory_space<vmem>>
            %dma_start3A_560 = tpu.memref_slice %arg5[%sub3A_558] : memref<320000xi32, #tpu.memory_space<hbm>> -> memref<136xi32, #tpu.memory_space<hbm>>
            %dma_start3A_561 = tpu.memref_slice %arg12[%mul3A_523] : memref<288xi32, #tpu.memory_space<vmem>> -> memref<136xi32, #tpu.memory_space<vmem>>
            %dma_start3A_562 = tpu.memref_slice %arg5[%sub3A_558] : memref<320000xi32, #tpu.memory_space<hbm>> -> memref<136xi32, #tpu.memory_space<hbm>>
            tpu.enqueue_dma source(%dma_start3A_562 : memref<136xi32, #tpu.memory_space<hbm>>) target(%dma_start3A_561 : memref<136xi32, #tpu.memory_space<vmem>>) target_semaphore(%run_scoped3A : memref<!tpu.dma_semaphore, #tpu.memory_space<semaphore_mem>>)
            %dma_wait3A_563 = tpu.memref_slice %arg12[%mul3A_523] : memref<288xi32, #tpu.memory_space<vmem>> -> memref<136xi32, #tpu.memory_space<vmem>>
            %dma_wait3A_564 = tpu.memref_slice %arg5[%sub3A_558] : memref<320000xi32, #tpu.memory_space<hbm>> -> memref<136xi32, #tpu.memory_space<hbm>>
            %dma_wait3A_565 = tpu.memref_slice %arg12[%mul3A_523] : memref<288xi32, #tpu.memory_space<vmem>> -> memref<136xi32, #tpu.memory_space<vmem>>
            %dma_wait3A_566 = tpu.memref_slice %arg5[%sub3A_558] : memref<320000xi32, #tpu.memory_space<hbm>> -> memref<136xi32, #tpu.memory_space<hbm>>
            tpu.wait_dma2 semaphore(%run_scoped3A : memref<!tpu.dma_semaphore, #tpu.memory_space<semaphore_mem>>) src(%dma_wait3A_566 : memref<136xi32, #tpu.memory_space<hbm>>) dst(%dma_wait3A_565 : memref<136xi32, #tpu.memory_space<vmem>>)
            tpu.yield
          }) : () -> ()
        } else {
        }
        %dma_start3A = arith.constant 0 : i32
        %dma_start3A_534 = arith.constant 0 : i32
        %dma_start3A_535 = tpu.memref_slice %arg13[%sub3A_518, %dma_start3A, %dma_start3A_534] : memref<2x128x128xf32, #tpu.memory_space<vmem>> -> memref<1x128x128xf32, #tpu.memory_space<vmem>>
        %dma_start3A_536 = tpu.memref_squeeze %dma_start3A_535 : memref<1x128x128xf32, #tpu.memory_space<vmem>> -> memref<128x128xf32, #tpu.memory_space<vmem>>
        %dma_start3A_537 = arith.constant 0 : i32
        %dma_start3A_538 = tpu.memref_slice %arg10[%sub3A_518, %dma_start3A_537] : memref<2x128xi32, #tpu.memory_space<vmem>> -> memref<1x128xi32, #tpu.memory_space<vmem>>
        %dma_start3A_539 = tpu.memref_squeeze %dma_start3A_538 : memref<1x128xi32, #tpu.memory_space<vmem>> -> memref<128xi32, #tpu.memory_space<vmem>>
        %dma_start3A_540 = arith.constant 0 : i32
        %dma_start3A_541 = arith.constant 0 : i32
        %dma_start3A_542 = tpu.memref_slice %arg2[%dma_start3A_540, %dma_start3A_541] : memref<10000x128xf32, #tpu.memory_space<hbm>> -> memref<10000x128xf32, #tpu.memory_space<hbm>>
        %dma_start3A_543 = tpu.memref_slice %arg22[%sub3A_518] : memref<2x!tpu.dma_semaphore, #tpu.memory_space<semaphore_mem>> -> memref<1x!tpu.dma_semaphore, #tpu.memory_space<semaphore_mem>>
        %dma_start3A_544 = tpu.memref_squeeze %dma_start3A_543 : memref<1x!tpu.dma_semaphore, #tpu.memory_space<semaphore_mem>> -> memref<!tpu.dma_semaphore, #tpu.memory_space<semaphore_mem>>
        tpu.enqueue_indirect_dma source(%dma_start3A_542 : memref<10000x128xf32, #tpu.memory_space<hbm>>) target(%dma_start3A_536 : memref<128x128xf32, #tpu.memory_space<vmem>>) offsets(%dma_start3A_539 : memref<128xi32, #tpu.memory_space<vmem>>) semaphore(%dma_start3A_544 : memref<!tpu.dma_semaphore, #tpu.memory_space<semaphore_mem>>)
        %dma_start3A_545 = arith.constant 0 : i32
        %dma_start3A_546 = arith.constant 0 : i32
        %dma_start3A_547 = tpu.memref_slice %arg14[%sub3A_518, %dma_start3A_545, %dma_start3A_546] : memref<2x128x128xf32, #tpu.memory_space<vmem>> -> memref<1x128x128xf32, #tpu.memory_space<vmem>>
        %dma_start3A_548 = tpu.memref_squeeze %dma_start3A_547 : memref<1x128x128xf32, #tpu.memory_space<vmem>> -> memref<128x128xf32, #tpu.memory_space<vmem>>
        %dma_start3A_549 = arith.constant 0 : i32
        %dma_start3A_550 = tpu.memref_slice %arg11[%sub3A_518, %dma_start3A_549] : memref<2x128xi32, #tpu.memory_space<vmem>> -> memref<1x128xi32, #tpu.memory_space<vmem>>
        %dma_start3A_551 = tpu.memref_squeeze %dma_start3A_550 : memref<1x128xi32, #tpu.memory_space<vmem>> -> memref<128xi32, #tpu.memory_space<vmem>>
        %dma_start3A_552 = arith.constant 0 : i32
        %dma_start3A_553 = arith.constant 0 : i32
        %dma_start3A_554 = tpu.memref_slice %arg3[%dma_start3A_552, %dma_start3A_553] : memref<10000x128xf32, #tpu.memory_space<hbm>> -> memref<10000x128xf32, #tpu.memory_space<hbm>>
        %dma_start3A_555 = tpu.memref_slice %arg23[%sub3A_518] : memref<2x!tpu.dma_semaphore, #tpu.memory_space<semaphore_mem>> -> memref<1x!tpu.dma_semaphore, #tpu.memory_space<semaphore_mem>>
        %dma_start3A_556 = tpu.memref_squeeze %dma_start3A_555 : memref<1x!tpu.dma_semaphore, #tpu.memory_space<semaphore_mem>> -> memref<!tpu.dma_semaphore, #tpu.memory_space<semaphore_mem>>
        tpu.enqueue_indirect_dma source(%dma_start3A_554 : memref<10000x128xf32, #tpu.memory_space<hbm>>) target(%dma_start3A_548 : memref<128x128xf32, #tpu.memory_space<vmem>>) offsets(%dma_start3A_551 : memref<128xi32, #tpu.memory_space<vmem>>) semaphore(%dma_start3A_556 : memref<!tpu.dma_semaphore, #tpu.memory_space<semaphore_mem>>)
      } else {
      }
      %dma_wait3A = arith.constant 0 : i32
      %dma_wait3A_140 = arith.constant 0 : i32
      %dma_wait3A_141 = tpu.memref_slice %arg13[%rem3A_134, %dma_wait3A, %dma_wait3A_140] : memref<2x128x128xf32, #tpu.memory_space<vmem>> -> memref<1x128x128xf32, #tpu.memory_space<vmem>>
      %dma_wait3A_142 = tpu.memref_squeeze %dma_wait3A_141 : memref<1x128x128xf32, #tpu.memory_space<vmem>> -> memref<128x128xf32, #tpu.memory_space<vmem>>
      %dma_wait3A_143 = arith.constant 0 : i32
      %dma_wait3A_144 = tpu.memref_slice %arg10[%rem3A_134, %dma_wait3A_143] : memref<2x128xi32, #tpu.memory_space<vmem>> -> memref<1x128xi32, #tpu.memory_space<vmem>>
      %dma_wait3A_145 = tpu.memref_squeeze %dma_wait3A_144 : memref<1x128xi32, #tpu.memory_space<vmem>> -> memref<128xi32, #tpu.memory_space<vmem>>
      %dma_wait3A_146 = arith.constant 0 : i32
      %dma_wait3A_147 = arith.constant 0 : i32
      %dma_wait3A_148 = tpu.memref_slice %arg2[%dma_wait3A_146, %dma_wait3A_147] : memref<10000x128xf32, #tpu.memory_space<hbm>> -> memref<10000x128xf32, #tpu.memory_space<hbm>>
      %dma_wait3A_149 = tpu.memref_slice %arg22[%rem3A_134] : memref<2x!tpu.dma_semaphore, #tpu.memory_space<semaphore_mem>> -> memref<1x!tpu.dma_semaphore, #tpu.memory_space<semaphore_mem>>
      %dma_wait3A_150 = tpu.memref_squeeze %dma_wait3A_149 : memref<1x!tpu.dma_semaphore, #tpu.memory_space<semaphore_mem>> -> memref<!tpu.dma_semaphore, #tpu.memory_space<semaphore_mem>>
      tpu.wait_indirect_dma semaphore(%dma_wait3A_150 : memref<!tpu.dma_semaphore, #tpu.memory_space<semaphore_mem>>) src(%dma_wait3A_148 : memref<10000x128xf32, #tpu.memory_space<hbm>>) dst(%dma_wait3A_142 : memref<128x128xf32, #tpu.memory_space<vmem>>)
      %dma_wait3A_151 = arith.constant 0 : i32
      %dma_wait3A_152 = arith.constant 0 : i32
      %dma_wait3A_153 = tpu.memref_slice %arg14[%rem3A_134, %dma_wait3A_151, %dma_wait3A_152] : memref<2x128x128xf32, #tpu.memory_space<vmem>> -> memref<1x128x128xf32, #tpu.memory_space<vmem>>
      %dma_wait3A_154 = tpu.memref_squeeze %dma_wait3A_153 : memref<1x128x128xf32, #tpu.memory_space<vmem>> -> memref<128x128xf32, #tpu.memory_space<vmem>>
      %dma_wait3A_155 = arith.constant 0 : i32
      %dma_wait3A_156 = tpu.memref_slice %arg11[%rem3A_134, %dma_wait3A_155] : memref<2x128xi32, #tpu.memory_space<vmem>> -> memref<1x128xi32, #tpu.memory_space<vmem>>
      %dma_wait3A_157 = tpu.memref_squeeze %dma_wait3A_156 : memref<1x128xi32, #tpu.memory_space<vmem>> -> memref<128xi32, #tpu.memory_space<vmem>>
      %dma_wait3A_158 = arith.constant 0 : i32
      %dma_wait3A_159 = arith.constant 0 : i32
      %dma_wait3A_160 = tpu.memref_slice %arg3[%dma_wait3A_158, %dma_wait3A_159] : memref<10000x128xf32, #tpu.memory_space<hbm>> -> memref<10000x128xf32, #tpu.memory_space<hbm>>
      %dma_wait3A_161 = tpu.memref_slice %arg23[%rem3A_134] : memref<2x!tpu.dma_semaphore, #tpu.memory_space<semaphore_mem>> -> memref<1x!tpu.dma_semaphore, #tpu.memory_space<semaphore_mem>>
      %dma_wait3A_162 = tpu.memref_squeeze %dma_wait3A_161 : memref<1x!tpu.dma_semaphore, #tpu.memory_space<semaphore_mem>> -> memref<!tpu.dma_semaphore, #tpu.memory_space<semaphore_mem>>
      tpu.wait_indirect_dma semaphore(%dma_wait3A_162 : memref<!tpu.dma_semaphore, #tpu.memory_space<semaphore_mem>>) src(%dma_wait3A_160 : memref<10000x128xf32, #tpu.memory_space<hbm>>) dst(%dma_wait3A_154 : memref<128x128xf32, #tpu.memory_space<vmem>>)
      %max3A = arith.maxsi %squeeze3A_7, %add3A_132 : i32
      %add3A_163 = arith.constant 128 : i32
      %add3A_164 = arith.addi %add3A_132, %add3A_163 : i32
      %min3A = arith.minsi %squeeze3A_9, %add3A_164 : i32
      %broadcast_in_dim3A_165 = arith.constant 0 : i32
      %broadcast_in_dim3A_166 = vector.broadcast %broadcast_in_dim3A_165 : i32 to vector<16xi32>
      %sub3A_167 = arith.constant 1 : i32
      %sub3A_168 = vector.broadcast %sub3A_167 : i32 to vector<16xi32>
      %sub3A_169 = arith.subi %iota3A, %sub3A_168 : vector<16xi32>
      %max3A_170 = arith.constant 0 : i32
      %max3A_171 = vector.broadcast %max3A_170 : i32 to vector<16xi32>
      %max3A_172 = arith.maxsi %sub3A_169, %max3A_171 : vector<16xi32>
      %broadcast_in_dim3A_173 = arith.constant 15 : i32
      %broadcast_in_dim3A_174 = vector.broadcast %broadcast_in_dim3A_173 : i32 to vector<16xi32>
      %mul3A_175 = arith.constant 144 : i32
      %mul3A_176 = arith.muli %rem3A_134, %mul3A_175 : i32
      %get3A_177 = arith.index_cast %mul3A_176 : i32 to index
      %get3A_178 = tpu.vector_load %arg12[%get3A_177] {strides = array<i32>} : memref<288xi32, #tpu.memory_space<vmem>>, vector<16xi32>,
      %broadcast_in_dim3A_179 = arith.constant 7 : i32
      %broadcast_in_dim3A_180 = vector.broadcast %broadcast_in_dim3A_179 : i32 to vector<16xi32>
      %broadcast_in_dim3A_181 = vector.shape_cast %broadcast_in_dim3A_180 : vector<16xi32> to vector<16x1xi32>
      %gather3A = vector.shape_cast %broadcast_in_dim3A_181 : vector<16x1xi32> to vector<16xi32>
      %gather3A_182 = tpu.dynamic_gather %get3A_178[%gather3A] in [0] : vector<16xi32>, vector<16xi32> -> vector<16xi32>
      %add3A_183 = arith.constant 8 : i32
      %add3A_184 = arith.addi %mul3A_176, %add3A_183 : i32
      %add3A_185 = arith.constant 0 : i32
      %add3A_186 = arith.addi %add3A_184, %add3A_185 : i32
      %get3A_187 = arith.index_cast %add3A_186 : i32 to index
      %get3A_188 = tpu.vector_load %arg12[%get3A_187] {strides = array<i32>} : memref<288xi32, #tpu.memory_space<vmem>>, vector<16xi32>,
      %eq3A = arith.constant 0 : i32
      %eq3A_189 = vector.broadcast %eq3A : i32 to vector<16xi32>
      %eq3A_190 = arith.cmpi eq, %iota3A, %eq3A_189 : vector<16xi32>
      %broadcast_in_dim3A_191 = vector.shape_cast %max3A_172 : vector<16xi32> to vector<16x1xi32>
      %gather3A_192 = vector.shape_cast %broadcast_in_dim3A_191 : vector<16x1xi32> to vector<16xi32>
      %gather3A_193 = tpu.dynamic_gather %get3A_188[%gather3A_192] in [0] : vector<16xi32>, vector<16xi32> -> vector<16xi32>
      %select_n3A_194 = arith.select %eq3A_190, %gather3A_182, %gather3A_193 : vector<16xi1>, vector<16xi32>
      %broadcast_in_dim3A_195 = vector.shape_cast %broadcast_in_dim3A_174 : vector<16xi32> to vector<16x1xi32>
      %gather3A_196 = vector.shape_cast %broadcast_in_dim3A_195 : vector<16x1xi32> to vector<16xi32>
      %gather3A_197 = tpu.dynamic_gather %get3A_188[%gather3A_196] in [0] : vector<16xi32>, vector<16xi32> -> vector<16xi32>
      %add3A_198 = arith.constant 0 : i32
      %add3A_199 = arith.addi %add3A_132, %add3A_198 : i32
      %add3A_200 = vector.broadcast %add3A_199 : i32 to vector<16xi32>
      %add3A_201 = arith.addi %add3A_200, %iota3A : vector<16xi32>
      %ne3A_202 = arith.cmpi ne, %get3A_188, %select_n3A_194 : vector<16xi32>
      %ge3A_203 = vector.broadcast %max3A : i32 to vector<16xi32>
      %ge3A_204 = arith.cmpi sge, %add3A_201, %ge3A_203 : vector<16xi32>
      %and3A_205 = arith.andi %ne3A_202, %ge3A_204 : vector<16xi1>
      %lt3A_206 = vector.broadcast %min3A : i32 to vector<16xi32>
      %lt3A_207 = arith.cmpi slt, %add3A_201, %lt3A_206 : vector<16xi32>
      %and3A_208 = arith.andi %and3A_205, %lt3A_207 : vector<16xi1>
      %convert_element_type3A_209 = arith.extui %and3A_208 : vector<16xi1> to vector<16xi32>
      %broadcast_in_dim3A_210 = arith.constant true
      %broadcast_in_dim3A_211 = vector.broadcast %broadcast_in_dim3A_210 : i1 to vector<16xi1>
      %masked_cumsum3A = tpu.scan <sum>, %convert_element_type3A_209 masked %broadcast_in_dim3A_211 : vector<16xi32>, vector<16xi1> -> vector<16xi32>
      %add3A_212 = arith.addi %broadcast_in_dim3A_166, %masked_cumsum3A : vector<16xi32>
      %sub3A_213 = arith.constant 1 : i32
      %sub3A_214 = vector.broadcast %sub3A_213 : i32 to vector<16xi32>
      %sub3A_215 = arith.subi %add3A_212, %sub3A_214 : vector<16xi32>
      tpu.vector_store_idx %arg20[%sub3A_215], %add3A_201 masked %and3A_208 : memref<160xi32, #tpu.memory_space<vmem>>[vector<16xi32>], vector<16xi32>, vector<16xi1>
      tpu.vector_store_idx %arg21[%sub3A_215], %get3A_188 masked %and3A_208 : memref<160xi32, #tpu.memory_space<vmem>>[vector<16xi32>], vector<16xi32>, vector<16xi1>
      %broadcast_in_dim3A_216 = vector.shape_cast %broadcast_in_dim3A_174 : vector<16xi32> to vector<16x1xi32>
      %gather3A_217 = vector.shape_cast %broadcast_in_dim3A_216 : vector<16x1xi32> to vector<16xi32>
      %gather3A_218 = tpu.dynamic_gather %masked_cumsum3A[%gather3A_217] in [0] : vector<16xi32>, vector<16xi32> -> vector<16xi32>
      %add3A_219 = arith.addi %broadcast_in_dim3A_166, %gather3A_218 : vector<16xi32>
      %add3A_220 = arith.constant 8 : i32
      %add3A_221 = arith.addi %mul3A_176, %add3A_220 : i32
      %add3A_222 = arith.constant 16 : i32
      %add3A_223 = arith.addi %add3A_221, %add3A_222 : i32
      %get3A_224 = arith.index_cast %add3A_223 : i32 to index
      %get3A_225 = tpu.vector_load %arg12[%get3A_224] {strides = array<i32>} : memref<288xi32, #tpu.memory_space<vmem>>, vector<16xi32>,
      %eq3A_226 = arith.constant 0 : i32
      %eq3A_227 = vector.broadcast %eq3A_226 : i32 to vector<16xi32>
      %eq3A_228 = arith.cmpi eq, %iota3A, %eq3A_227 : vector<16xi32>
      %broadcast_in_dim3A_229 = vector.shape_cast %max3A_172 : vector<16xi32> to vector<16x1xi32>
      %gather3A_230 = vector.shape_cast %broadcast_in_dim3A_229 : vector<16x1xi32> to vector<16xi32>
      %gather3A_231 = tpu.dynamic_gather %get3A_225[%gather3A_230] in [0] : vector<16xi32>, vector<16xi32> -> vector<16xi32>
      %select_n3A_232 = arith.select %eq3A_228, %gather3A_197, %gather3A_231 : vector<16xi1>, vector<16xi32>
      %broadcast_in_dim3A_233 = vector.shape_cast %broadcast_in_dim3A_174 : vector<16xi32> to vector<16x1xi32>
      %gather3A_234 = vector.shape_cast %broadcast_in_dim3A_233 : vector<16x1xi32> to vector<16xi32>
      %gather3A_235 = tpu.dynamic_gather %get3A_225[%gather3A_234] in [0] : vector<16xi32>, vector<16xi32> -> vector<16xi32>
      %add3A_236 = arith.constant 16 : i32
      %add3A_237 = arith.addi %add3A_132, %add3A_236 : i32
      %add3A_238 = vector.broadcast %add3A_237 : i32 to vector<16xi32>
      %add3A_239 = arith.addi %add3A_238, %iota3A : vector<16xi32>
      %ne3A_240 = arith.cmpi ne, %get3A_225, %select_n3A_232 : vector<16xi32>
      %ge3A_241 = vector.broadcast %max3A : i32 to vector<16xi32>
      %ge3A_242 = arith.cmpi sge, %add3A_239, %ge3A_241 : vector<16xi32>
      %and3A_243 = arith.andi %ne3A_240, %ge3A_242 : vector<16xi1>
      %lt3A_244 = vector.broadcast %min3A : i32 to vector<16xi32>
      %lt3A_245 = arith.cmpi slt, %add3A_239, %lt3A_244 : vector<16xi32>
      %and3A_246 = arith.andi %and3A_243, %lt3A_245 : vector<16xi1>
      %convert_element_type3A_247 = arith.extui %and3A_246 : vector<16xi1> to vector<16xi32>
      %broadcast_in_dim3A_248 = arith.constant true
      %broadcast_in_dim3A_249 = vector.broadcast %broadcast_in_dim3A_248 : i1 to vector<16xi1>
      %masked_cumsum3A_250 = tpu.scan <sum>, %convert_element_type3A_247 masked %broadcast_in_dim3A_249 : vector<16xi32>, vector<16xi1> -> vector<16xi32>
      %add3A_251 = arith.addi %add3A_219, %masked_cumsum3A_250 : vector<16xi32>
      %sub3A_252 = arith.constant 1 : i32
      %sub3A_253 = vector.broadcast %sub3A_252 : i32 to vector<16xi32>
      %sub3A_254 = arith.subi %add3A_251, %sub3A_253 : vector<16xi32>
      tpu.vector_store_idx %arg20[%sub3A_254], %add3A_239 masked %and3A_246 : memref<160xi32, #tpu.memory_space<vmem>>[vector<16xi32>], vector<16xi32>, vector<16xi1>
      tpu.vector_store_idx %arg21[%sub3A_254], %get3A_225 masked %and3A_246 : memref<160xi32, #tpu.memory_space<vmem>>[vector<16xi32>], vector<16xi32>, vector<16xi1>
      %broadcast_in_dim3A_255 = vector.shape_cast %broadcast_in_dim3A_174 : vector<16xi32> to vector<16x1xi32>
      %gather3A_256 = vector.shape_cast %broadcast_in_dim3A_255 : vector<16x1xi32> to vector<16xi32>
      %gather3A_257 = tpu.dynamic_gather %masked_cumsum3A_250[%gather3A_256] in [0] : vector<16xi32>, vector<16xi32> -> vector<16xi32>
      %add3A_258 = arith.addi %add3A_219, %gather3A_257 : vector<16xi32>
      %add3A_259 = arith.constant 8 : i32
      %add3A_260 = arith.addi %mul3A_176, %add3A_259 : i32
      %add3A_261 = arith.constant 32 : i32
      %add3A_262 = arith.addi %add3A_260, %add3A_261 : i32
      %get3A_263 = arith.index_cast %add3A_262 : i32 to index
      %get3A_264 = tpu.vector_load %arg12[%get3A_263] {strides = array<i32>} : memref<288xi32, #tpu.memory_space<vmem>>, vector<16xi32>,
      %eq3A_265 = arith.constant 0 : i32
      %eq3A_266 = vector.broadcast %eq3A_265 : i32 to vector<16xi32>
      %eq3A_267 = arith.cmpi eq, %iota3A, %eq3A_266 : vector<16xi32>
      %broadcast_in_dim3A_268 = vector.shape_cast %max3A_172 : vector<16xi32> to vector<16x1xi32>
      %gather3A_269 = vector.shape_cast %broadcast_in_dim3A_268 : vector<16x1xi32> to vector<16xi32>
      %gather3A_270 = tpu.dynamic_gather %get3A_264[%gather3A_269] in [0] : vector<16xi32>, vector<16xi32> -> vector<16xi32>
      %select_n3A_271 = arith.select %eq3A_267, %gather3A_235, %gather3A_270 : vector<16xi1>, vector<16xi32>
      %broadcast_in_dim3A_272 = vector.shape_cast %broadcast_in_dim3A_174 : vector<16xi32> to vector<16x1xi32>
      %gather3A_273 = vector.shape_cast %broadcast_in_dim3A_272 : vector<16x1xi32> to vector<16xi32>
      %gather3A_274 = tpu.dynamic_gather %get3A_264[%gather3A_273] in [0] : vector<16xi32>, vector<16xi32> -> vector<16xi32>
      %add3A_275 = arith.constant 32 : i32
      %add3A_276 = arith.addi %add3A_132, %add3A_275 : i32
      %add3A_277 = vector.broadcast %add3A_276 : i32 to vector<16xi32>
      %add3A_278 = arith.addi %add3A_277, %iota3A : vector<16xi32>
      %ne3A_279 = arith.cmpi ne, %get3A_264, %select_n3A_271 : vector<16xi32>
      %ge3A_280 = vector.broadcast %max3A : i32 to vector<16xi32>
      %ge3A_281 = arith.cmpi sge, %add3A_278, %ge3A_280 : vector<16xi32>
      %and3A_282 = arith.andi %ne3A_279, %ge3A_281 : vector<16xi1>
      %lt3A_283 = vector.broadcast %min3A : i32 to vector<16xi32>
      %lt3A_284 = arith.cmpi slt, %add3A_278, %lt3A_283 : vector<16xi32>
      %and3A_285 = arith.andi %and3A_282, %lt3A_284 : vector<16xi1>
      %convert_element_type3A_286 = arith.extui %and3A_285 : vector<16xi1> to vector<16xi32>
      %broadcast_in_dim3A_287 = arith.constant true
      %broadcast_in_dim3A_288 = vector.broadcast %broadcast_in_dim3A_287 : i1 to vector<16xi1>
      %masked_cumsum3A_289 = tpu.scan <sum>, %convert_element_type3A_286 masked %broadcast_in_dim3A_288 : vector<16xi32>, vector<16xi1> -> vector<16xi32>
      %add3A_290 = arith.addi %add3A_258, %masked_cumsum3A_289 : vector<16xi32>
      %sub3A_291 = arith.constant 1 : i32
      %sub3A_292 = vector.broadcast %sub3A_291 : i32 to vector<16xi32>
      %sub3A_293 = arith.subi %add3A_290, %sub3A_292 : vector<16xi32>
      tpu.vector_store_idx %arg20[%sub3A_293], %add3A_278 masked %and3A_285 : memref<160xi32, #tpu.memory_space<vmem>>[vector<16xi32>], vector<16xi32>, vector<16xi1>
      tpu.vector_store_idx %arg21[%sub3A_293], %get3A_264 masked %and3A_285 : memref<160xi32, #tpu.memory_space<vmem>>[vector<16xi32>], vector<16xi32>, vector<16xi1>
      %broadcast_in_dim3A_294 = vector.shape_cast %broadcast_in_dim3A_174 : vector<16xi32> to vector<16x1xi32>
      %gather3A_295 = vector.shape_cast %broadcast_in_dim3A_294 : vector<16x1xi32> to vector<16xi32>
      %gather3A_296 = tpu.dynamic_gather %masked_cumsum3A_289[%gather3A_295] in [0] : vector<16xi32>, vector<16xi32> -> vector<16xi32>
      %add3A_297 = arith.addi %add3A_258, %gather3A_296 : vector<16xi32>
      %add3A_298 = arith.constant 8 : i32
      %add3A_299 = arith.addi %mul3A_176, %add3A_298 : i32
      %add3A_300 = arith.constant 48 : i32
      %add3A_301 = arith.addi %add3A_299, %add3A_300 : i32
      %get3A_302 = arith.index_cast %add3A_301 : i32 to index
      %get3A_303 = tpu.vector_load %arg12[%get3A_302] {strides = array<i32>} : memref<288xi32, #tpu.memory_space<vmem>>, vector<16xi32>,
      %eq3A_304 = arith.constant 0 : i32
      %eq3A_305 = vector.broadcast %eq3A_304 : i32 to vector<16xi32>
      %eq3A_306 = arith.cmpi eq, %iota3A, %eq3A_305 : vector<16xi32>
      %broadcast_in_dim3A_307 = vector.shape_cast %max3A_172 : vector<16xi32> to vector<16x1xi32>
      %gather3A_308 = vector.shape_cast %broadcast_in_dim3A_307 : vector<16x1xi32> to vector<16xi32>
      %gather3A_309 = tpu.dynamic_gather %get3A_303[%gather3A_308] in [0] : vector<16xi32>, vector<16xi32> -> vector<16xi32>
      %select_n3A_310 = arith.select %eq3A_306, %gather3A_274, %gather3A_309 : vector<16xi1>, vector<16xi32>
      %broadcast_in_dim3A_311 = vector.shape_cast %broadcast_in_dim3A_174 : vector<16xi32> to vector<16x1xi32>
      %gather3A_312 = vector.shape_cast %broadcast_in_dim3A_311 : vector<16x1xi32> to vector<16xi32>
      %gather3A_313 = tpu.dynamic_gather %get3A_303[%gather3A_312] in [0] : vector<16xi32>, vector<16xi32> -> vector<16xi32>
      %add3A_314 = arith.constant 48 : i32
      %add3A_315 = arith.addi %add3A_132, %add3A_314 : i32
      %add3A_316 = vector.broadcast %add3A_315 : i32 to vector<16xi32>
      %add3A_317 = arith.addi %add3A_316, %iota3A : vector<16xi32>
      %ne3A_318 = arith.cmpi ne, %get3A_303, %select_n3A_310 : vector<16xi32>
      %ge3A_319 = vector.broadcast %max3A : i32 to vector<16xi32>
      %ge3A_320 = arith.cmpi sge, %add3A_317, %ge3A_319 : vector<16xi32>
      %and3A_321 = arith.andi %ne3A_318, %ge3A_320 : vector<16xi1>
      %lt3A_322 = vector.broadcast %min3A : i32 to vector<16xi32>
      %lt3A_323 = arith.cmpi slt, %add3A_317, %lt3A_322 : vector<16xi32>
      %and3A_324 = arith.andi %and3A_321, %lt3A_323 : vector<16xi1>
      %convert_element_type3A_325 = arith.extui %and3A_324 : vector<16xi1> to vector<16xi32>
      %broadcast_in_dim3A_326 = arith.constant true
      %broadcast_in_dim3A_327 = vector.broadcast %broadcast_in_dim3A_326 : i1 to vector<16xi1>
      %masked_cumsum3A_328 = tpu.scan <sum>, %convert_element_type3A_325 masked %broadcast_in_dim3A_327 : vector<16xi32>, vector<16xi1> -> vector<16xi32>
      %add3A_329 = arith.addi %add3A_297, %masked_cumsum3A_328 : vector<16xi32>
      %sub3A_330 = arith.constant 1 : i32
      %sub3A_331 = vector.broadcast %sub3A_330 : i32 to vector<16xi32>
      %sub3A_332 = arith.subi %add3A_329, %sub3A_331 : vector<16xi32>
      tpu.vector_store_idx %arg20[%sub3A_332], %add3A_317 masked %and3A_324 : memref<160xi32, #tpu.memory_space<vmem>>[vector<16xi32>], vector<16xi32>, vector<16xi1>
      tpu.vector_store_idx %arg21[%sub3A_332], %get3A_303 masked %and3A_324 : memref<160xi32, #tpu.memory_space<vmem>>[vector<16xi32>], vector<16xi32>, vector<16xi1>
      %broadcast_in_dim3A_333 = vector.shape_cast %broadcast_in_dim3A_174 : vector<16xi32> to vector<16x1xi32>
      %gather3A_334 = vector.shape_cast %broadcast_in_dim3A_333 : vector<16x1xi32> to vector<16xi32>
      %gather3A_335 = tpu.dynamic_gather %masked_cumsum3A_328[%gather3A_334] in [0] : vector<16xi32>, vector<16xi32> -> vector<16xi32>
      %add3A_336 = arith.addi %add3A_297, %gather3A_335 : vector<16xi32>
      %add3A_337 = arith.constant 8 : i32
      %add3A_338 = arith.addi %mul3A_176, %add3A_337 : i32
      %add3A_339 = arith.constant 64 : i32
      %add3A_340 = arith.addi %add3A_338, %add3A_339 : i32
      %get3A_341 = arith.index_cast %add3A_340 : i32 to index
      %get3A_342 = tpu.vector_load %arg12[%get3A_341] {strides = array<i32>} : memref<288xi32, #tpu.memory_space<vmem>>, vector<16xi32>,
      %eq3A_343 = arith.constant 0 : i32
      %eq3A_344 = vector.broadcast %eq3A_343 : i32 to vector<16xi32>
      %eq3A_345 = arith.cmpi eq, %iota3A, %eq3A_344 : vector<16xi32>
      %broadcast_in_dim3A_346 = vector.shape_cast %max3A_172 : vector<16xi32> to vector<16x1xi32>
      %gather3A_347 = vector.shape_cast %broadcast_in_dim3A_346 : vector<16x1xi32> to vector<16xi32>
      %gather3A_348 = tpu.dynamic_gather %get3A_342[%gather3A_347] in [0] : vector<16xi32>, vector<16xi32> -> vector<16xi32>
      %select_n3A_349 = arith.select %eq3A_345, %gather3A_313, %gather3A_348 : vector<16xi1>, vector<16xi32>
      %broadcast_in_dim3A_350 = vector.shape_cast %broadcast_in_dim3A_174 : vector<16xi32> to vector<16x1xi32>
      %gather3A_351 = vector.shape_cast %broadcast_in_dim3A_350 : vector<16x1xi32> to vector<16xi32>
      %gather3A_352 = tpu.dynamic_gather %get3A_342[%gather3A_351] in [0] : vector<16xi32>, vector<16xi32> -> vector<16xi32>
      %add3A_353 = arith.constant 64 : i32
      %add3A_354 = arith.addi %add3A_132, %add3A_353 : i32
      %add3A_355 = vector.broadcast %add3A_354 : i32 to vector<16xi32>
      %add3A_356 = arith.addi %add3A_355, %iota3A : vector<16xi32>
      %ne3A_357 = arith.cmpi ne, %get3A_342, %select_n3A_349 : vector<16xi32>
      %ge3A_358 = vector.broadcast %max3A : i32 to vector<16xi32>
      %ge3A_359 = arith.cmpi sge, %add3A_356, %ge3A_358 : vector<16xi32>
      %and3A_360 = arith.andi %ne3A_357, %ge3A_359 : vector<16xi1>
      %lt3A_361 = vector.broadcast %min3A : i32 to vector<16xi32>
      %lt3A_362 = arith.cmpi slt, %add3A_356, %lt3A_361 : vector<16xi32>
      %and3A_363 = arith.andi %and3A_360, %lt3A_362 : vector<16xi1>
      %convert_element_type3A_364 = arith.extui %and3A_363 : vector<16xi1> to vector<16xi32>
      %broadcast_in_dim3A_365 = arith.constant true
      %broadcast_in_dim3A_366 = vector.broadcast %broadcast_in_dim3A_365 : i1 to vector<16xi1>
      %masked_cumsum3A_367 = tpu.scan <sum>, %convert_element_type3A_364 masked %broadcast_in_dim3A_366 : vector<16xi32>, vector<16xi1> -> vector<16xi32>
      %add3A_368 = arith.addi %add3A_336, %masked_cumsum3A_367 : vector<16xi32>
      %sub3A_369 = arith.constant 1 : i32
      %sub3A_370 = vector.broadcast %sub3A_369 : i32 to vector<16xi32>
      %sub3A_371 = arith.subi %add3A_368, %sub3A_370 : vector<16xi32>
      tpu.vector_store_idx %arg20[%sub3A_371], %add3A_356 masked %and3A_363 : memref<160xi32, #tpu.memory_space<vmem>>[vector<16xi32>], vector<16xi32>, vector<16xi1>
      tpu.vector_store_idx %arg21[%sub3A_371], %get3A_342 masked %and3A_363 : memref<160xi32, #tpu.memory_space<vmem>>[vector<16xi32>], vector<16xi32>, vector<16xi1>
      %broadcast_in_dim3A_372 = vector.shape_cast %broadcast_in_dim3A_174 : vector<16xi32> to vector<16x1xi32>
      %gather3A_373 = vector.shape_cast %broadcast_in_dim3A_372 : vector<16x1xi32> to vector<16xi32>
      %gather3A_374 = tpu.dynamic_gather %masked_cumsum3A_367[%gather3A_373] in [0] : vector<16xi32>, vector<16xi32> -> vector<16xi32>
      %add3A_375 = arith.addi %add3A_336, %gather3A_374 : vector<16xi32>
      %add3A_376 = arith.constant 8 : i32
      %add3A_377 = arith.addi %mul3A_176, %add3A_376 : i32
      %add3A_378 = arith.constant 80 : i32
      %add3A_379 = arith.addi %add3A_377, %add3A_378 : i32
      %get3A_380 = arith.index_cast %add3A_379 : i32 to index
      %get3A_381 = tpu.vector_load %arg12[%get3A_380] {strides = array<i32>} : memref<288xi32, #tpu.memory_space<vmem>>, vector<16xi32>,
      %eq3A_382 = arith.constant 0 : i32
      %eq3A_383 = vector.broadcast %eq3A_382 : i32 to vector<16xi32>
      %eq3A_384 = arith.cmpi eq, %iota3A, %eq3A_383 : vector<16xi32>
      %broadcast_in_dim3A_385 = vector.shape_cast %max3A_172 : vector<16xi32> to vector<16x1xi32>
      %gather3A_386 = vector.shape_cast %broadcast_in_dim3A_385 : vector<16x1xi32> to vector<16xi32>
      %gather3A_387 = tpu.dynamic_gather %get3A_381[%gather3A_386] in [0] : vector<16xi32>, vector<16xi32> -> vector<16xi32>
      %select_n3A_388 = arith.select %eq3A_384, %gather3A_352, %gather3A_387 : vector<16xi1>, vector<16xi32>
      %broadcast_in_dim3A_389 = vector.shape_cast %broadcast_in_dim3A_174 : vector<16xi32> to vector<16x1xi32>
      %gather3A_390 = vector.shape_cast %broadcast_in_dim3A_389 : vector<16x1xi32> to vector<16xi32>
      %gather3A_391 = tpu.dynamic_gather %get3A_381[%gather3A_390] in [0] : vector<16xi32>, vector<16xi32> -> vector<16xi32>
      %add3A_392 = arith.constant 80 : i32
      %add3A_393 = arith.addi %add3A_132, %add3A_392 : i32
      %add3A_394 = vector.broadcast %add3A_393 : i32 to vector<16xi32>
      %add3A_395 = arith.addi %add3A_394, %iota3A : vector<16xi32>
      %ne3A_396 = arith.cmpi ne, %get3A_381, %select_n3A_388 : vector<16xi32>
      %ge3A_397 = vector.broadcast %max3A : i32 to vector<16xi32>
      %ge3A_398 = arith.cmpi sge, %add3A_395, %ge3A_397 : vector<16xi32>
      %and3A_399 = arith.andi %ne3A_396, %ge3A_398 : vector<16xi1>
      %lt3A_400 = vector.broadcast %min3A : i32 to vector<16xi32>
      %lt3A_401 = arith.cmpi slt, %add3A_395, %lt3A_400 : vector<16xi32>
      %and3A_402 = arith.andi %and3A_399, %lt3A_401 : vector<16xi1>
      %convert_element_type3A_403 = arith.extui %and3A_402 : vector<16xi1> to vector<16xi32>
      %broadcast_in_dim3A_404 = arith.constant true
      %broadcast_in_dim3A_405 = vector.broadcast %broadcast_in_dim3A_404 : i1 to vector<16xi1>
      %masked_cumsum3A_406 = tpu.scan <sum>, %convert_element_type3A_403 masked %broadcast_in_dim3A_405 : vector<16xi32>, vector<16xi1> -> vector<16xi32>
      %add3A_407 = arith.addi %add3A_375, %masked_cumsum3A_406 : vector<16xi32>
      %sub3A_408 = arith.constant 1 : i32
      %sub3A_409 = vector.broadcast %sub3A_408 : i32 to vector<16xi32>
      %sub3A_410 = arith.subi %add3A_407, %sub3A_409 : vector<16xi32>
      tpu.vector_store_idx %arg20[%sub3A_410], %add3A_395 masked %and3A_402 : memref<160xi32, #tpu.memory_space<vmem>>[vector<16xi32>], vector<16xi32>, vector<16xi1>
      tpu.vector_store_idx %arg21[%sub3A_410], %get3A_381 masked %and3A_402 : memref<160xi32, #tpu.memory_space<vmem>>[vector<16xi32>], vector<16xi32>, vector<16xi1>
      %broadcast_in_dim3A_411 = vector.shape_cast %broadcast_in_dim3A_174 : vector<16xi32> to vector<16x1xi32>
      %gather3A_412 = vector.shape_cast %broadcast_in_dim3A_411 : vector<16x1xi32> to vector<16xi32>
      %gather3A_413 = tpu.dynamic_gather %masked_cumsum3A_406[%gather3A_412] in [0] : vector<16xi32>, vector<16xi32> -> vector<16xi32>
      %add3A_414 = arith.addi %add3A_375, %gather3A_413 : vector<16xi32>
      %add3A_415 = arith.constant 8 : i32
      %add3A_416 = arith.addi %mul3A_176, %add3A_415 : i32
      %add3A_417 = arith.constant 96 : i32
      %add3A_418 = arith.addi %add3A_416, %add3A_417 : i32
      %get3A_419 = arith.index_cast %add3A_418 : i32 to index
      %get3A_420 = tpu.vector_load %arg12[%get3A_419] {strides = array<i32>} : memref<288xi32, #tpu.memory_space<vmem>>, vector<16xi32>,
      %eq3A_421 = arith.constant 0 : i32
      %eq3A_422 = vector.broadcast %eq3A_421 : i32 to vector<16xi32>
      %eq3A_423 = arith.cmpi eq, %iota3A, %eq3A_422 : vector<16xi32>
      %broadcast_in_dim3A_424 = vector.shape_cast %max3A_172 : vector<16xi32> to vector<16x1xi32>
      %gather3A_425 = vector.shape_cast %broadcast_in_dim3A_424 : vector<16x1xi32> to vector<16xi32>
      %gather3A_426 = tpu.dynamic_gather %get3A_420[%gather3A_425] in [0] : vector<16xi32>, vector<16xi32> -> vector<16xi32>
      %select_n3A_427 = arith.select %eq3A_423, %gather3A_391, %gather3A_426 : vector<16xi1>, vector<16xi32>
      %broadcast_in_dim3A_428 = vector.shape_cast %broadcast_in_dim3A_174 : vector<16xi32> to vector<16x1xi32>
      %gather3A_429 = vector.shape_cast %broadcast_in_dim3A_428 : vector<16x1xi32> to vector<16xi32>
      %gather3A_430 = tpu.dynamic_gather %get3A_420[%gather3A_429] in [0] : vector<16xi32>, vector<16xi32> -> vector<16xi32>
      %add3A_431 = arith.constant 96 : i32
      %add3A_432 = arith.addi %add3A_132, %add3A_431 : i32
      %add3A_433 = vector.broadcast %add3A_432 : i32 to vector<16xi32>
      %add3A_434 = arith.addi %add3A_433, %iota3A : vector<16xi32>
      %ne3A_435 = arith.cmpi ne, %get3A_420, %select_n3A_427 : vector<16xi32>
      %ge3A_436 = vector.broadcast %max3A : i32 to vector<16xi32>
      %ge3A_437 = arith.cmpi sge, %add3A_434, %ge3A_436 : vector<16xi32>
      %and3A_438 = arith.andi %ne3A_435, %ge3A_437 : vector<16xi1>
      %lt3A_439 = vector.broadcast %min3A : i32 to vector<16xi32>
      %lt3A_440 = arith.cmpi slt, %add3A_434, %lt3A_439 : vector<16xi32>
      %and3A_441 = arith.andi %and3A_438, %lt3A_440 : vector<16xi1>
      %convert_element_type3A_442 = arith.extui %and3A_441 : vector<16xi1> to vector<16xi32>
      %broadcast_in_dim3A_443 = arith.constant true
      %broadcast_in_dim3A_444 = vector.broadcast %broadcast_in_dim3A_443 : i1 to vector<16xi1>
      %masked_cumsum3A_445 = tpu.scan <sum>, %convert_element_type3A_442 masked %broadcast_in_dim3A_444 : vector<16xi32>, vector<16xi1> -> vector<16xi32>
      %add3A_446 = arith.addi %add3A_414, %masked_cumsum3A_445 : vector<16xi32>
      %sub3A_447 = arith.constant 1 : i32
      %sub3A_448 = vector.broadcast %sub3A_447 : i32 to vector<16xi32>
      %sub3A_449 = arith.subi %add3A_446, %sub3A_448 : vector<16xi32>
      tpu.vector_store_idx %arg20[%sub3A_449], %add3A_434 masked %and3A_441 : memref<160xi32, #tpu.memory_space<vmem>>[vector<16xi32>], vector<16xi32>, vector<16xi1>
      tpu.vector_store_idx %arg21[%sub3A_449], %get3A_420 masked %and3A_441 : memref<160xi32, #tpu.memory_space<vmem>>[vector<16xi32>], vector<16xi32>, vector<16xi1>
      %broadcast_in_dim3A_450 = vector.shape_cast %broadcast_in_dim3A_174 : vector<16xi32> to vector<16x1xi32>
      %gather3A_451 = vector.shape_cast %broadcast_in_dim3A_450 : vector<16x1xi32> to vector<16xi32>
      %gather3A_452 = tpu.dynamic_gather %masked_cumsum3A_445[%gather3A_451] in [0] : vector<16xi32>, vector<16xi32> -> vector<16xi32>
      %add3A_453 = arith.addi %add3A_414, %gather3A_452 : vector<16xi32>
      %add3A_454 = arith.constant 8 : i32
      %add3A_455 = arith.addi %mul3A_176, %add3A_454 : i32
      %add3A_456 = arith.constant 112 : i32
      %add3A_457 = arith.addi %add3A_455, %add3A_456 : i32
      %get3A_458 = arith.index_cast %add3A_457 : i32 to index
      %get3A_459 = tpu.vector_load %arg12[%get3A_458] {strides = array<i32>} : memref<288xi32, #tpu.memory_space<vmem>>, vector<16xi32>,
      %eq3A_460 = arith.constant 0 : i32
      %eq3A_461 = vector.broadcast %eq3A_460 : i32 to vector<16xi32>
      %eq3A_462 = arith.cmpi eq, %iota3A, %eq3A_461 : vector<16xi32>
      %broadcast_in_dim3A_463 = vector.shape_cast %max3A_172 : vector<16xi32> to vector<16x1xi32>
      %gather3A_464 = vector.shape_cast %broadcast_in_dim3A_463 : vector<16x1xi32> to vector<16xi32>
      %gather3A_465 = tpu.dynamic_gather %get3A_459[%gather3A_464] in [0] : vector<16xi32>, vector<16xi32> -> vector<16xi32>
      %select_n3A_466 = arith.select %eq3A_462, %gather3A_430, %gather3A_465 : vector<16xi1>, vector<16xi32>
      %broadcast_in_dim3A_467 = vector.shape_cast %broadcast_in_dim3A_174 : vector<16xi32> to vector<16x1xi32>
      %gather3A_468 = vector.shape_cast %broadcast_in_dim3A_467 : vector<16x1xi32> to vector<16xi32>
      %gather3A_469 = tpu.dynamic_gather %get3A_459[%gather3A_468] in [0] : vector<16xi32>, vector<16xi32> -> vector<16xi32>
      %add3A_470 = arith.constant 112 : i32
      %add3A_471 = arith.addi %add3A_132, %add3A_470 : i32
      %add3A_472 = vector.broadcast %add3A_471 : i32 to vector<16xi32>
      %add3A_473 = arith.addi %add3A_472, %iota3A : vector<16xi32>
      %ne3A_474 = arith.cmpi ne, %get3A_459, %select_n3A_466 : vector<16xi32>
      %ge3A_475 = vector.broadcast %max3A : i32 to vector<16xi32>
      %ge3A_476 = arith.cmpi sge, %add3A_473, %ge3A_475 : vector<16xi32>
      %and3A_477 = arith.andi %ne3A_474, %ge3A_476 : vector<16xi1>
      %lt3A_478 = vector.broadcast %min3A : i32 to vector<16xi32>
      %lt3A_479 = arith.cmpi slt, %add3A_473, %lt3A_478 : vector<16xi32>
      %and3A_480 = arith.andi %and3A_477, %lt3A_479 : vector<16xi1>
      %convert_element_type3A_481 = arith.extui %and3A_480 : vector<16xi1> to vector<16xi32>
      %broadcast_in_dim3A_482 = arith.constant true
      %broadcast_in_dim3A_483 = vector.broadcast %broadcast_in_dim3A_482 : i1 to vector<16xi1>
      %masked_cumsum3A_484 = tpu.scan <sum>, %convert_element_type3A_481 masked %broadcast_in_dim3A_483 : vector<16xi32>, vector<16xi1> -> vector<16xi32>
      %add3A_485 = arith.addi %add3A_453, %masked_cumsum3A_484 : vector<16xi32>
      %sub3A_486 = arith.constant 1 : i32
      %sub3A_487 = vector.broadcast %sub3A_486 : i32 to vector<16xi32>
      %sub3A_488 = arith.subi %add3A_485, %sub3A_487 : vector<16xi32>
      tpu.vector_store_idx %arg20[%sub3A_488], %add3A_473 masked %and3A_480 : memref<160xi32, #tpu.memory_space<vmem>>[vector<16xi32>], vector<16xi32>, vector<16xi1>
      tpu.vector_store_idx %arg21[%sub3A_488], %get3A_459 masked %and3A_480 : memref<160xi32, #tpu.memory_space<vmem>>[vector<16xi32>], vector<16xi32>, vector<16xi1>
      %broadcast_in_dim3A_489 = vector.shape_cast %broadcast_in_dim3A_174 : vector<16xi32> to vector<16x1xi32>
      %gather3A_490 = vector.shape_cast %broadcast_in_dim3A_489 : vector<16x1xi32> to vector<16xi32>
      %gather3A_491 = tpu.dynamic_gather %masked_cumsum3A_484[%gather3A_490] in [0] : vector<16xi32>, vector<16xi32> -> vector<16xi32>
      %add3A_492 = arith.addi %add3A_453, %gather3A_491 : vector<16xi32>
      %broadcast_in_dim3A_493 = arith.constant 1 : i32
      %broadcast_in_dim3A_494 = vector.broadcast %broadcast_in_dim3A_493 : i32 to vector<16xi32>
      %mul3A_495 = vector.broadcast %min3A : i32 to vector<16xi32>
      %mul3A_496 = arith.muli %broadcast_in_dim3A_494, %mul3A_495 : vector<16xi32>
      %eq3A_497 = arith.constant 0 : i32
      %eq3A_498 = vector.broadcast %eq3A_497 : i32 to vector<16xi32>
      %eq3A_499 = arith.cmpi eq, %iota3A, %eq3A_498 : vector<16xi32>
      tpu.vector_store_idx %arg20[%add3A_492], %mul3A_496 masked %eq3A_499 : memref<160xi32, #tpu.memory_space<vmem>>[vector<16xi32>], vector<16xi32>, vector<16xi1>
      %slice3A_500 = vector.extract_strided_slice %add3A_492 {offsets = [0], sizes = [1], strides = [1]} : vector<16xi32> to vector<1xi32>
      %squeeze3A_501 = vector.extract %slice3A_500[0] : i32 from vector<1xi32>
      %add3A_502 = arith.constant 1 : i32
      %add3A_503 = arith.addi %squeeze3A_501, %add3A_502 : i32
      %while3A_504 = arith.constant 0 : i32
      %while3A_505 = arith.subi %add3A_503, %while3A_504 : i32
      %while3A_506 = arith.addi %while3A_504, %while3A_505 : i32
      %while3A_507 = arith.constant 1 : i32
      %while3A_508 = arith.divsi %while3A_505, %while3A_507 : i32
      %while3A_509 = arith.muli %while3A_508, %while3A_507 : i32
      %while3A_510 = arith.addi %while3A_504, %while3A_509 : i32
      %while3A_511 = arith.constant 1 : i32
      %while3A_512:18 = scf.for %while3A_515 = %while3A_504 to %while3A_510 step %while3A_511 iter_args(%while3A_516 = %while3A_112, %while3A_517 = %while3A_113, %while3A_518 = %while3A_114, %while3A_519 = %while3A_115, %while3A_520 = %while3A_116, %while3A_521 = %while3A_117, %while3A_522 = %while3A_118, %while3A_523 = %while3A_119, %while3A_524 = %while3A_120, %while3A_525 = %while3A_121, %while3A_526 = %while3A_122, %while3A_527 = %while3A_123, %while3A_528 = %while3A_124, %while3A_529 = %while3A_125, %while3A_530 = %while3A_126, %while3A_531 = %while3A_127, %while3A_532 = %while3A_128, %while3A_533 = %while3A_129) -> (i32, i32, vector<16xf32>, vector<16xf32>, vector<16xf32>, vector<16xf32>, vector<16xf32>, vector<16xf32>, vector<16xf32>, vector<16xf32>, vector<16xf32>, vector<16xf32>, vector<16xf32>, vector<16xf32>, vector<16xf32>, vector<16xf32>, vector<16xf32>, vector<16xf32>)  : i32 {
        %broadcast_in_dim3A_534 = arith.constant 1 : i32
        %broadcast_in_dim3A_535 = vector.broadcast %broadcast_in_dim3A_534 : i32 to vector<16xi32>
        %mul3A_536 = vector.broadcast %while3A_515 : i32 to vector<16xi32>
        %mul3A_537 = arith.muli %broadcast_in_dim3A_535, %mul3A_536 : vector<16xi32>
        %gather3A_538 = tpu.vector_load_idx %arg20[%mul3A_537] : memref<160xi32, #tpu.memory_space<vmem>>[vector<16xi32>], vector<16xi32>,
        %slice3A_539 = vector.extract_strided_slice %gather3A_538 {offsets = [0], sizes = [1], strides = [1]} : vector<16xi32> to vector<1xi32>
        %squeeze3A_540 = vector.extract %slice3A_539[0] : i32 from vector<1xi32>
        %sub3A_541 = arith.subi %while3A_517, %add3A_132 : i32
        %jit3A_542 = arith.constant 0 : i32
        %jit3A_543 = arith.constant 127 : i32
        %max3A_544 = arith.maxsi %jit3A_542, %sub3A_541 : i32
        %min3A_545 = arith.minsi %jit3A_543, %max3A_544 : i32
        %get3A_546 = arith.index_cast %rem3A_134 : i32 to index
        %get3A_547 = arith.index_cast %min3A_545 : i32 to index
        %get3A_548 = arith.constant 0 : index
        %get3A_549 = tpu.vector_load %arg14[%get3A_546, %get3A_547, %get3A_548] {strides = array<i32>} : memref<2x128x128xf32, #tpu.memory_space<vmem>>, vector<16xf32>,
        %get3A_550 = arith.index_cast %rem3A_134 : i32 to index
        %get3A_551 = arith.index_cast %min3A_545 : i32 to index
        %get3A_552 = arith.constant 16 : index
        %get3A_553 = tpu.vector_load %arg14[%get3A_550, %get3A_551, %get3A_552] {strides = array<i32>} : memref<2x128x128xf32, #tpu.memory_space<vmem>>, vector<16xf32>,
        %get3A_554 = arith.index_cast %rem3A_134 : i32 to index
        %get3A_555 = arith.index_cast %min3A_545 : i32 to index
        %get3A_556 = arith.constant 32 : index
        %get3A_557 = tpu.vector_load %arg14[%get3A_554, %get3A_555, %get3A_556] {strides = array<i32>} : memref<2x128x128xf32, #tpu.memory_space<vmem>>, vector<16xf32>,
        %get3A_558 = arith.index_cast %rem3A_134 : i32 to index
        %get3A_559 = arith.index_cast %min3A_545 : i32 to index
        %get3A_560 = arith.constant 48 : index
        %get3A_561 = tpu.vector_load %arg14[%get3A_558, %get3A_559, %get3A_560] {strides = array<i32>} : memref<2x128x128xf32, #tpu.memory_space<vmem>>, vector<16xf32>,
        %get3A_562 = arith.index_cast %rem3A_134 : i32 to index
        %get3A_563 = arith.index_cast %min3A_545 : i32 to index
        %get3A_564 = arith.constant 64 : index
        %get3A_565 = tpu.vector_load %arg14[%get3A_562, %get3A_563, %get3A_564] {strides = array<i32>} : memref<2x128x128xf32, #tpu.memory_space<vmem>>, vector<16xf32>,
        %get3A_566 = arith.index_cast %rem3A_134 : i32 to index
        %get3A_567 = arith.index_cast %min3A_545 : i32 to index
        %get3A_568 = arith.constant 80 : index
        %get3A_569 = tpu.vector_load %arg14[%get3A_566, %get3A_567, %get3A_568] {strides = array<i32>} : memref<2x128x128xf32, #tpu.memory_space<vmem>>, vector<16xf32>,
        %get3A_570 = arith.index_cast %rem3A_134 : i32 to index
        %get3A_571 = arith.index_cast %min3A_545 : i32 to index
        %get3A_572 = arith.constant 96 : index
        %get3A_573 = tpu.vector_load %arg14[%get3A_570, %get3A_571, %get3A_572] {strides = array<i32>} : memref<2x128x128xf32, #tpu.memory_space<vmem>>, vector<16xf32>,
        %get3A_574 = arith.index_cast %rem3A_134 : i32 to index
        %get3A_575 = arith.index_cast %min3A_545 : i32 to index
        %get3A_576 = arith.constant 112 : index
        %get3A_577 = tpu.vector_load %arg14[%get3A_574, %get3A_575, %get3A_576] {strides = array<i32>} : memref<2x128x128xf32, #tpu.memory_space<vmem>>, vector<16xf32>,
        %while3A_578 = arith.subi %squeeze3A_540, %while3A_517 : i32
        %while3A_579 = arith.addi %while3A_517, %while3A_578 : i32
        %while3A_580 = arith.constant 1 : i32
        %while3A_581 = arith.divsi %while3A_578, %while3A_580 : i32
        %while3A_582 = arith.muli %while3A_581, %while3A_580 : i32
        %while3A_583 = arith.addi %while3A_517, %while3A_582 : i32
        %while3A_584 = arith.constant 1 : i32
        %while3A_585:16 = scf.for %while3A_617 = %while3A_517 to %while3A_583 step %while3A_584 iter_args(%while3A_618 = %while3A_518, %while3A_619 = %while3A_519, %while3A_620 = %while3A_520, %while3A_621 = %while3A_521, %while3A_622 = %while3A_522, %while3A_623 = %while3A_523, %while3A_624 = %while3A_524, %while3A_625 = %while3A_525, %while3A_626 = %while3A_526, %while3A_627 = %while3A_527, %while3A_628 = %while3A_528, %while3A_629 = %while3A_529, %while3A_630 = %while3A_530, %while3A_631 = %while3A_531, %while3A_632 = %while3A_532, %while3A_633 = %while3A_533) -> (vector<16xf32>, vector<16xf32>, vector<16xf32>, vector<16xf32>, vector<16xf32>, vector<16xf32>, vector<16xf32>, vector<16xf32>, vector<16xf32>, vector<16xf32>, vector<16xf32>, vector<16xf32>, vector<16xf32>, vector<16xf32>, vector<16xf32>, vector<16xf32>)  : i32 {
          %sub3A_634 = arith.subi %while3A_617, %add3A_132 : i32
          %get3A_635 = arith.index_cast %rem3A_134 : i32 to index
          %get3A_636 = arith.index_cast %sub3A_634 : i32 to index
          %get3A_637 = arith.constant 0 : index
          %get3A_638 = tpu.vector_load %arg13[%get3A_635, %get3A_636, %get3A_637] {strides = array<i32>} : memref<2x128x128xf32, #tpu.memory_space<vmem>>, vector<16xf32>,
          %get3A_639 = arith.index_cast %rem3A_134 : i32 to index
          %get3A_640 = arith.index_cast %sub3A_634 : i32 to index
          %get3A_641 = arith.constant 16 : index
          %get3A_642 = tpu.vector_load %arg13[%get3A_639, %get3A_640, %get3A_641] {strides = array<i32>} : memref<2x128x128xf32, #tpu.memory_space<vmem>>, vector<16xf32>,
          %get3A_643 = arith.index_cast %rem3A_134 : i32 to index
          %get3A_644 = arith.index_cast %sub3A_634 : i32 to index
          %get3A_645 = arith.constant 32 : index
          %get3A_646 = tpu.vector_load %arg13[%get3A_643, %get3A_644, %get3A_645] {strides = array<i32>} : memref<2x128x128xf32, #tpu.memory_space<vmem>>, vector<16xf32>,
          %get3A_647 = arith.index_cast %rem3A_134 : i32 to index
          %get3A_648 = arith.index_cast %sub3A_634 : i32 to index
          %get3A_649 = arith.constant 48 : index
          %get3A_650 = tpu.vector_load %arg13[%get3A_647, %get3A_648, %get3A_649] {strides = array<i32>} : memref<2x128x128xf32, #tpu.memory_space<vmem>>, vector<16xf32>,
          %get3A_651 = arith.index_cast %rem3A_134 : i32 to index
          %get3A_652 = arith.index_cast %sub3A_634 : i32 to index
          %get3A_653 = arith.constant 64 : index
          %get3A_654 = tpu.vector_load %arg13[%get3A_651, %get3A_652, %get3A_653] {strides = array<i32>} : memref<2x128x128xf32, #tpu.memory_space<vmem>>, vector<16xf32>,
          %get3A_655 = arith.index_cast %rem3A_134 : i32 to index
          %get3A_656 = arith.index_cast %sub3A_634 : i32 to index
          %get3A_657 = arith.constant 80 : index
          %get3A_658 = tpu.vector_load %arg13[%get3A_655, %get3A_656, %get3A_657] {strides = array<i32>} : memref<2x128x128xf32, #tpu.memory_space<vmem>>, vector<16xf32>,
          %get3A_659 = arith.index_cast %rem3A_134 : i32 to index
          %get3A_660 = arith.index_cast %sub3A_634 : i32 to index
          %get3A_661 = arith.constant 96 : index
          %get3A_662 = tpu.vector_load %arg13[%get3A_659, %get3A_660, %get3A_661] {strides = array<i32>} : memref<2x128x128xf32, #tpu.memory_space<vmem>>, vector<16xf32>,
          %get3A_663 = arith.index_cast %rem3A_134 : i32 to index
          %get3A_664 = arith.index_cast %sub3A_634 : i32 to index
          %get3A_665 = arith.constant 112 : index
          %get3A_666 = tpu.vector_load %arg13[%get3A_663, %get3A_664, %get3A_665] {strides = array<i32>} : memref<2x128x128xf32, #tpu.memory_space<vmem>>, vector<16xf32>,
          %add3A_667 = arith.addf %get3A_638, %get3A_549 : vector<16xf32>
          %mul3A_668 = arith.constant 2.000000e-01 : f32
          %mul3A_669 = vector.broadcast %mul3A_668 : f32 to vector<16xf32>
          %mul3A_670 = arith.mulf %mul3A_669, %add3A_667 : vector<16xf32>
          %max3A_671 = arith.maximumf %add3A_667, %mul3A_670 : vector<16xf32>
          %mul3A_672 = arith.mulf %max3A_671, %get3A_11 : vector<16xf32>
          %add3A_673 = arith.addf %get3A_642, %get3A_553 : vector<16xf32>
          %mul3A_674 = arith.constant 2.000000e-01 : f32
          %mul3A_675 = vector.broadcast %mul3A_674 : f32 to vector<16xf32>
          %mul3A_676 = arith.mulf %mul3A_675, %add3A_673 : vector<16xf32>
          %max3A_677 = arith.maximumf %add3A_673, %mul3A_676 : vector<16xf32>
          %mul3A_678 = arith.mulf %max3A_677, %get3A_13 : vector<16xf32>
          %add3A_679 = arith.addf %get3A_646, %get3A_557 : vector<16xf32>
          %mul3A_680 = arith.constant 2.000000e-01 : f32
          %mul3A_681 = vector.broadcast %mul3A_680 : f32 to vector<16xf32>
          %mul3A_682 = arith.mulf %mul3A_681, %add3A_679 : vector<16xf32>
          %max3A_683 = arith.maximumf %add3A_679, %mul3A_682 : vector<16xf32>
          %mul3A_684 = arith.mulf %max3A_683, %get3A_11 : vector<16xf32>
          %add3A_685 = arith.addf %get3A_650, %get3A_561 : vector<16xf32>
          %mul3A_686 = arith.constant 2.000000e-01 : f32
          %mul3A_687 = vector.broadcast %mul3A_686 : f32 to vector<16xf32>
          %mul3A_688 = arith.mulf %mul3A_687, %add3A_685 : vector<16xf32>
          %max3A_689 = arith.maximumf %add3A_685, %mul3A_688 : vector<16xf32>
          %mul3A_690 = arith.mulf %max3A_689, %get3A_13 : vector<16xf32>
          %add3A_691 = arith.addf %get3A_654, %get3A_565 : vector<16xf32>
          %mul3A_692 = arith.constant 2.000000e-01 : f32
          %mul3A_693 = vector.broadcast %mul3A_692 : f32 to vector<16xf32>
          %mul3A_694 = arith.mulf %mul3A_693, %add3A_691 : vector<16xf32>
          %max3A_695 = arith.maximumf %add3A_691, %mul3A_694 : vector<16xf32>
          %mul3A_696 = arith.mulf %max3A_695, %get3A_11 : vector<16xf32>
          %add3A_697 = arith.addf %get3A_658, %get3A_569 : vector<16xf32>
          %mul3A_698 = arith.constant 2.000000e-01 : f32
          %mul3A_699 = vector.broadcast %mul3A_698 : f32 to vector<16xf32>
          %mul3A_700 = arith.mulf %mul3A_699, %add3A_697 : vector<16xf32>
          %max3A_701 = arith.maximumf %add3A_697, %mul3A_700 : vector<16xf32>
          %mul3A_702 = arith.mulf %max3A_701, %get3A_13 : vector<16xf32>
          %add3A_703 = arith.addf %get3A_662, %get3A_573 : vector<16xf32>
          %mul3A_704 = arith.constant 2.000000e-01 : f32
          %mul3A_705 = vector.broadcast %mul3A_704 : f32 to vector<16xf32>
          %mul3A_706 = arith.mulf %mul3A_705, %add3A_703 : vector<16xf32>
          %max3A_707 = arith.maximumf %add3A_703, %mul3A_706 : vector<16xf32>
          %mul3A_708 = arith.mulf %max3A_707, %get3A_11 : vector<16xf32>
          %add3A_709 = arith.addf %get3A_666, %get3A_577 : vector<16xf32>
          %mul3A_710 = arith.constant 2.000000e-01 : f32
          %mul3A_711 = vector.broadcast %mul3A_710 : f32 to vector<16xf32>
          %mul3A_712 = arith.mulf %mul3A_711, %add3A_709 : vector<16xf32>
          %max3A_713 = arith.maximumf %add3A_709, %mul3A_712 : vector<16xf32>
          %mul3A_714 = arith.mulf %max3A_713, %get3A_13 : vector<16xf32>
          %add3A_715 = arith.addf %mul3A_672, %mul3A_678 : vector<16xf32>
          %iota3A_716 = tpu.iota {dimensions = array<i32: 0>} : vector<16xi32>
          %xor3A = arith.constant 1 : i32
          %xor3A_717 = vector.broadcast %xor3A : i32 to vector<16xi32>
          %xor3A_718 = arith.xori %iota3A_716, %xor3A_717 : vector<16xi32>
          %broadcast_in_dim3A_719 = vector.shape_cast %xor3A_718 : vector<16xi32> to vector<16x1xi32>
          %gather3A_720 = vector.shape_cast %broadcast_in_dim3A_719 : vector<16x1xi32> to vector<16xi32>
          %gather3A_721 = tpu.dynamic_gather %add3A_715[%gather3A_720] in [0] : vector<16xf32>, vector<16xi32> -> vector<16xf32>
          %add3A_722 = arith.addf %add3A_715, %gather3A_721 : vector<16xf32>
          %iota3A_723 = tpu.iota {dimensions = array<i32: 0>} : vector<16xi32>
          %xor3A_724 = arith.constant 2 : i32
          %xor3A_725 = vector.broadcast %xor3A_724 : i32 to vector<16xi32>
          %xor3A_726 = arith.xori %iota3A_723, %xor3A_725 : vector<16xi32>
          %broadcast_in_dim3A_727 = vector.shape_cast %xor3A_726 : vector<16xi32> to vector<16x1xi32>
          %gather3A_728 = vector.shape_cast %broadcast_in_dim3A_727 : vector<16x1xi32> to vector<16xi32>
          %gather3A_729 = tpu.dynamic_gather %add3A_722[%gather3A_728] in [0] : vector<16xf32>, vector<16xi32> -> vector<16xf32>
          %add3A_730 = arith.addf %add3A_722, %gather3A_729 : vector<16xf32>
          %iota3A_731 = tpu.iota {dimensions = array<i32: 0>} : vector<16xi32>
          %xor3A_732 = arith.constant 4 : i32
          %xor3A_733 = vector.broadcast %xor3A_732 : i32 to vector<16xi32>
          %xor3A_734 = arith.xori %iota3A_731, %xor3A_733 : vector<16xi32>
          %broadcast_in_dim3A_735 = vector.shape_cast %xor3A_734 : vector<16xi32> to vector<16x1xi32>
          %gather3A_736 = vector.shape_cast %broadcast_in_dim3A_735 : vector<16x1xi32> to vector<16xi32>
          %gather3A_737 = tpu.dynamic_gather %add3A_730[%gather3A_736] in [0] : vector<16xf32>, vector<16xi32> -> vector<16xf32>
          %add3A_738 = arith.addf %add3A_730, %gather3A_737 : vector<16xf32>
          %iota3A_739 = tpu.iota {dimensions = array<i32: 0>} : vector<16xi32>
          %xor3A_740 = arith.constant 8 : i32
          %xor3A_741 = vector.broadcast %xor3A_740 : i32 to vector<16xi32>
          %xor3A_742 = arith.xori %iota3A_739, %xor3A_741 : vector<16xi32>
          %broadcast_in_dim3A_743 = vector.shape_cast %xor3A_742 : vector<16xi32> to vector<16x1xi32>
          %gather3A_744 = vector.shape_cast %broadcast_in_dim3A_743 : vector<16x1xi32> to vector<16xi32>
          %gather3A_745 = tpu.dynamic_gather %add3A_738[%gather3A_744] in [0] : vector<16xf32>, vector<16xi32> -> vector<16xf32>
          %add3A_746 = arith.addf %add3A_738, %gather3A_745 : vector<16xf32>
          %sub3A_747 = arith.subf %add3A_746, %while3A_618 : vector<16xf32>
          %abs3A = math.absf %sub3A_747 : vector<16xf32>
          %neg3A = arith.constant 0.000000e+00 : f32
          %neg3A_748 = vector.broadcast %neg3A : f32 to vector<16xf32>
          %neg3A_749 = arith.subf %neg3A_748, %abs3A : vector<16xf32>
          %exp3A = math.exp %neg3A_749 : vector<16xf32>
          %gt3A_750 = arith.constant 0.000000e+00 : f32
          %gt3A_751 = vector.broadcast %gt3A_750 : f32 to vector<16xf32>
          %gt3A_752 = arith.cmpf ogt, %sub3A_747, %gt3A_751 : vector<16xf32>
          %select_n3A_753 = arith.select %gt3A_752, %exp3A, %broadcast_in_dim3A_82 : vector<16xi1>, vector<16xf32>
          %select_n3A_754 = arith.select %gt3A_752, %broadcast_in_dim3A_82, %exp3A : vector<16xi1>, vector<16xf32>
          %mul3A_755 = arith.mulf %while3A_622, %select_n3A_753 : vector<16xf32>
          %add3A_756 = arith.addf %mul3A_755, %select_n3A_754 : vector<16xf32>
          %mul3A_757 = arith.mulf %while3A_626, %select_n3A_753 : vector<16xf32>
          %mul3A_758 = arith.mulf %select_n3A_754, %get3A_638 : vector<16xf32>
          %add3A_759 = arith.addf %mul3A_757, %mul3A_758 : vector<16xf32>
          %mul3A_760 = arith.mulf %while3A_627, %select_n3A_753 : vector<16xf32>
          %mul3A_761 = arith.mulf %select_n3A_754, %get3A_642 : vector<16xf32>
          %add3A_762 = arith.addf %mul3A_760, %mul3A_761 : vector<16xf32>
          %max3A_763 = arith.maximumf %while3A_618, %add3A_746 : vector<16xf32>
          %add3A_764 = arith.addf %mul3A_684, %mul3A_690 : vector<16xf32>
          %iota3A_765 = tpu.iota {dimensions = array<i32: 0>} : vector<16xi32>
          %xor3A_766 = arith.constant 1 : i32
          %xor3A_767 = vector.broadcast %xor3A_766 : i32 to vector<16xi32>
          %xor3A_768 = arith.xori %iota3A_765, %xor3A_767 : vector<16xi32>
          %broadcast_in_dim3A_769 = vector.shape_cast %xor3A_768 : vector<16xi32> to vector<16x1xi32>
          %gather3A_770 = vector.shape_cast %broadcast_in_dim3A_769 : vector<16x1xi32> to vector<16xi32>
          %gather3A_771 = tpu.dynamic_gather %add3A_764[%gather3A_770] in [0] : vector<16xf32>, vector<16xi32> -> vector<16xf32>
          %add3A_772 = arith.addf %add3A_764, %gather3A_771 : vector<16xf32>
          %iota3A_773 = tpu.iota {dimensions = array<i32: 0>} : vector<16xi32>
          %xor3A_774 = arith.constant 2 : i32
          %xor3A_775 = vector.broadcast %xor3A_774 : i32 to vector<16xi32>
          %xor3A_776 = arith.xori %iota3A_773, %xor3A_775 : vector<16xi32>
          %broadcast_in_dim3A_777 = vector.shape_cast %xor3A_776 : vector<16xi32> to vector<16x1xi32>
          %gather3A_778 = vector.shape_cast %broadcast_in_dim3A_777 : vector<16x1xi32> to vector<16xi32>
          %gather3A_779 = tpu.dynamic_gather %add3A_772[%gather3A_778] in [0] : vector<16xf32>, vector<16xi32> -> vector<16xf32>
          %add3A_780 = arith.addf %add3A_772, %gather3A_779 : vector<16xf32>
          %iota3A_781 = tpu.iota {dimensions = array<i32: 0>} : vector<16xi32>
          %xor3A_782 = arith.constant 4 : i32
          %xor3A_783 = vector.broadcast %xor3A_782 : i32 to vector<16xi32>
          %xor3A_784 = arith.xori %iota3A_781, %xor3A_783 : vector<16xi32>
          %broadcast_in_dim3A_785 = vector.shape_cast %xor3A_784 : vector<16xi32> to vector<16x1xi32>
          %gather3A_786 = vector.shape_cast %broadcast_in_dim3A_785 : vector<16x1xi32> to vector<16xi32>
          %gather3A_787 = tpu.dynamic_gather %add3A_780[%gather3A_786] in [0] : vector<16xf32>, vector<16xi32> -> vector<16xf32>
          %add3A_788 = arith.addf %add3A_780, %gather3A_787 : vector<16xf32>
          %iota3A_789 = tpu.iota {dimensions = array<i32: 0>} : vector<16xi32>
          %xor3A_790 = arith.constant 8 : i32
          %xor3A_791 = vector.broadcast %xor3A_790 : i32 to vector<16xi32>
          %xor3A_792 = arith.xori %iota3A_789, %xor3A_791 : vector<16xi32>
          %broadcast_in_dim3A_793 = vector.shape_cast %xor3A_792 : vector<16xi32> to vector<16x1xi32>
          %gather3A_794 = vector.shape_cast %broadcast_in_dim3A_793 : vector<16x1xi32> to vector<16xi32>
          %gather3A_795 = tpu.dynamic_gather %add3A_788[%gather3A_794] in [0] : vector<16xf32>, vector<16xi32> -> vector<16xf32>
          %add3A_796 = arith.addf %add3A_788, %gather3A_795 : vector<16xf32>
          %sub3A_797 = arith.subf %add3A_796, %while3A_619 : vector<16xf32>
          %abs3A_798 = math.absf %sub3A_797 : vector<16xf32>
          %neg3A_799 = arith.constant 0.000000e+00 : f32
          %neg3A_800 = vector.broadcast %neg3A_799 : f32 to vector<16xf32>
          %neg3A_801 = arith.subf %neg3A_800, %abs3A_798 : vector<16xf32>
          %exp3A_802 = math.exp %neg3A_801 : vector<16xf32>
          %gt3A_803 = arith.constant 0.000000e+00 : f32
          %gt3A_804 = vector.broadcast %gt3A_803 : f32 to vector<16xf32>
          %gt3A_805 = arith.cmpf ogt, %sub3A_797, %gt3A_804 : vector<16xf32>
          %select_n3A_806 = arith.select %gt3A_805, %exp3A_802, %broadcast_in_dim3A_82 : vector<16xi1>, vector<16xf32>
          %select_n3A_807 = arith.select %gt3A_805, %broadcast_in_dim3A_82, %exp3A_802 : vector<16xi1>, vector<16xf32>
          %mul3A_808 = arith.mulf %while3A_623, %select_n3A_806 : vector<16xf32>
          %add3A_809 = arith.addf %mul3A_808, %select_n3A_807 : vector<16xf32>
          %mul3A_810 = arith.mulf %while3A_628, %select_n3A_806 : vector<16xf32>
          %mul3A_811 = arith.mulf %select_n3A_807, %get3A_646 : vector<16xf32>
          %add3A_812 = arith.addf %mul3A_810, %mul3A_811 : vector<16xf32>
          %mul3A_813 = arith.mulf %while3A_629, %select_n3A_806 : vector<16xf32>
          %mul3A_814 = arith.mulf %select_n3A_807, %get3A_650 : vector<16xf32>
          %add3A_815 = arith.addf %mul3A_813, %mul3A_814 : vector<16xf32>
          %max3A_816 = arith.maximumf %while3A_619, %add3A_796 : vector<16xf32>
          %add3A_817 = arith.addf %mul3A_696, %mul3A_702 : vector<16xf32>
          %iota3A_818 = tpu.iota {dimensions = array<i32: 0>} : vector<16xi32>
          %xor3A_819 = arith.constant 1 : i32
          %xor3A_820 = vector.broadcast %xor3A_819 : i32 to vector<16xi32>
          %xor3A_821 = arith.xori %iota3A_818, %xor3A_820 : vector<16xi32>
          %broadcast_in_dim3A_822 = vector.shape_cast %xor3A_821 : vector<16xi32> to vector<16x1xi32>
          %gather3A_823 = vector.shape_cast %broadcast_in_dim3A_822 : vector<16x1xi32> to vector<16xi32>
          %gather3A_824 = tpu.dynamic_gather %add3A_817[%gather3A_823] in [0] : vector<16xf32>, vector<16xi32> -> vector<16xf32>
          %add3A_825 = arith.addf %add3A_817, %gather3A_824 : vector<16xf32>
          %iota3A_826 = tpu.iota {dimensions = array<i32: 0>} : vector<16xi32>
          %xor3A_827 = arith.constant 2 : i32
          %xor3A_828 = vector.broadcast %xor3A_827 : i32 to vector<16xi32>
          %xor3A_829 = arith.xori %iota3A_826, %xor3A_828 : vector<16xi32>
          %broadcast_in_dim3A_830 = vector.shape_cast %xor3A_829 : vector<16xi32> to vector<16x1xi32>
          %gather3A_831 = vector.shape_cast %broadcast_in_dim3A_830 : vector<16x1xi32> to vector<16xi32>
          %gather3A_832 = tpu.dynamic_gather %add3A_825[%gather3A_831] in [0] : vector<16xf32>, vector<16xi32> -> vector<16xf32>
          %add3A_833 = arith.addf %add3A_825, %gather3A_832 : vector<16xf32>
          %iota3A_834 = tpu.iota {dimensions = array<i32: 0>} : vector<16xi32>
          %xor3A_835 = arith.constant 4 : i32
          %xor3A_836 = vector.broadcast %xor3A_835 : i32 to vector<16xi32>
          %xor3A_837 = arith.xori %iota3A_834, %xor3A_836 : vector<16xi32>
          %broadcast_in_dim3A_838 = vector.shape_cast %xor3A_837 : vector<16xi32> to vector<16x1xi32>
          %gather3A_839 = vector.shape_cast %broadcast_in_dim3A_838 : vector<16x1xi32> to vector<16xi32>
          %gather3A_840 = tpu.dynamic_gather %add3A_833[%gather3A_839] in [0] : vector<16xf32>, vector<16xi32> -> vector<16xf32>
          %add3A_841 = arith.addf %add3A_833, %gather3A_840 : vector<16xf32>
          %iota3A_842 = tpu.iota {dimensions = array<i32: 0>} : vector<16xi32>
          %xor3A_843 = arith.constant 8 : i32
          %xor3A_844 = vector.broadcast %xor3A_843 : i32 to vector<16xi32>
          %xor3A_845 = arith.xori %iota3A_842, %xor3A_844 : vector<16xi32>
          %broadcast_in_dim3A_846 = vector.shape_cast %xor3A_845 : vector<16xi32> to vector<16x1xi32>
          %gather3A_847 = vector.shape_cast %broadcast_in_dim3A_846 : vector<16x1xi32> to vector<16xi32>
          %gather3A_848 = tpu.dynamic_gather %add3A_841[%gather3A_847] in [0] : vector<16xf32>, vector<16xi32> -> vector<16xf32>
          %add3A_849 = arith.addf %add3A_841, %gather3A_848 : vector<16xf32>
          %sub3A_850 = arith.subf %add3A_849, %while3A_620 : vector<16xf32>
          %abs3A_851 = math.absf %sub3A_850 : vector<16xf32>
          %neg3A_852 = arith.constant 0.000000e+00 : f32
          %neg3A_853 = vector.broadcast %neg3A_852 : f32 to vector<16xf32>
          %neg3A_854 = arith.subf %neg3A_853, %abs3A_851 : vector<16xf32>
          %exp3A_855 = math.exp %neg3A_854 : vector<16xf32>
          %gt3A_856 = arith.constant 0.000000e+00 : f32
          %gt3A_857 = vector.broadcast %gt3A_856 : f32 to vector<16xf32>
          %gt3A_858 = arith.cmpf ogt, %sub3A_850, %gt3A_857 : vector<16xf32>
          %select_n3A_859 = arith.select %gt3A_858, %exp3A_855, %broadcast_in_dim3A_82 : vector<16xi1>, vector<16xf32>
          %select_n3A_860 = arith.select %gt3A_858, %broadcast_in_dim3A_82, %exp3A_855 : vector<16xi1>, vector<16xf32>
          %mul3A_861 = arith.mulf %while3A_624, %select_n3A_859 : vector<16xf32>
          %add3A_862 = arith.addf %mul3A_861, %select_n3A_860 : vector<16xf32>
          %mul3A_863 = arith.mulf %while3A_630, %select_n3A_859 : vector<16xf32>
          %mul3A_864 = arith.mulf %select_n3A_860, %get3A_654 : vector<16xf32>
          %add3A_865 = arith.addf %mul3A_863, %mul3A_864 : vector<16xf32>
          %mul3A_866 = arith.mulf %while3A_631, %select_n3A_859 : vector<16xf32>
          %mul3A_867 = arith.mulf %select_n3A_860, %get3A_658 : vector<16xf32>
          %add3A_868 = arith.addf %mul3A_866, %mul3A_867 : vector<16xf32>
          %max3A_869 = arith.maximumf %while3A_620, %add3A_849 : vector<16xf32>
          %add3A_870 = arith.addf %mul3A_708, %mul3A_714 : vector<16xf32>
          %iota3A_871 = tpu.iota {dimensions = array<i32: 0>} : vector<16xi32>
          %xor3A_872 = arith.constant 1 : i32
          %xor3A_873 = vector.broadcast %xor3A_872 : i32 to vector<16xi32>
          %xor3A_874 = arith.xori %iota3A_871, %xor3A_873 : vector<16xi32>
          %broadcast_in_dim3A_875 = vector.shape_cast %xor3A_874 : vector<16xi32> to vector<16x1xi32>
          %gather3A_876 = vector.shape_cast %broadcast_in_dim3A_875 : vector<16x1xi32> to vector<16xi32>
          %gather3A_877 = tpu.dynamic_gather %add3A_870[%gather3A_876] in [0] : vector<16xf32>, vector<16xi32> -> vector<16xf32>
          %add3A_878 = arith.addf %add3A_870, %gather3A_877 : vector<16xf32>
          %iota3A_879 = tpu.iota {dimensions = array<i32: 0>} : vector<16xi32>
          %xor3A_880 = arith.constant 2 : i32
          %xor3A_881 = vector.broadcast %xor3A_880 : i32 to vector<16xi32>
          %xor3A_882 = arith.xori %iota3A_879, %xor3A_881 : vector<16xi32>
          %broadcast_in_dim3A_883 = vector.shape_cast %xor3A_882 : vector<16xi32> to vector<16x1xi32>
          %gather3A_884 = vector.shape_cast %broadcast_in_dim3A_883 : vector<16x1xi32> to vector<16xi32>
          %gather3A_885 = tpu.dynamic_gather %add3A_878[%gather3A_884] in [0] : vector<16xf32>, vector<16xi32> -> vector<16xf32>
          %add3A_886 = arith.addf %add3A_878, %gather3A_885 : vector<16xf32>
          %iota3A_887 = tpu.iota {dimensions = array<i32: 0>} : vector<16xi32>
          %xor3A_888 = arith.constant 4 : i32
          %xor3A_889 = vector.broadcast %xor3A_888 : i32 to vector<16xi32>
          %xor3A_890 = arith.xori %iota3A_887, %xor3A_889 : vector<16xi32>
          %broadcast_in_dim3A_891 = vector.shape_cast %xor3A_890 : vector<16xi32> to vector<16x1xi32>
          %gather3A_892 = vector.shape_cast %broadcast_in_dim3A_891 : vector<16x1xi32> to vector<16xi32>
          %gather3A_893 = tpu.dynamic_gather %add3A_886[%gather3A_892] in [0] : vector<16xf32>, vector<16xi32> -> vector<16xf32>
          %add3A_894 = arith.addf %add3A_886, %gather3A_893 : vector<16xf32>
          %iota3A_895 = tpu.iota {dimensions = array<i32: 0>} : vector<16xi32>
          %xor3A_896 = arith.constant 8 : i32
          %xor3A_897 = vector.broadcast %xor3A_896 : i32 to vector<16xi32>
          %xor3A_898 = arith.xori %iota3A_895, %xor3A_897 : vector<16xi32>
          %broadcast_in_dim3A_899 = vector.shape_cast %xor3A_898 : vector<16xi32> to vector<16x1xi32>
          %gather3A_900 = vector.shape_cast %broadcast_in_dim3A_899 : vector<16x1xi32> to vector<16xi32>
          %gather3A_901 = tpu.dynamic_gather %add3A_894[%gather3A_900] in [0] : vector<16xf32>, vector<16xi32> -> vector<16xf32>
          %add3A_902 = arith.addf %add3A_894, %gather3A_901 : vector<16xf32>
          %sub3A_903 = arith.subf %add3A_902, %while3A_621 : vector<16xf32>
          %abs3A_904 = math.absf %sub3A_903 : vector<16xf32>
          %neg3A_905 = arith.constant 0.000000e+00 : f32
          %neg3A_906 = vector.broadcast %neg3A_905 : f32 to vector<16xf32>
          %neg3A_907 = arith.subf %neg3A_906, %abs3A_904 : vector<16xf32>
          %exp3A_908 = math.exp %neg3A_907 : vector<16xf32>
          %gt3A_909 = arith.constant 0.000000e+00 : f32
          %gt3A_910 = vector.broadcast %gt3A_909 : f32 to vector<16xf32>
          %gt3A_911 = arith.cmpf ogt, %sub3A_903, %gt3A_910 : vector<16xf32>
          %select_n3A_912 = arith.select %gt3A_911, %exp3A_908, %broadcast_in_dim3A_82 : vector<16xi1>, vector<16xf32>
          %select_n3A_913 = arith.select %gt3A_911, %broadcast_in_dim3A_82, %exp3A_908 : vector<16xi1>, vector<16xf32>
          %mul3A_914 = arith.mulf %while3A_625, %select_n3A_912 : vector<16xf32>
          %add3A_915 = arith.addf %mul3A_914, %select_n3A_913 : vector<16xf32>
          %mul3A_916 = arith.mulf %while3A_632, %select_n3A_912 : vector<16xf32>
          %mul3A_917 = arith.mulf %select_n3A_913, %get3A_662 : vector<16xf32>
          %add3A_918 = arith.addf %mul3A_916, %mul3A_917 : vector<16xf32>
          %mul3A_919 = arith.mulf %while3A_633, %select_n3A_912 : vector<16xf32>
          %mul3A_920 = arith.mulf %select_n3A_913, %get3A_666 : vector<16xf32>
          %add3A_921 = arith.addf %mul3A_919, %mul3A_920 : vector<16xf32>
          %max3A_922 = arith.maximumf %while3A_621, %add3A_902 : vector<16xf32>
          scf.yield %max3A_763, %max3A_816, %max3A_869, %max3A_922, %add3A_756, %add3A_809, %add3A_862, %add3A_915, %add3A_759, %add3A_762, %add3A_812, %add3A_815, %add3A_865, %add3A_868, %add3A_918, %add3A_921 : vector<16xf32>, vector<16xf32>, vector<16xf32>, vector<16xf32>, vector<16xf32>, vector<16xf32>, vector<16xf32>, vector<16xf32>, vector<16xf32>, vector<16xf32>, vector<16xf32>, vector<16xf32>, vector<16xf32>, vector<16xf32>, vector<16xf32>, vector<16xf32>
        }
        %while3A_586 = arith.constant 1 : i32
        %while3A_587:16 = scf.for %while3A_617 = %while3A_583 to %while3A_579 step %while3A_586 iter_args(%while3A_618 = %while3A_585#0, %while3A_619 = %while3A_585#1, %while3A_620 = %while3A_585#2, %while3A_621 = %while3A_585#3, %while3A_622 = %while3A_585#4, %while3A_623 = %while3A_585#5, %while3A_624 = %while3A_585#6, %while3A_625 = %while3A_585#7, %while3A_626 = %while3A_585#8, %while3A_627 = %while3A_585#9, %while3A_628 = %while3A_585#10, %while3A_629 = %while3A_585#11, %while3A_630 = %while3A_585#12, %while3A_631 = %while3A_585#13, %while3A_632 = %while3A_585#14, %while3A_633 = %while3A_585#15) -> (vector<16xf32>, vector<16xf32>, vector<16xf32>, vector<16xf32>, vector<16xf32>, vector<16xf32>, vector<16xf32>, vector<16xf32>, vector<16xf32>, vector<16xf32>, vector<16xf32>, vector<16xf32>, vector<16xf32>, vector<16xf32>, vector<16xf32>, vector<16xf32>)  : i32 {
          %sub3A_634 = arith.subi %while3A_617, %add3A_132 : i32
          %get3A_635 = arith.index_cast %rem3A_134 : i32 to index
          %get3A_636 = arith.index_cast %sub3A_634 : i32 to index
          %get3A_637 = arith.constant 0 : index
          %get3A_638 = tpu.vector_load %arg13[%get3A_635, %get3A_636, %get3A_637] {strides = array<i32>} : memref<2x128x128xf32, #tpu.memory_space<vmem>>, vector<16xf32>,
          %get3A_639 = arith.index_cast %rem3A_134 : i32 to index
          %get3A_640 = arith.index_cast %sub3A_634 : i32 to index
          %get3A_641 = arith.constant 16 : index
          %get3A_642 = tpu.vector_load %arg13[%get3A_639, %get3A_640, %get3A_641] {strides = array<i32>} : memref<2x128x128xf32, #tpu.memory_space<vmem>>, vector<16xf32>,
          %get3A_643 = arith.index_cast %rem3A_134 : i32 to index
          %get3A_644 = arith.index_cast %sub3A_634 : i32 to index
          %get3A_645 = arith.constant 32 : index
          %get3A_646 = tpu.vector_load %arg13[%get3A_643, %get3A_644, %get3A_645] {strides = array<i32>} : memref<2x128x128xf32, #tpu.memory_space<vmem>>, vector<16xf32>,
          %get3A_647 = arith.index_cast %rem3A_134 : i32 to index
          %get3A_648 = arith.index_cast %sub3A_634 : i32 to index
          %get3A_649 = arith.constant 48 : index
          %get3A_650 = tpu.vector_load %arg13[%get3A_647, %get3A_648, %get3A_649] {strides = array<i32>} : memref<2x128x128xf32, #tpu.memory_space<vmem>>, vector<16xf32>,
          %get3A_651 = arith.index_cast %rem3A_134 : i32 to index
          %get3A_652 = arith.index_cast %sub3A_634 : i32 to index
          %get3A_653 = arith.constant 64 : index
          %get3A_654 = tpu.vector_load %arg13[%get3A_651, %get3A_652, %get3A_653] {strides = array<i32>} : memref<2x128x128xf32, #tpu.memory_space<vmem>>, vector<16xf32>,
          %get3A_655 = arith.index_cast %rem3A_134 : i32 to index
          %get3A_656 = arith.index_cast %sub3A_634 : i32 to index
          %get3A_657 = arith.constant 80 : index
          %get3A_658 = tpu.vector_load %arg13[%get3A_655, %get3A_656, %get3A_657] {strides = array<i32>} : memref<2x128x128xf32, #tpu.memory_space<vmem>>, vector<16xf32>,
          %get3A_659 = arith.index_cast %rem3A_134 : i32 to index
          %get3A_660 = arith.index_cast %sub3A_634 : i32 to index
          %get3A_661 = arith.constant 96 : index
          %get3A_662 = tpu.vector_load %arg13[%get3A_659, %get3A_660, %get3A_661] {strides = array<i32>} : memref<2x128x128xf32, #tpu.memory_space<vmem>>, vector<16xf32>,
          %get3A_663 = arith.index_cast %rem3A_134 : i32 to index
          %get3A_664 = arith.index_cast %sub3A_634 : i32 to index
          %get3A_665 = arith.constant 112 : index
          %get3A_666 = tpu.vector_load %arg13[%get3A_663, %get3A_664, %get3A_665] {strides = array<i32>} : memref<2x128x128xf32, #tpu.memory_space<vmem>>, vector<16xf32>,
          %add3A_667 = arith.addf %get3A_638, %get3A_549 : vector<16xf32>
          %mul3A_668 = arith.constant 2.000000e-01 : f32
          %mul3A_669 = vector.broadcast %mul3A_668 : f32 to vector<16xf32>
          %mul3A_670 = arith.mulf %mul3A_669, %add3A_667 : vector<16xf32>
          %max3A_671 = arith.maximumf %add3A_667, %mul3A_670 : vector<16xf32>
          %mul3A_672 = arith.mulf %max3A_671, %get3A_11 : vector<16xf32>
          %add3A_673 = arith.addf %get3A_642, %get3A_553 : vector<16xf32>
          %mul3A_674 = arith.constant 2.000000e-01 : f32
          %mul3A_675 = vector.broadcast %mul3A_674 : f32 to vector<16xf32>
          %mul3A_676 = arith.mulf %mul3A_675, %add3A_673 : vector<16xf32>
          %max3A_677 = arith.maximumf %add3A_673, %mul3A_676 : vector<16xf32>
          %mul3A_678 = arith.mulf %max3A_677, %get3A_13 : vector<16xf32>
          %add3A_679 = arith.addf %get3A_646, %get3A_557 : vector<16xf32>
          %mul3A_680 = arith.constant 2.000000e-01 : f32
          %mul3A_681 = vector.broadcast %mul3A_680 : f32 to vector<16xf32>
          %mul3A_682 = arith.mulf %mul3A_681, %add3A_679 : vector<16xf32>
          %max3A_683 = arith.maximumf %add3A_679, %mul3A_682 : vector<16xf32>
          %mul3A_684 = arith.mulf %max3A_683, %get3A_11 : vector<16xf32>
          %add3A_685 = arith.addf %get3A_650, %get3A_561 : vector<16xf32>
          %mul3A_686 = arith.constant 2.000000e-01 : f32
          %mul3A_687 = vector.broadcast %mul3A_686 : f32 to vector<16xf32>
          %mul3A_688 = arith.mulf %mul3A_687, %add3A_685 : vector<16xf32>
          %max3A_689 = arith.maximumf %add3A_685, %mul3A_688 : vector<16xf32>
          %mul3A_690 = arith.mulf %max3A_689, %get3A_13 : vector<16xf32>
          %add3A_691 = arith.addf %get3A_654, %get3A_565 : vector<16xf32>
          %mul3A_692 = arith.constant 2.000000e-01 : f32
          %mul3A_693 = vector.broadcast %mul3A_692 : f32 to vector<16xf32>
          %mul3A_694 = arith.mulf %mul3A_693, %add3A_691 : vector<16xf32>
          %max3A_695 = arith.maximumf %add3A_691, %mul3A_694 : vector<16xf32>
          %mul3A_696 = arith.mulf %max3A_695, %get3A_11 : vector<16xf32>
          %add3A_697 = arith.addf %get3A_658, %get3A_569 : vector<16xf32>
          %mul3A_698 = arith.constant 2.000000e-01 : f32
          %mul3A_699 = vector.broadcast %mul3A_698 : f32 to vector<16xf32>
          %mul3A_700 = arith.mulf %mul3A_699, %add3A_697 : vector<16xf32>
          %max3A_701 = arith.maximumf %add3A_697, %mul3A_700 : vector<16xf32>
          %mul3A_702 = arith.mulf %max3A_701, %get3A_13 : vector<16xf32>
          %add3A_703 = arith.addf %get3A_662, %get3A_573 : vector<16xf32>
          %mul3A_704 = arith.constant 2.000000e-01 : f32
          %mul3A_705 = vector.broadcast %mul3A_704 : f32 to vector<16xf32>
          %mul3A_706 = arith.mulf %mul3A_705, %add3A_703 : vector<16xf32>
          %max3A_707 = arith.maximumf %add3A_703, %mul3A_706 : vector<16xf32>
          %mul3A_708 = arith.mulf %max3A_707, %get3A_11 : vector<16xf32>
          %add3A_709 = arith.addf %get3A_666, %get3A_577 : vector<16xf32>
          %mul3A_710 = arith.constant 2.000000e-01 : f32
          %mul3A_711 = vector.broadcast %mul3A_710 : f32 to vector<16xf32>
          %mul3A_712 = arith.mulf %mul3A_711, %add3A_709 : vector<16xf32>
          %max3A_713 = arith.maximumf %add3A_709, %mul3A_712 : vector<16xf32>
          %mul3A_714 = arith.mulf %max3A_713, %get3A_13 : vector<16xf32>
          %add3A_715 = arith.addf %mul3A_672, %mul3A_678 : vector<16xf32>
          %iota3A_716 = tpu.iota {dimensions = array<i32: 0>} : vector<16xi32>
          %xor3A = arith.constant 1 : i32
          %xor3A_717 = vector.broadcast %xor3A : i32 to vector<16xi32>
          %xor3A_718 = arith.xori %iota3A_716, %xor3A_717 : vector<16xi32>
          %broadcast_in_dim3A_719 = vector.shape_cast %xor3A_718 : vector<16xi32> to vector<16x1xi32>
          %gather3A_720 = vector.shape_cast %broadcast_in_dim3A_719 : vector<16x1xi32> to vector<16xi32>
          %gather3A_721 = tpu.dynamic_gather %add3A_715[%gather3A_720] in [0] : vector<16xf32>, vector<16xi32> -> vector<16xf32>
          %add3A_722 = arith.addf %add3A_715, %gather3A_721 : vector<16xf32>
          %iota3A_723 = tpu.iota {dimensions = array<i32: 0>} : vector<16xi32>
          %xor3A_724 = arith.constant 2 : i32
          %xor3A_725 = vector.broadcast %xor3A_724 : i32 to vector<16xi32>
          %xor3A_726 = arith.xori %iota3A_723, %xor3A_725 : vector<16xi32>
          %broadcast_in_dim3A_727 = vector.shape_cast %xor3A_726 : vector<16xi32> to vector<16x1xi32>
          %gather3A_728 = vector.shape_cast %broadcast_in_dim3A_727 : vector<16x1xi32> to vector<16xi32>
          %gather3A_729 = tpu.dynamic_gather %add3A_722[%gather3A_728] in [0] : vector<16xf32>, vector<16xi32> -> vector<16xf32>
          %add3A_730 = arith.addf %add3A_722, %gather3A_729 : vector<16xf32>
          %iota3A_731 = tpu.iota {dimensions = array<i32: 0>} : vector<16xi32>
          %xor3A_732 = arith.constant 4 : i32
          %xor3A_733 = vector.broadcast %xor3A_732 : i32 to vector<16xi32>
          %xor3A_734 = arith.xori %iota3A_731, %xor3A_733 : vector<16xi32>
          %broadcast_in_dim3A_735 = vector.shape_cast %xor3A_734 : vector<16xi32> to vector<16x1xi32>
          %gather3A_736 = vector.shape_cast %broadcast_in_dim3A_735 : vector<16x1xi32> to vector<16xi32>
          %gather3A_737 = tpu.dynamic_gather %add3A_730[%gather3A_736] in [0] : vector<16xf32>, vector<16xi32> -> vector<16xf32>
          %add3A_738 = arith.addf %add3A_730, %gather3A_737 : vector<16xf32>
          %iota3A_739 = tpu.iota {dimensions = array<i32: 0>} : vector<16xi32>
          %xor3A_740 = arith.constant 8 : i32
          %xor3A_741 = vector.broadcast %xor3A_740 : i32 to vector<16xi32>
          %xor3A_742 = arith.xori %iota3A_739, %xor3A_741 : vector<16xi32>
          %broadcast_in_dim3A_743 = vector.shape_cast %xor3A_742 : vector<16xi32> to vector<16x1xi32>
          %gather3A_744 = vector.shape_cast %broadcast_in_dim3A_743 : vector<16x1xi32> to vector<16xi32>
          %gather3A_745 = tpu.dynamic_gather %add3A_738[%gather3A_744] in [0] : vector<16xf32>, vector<16xi32> -> vector<16xf32>
          %add3A_746 = arith.addf %add3A_738, %gather3A_745 : vector<16xf32>
          %sub3A_747 = arith.subf %add3A_746, %while3A_618 : vector<16xf32>
          %abs3A = math.absf %sub3A_747 : vector<16xf32>
          %neg3A = arith.constant 0.000000e+00 : f32
          %neg3A_748 = vector.broadcast %neg3A : f32 to vector<16xf32>
          %neg3A_749 = arith.subf %neg3A_748, %abs3A : vector<16xf32>
          %exp3A = math.exp %neg3A_749 : vector<16xf32>
          %gt3A_750 = arith.constant 0.000000e+00 : f32
          %gt3A_751 = vector.broadcast %gt3A_750 : f32 to vector<16xf32>
          %gt3A_752 = arith.cmpf ogt, %sub3A_747, %gt3A_751 : vector<16xf32>
          %select_n3A_753 = arith.select %gt3A_752, %exp3A, %broadcast_in_dim3A_82 : vector<16xi1>, vector<16xf32>
          %select_n3A_754 = arith.select %gt3A_752, %broadcast_in_dim3A_82, %exp3A : vector<16xi1>, vector<16xf32>
          %mul3A_755 = arith.mulf %while3A_622, %select_n3A_753 : vector<16xf32>
          %add3A_756 = arith.addf %mul3A_755, %select_n3A_754 : vector<16xf32>
          %mul3A_757 = arith.mulf %while3A_626, %select_n3A_753 : vector<16xf32>
          %mul3A_758 = arith.mulf %select_n3A_754, %get3A_638 : vector<16xf32>
          %add3A_759 = arith.addf %mul3A_757, %mul3A_758 : vector<16xf32>
          %mul3A_760 = arith.mulf %while3A_627, %select_n3A_753 : vector<16xf32>
          %mul3A_761 = arith.mulf %select_n3A_754, %get3A_642 : vector<16xf32>
          %add3A_762 = arith.addf %mul3A_760, %mul3A_761 : vector<16xf32>
          %max3A_763 = arith.maximumf %while3A_618, %add3A_746 : vector<16xf32>
          %add3A_764 = arith.addf %mul3A_684, %mul3A_690 : vector<16xf32>
          %iota3A_765 = tpu.iota {dimensions = array<i32: 0>} : vector<16xi32>
          %xor3A_766 = arith.constant 1 : i32
          %xor3A_767 = vector.broadcast %xor3A_766 : i32 to vector<16xi32>
          %xor3A_768 = arith.xori %iota3A_765, %xor3A_767 : vector<16xi32>
          %broadcast_in_dim3A_769 = vector.shape_cast %xor3A_768 : vector<16xi32> to vector<16x1xi32>
          %gather3A_770 = vector.shape_cast %broadcast_in_dim3A_769 : vector<16x1xi32> to vector<16xi32>
          %gather3A_771 = tpu.dynamic_gather %add3A_764[%gather3A_770] in [0] : vector<16xf32>, vector<16xi32> -> vector<16xf32>
          %add3A_772 = arith.addf %add3A_764, %gather3A_771 : vector<16xf32>
          %iota3A_773 = tpu.iota {dimensions = array<i32: 0>} : vector<16xi32>
          %xor3A_774 = arith.constant 2 : i32
          %xor3A_775 = vector.broadcast %xor3A_774 : i32 to vector<16xi32>
          %xor3A_776 = arith.xori %iota3A_773, %xor3A_775 : vector<16xi32>
          %broadcast_in_dim3A_777 = vector.shape_cast %xor3A_776 : vector<16xi32> to vector<16x1xi32>
          %gather3A_778 = vector.shape_cast %broadcast_in_dim3A_777 : vector<16x1xi32> to vector<16xi32>
          %gather3A_779 = tpu.dynamic_gather %add3A_772[%gather3A_778] in [0] : vector<16xf32>, vector<16xi32> -> vector<16xf32>
          %add3A_780 = arith.addf %add3A_772, %gather3A_779 : vector<16xf32>
          %iota3A_781 = tpu.iota {dimensions = array<i32: 0>} : vector<16xi32>
          %xor3A_782 = arith.constant 4 : i32
          %xor3A_783 = vector.broadcast %xor3A_782 : i32 to vector<16xi32>
          %xor3A_784 = arith.xori %iota3A_781, %xor3A_783 : vector<16xi32>
          %broadcast_in_dim3A_785 = vector.shape_cast %xor3A_784 : vector<16xi32> to vector<16x1xi32>
          %gather3A_786 = vector.shape_cast %broadcast_in_dim3A_785 : vector<16x1xi32> to vector<16xi32>
          %gather3A_787 = tpu.dynamic_gather %add3A_780[%gather3A_786] in [0] : vector<16xf32>, vector<16xi32> -> vector<16xf32>
          %add3A_788 = arith.addf %add3A_780, %gather3A_787 : vector<16xf32>
          %iota3A_789 = tpu.iota {dimensions = array<i32: 0>} : vector<16xi32>
          %xor3A_790 = arith.constant 8 : i32
          %xor3A_791 = vector.broadcast %xor3A_790 : i32 to vector<16xi32>
          %xor3A_792 = arith.xori %iota3A_789, %xor3A_791 : vector<16xi32>
          %broadcast_in_dim3A_793 = vector.shape_cast %xor3A_792 : vector<16xi32> to vector<16x1xi32>
          %gather3A_794 = vector.shape_cast %broadcast_in_dim3A_793 : vector<16x1xi32> to vector<16xi32>
          %gather3A_795 = tpu.dynamic_gather %add3A_788[%gather3A_794] in [0] : vector<16xf32>, vector<16xi32> -> vector<16xf32>
          %add3A_796 = arith.addf %add3A_788, %gather3A_795 : vector<16xf32>
          %sub3A_797 = arith.subf %add3A_796, %while3A_619 : vector<16xf32>
          %abs3A_798 = math.absf %sub3A_797 : vector<16xf32>
          %neg3A_799 = arith.constant 0.000000e+00 : f32
          %neg3A_800 = vector.broadcast %neg3A_799 : f32 to vector<16xf32>
          %neg3A_801 = arith.subf %neg3A_800, %abs3A_798 : vector<16xf32>
          %exp3A_802 = math.exp %neg3A_801 : vector<16xf32>
          %gt3A_803 = arith.constant 0.000000e+00 : f32
          %gt3A_804 = vector.broadcast %gt3A_803 : f32 to vector<16xf32>
          %gt3A_805 = arith.cmpf ogt, %sub3A_797, %gt3A_804 : vector<16xf32>
          %select_n3A_806 = arith.select %gt3A_805, %exp3A_802, %broadcast_in_dim3A_82 : vector<16xi1>, vector<16xf32>
          %select_n3A_807 = arith.select %gt3A_805, %broadcast_in_dim3A_82, %exp3A_802 : vector<16xi1>, vector<16xf32>
          %mul3A_808 = arith.mulf %while3A_623, %select_n3A_806 : vector<16xf32>
          %add3A_809 = arith.addf %mul3A_808, %select_n3A_807 : vector<16xf32>
          %mul3A_810 = arith.mulf %while3A_628, %select_n3A_806 : vector<16xf32>
          %mul3A_811 = arith.mulf %select_n3A_807, %get3A_646 : vector<16xf32>
          %add3A_812 = arith.addf %mul3A_810, %mul3A_811 : vector<16xf32>
          %mul3A_813 = arith.mulf %while3A_629, %select_n3A_806 : vector<16xf32>
          %mul3A_814 = arith.mulf %select_n3A_807, %get3A_650 : vector<16xf32>
          %add3A_815 = arith.addf %mul3A_813, %mul3A_814 : vector<16xf32>
          %max3A_816 = arith.maximumf %while3A_619, %add3A_796 : vector<16xf32>
          %add3A_817 = arith.addf %mul3A_696, %mul3A_702 : vector<16xf32>
          %iota3A_818 = tpu.iota {dimensions = array<i32: 0>} : vector<16xi32>
          %xor3A_819 = arith.constant 1 : i32
          %xor3A_820 = vector.broadcast %xor3A_819 : i32 to vector<16xi32>
          %xor3A_821 = arith.xori %iota3A_818, %xor3A_820 : vector<16xi32>
          %broadcast_in_dim3A_822 = vector.shape_cast %xor3A_821 : vector<16xi32> to vector<16x1xi32>
          %gather3A_823 = vector.shape_cast %broadcast_in_dim3A_822 : vector<16x1xi32> to vector<16xi32>
          %gather3A_824 = tpu.dynamic_gather %add3A_817[%gather3A_823] in [0] : vector<16xf32>, vector<16xi32> -> vector<16xf32>
          %add3A_825 = arith.addf %add3A_817, %gather3A_824 : vector<16xf32>
          %iota3A_826 = tpu.iota {dimensions = array<i32: 0>} : vector<16xi32>
          %xor3A_827 = arith.constant 2 : i32
          %xor3A_828 = vector.broadcast %xor3A_827 : i32 to vector<16xi32>
          %xor3A_829 = arith.xori %iota3A_826, %xor3A_828 : vector<16xi32>
          %broadcast_in_dim3A_830 = vector.shape_cast %xor3A_829 : vector<16xi32> to vector<16x1xi32>
          %gather3A_831 = vector.shape_cast %broadcast_in_dim3A_830 : vector<16x1xi32> to vector<16xi32>
          %gather3A_832 = tpu.dynamic_gather %add3A_825[%gather3A_831] in [0] : vector<16xf32>, vector<16xi32> -> vector<16xf32>
          %add3A_833 = arith.addf %add3A_825, %gather3A_832 : vector<16xf32>
          %iota3A_834 = tpu.iota {dimensions = array<i32: 0>} : vector<16xi32>
          %xor3A_835 = arith.constant 4 : i32
          %xor3A_836 = vector.broadcast %xor3A_835 : i32 to vector<16xi32>
          %xor3A_837 = arith.xori %iota3A_834, %xor3A_836 : vector<16xi32>
          %broadcast_in_dim3A_838 = vector.shape_cast %xor3A_837 : vector<16xi32> to vector<16x1xi32>
          %gather3A_839 = vector.shape_cast %broadcast_in_dim3A_838 : vector<16x1xi32> to vector<16xi32>
          %gather3A_840 = tpu.dynamic_gather %add3A_833[%gather3A_839] in [0] : vector<16xf32>, vector<16xi32> -> vector<16xf32>
          %add3A_841 = arith.addf %add3A_833, %gather3A_840 : vector<16xf32>
          %iota3A_842 = tpu.iota {dimensions = array<i32: 0>} : vector<16xi32>
          %xor3A_843 = arith.constant 8 : i32
          %xor3A_844 = vector.broadcast %xor3A_843 : i32 to vector<16xi32>
          %xor3A_845 = arith.xori %iota3A_842, %xor3A_844 : vector<16xi32>
          %broadcast_in_dim3A_846 = vector.shape_cast %xor3A_845 : vector<16xi32> to vector<16x1xi32>
          %gather3A_847 = vector.shape_cast %broadcast_in_dim3A_846 : vector<16x1xi32> to vector<16xi32>
          %gather3A_848 = tpu.dynamic_gather %add3A_841[%gather3A_847] in [0] : vector<16xf32>, vector<16xi32> -> vector<16xf32>
          %add3A_849 = arith.addf %add3A_841, %gather3A_848 : vector<16xf32>
          %sub3A_850 = arith.subf %add3A_849, %while3A_620 : vector<16xf32>
          %abs3A_851 = math.absf %sub3A_850 : vector<16xf32>
          %neg3A_852 = arith.constant 0.000000e+00 : f32
          %neg3A_853 = vector.broadcast %neg3A_852 : f32 to vector<16xf32>
          %neg3A_854 = arith.subf %neg3A_853, %abs3A_851 : vector<16xf32>
          %exp3A_855 = math.exp %neg3A_854 : vector<16xf32>
          %gt3A_856 = arith.constant 0.000000e+00 : f32
          %gt3A_857 = vector.broadcast %gt3A_856 : f32 to vector<16xf32>
          %gt3A_858 = arith.cmpf ogt, %sub3A_850, %gt3A_857 : vector<16xf32>
          %select_n3A_859 = arith.select %gt3A_858, %exp3A_855, %broadcast_in_dim3A_82 : vector<16xi1>, vector<16xf32>
          %select_n3A_860 = arith.select %gt3A_858, %broadcast_in_dim3A_82, %exp3A_855 : vector<16xi1>, vector<16xf32>
          %mul3A_861 = arith.mulf %while3A_624, %select_n3A_859 : vector<16xf32>
          %add3A_862 = arith.addf %mul3A_861, %select_n3A_860 : vector<16xf32>
          %mul3A_863 = arith.mulf %while3A_630, %select_n3A_859 : vector<16xf32>
          %mul3A_864 = arith.mulf %select_n3A_860, %get3A_654 : vector<16xf32>
          %add3A_865 = arith.addf %mul3A_863, %mul3A_864 : vector<16xf32>
          %mul3A_866 = arith.mulf %while3A_631, %select_n3A_859 : vector<16xf32>
          %mul3A_867 = arith.mulf %select_n3A_860, %get3A_658 : vector<16xf32>
          %add3A_868 = arith.addf %mul3A_866, %mul3A_867 : vector<16xf32>
          %max3A_869 = arith.maximumf %while3A_620, %add3A_849 : vector<16xf32>
          %add3A_870 = arith.addf %mul3A_708, %mul3A_714 : vector<16xf32>
          %iota3A_871 = tpu.iota {dimensions = array<i32: 0>} : vector<16xi32>
          %xor3A_872 = arith.constant 1 : i32
          %xor3A_873 = vector.broadcast %xor3A_872 : i32 to vector<16xi32>
          %xor3A_874 = arith.xori %iota3A_871, %xor3A_873 : vector<16xi32>
          %broadcast_in_dim3A_875 = vector.shape_cast %xor3A_874 : vector<16xi32> to vector<16x1xi32>
          %gather3A_876 = vector.shape_cast %broadcast_in_dim3A_875 : vector<16x1xi32> to vector<16xi32>
          %gather3A_877 = tpu.dynamic_gather %add3A_870[%gather3A_876] in [0] : vector<16xf32>, vector<16xi32> -> vector<16xf32>
          %add3A_878 = arith.addf %add3A_870, %gather3A_877 : vector<16xf32>
          %iota3A_879 = tpu.iota {dimensions = array<i32: 0>} : vector<16xi32>
          %xor3A_880 = arith.constant 2 : i32
          %xor3A_881 = vector.broadcast %xor3A_880 : i32 to vector<16xi32>
          %xor3A_882 = arith.xori %iota3A_879, %xor3A_881 : vector<16xi32>
          %broadcast_in_dim3A_883 = vector.shape_cast %xor3A_882 : vector<16xi32> to vector<16x1xi32>
          %gather3A_884 = vector.shape_cast %broadcast_in_dim3A_883 : vector<16x1xi32> to vector<16xi32>
          %gather3A_885 = tpu.dynamic_gather %add3A_878[%gather3A_884] in [0] : vector<16xf32>, vector<16xi32> -> vector<16xf32>
          %add3A_886 = arith.addf %add3A_878, %gather3A_885 : vector<16xf32>
          %iota3A_887 = tpu.iota {dimensions = array<i32: 0>} : vector<16xi32>
          %xor3A_888 = arith.constant 4 : i32
          %xor3A_889 = vector.broadcast %xor3A_888 : i32 to vector<16xi32>
          %xor3A_890 = arith.xori %iota3A_887, %xor3A_889 : vector<16xi32>
          %broadcast_in_dim3A_891 = vector.shape_cast %xor3A_890 : vector<16xi32> to vector<16x1xi32>
          %gather3A_892 = vector.shape_cast %broadcast_in_dim3A_891 : vector<16x1xi32> to vector<16xi32>
          %gather3A_893 = tpu.dynamic_gather %add3A_886[%gather3A_892] in [0] : vector<16xf32>, vector<16xi32> -> vector<16xf32>
          %add3A_894 = arith.addf %add3A_886, %gather3A_893 : vector<16xf32>
          %iota3A_895 = tpu.iota {dimensions = array<i32: 0>} : vector<16xi32>
          %xor3A_896 = arith.constant 8 : i32
          %xor3A_897 = vector.broadcast %xor3A_896 : i32 to vector<16xi32>
          %xor3A_898 = arith.xori %iota3A_895, %xor3A_897 : vector<16xi32>
          %broadcast_in_dim3A_899 = vector.shape_cast %xor3A_898 : vector<16xi32> to vector<16x1xi32>
          %gather3A_900 = vector.shape_cast %broadcast_in_dim3A_899 : vector<16x1xi32> to vector<16xi32>
          %gather3A_901 = tpu.dynamic_gather %add3A_894[%gather3A_900] in [0] : vector<16xf32>, vector<16xi32> -> vector<16xf32>
          %add3A_902 = arith.addf %add3A_894, %gather3A_901 : vector<16xf32>
          %sub3A_903 = arith.subf %add3A_902, %while3A_621 : vector<16xf32>
          %abs3A_904 = math.absf %sub3A_903 : vector<16xf32>
          %neg3A_905 = arith.constant 0.000000e+00 : f32
          %neg3A_906 = vector.broadcast %neg3A_905 : f32 to vector<16xf32>
          %neg3A_907 = arith.subf %neg3A_906, %abs3A_904 : vector<16xf32>
          %exp3A_908 = math.exp %neg3A_907 : vector<16xf32>
          %gt3A_909 = arith.constant 0.000000e+00 : f32
          %gt3A_910 = vector.broadcast %gt3A_909 : f32 to vector<16xf32>
          %gt3A_911 = arith.cmpf ogt, %sub3A_903, %gt3A_910 : vector<16xf32>
          %select_n3A_912 = arith.select %gt3A_911, %exp3A_908, %broadcast_in_dim3A_82 : vector<16xi1>, vector<16xf32>
          %select_n3A_913 = arith.select %gt3A_911, %broadcast_in_dim3A_82, %exp3A_908 : vector<16xi1>, vector<16xf32>
          %mul3A_914 = arith.mulf %while3A_625, %select_n3A_912 : vector<16xf32>
          %add3A_915 = arith.addf %mul3A_914, %select_n3A_913 : vector<16xf32>
          %mul3A_916 = arith.mulf %while3A_632, %select_n3A_912 : vector<16xf32>
          %mul3A_917 = arith.mulf %select_n3A_913, %get3A_662 : vector<16xf32>
          %add3A_918 = arith.addf %mul3A_916, %mul3A_917 : vector<16xf32>
          %mul3A_919 = arith.mulf %while3A_633, %select_n3A_912 : vector<16xf32>
          %mul3A_920 = arith.mulf %select_n3A_913, %get3A_666 : vector<16xf32>
          %add3A_921 = arith.addf %mul3A_919, %mul3A_920 : vector<16xf32>
          %max3A_922 = arith.maximumf %while3A_621, %add3A_902 : vector<16xf32>
          scf.yield %max3A_763, %max3A_816, %max3A_869, %max3A_922, %add3A_756, %add3A_809, %add3A_862, %add3A_915, %add3A_759, %add3A_762, %add3A_812, %add3A_815, %add3A_865, %add3A_868, %add3A_918, %add3A_921 : vector<16xf32>, vector<16xf32>, vector<16xf32>, vector<16xf32>, vector<16xf32>, vector<16xf32>, vector<16xf32>, vector<16xf32>, vector<16xf32>, vector<16xf32>, vector<16xf32>, vector<16xf32>, vector<16xf32>, vector<16xf32>, vector<16xf32>, vector<16xf32>
        }
        %lt3A_588 = arith.cmpi slt, %while3A_515, %squeeze3A_501 : i32
        %min3A_589 = arith.constant 127 : i32
        %min3A_590 = vector.broadcast %min3A_589 : i32 to vector<16xi32>
        %min3A_591 = arith.minsi %mul3A_537, %min3A_590 : vector<16xi32>
        %gather3A_592 = tpu.vector_load_idx %arg21[%min3A_591] : memref<160xi32, #tpu.memory_space<vmem>>[vector<16xi32>], vector<16xi32>,
        %slice3A_593 = vector.extract_strided_slice %gather3A_592 {offsets = [0], sizes = [1], strides = [1]} : vector<16xi32> to vector<1xi32>
        %squeeze3A_594 = vector.extract %slice3A_593[0] : i32 from vector<1xi32>
        %convert_element_type3A_595 = arith.extui %lt3A_588 : i1 to i32
        %cond3A_596 = arith.constant 0 : i32
        %cond3A_597 = arith.cmpi ne, %convert_element_type3A_595, %cond3A_596 : i32
        scf.if %cond3A_597 {
          %ge3A_617 = arith.cmpi sge, %while3A_516, %squeeze3A : i32
          %convert_element_type3A_618 = arith.extui %ge3A_617 : i1 to i32
          %cond3A_619 = arith.constant 0 : i32
          %cond3A_620 = arith.cmpi ne, %convert_element_type3A_618, %cond3A_619 : i32
          scf.if %cond3A_620 {
            %div3A_632 = arith.divf %while3A_587#8, %while3A_587#4 : vector<16xf32>
            %swap3A_633 = arith.constant 0 : index
            %swap3A_634 = tpu.vector_load %arg15[%swap3A_633] {strides = array<i32>} : memref<128xf32, #tpu.memory_space<vmem>>, vector<16xf32>,
            tpu.vector_store %arg15[%swap3A_633], %div3A_632 {strides = array<i32>} : memref<128xf32, #tpu.memory_space<vmem>>, vector<16xf32>,
            %div3A_635 = arith.divf %while3A_587#9, %while3A_587#4 : vector<16xf32>
            %swap3A_636 = arith.constant 16 : index
            %swap3A_637 = tpu.vector_load %arg15[%swap3A_636] {strides = array<i32>} : memref<128xf32, #tpu.memory_space<vmem>>, vector<16xf32>,
            tpu.vector_store %arg15[%swap3A_636], %div3A_635 {strides = array<i32>} : memref<128xf32, #tpu.memory_space<vmem>>, vector<16xf32>,
            %div3A_638 = arith.divf %while3A_587#10, %while3A_587#5 : vector<16xf32>
            %swap3A_639 = arith.constant 32 : index
            %swap3A_640 = tpu.vector_load %arg15[%swap3A_639] {strides = array<i32>} : memref<128xf32, #tpu.memory_space<vmem>>, vector<16xf32>,
            tpu.vector_store %arg15[%swap3A_639], %div3A_638 {strides = array<i32>} : memref<128xf32, #tpu.memory_space<vmem>>, vector<16xf32>,
            %div3A_641 = arith.divf %while3A_587#11, %while3A_587#5 : vector<16xf32>
            %swap3A_642 = arith.constant 48 : index
            %swap3A_643 = tpu.vector_load %arg15[%swap3A_642] {strides = array<i32>} : memref<128xf32, #tpu.memory_space<vmem>>, vector<16xf32>,
            tpu.vector_store %arg15[%swap3A_642], %div3A_641 {strides = array<i32>} : memref<128xf32, #tpu.memory_space<vmem>>, vector<16xf32>,
            %div3A_644 = arith.divf %while3A_587#12, %while3A_587#6 : vector<16xf32>
            %swap3A_645 = arith.constant 64 : index
            %swap3A_646 = tpu.vector_load %arg15[%swap3A_645] {strides = array<i32>} : memref<128xf32, #tpu.memory_space<vmem>>, vector<16xf32>,
            tpu.vector_store %arg15[%swap3A_645], %div3A_644 {strides = array<i32>} : memref<128xf32, #tpu.memory_space<vmem>>, vector<16xf32>,
            %div3A_647 = arith.divf %while3A_587#13, %while3A_587#6 : vector<16xf32>
            %swap3A_648 = arith.constant 80 : index
            %swap3A_649 = tpu.vector_load %arg15[%swap3A_648] {strides = array<i32>} : memref<128xf32, #tpu.memory_space<vmem>>, vector<16xf32>,
            tpu.vector_store %arg15[%swap3A_648], %div3A_647 {strides = array<i32>} : memref<128xf32, #tpu.memory_space<vmem>>, vector<16xf32>,
            %div3A_650 = arith.divf %while3A_587#14, %while3A_587#7 : vector<16xf32>
            %swap3A_651 = arith.constant 96 : index
            %swap3A_652 = tpu.vector_load %arg15[%swap3A_651] {strides = array<i32>} : memref<128xf32, #tpu.memory_space<vmem>>, vector<16xf32>,
            tpu.vector_store %arg15[%swap3A_651], %div3A_650 {strides = array<i32>} : memref<128xf32, #tpu.memory_space<vmem>>, vector<16xf32>,
            %div3A_653 = arith.divf %while3A_587#15, %while3A_587#7 : vector<16xf32>
            %swap3A_654 = arith.constant 112 : index
            %swap3A_655 = tpu.vector_load %arg15[%swap3A_654] {strides = array<i32>} : memref<128xf32, #tpu.memory_space<vmem>>, vector<16xf32>,
            tpu.vector_store %arg15[%swap3A_654], %div3A_653 {strides = array<i32>} : memref<128xf32, #tpu.memory_space<vmem>>, vector<16xf32>,
            "tpu.region"() ({
              %run_scoped3A = tpu.sem_alloc : memref<!tpu.dma_semaphore, #tpu.memory_space<semaphore_mem>>
              %dma_start3A = arith.constant 0 : i32
              %dma_start3A_656 = tpu.memref_slice %arg9[%while3A_516, %dma_start3A] : memref<10000x128xf32, #tpu.memory_space<hbm>> -> memref<1x128xf32, #tpu.memory_space<hbm>>
              %dma_start3A_657 = tpu.memref_squeeze %dma_start3A_656 : memref<1x128xf32, #tpu.memory_space<hbm>> -> memref<128xf32, #tpu.memory_space<hbm>>
              %dma_start3A_658 = arith.constant 0 : i32
              %dma_start3A_659 = tpu.memref_slice %arg9[%while3A_516, %dma_start3A_658] : memref<10000x128xf32, #tpu.memory_space<hbm>> -> memref<1x128xf32, #tpu.memory_space<hbm>>
              %dma_start3A_660 = tpu.memref_squeeze %dma_start3A_659 : memref<1x128xf32, #tpu.memory_space<hbm>> -> memref<128xf32, #tpu.memory_space<hbm>>
              tpu.enqueue_dma source(%arg15 : memref<128xf32, #tpu.memory_space<vmem>>) target(%dma_start3A_660 : memref<128xf32, #tpu.memory_space<hbm>>) target_semaphore(%run_scoped3A : memref<!tpu.dma_semaphore, #tpu.memory_space<semaphore_mem>>)
              %dma_wait3A_661 = arith.constant 0 : i32
              %dma_wait3A_662 = tpu.memref_slice %arg9[%while3A_516, %dma_wait3A_661] : memref<10000x128xf32, #tpu.memory_space<hbm>> -> memref<1x128xf32, #tpu.memory_space<hbm>>
              %dma_wait3A_663 = tpu.memref_squeeze %dma_wait3A_662 : memref<1x128xf32, #tpu.memory_space<hbm>> -> memref<128xf32, #tpu.memory_space<hbm>>
              %dma_wait3A_664 = arith.constant 0 : i32
              %dma_wait3A_665 = tpu.memref_slice %arg9[%while3A_516, %dma_wait3A_664] : memref<10000x128xf32, #tpu.memory_space<hbm>> -> memref<1x128xf32, #tpu.memory_space<hbm>>
              %dma_wait3A_666 = tpu.memref_squeeze %dma_wait3A_665 : memref<1x128xf32, #tpu.memory_space<hbm>> -> memref<128xf32, #tpu.memory_space<hbm>>
              tpu.wait_dma2 semaphore(%run_scoped3A : memref<!tpu.dma_semaphore, #tpu.memory_space<semaphore_mem>>) src(%arg15 : memref<128xf32, #tpu.memory_space<vmem>>) dst(%dma_wait3A_666 : memref<128xf32, #tpu.memory_space<hbm>>)
              tpu.yield
            }) : () -> ()
          } else {
          }
          %add3A_621 = arith.constant 1 : i32
          %add3A_622 = arith.addi %while3A_516, %add3A_621 : i32
          %while3A_623 = arith.constant 0 : i32
          %while3A_624 = arith.subi %squeeze3A_594, %add3A_622 : i32
          %while3A_625 = arith.addi %add3A_622, %while3A_624 : i32
          %while3A_626 = arith.constant 1 : i32
          %while3A_627 = arith.divsi %while3A_624, %while3A_626 : i32
          %while3A_628 = arith.muli %while3A_627, %while3A_626 : i32
          %while3A_629 = arith.addi %add3A_622, %while3A_628 : i32
          %while3A_630 = arith.constant 1 : i32
          scf.for %while3A_632 = %add3A_622 to %while3A_629 step %while3A_630  : i32 {
            "tpu.region"() ({
              %run_scoped3A = tpu.sem_alloc : memref<!tpu.dma_semaphore, #tpu.memory_space<semaphore_mem>>
              %dma_start3A = arith.constant 0 : i32
              %dma_start3A_633 = tpu.memref_slice %arg9[%while3A_632, %dma_start3A] : memref<10000x128xf32, #tpu.memory_space<hbm>> -> memref<1x128xf32, #tpu.memory_space<hbm>>
              %dma_start3A_634 = tpu.memref_squeeze %dma_start3A_633 : memref<1x128xf32, #tpu.memory_space<hbm>> -> memref<128xf32, #tpu.memory_space<hbm>>
              %dma_start3A_635 = arith.constant 0 : i32
              %dma_start3A_636 = tpu.memref_slice %arg9[%while3A_632, %dma_start3A_635] : memref<10000x128xf32, #tpu.memory_space<hbm>> -> memref<1x128xf32, #tpu.memory_space<hbm>>
              %dma_start3A_637 = tpu.memref_squeeze %dma_start3A_636 : memref<1x128xf32, #tpu.memory_space<hbm>> -> memref<128xf32, #tpu.memory_space<hbm>>
              tpu.enqueue_dma source(%arg16 : memref<128xf32, #tpu.memory_space<vmem>>) target(%dma_start3A_637 : memref<128xf32, #tpu.memory_space<hbm>>) target_semaphore(%run_scoped3A : memref<!tpu.dma_semaphore, #tpu.memory_space<semaphore_mem>>)
              %dma_wait3A_638 = arith.constant 0 : i32
              %dma_wait3A_639 = tpu.memref_slice %arg9[%while3A_632, %dma_wait3A_638] : memref<10000x128xf32, #tpu.memory_space<hbm>> -> memref<1x128xf32, #tpu.memory_space<hbm>>
              %dma_wait3A_640 = tpu.memref_squeeze %dma_wait3A_639 : memref<1x128xf32, #tpu.memory_space<hbm>> -> memref<128xf32, #tpu.memory_space<hbm>>
              %dma_wait3A_641 = arith.constant 0 : i32
              %dma_wait3A_642 = tpu.memref_slice %arg9[%while3A_632, %dma_wait3A_641] : memref<10000x128xf32, #tpu.memory_space<hbm>> -> memref<1x128xf32, #tpu.memory_space<hbm>>
              %dma_wait3A_643 = tpu.memref_squeeze %dma_wait3A_642 : memref<1x128xf32, #tpu.memory_space<hbm>> -> memref<128xf32, #tpu.memory_space<hbm>>
              tpu.wait_dma2 semaphore(%run_scoped3A : memref<!tpu.dma_semaphore, #tpu.memory_space<semaphore_mem>>) src(%arg16 : memref<128xf32, #tpu.memory_space<vmem>>) dst(%dma_wait3A_643 : memref<128xf32, #tpu.memory_space<hbm>>)
              tpu.yield
            }) : () -> ()
          }
          %while3A_631 = arith.constant 1 : i32
          scf.for %while3A_632 = %while3A_629 to %while3A_625 step %while3A_631  : i32 {
            "tpu.region"() ({
              %run_scoped3A = tpu.sem_alloc : memref<!tpu.dma_semaphore, #tpu.memory_space<semaphore_mem>>
              %dma_start3A = arith.constant 0 : i32
              %dma_start3A_633 = tpu.memref_slice %arg9[%while3A_632, %dma_start3A] : memref<10000x128xf32, #tpu.memory_space<hbm>> -> memref<1x128xf32, #tpu.memory_space<hbm>>
              %dma_start3A_634 = tpu.memref_squeeze %dma_start3A_633 : memref<1x128xf32, #tpu.memory_space<hbm>> -> memref<128xf32, #tpu.memory_space<hbm>>
              %dma_start3A_635 = arith.constant 0 : i32
              %dma_start3A_636 = tpu.memref_slice %arg9[%while3A_632, %dma_start3A_635] : memref<10000x128xf32, #tpu.memory_space<hbm>> -> memref<1x128xf32, #tpu.memory_space<hbm>>
              %dma_start3A_637 = tpu.memref_squeeze %dma_start3A_636 : memref<1x128xf32, #tpu.memory_space<hbm>> -> memref<128xf32, #tpu.memory_space<hbm>>
              tpu.enqueue_dma source(%arg16 : memref<128xf32, #tpu.memory_space<vmem>>) target(%dma_start3A_637 : memref<128xf32, #tpu.memory_space<hbm>>) target_semaphore(%run_scoped3A : memref<!tpu.dma_semaphore, #tpu.memory_space<semaphore_mem>>)
              %dma_wait3A_638 = arith.constant 0 : i32
              %dma_wait3A_639 = tpu.memref_slice %arg9[%while3A_632, %dma_wait3A_638] : memref<10000x128xf32, #tpu.memory_space<hbm>> -> memref<1x128xf32, #tpu.memory_space<hbm>>
              %dma_wait3A_640 = tpu.memref_squeeze %dma_wait3A_639 : memref<1x128xf32, #tpu.memory_space<hbm>> -> memref<128xf32, #tpu.memory_space<hbm>>
              %dma_wait3A_641 = arith.constant 0 : i32
              %dma_wait3A_642 = tpu.memref_slice %arg9[%while3A_632, %dma_wait3A_641] : memref<10000x128xf32, #tpu.memory_space<hbm>> -> memref<1x128xf32, #tpu.memory_space<hbm>>
              %dma_wait3A_643 = tpu.memref_squeeze %dma_wait3A_642 : memref<1x128xf32, #tpu.memory_space<hbm>> -> memref<128xf32, #tpu.memory_space<hbm>>
              tpu.wait_dma2 semaphore(%run_scoped3A : memref<!tpu.dma_semaphore, #tpu.memory_space<semaphore_mem>>) src(%arg16 : memref<128xf32, #tpu.memory_space<vmem>>) dst(%dma_wait3A_643 : memref<128xf32, #tpu.memory_space<hbm>>)
              tpu.yield
            }) : () -> ()
          }
        } else {
        }
        %select_n3A_598 = arith.select %lt3A_588, %squeeze3A_594, %while3A_516 : i32
        %select_n3A_599 = arith.select %lt3A_588, %broadcast_in_dim3A_78, %while3A_587#0 : vector<16xf32>
        %select_n3A_600 = arith.select %lt3A_588, %broadcast_in_dim3A_78, %while3A_587#1 : vector<16xf32>
        %select_n3A_601 = arith.select %lt3A_588, %broadcast_in_dim3A_78, %while3A_587#2 : vector<16xf32>
        %select_n3A_602 = arith.select %lt3A_588, %broadcast_in_dim3A_78, %while3A_587#3 : vector<16xf32>
        %broadcast_in_dim3A_603 = arith.constant 0.000000e+00 : f32
        %broadcast_in_dim3A_604 = vector.broadcast %broadcast_in_dim3A_603 : f32 to vector<16xf32>
        %select_n3A_605 = arith.select %lt3A_588, %broadcast_in_dim3A_604, %while3A_587#4 : vector<16xf32>
        %select_n3A_606 = arith.select %lt3A_588, %broadcast_in_dim3A_604, %while3A_587#5 : vector<16xf32>
        %select_n3A_607 = arith.select %lt3A_588, %broadcast_in_dim3A_604, %while3A_587#6 : vector<16xf32>
        %select_n3A_608 = arith.select %lt3A_588, %broadcast_in_dim3A_604, %while3A_587#7 : vector<16xf32>
        %select_n3A_609 = arith.select %lt3A_588, %broadcast_in_dim3A_604, %while3A_587#8 : vector<16xf32>
        %select_n3A_610 = arith.select %lt3A_588, %broadcast_in_dim3A_604, %while3A_587#9 : vector<16xf32>
        %select_n3A_611 = arith.select %lt3A_588, %broadcast_in_dim3A_604, %while3A_587#10 : vector<16xf32>
        %select_n3A_612 = arith.select %lt3A_588, %broadcast_in_dim3A_604, %while3A_587#11 : vector<16xf32>
        %select_n3A_613 = arith.select %lt3A_588, %broadcast_in_dim3A_604, %while3A_587#12 : vector<16xf32>
        %select_n3A_614 = arith.select %lt3A_588, %broadcast_in_dim3A_604, %while3A_587#13 : vector<16xf32>
        %select_n3A_615 = arith.select %lt3A_588, %broadcast_in_dim3A_604, %while3A_587#14 : vector<16xf32>
        %select_n3A_616 = arith.select %lt3A_588, %broadcast_in_dim3A_604, %while3A_587#15 : vector<16xf32>
        scf.yield %select_n3A_598, %squeeze3A_540, %select_n3A_599, %select_n3A_600, %select_n3A_601, %select_n3A_602, %select_n3A_605, %select_n3A_606, %select_n3A_607, %select_n3A_608, %select_n3A_609, %select_n3A_610, %select_n3A_611, %select_n3A_612, %select_n3A_613, %select_n3A_614, %select_n3A_615, %select_n3A_616 : i32, i32, vector<16xf32>, vector<16xf32>, vector<16xf32>, vector<16xf32>, vector<16xf32>, vector<16xf32>, vector<16xf32>, vector<16xf32>, vector<16xf32>, vector<16xf32>, vector<16xf32>, vector<16xf32>, vector<16xf32>, vector<16xf32>, vector<16xf32>, vector<16xf32>
      }
      %while3A_513 = arith.constant 1 : i32
      %while3A_514:18 = scf.for %while3A_515 = %while3A_510 to %while3A_506 step %while3A_513 iter_args(%while3A_516 = %while3A_512#0, %while3A_517 = %while3A_512#1, %while3A_518 = %while3A_512#2, %while3A_519 = %while3A_512#3, %while3A_520 = %while3A_512#4, %while3A_521 = %while3A_512#5, %while3A_522 = %while3A_512#6, %while3A_523 = %while3A_512#7, %while3A_524 = %while3A_512#8, %while3A_525 = %while3A_512#9, %while3A_526 = %while3A_512#10, %while3A_527 = %while3A_512#11, %while3A_528 = %while3A_512#12, %while3A_529 = %while3A_512#13, %while3A_530 = %while3A_512#14, %while3A_531 = %while3A_512#15, %while3A_532 = %while3A_512#16, %while3A_533 = %while3A_512#17) -> (i32, i32, vector<16xf32>, vector<16xf32>, vector<16xf32>, vector<16xf32>, vector<16xf32>, vector<16xf32>, vector<16xf32>, vector<16xf32>, vector<16xf32>, vector<16xf32>, vector<16xf32>, vector<16xf32>, vector<16xf32>, vector<16xf32>, vector<16xf32>, vector<16xf32>)  : i32 {
        %broadcast_in_dim3A_534 = arith.constant 1 : i32
        %broadcast_in_dim3A_535 = vector.broadcast %broadcast_in_dim3A_534 : i32 to vector<16xi32>
        %mul3A_536 = vector.broadcast %while3A_515 : i32 to vector<16xi32>
        %mul3A_537 = arith.muli %broadcast_in_dim3A_535, %mul3A_536 : vector<16xi32>
        %gather3A_538 = tpu.vector_load_idx %arg20[%mul3A_537] : memref<160xi32, #tpu.memory_space<vmem>>[vector<16xi32>], vector<16xi32>,
        %slice3A_539 = vector.extract_strided_slice %gather3A_538 {offsets = [0], sizes = [1], strides = [1]} : vector<16xi32> to vector<1xi32>
        %squeeze3A_540 = vector.extract %slice3A_539[0] : i32 from vector<1xi32>
        %sub3A_541 = arith.subi %while3A_517, %add3A_132 : i32
        %jit3A_542 = arith.constant 0 : i32
        %jit3A_543 = arith.constant 127 : i32
        %max3A_544 = arith.maxsi %jit3A_542, %sub3A_541 : i32
        %min3A_545 = arith.minsi %jit3A_543, %max3A_544 : i32
        %get3A_546 = arith.index_cast %rem3A_134 : i32 to index
        %get3A_547 = arith.index_cast %min3A_545 : i32 to index
        %get3A_548 = arith.constant 0 : index
        %get3A_549 = tpu.vector_load %arg14[%get3A_546, %get3A_547, %get3A_548] {strides = array<i32>} : memref<2x128x128xf32, #tpu.memory_space<vmem>>, vector<16xf32>,
        %get3A_550 = arith.index_cast %rem3A_134 : i32 to index
        %get3A_551 = arith.index_cast %min3A_545 : i32 to index
        %get3A_552 = arith.constant 16 : index
        %get3A_553 = tpu.vector_load %arg14[%get3A_550, %get3A_551, %get3A_552] {strides = array<i32>} : memref<2x128x128xf32, #tpu.memory_space<vmem>>, vector<16xf32>,
        %get3A_554 = arith.index_cast %rem3A_134 : i32 to index
        %get3A_555 = arith.index_cast %min3A_545 : i32 to index
        %get3A_556 = arith.constant 32 : index
        %get3A_557 = tpu.vector_load %arg14[%get3A_554, %get3A_555, %get3A_556] {strides = array<i32>} : memref<2x128x128xf32, #tpu.memory_space<vmem>>, vector<16xf32>,
        %get3A_558 = arith.index_cast %rem3A_134 : i32 to index
        %get3A_559 = arith.index_cast %min3A_545 : i32 to index
        %get3A_560 = arith.constant 48 : index
        %get3A_561 = tpu.vector_load %arg14[%get3A_558, %get3A_559, %get3A_560] {strides = array<i32>} : memref<2x128x128xf32, #tpu.memory_space<vmem>>, vector<16xf32>,
        %get3A_562 = arith.index_cast %rem3A_134 : i32 to index
        %get3A_563 = arith.index_cast %min3A_545 : i32 to index
        %get3A_564 = arith.constant 64 : index
        %get3A_565 = tpu.vector_load %arg14[%get3A_562, %get3A_563, %get3A_564] {strides = array<i32>} : memref<2x128x128xf32, #tpu.memory_space<vmem>>, vector<16xf32>,
        %get3A_566 = arith.index_cast %rem3A_134 : i32 to index
        %get3A_567 = arith.index_cast %min3A_545 : i32 to index
        %get3A_568 = arith.constant 80 : index
        %get3A_569 = tpu.vector_load %arg14[%get3A_566, %get3A_567, %get3A_568] {strides = array<i32>} : memref<2x128x128xf32, #tpu.memory_space<vmem>>, vector<16xf32>,
        %get3A_570 = arith.index_cast %rem3A_134 : i32 to index
        %get3A_571 = arith.index_cast %min3A_545 : i32 to index
        %get3A_572 = arith.constant 96 : index
        %get3A_573 = tpu.vector_load %arg14[%get3A_570, %get3A_571, %get3A_572] {strides = array<i32>} : memref<2x128x128xf32, #tpu.memory_space<vmem>>, vector<16xf32>,
        %get3A_574 = arith.index_cast %rem3A_134 : i32 to index
        %get3A_575 = arith.index_cast %min3A_545 : i32 to index
        %get3A_576 = arith.constant 112 : index
        %get3A_577 = tpu.vector_load %arg14[%get3A_574, %get3A_575, %get3A_576] {strides = array<i32>} : memref<2x128x128xf32, #tpu.memory_space<vmem>>, vector<16xf32>,
        %while3A_578 = arith.subi %squeeze3A_540, %while3A_517 : i32
        %while3A_579 = arith.addi %while3A_517, %while3A_578 : i32
        %while3A_580 = arith.constant 1 : i32
        %while3A_581 = arith.divsi %while3A_578, %while3A_580 : i32
        %while3A_582 = arith.muli %while3A_581, %while3A_580 : i32
        %while3A_583 = arith.addi %while3A_517, %while3A_582 : i32
        %while3A_584 = arith.constant 1 : i32
        %while3A_585:16 = scf.for %while3A_617 = %while3A_517 to %while3A_583 step %while3A_584 iter_args(%while3A_618 = %while3A_518, %while3A_619 = %while3A_519, %while3A_620 = %while3A_520, %while3A_621 = %while3A_521, %while3A_622 = %while3A_522, %while3A_623 = %while3A_523, %while3A_624 = %while3A_524, %while3A_625 = %while3A_525, %while3A_626 = %while3A_526, %while3A_627 = %while3A_527, %while3A_628 = %while3A_528, %while3A_629 = %while3A_529, %while3A_630 = %while3A_530, %while3A_631 = %while3A_531, %while3A_632 = %while3A_532, %while3A_633 = %while3A_533) -> (vector<16xf32>, vector<16xf32>, vector<16xf32>, vector<16xf32>, vector<16xf32>, vector<16xf32>, vector<16xf32>, vector<16xf32>, vector<16xf32>, vector<16xf32>, vector<16xf32>, vector<16xf32>, vector<16xf32>, vector<16xf32>, vector<16xf32>, vector<16xf32>)  : i32 {
          %sub3A_634 = arith.subi %while3A_617, %add3A_132 : i32
          %get3A_635 = arith.index_cast %rem3A_134 : i32 to index
          %get3A_636 = arith.index_cast %sub3A_634 : i32 to index
          %get3A_637 = arith.constant 0 : index
          %get3A_638 = tpu.vector_load %arg13[%get3A_635, %get3A_636, %get3A_637] {strides = array<i32>} : memref<2x128x128xf32, #tpu.memory_space<vmem>>, vector<16xf32>,
          %get3A_639 = arith.index_cast %rem3A_134 : i32 to index
          %get3A_640 = arith.index_cast %sub3A_634 : i32 to index
          %get3A_641 = arith.constant 16 : index
          %get3A_642 = tpu.vector_load %arg13[%get3A_639, %get3A_640, %get3A_641] {strides = array<i32>} : memref<2x128x128xf32, #tpu.memory_space<vmem>>, vector<16xf32>,
          %get3A_643 = arith.index_cast %rem3A_134 : i32 to index
          %get3A_644 = arith.index_cast %sub3A_634 : i32 to index
          %get3A_645 = arith.constant 32 : index
          %get3A_646 = tpu.vector_load %arg13[%get3A_643, %get3A_644, %get3A_645] {strides = array<i32>} : memref<2x128x128xf32, #tpu.memory_space<vmem>>, vector<16xf32>,
          %get3A_647 = arith.index_cast %rem3A_134 : i32 to index
          %get3A_648 = arith.index_cast %sub3A_634 : i32 to index
          %get3A_649 = arith.constant 48 : index
          %get3A_650 = tpu.vector_load %arg13[%get3A_647, %get3A_648, %get3A_649] {strides = array<i32>} : memref<2x128x128xf32, #tpu.memory_space<vmem>>, vector<16xf32>,
          %get3A_651 = arith.index_cast %rem3A_134 : i32 to index
          %get3A_652 = arith.index_cast %sub3A_634 : i32 to index
          %get3A_653 = arith.constant 64 : index
          %get3A_654 = tpu.vector_load %arg13[%get3A_651, %get3A_652, %get3A_653] {strides = array<i32>} : memref<2x128x128xf32, #tpu.memory_space<vmem>>, vector<16xf32>,
          %get3A_655 = arith.index_cast %rem3A_134 : i32 to index
          %get3A_656 = arith.index_cast %sub3A_634 : i32 to index
          %get3A_657 = arith.constant 80 : index
          %get3A_658 = tpu.vector_load %arg13[%get3A_655, %get3A_656, %get3A_657] {strides = array<i32>} : memref<2x128x128xf32, #tpu.memory_space<vmem>>, vector<16xf32>,
          %get3A_659 = arith.index_cast %rem3A_134 : i32 to index
          %get3A_660 = arith.index_cast %sub3A_634 : i32 to index
          %get3A_661 = arith.constant 96 : index
          %get3A_662 = tpu.vector_load %arg13[%get3A_659, %get3A_660, %get3A_661] {strides = array<i32>} : memref<2x128x128xf32, #tpu.memory_space<vmem>>, vector<16xf32>,
          %get3A_663 = arith.index_cast %rem3A_134 : i32 to index
          %get3A_664 = arith.index_cast %sub3A_634 : i32 to index
          %get3A_665 = arith.constant 112 : index
          %get3A_666 = tpu.vector_load %arg13[%get3A_663, %get3A_664, %get3A_665] {strides = array<i32>} : memref<2x128x128xf32, #tpu.memory_space<vmem>>, vector<16xf32>,
          %add3A_667 = arith.addf %get3A_638, %get3A_549 : vector<16xf32>
          %mul3A_668 = arith.constant 2.000000e-01 : f32
          %mul3A_669 = vector.broadcast %mul3A_668 : f32 to vector<16xf32>
          %mul3A_670 = arith.mulf %mul3A_669, %add3A_667 : vector<16xf32>
          %max3A_671 = arith.maximumf %add3A_667, %mul3A_670 : vector<16xf32>
          %mul3A_672 = arith.mulf %max3A_671, %get3A_11 : vector<16xf32>
          %add3A_673 = arith.addf %get3A_642, %get3A_553 : vector<16xf32>
          %mul3A_674 = arith.constant 2.000000e-01 : f32
          %mul3A_675 = vector.broadcast %mul3A_674 : f32 to vector<16xf32>
          %mul3A_676 = arith.mulf %mul3A_675, %add3A_673 : vector<16xf32>
          %max3A_677 = arith.maximumf %add3A_673, %mul3A_676 : vector<16xf32>
          %mul3A_678 = arith.mulf %max3A_677, %get3A_13 : vector<16xf32>
          %add3A_679 = arith.addf %get3A_646, %get3A_557 : vector<16xf32>
          %mul3A_680 = arith.constant 2.000000e-01 : f32
          %mul3A_681 = vector.broadcast %mul3A_680 : f32 to vector<16xf32>
          %mul3A_682 = arith.mulf %mul3A_681, %add3A_679 : vector<16xf32>
          %max3A_683 = arith.maximumf %add3A_679, %mul3A_682 : vector<16xf32>
          %mul3A_684 = arith.mulf %max3A_683, %get3A_11 : vector<16xf32>
          %add3A_685 = arith.addf %get3A_650, %get3A_561 : vector<16xf32>
          %mul3A_686 = arith.constant 2.000000e-01 : f32
          %mul3A_687 = vector.broadcast %mul3A_686 : f32 to vector<16xf32>
          %mul3A_688 = arith.mulf %mul3A_687, %add3A_685 : vector<16xf32>
          %max3A_689 = arith.maximumf %add3A_685, %mul3A_688 : vector<16xf32>
          %mul3A_690 = arith.mulf %max3A_689, %get3A_13 : vector<16xf32>
          %add3A_691 = arith.addf %get3A_654, %get3A_565 : vector<16xf32>
          %mul3A_692 = arith.constant 2.000000e-01 : f32
          %mul3A_693 = vector.broadcast %mul3A_692 : f32 to vector<16xf32>
          %mul3A_694 = arith.mulf %mul3A_693, %add3A_691 : vector<16xf32>
          %max3A_695 = arith.maximumf %add3A_691, %mul3A_694 : vector<16xf32>
          %mul3A_696 = arith.mulf %max3A_695, %get3A_11 : vector<16xf32>
          %add3A_697 = arith.addf %get3A_658, %get3A_569 : vector<16xf32>
          %mul3A_698 = arith.constant 2.000000e-01 : f32
          %mul3A_699 = vector.broadcast %mul3A_698 : f32 to vector<16xf32>
          %mul3A_700 = arith.mulf %mul3A_699, %add3A_697 : vector<16xf32>
          %max3A_701 = arith.maximumf %add3A_697, %mul3A_700 : vector<16xf32>
          %mul3A_702 = arith.mulf %max3A_701, %get3A_13 : vector<16xf32>
          %add3A_703 = arith.addf %get3A_662, %get3A_573 : vector<16xf32>
          %mul3A_704 = arith.constant 2.000000e-01 : f32
          %mul3A_705 = vector.broadcast %mul3A_704 : f32 to vector<16xf32>
          %mul3A_706 = arith.mulf %mul3A_705, %add3A_703 : vector<16xf32>
          %max3A_707 = arith.maximumf %add3A_703, %mul3A_706 : vector<16xf32>
          %mul3A_708 = arith.mulf %max3A_707, %get3A_11 : vector<16xf32>
          %add3A_709 = arith.addf %get3A_666, %get3A_577 : vector<16xf32>
          %mul3A_710 = arith.constant 2.000000e-01 : f32
          %mul3A_711 = vector.broadcast %mul3A_710 : f32 to vector<16xf32>
          %mul3A_712 = arith.mulf %mul3A_711, %add3A_709 : vector<16xf32>
          %max3A_713 = arith.maximumf %add3A_709, %mul3A_712 : vector<16xf32>
          %mul3A_714 = arith.mulf %max3A_713, %get3A_13 : vector<16xf32>
          %add3A_715 = arith.addf %mul3A_672, %mul3A_678 : vector<16xf32>
          %iota3A_716 = tpu.iota {dimensions = array<i32: 0>} : vector<16xi32>
          %xor3A = arith.constant 1 : i32
          %xor3A_717 = vector.broadcast %xor3A : i32 to vector<16xi32>
          %xor3A_718 = arith.xori %iota3A_716, %xor3A_717 : vector<16xi32>
          %broadcast_in_dim3A_719 = vector.shape_cast %xor3A_718 : vector<16xi32> to vector<16x1xi32>
          %gather3A_720 = vector.shape_cast %broadcast_in_dim3A_719 : vector<16x1xi32> to vector<16xi32>
          %gather3A_721 = tpu.dynamic_gather %add3A_715[%gather3A_720] in [0] : vector<16xf32>, vector<16xi32> -> vector<16xf32>
          %add3A_722 = arith.addf %add3A_715, %gather3A_721 : vector<16xf32>
          %iota3A_723 = tpu.iota {dimensions = array<i32: 0>} : vector<16xi32>
          %xor3A_724 = arith.constant 2 : i32
          %xor3A_725 = vector.broadcast %xor3A_724 : i32 to vector<16xi32>
          %xor3A_726 = arith.xori %iota3A_723, %xor3A_725 : vector<16xi32>
          %broadcast_in_dim3A_727 = vector.shape_cast %xor3A_726 : vector<16xi32> to vector<16x1xi32>
          %gather3A_728 = vector.shape_cast %broadcast_in_dim3A_727 : vector<16x1xi32> to vector<16xi32>
          %gather3A_729 = tpu.dynamic_gather %add3A_722[%gather3A_728] in [0] : vector<16xf32>, vector<16xi32> -> vector<16xf32>
          %add3A_730 = arith.addf %add3A_722, %gather3A_729 : vector<16xf32>
          %iota3A_731 = tpu.iota {dimensions = array<i32: 0>} : vector<16xi32>
          %xor3A_732 = arith.constant 4 : i32
          %xor3A_733 = vector.broadcast %xor3A_732 : i32 to vector<16xi32>
          %xor3A_734 = arith.xori %iota3A_731, %xor3A_733 : vector<16xi32>
          %broadcast_in_dim3A_735 = vector.shape_cast %xor3A_734 : vector<16xi32> to vector<16x1xi32>
          %gather3A_736 = vector.shape_cast %broadcast_in_dim3A_735 : vector<16x1xi32> to vector<16xi32>
          %gather3A_737 = tpu.dynamic_gather %add3A_730[%gather3A_736] in [0] : vector<16xf32>, vector<16xi32> -> vector<16xf32>
          %add3A_738 = arith.addf %add3A_730, %gather3A_737 : vector<16xf32>
          %iota3A_739 = tpu.iota {dimensions = array<i32: 0>} : vector<16xi32>
          %xor3A_740 = arith.constant 8 : i32
          %xor3A_741 = vector.broadcast %xor3A_740 : i32 to vector<16xi32>
          %xor3A_742 = arith.xori %iota3A_739, %xor3A_741 : vector<16xi32>
          %broadcast_in_dim3A_743 = vector.shape_cast %xor3A_742 : vector<16xi32> to vector<16x1xi32>
          %gather3A_744 = vector.shape_cast %broadcast_in_dim3A_743 : vector<16x1xi32> to vector<16xi32>
          %gather3A_745 = tpu.dynamic_gather %add3A_738[%gather3A_744] in [0] : vector<16xf32>, vector<16xi32> -> vector<16xf32>
          %add3A_746 = arith.addf %add3A_738, %gather3A_745 : vector<16xf32>
          %sub3A_747 = arith.subf %add3A_746, %while3A_618 : vector<16xf32>
          %abs3A = math.absf %sub3A_747 : vector<16xf32>
          %neg3A = arith.constant 0.000000e+00 : f32
          %neg3A_748 = vector.broadcast %neg3A : f32 to vector<16xf32>
          %neg3A_749 = arith.subf %neg3A_748, %abs3A : vector<16xf32>
          %exp3A = math.exp %neg3A_749 : vector<16xf32>
          %gt3A_750 = arith.constant 0.000000e+00 : f32
          %gt3A_751 = vector.broadcast %gt3A_750 : f32 to vector<16xf32>
          %gt3A_752 = arith.cmpf ogt, %sub3A_747, %gt3A_751 : vector<16xf32>
          %select_n3A_753 = arith.select %gt3A_752, %exp3A, %broadcast_in_dim3A_82 : vector<16xi1>, vector<16xf32>
          %select_n3A_754 = arith.select %gt3A_752, %broadcast_in_dim3A_82, %exp3A : vector<16xi1>, vector<16xf32>
          %mul3A_755 = arith.mulf %while3A_622, %select_n3A_753 : vector<16xf32>
          %add3A_756 = arith.addf %mul3A_755, %select_n3A_754 : vector<16xf32>
          %mul3A_757 = arith.mulf %while3A_626, %select_n3A_753 : vector<16xf32>
          %mul3A_758 = arith.mulf %select_n3A_754, %get3A_638 : vector<16xf32>
          %add3A_759 = arith.addf %mul3A_757, %mul3A_758 : vector<16xf32>
          %mul3A_760 = arith.mulf %while3A_627, %select_n3A_753 : vector<16xf32>
          %mul3A_761 = arith.mulf %select_n3A_754, %get3A_642 : vector<16xf32>
          %add3A_762 = arith.addf %mul3A_760, %mul3A_761 : vector<16xf32>
          %max3A_763 = arith.maximumf %while3A_618, %add3A_746 : vector<16xf32>
          %add3A_764 = arith.addf %mul3A_684, %mul3A_690 : vector<16xf32>
          %iota3A_765 = tpu.iota {dimensions = array<i32: 0>} : vector<16xi32>
          %xor3A_766 = arith.constant 1 : i32
          %xor3A_767 = vector.broadcast %xor3A_766 : i32 to vector<16xi32>
          %xor3A_768 = arith.xori %iota3A_765, %xor3A_767 : vector<16xi32>
          %broadcast_in_dim3A_769 = vector.shape_cast %xor3A_768 : vector<16xi32> to vector<16x1xi32>
          %gather3A_770 = vector.shape_cast %broadcast_in_dim3A_769 : vector<16x1xi32> to vector<16xi32>
          %gather3A_771 = tpu.dynamic_gather %add3A_764[%gather3A_770] in [0] : vector<16xf32>, vector<16xi32> -> vector<16xf32>
          %add3A_772 = arith.addf %add3A_764, %gather3A_771 : vector<16xf32>
          %iota3A_773 = tpu.iota {dimensions = array<i32: 0>} : vector<16xi32>
          %xor3A_774 = arith.constant 2 : i32
          %xor3A_775 = vector.broadcast %xor3A_774 : i32 to vector<16xi32>
          %xor3A_776 = arith.xori %iota3A_773, %xor3A_775 : vector<16xi32>
          %broadcast_in_dim3A_777 = vector.shape_cast %xor3A_776 : vector<16xi32> to vector<16x1xi32>
          %gather3A_778 = vector.shape_cast %broadcast_in_dim3A_777 : vector<16x1xi32> to vector<16xi32>
          %gather3A_779 = tpu.dynamic_gather %add3A_772[%gather3A_778] in [0] : vector<16xf32>, vector<16xi32> -> vector<16xf32>
          %add3A_780 = arith.addf %add3A_772, %gather3A_779 : vector<16xf32>
          %iota3A_781 = tpu.iota {dimensions = array<i32: 0>} : vector<16xi32>
          %xor3A_782 = arith.constant 4 : i32
          %xor3A_783 = vector.broadcast %xor3A_782 : i32 to vector<16xi32>
          %xor3A_784 = arith.xori %iota3A_781, %xor3A_783 : vector<16xi32>
          %broadcast_in_dim3A_785 = vector.shape_cast %xor3A_784 : vector<16xi32> to vector<16x1xi32>
          %gather3A_786 = vector.shape_cast %broadcast_in_dim3A_785 : vector<16x1xi32> to vector<16xi32>
          %gather3A_787 = tpu.dynamic_gather %add3A_780[%gather3A_786] in [0] : vector<16xf32>, vector<16xi32> -> vector<16xf32>
          %add3A_788 = arith.addf %add3A_780, %gather3A_787 : vector<16xf32>
          %iota3A_789 = tpu.iota {dimensions = array<i32: 0>} : vector<16xi32>
          %xor3A_790 = arith.constant 8 : i32
          %xor3A_791 = vector.broadcast %xor3A_790 : i32 to vector<16xi32>
          %xor3A_792 = arith.xori %iota3A_789, %xor3A_791 : vector<16xi32>
          %broadcast_in_dim3A_793 = vector.shape_cast %xor3A_792 : vector<16xi32> to vector<16x1xi32>
          %gather3A_794 = vector.shape_cast %broadcast_in_dim3A_793 : vector<16x1xi32> to vector<16xi32>
          %gather3A_795 = tpu.dynamic_gather %add3A_788[%gather3A_794] in [0] : vector<16xf32>, vector<16xi32> -> vector<16xf32>
          %add3A_796 = arith.addf %add3A_788, %gather3A_795 : vector<16xf32>
          %sub3A_797 = arith.subf %add3A_796, %while3A_619 : vector<16xf32>
          %abs3A_798 = math.absf %sub3A_797 : vector<16xf32>
          %neg3A_799 = arith.constant 0.000000e+00 : f32
          %neg3A_800 = vector.broadcast %neg3A_799 : f32 to vector<16xf32>
          %neg3A_801 = arith.subf %neg3A_800, %abs3A_798 : vector<16xf32>
          %exp3A_802 = math.exp %neg3A_801 : vector<16xf32>
          %gt3A_803 = arith.constant 0.000000e+00 : f32
          %gt3A_804 = vector.broadcast %gt3A_803 : f32 to vector<16xf32>
          %gt3A_805 = arith.cmpf ogt, %sub3A_797, %gt3A_804 : vector<16xf32>
          %select_n3A_806 = arith.select %gt3A_805, %exp3A_802, %broadcast_in_dim3A_82 : vector<16xi1>, vector<16xf32>
          %select_n3A_807 = arith.select %gt3A_805, %broadcast_in_dim3A_82, %exp3A_802 : vector<16xi1>, vector<16xf32>
          %mul3A_808 = arith.mulf %while3A_623, %select_n3A_806 : vector<16xf32>
          %add3A_809 = arith.addf %mul3A_808, %select_n3A_807 : vector<16xf32>
          %mul3A_810 = arith.mulf %while3A_628, %select_n3A_806 : vector<16xf32>
          %mul3A_811 = arith.mulf %select_n3A_807, %get3A_646 : vector<16xf32>
          %add3A_812 = arith.addf %mul3A_810, %mul3A_811 : vector<16xf32>
          %mul3A_813 = arith.mulf %while3A_629, %select_n3A_806 : vector<16xf32>
          %mul3A_814 = arith.mulf %select_n3A_807, %get3A_650 : vector<16xf32>
          %add3A_815 = arith.addf %mul3A_813, %mul3A_814 : vector<16xf32>
          %max3A_816 = arith.maximumf %while3A_619, %add3A_796 : vector<16xf32>
          %add3A_817 = arith.addf %mul3A_696, %mul3A_702 : vector<16xf32>
          %iota3A_818 = tpu.iota {dimensions = array<i32: 0>} : vector<16xi32>
          %xor3A_819 = arith.constant 1 : i32
          %xor3A_820 = vector.broadcast %xor3A_819 : i32 to vector<16xi32>
          %xor3A_821 = arith.xori %iota3A_818, %xor3A_820 : vector<16xi32>
          %broadcast_in_dim3A_822 = vector.shape_cast %xor3A_821 : vector<16xi32> to vector<16x1xi32>
          %gather3A_823 = vector.shape_cast %broadcast_in_dim3A_822 : vector<16x1xi32> to vector<16xi32>
          %gather3A_824 = tpu.dynamic_gather %add3A_817[%gather3A_823] in [0] : vector<16xf32>, vector<16xi32> -> vector<16xf32>
          %add3A_825 = arith.addf %add3A_817, %gather3A_824 : vector<16xf32>
          %iota3A_826 = tpu.iota {dimensions = array<i32: 0>} : vector<16xi32>
          %xor3A_827 = arith.constant 2 : i32
          %xor3A_828 = vector.broadcast %xor3A_827 : i32 to vector<16xi32>
          %xor3A_829 = arith.xori %iota3A_826, %xor3A_828 : vector<16xi32>
          %broadcast_in_dim3A_830 = vector.shape_cast %xor3A_829 : vector<16xi32> to vector<16x1xi32>
          %gather3A_831 = vector.shape_cast %broadcast_in_dim3A_830 : vector<16x1xi32> to vector<16xi32>
          %gather3A_832 = tpu.dynamic_gather %add3A_825[%gather3A_831] in [0] : vector<16xf32>, vector<16xi32> -> vector<16xf32>
          %add3A_833 = arith.addf %add3A_825, %gather3A_832 : vector<16xf32>
          %iota3A_834 = tpu.iota {dimensions = array<i32: 0>} : vector<16xi32>
          %xor3A_835 = arith.constant 4 : i32
          %xor3A_836 = vector.broadcast %xor3A_835 : i32 to vector<16xi32>
          %xor3A_837 = arith.xori %iota3A_834, %xor3A_836 : vector<16xi32>
          %broadcast_in_dim3A_838 = vector.shape_cast %xor3A_837 : vector<16xi32> to vector<16x1xi32>
          %gather3A_839 = vector.shape_cast %broadcast_in_dim3A_838 : vector<16x1xi32> to vector<16xi32>
          %gather3A_840 = tpu.dynamic_gather %add3A_833[%gather3A_839] in [0] : vector<16xf32>, vector<16xi32> -> vector<16xf32>
          %add3A_841 = arith.addf %add3A_833, %gather3A_840 : vector<16xf32>
          %iota3A_842 = tpu.iota {dimensions = array<i32: 0>} : vector<16xi32>
          %xor3A_843 = arith.constant 8 : i32
          %xor3A_844 = vector.broadcast %xor3A_843 : i32 to vector<16xi32>
          %xor3A_845 = arith.xori %iota3A_842, %xor3A_844 : vector<16xi32>
          %broadcast_in_dim3A_846 = vector.shape_cast %xor3A_845 : vector<16xi32> to vector<16x1xi32>
          %gather3A_847 = vector.shape_cast %broadcast_in_dim3A_846 : vector<16x1xi32> to vector<16xi32>
          %gather3A_848 = tpu.dynamic_gather %add3A_841[%gather3A_847] in [0] : vector<16xf32>, vector<16xi32> -> vector<16xf32>
          %add3A_849 = arith.addf %add3A_841, %gather3A_848 : vector<16xf32>
          %sub3A_850 = arith.subf %add3A_849, %while3A_620 : vector<16xf32>
          %abs3A_851 = math.absf %sub3A_850 : vector<16xf32>
          %neg3A_852 = arith.constant 0.000000e+00 : f32
          %neg3A_853 = vector.broadcast %neg3A_852 : f32 to vector<16xf32>
          %neg3A_854 = arith.subf %neg3A_853, %abs3A_851 : vector<16xf32>
          %exp3A_855 = math.exp %neg3A_854 : vector<16xf32>
          %gt3A_856 = arith.constant 0.000000e+00 : f32
          %gt3A_857 = vector.broadcast %gt3A_856 : f32 to vector<16xf32>
          %gt3A_858 = arith.cmpf ogt, %sub3A_850, %gt3A_857 : vector<16xf32>
          %select_n3A_859 = arith.select %gt3A_858, %exp3A_855, %broadcast_in_dim3A_82 : vector<16xi1>, vector<16xf32>
          %select_n3A_860 = arith.select %gt3A_858, %broadcast_in_dim3A_82, %exp3A_855 : vector<16xi1>, vector<16xf32>
          %mul3A_861 = arith.mulf %while3A_624, %select_n3A_859 : vector<16xf32>
          %add3A_862 = arith.addf %mul3A_861, %select_n3A_860 : vector<16xf32>
          %mul3A_863 = arith.mulf %while3A_630, %select_n3A_859 : vector<16xf32>
          %mul3A_864 = arith.mulf %select_n3A_860, %get3A_654 : vector<16xf32>
          %add3A_865 = arith.addf %mul3A_863, %mul3A_864 : vector<16xf32>
          %mul3A_866 = arith.mulf %while3A_631, %select_n3A_859 : vector<16xf32>
          %mul3A_867 = arith.mulf %select_n3A_860, %get3A_658 : vector<16xf32>
          %add3A_868 = arith.addf %mul3A_866, %mul3A_867 : vector<16xf32>
          %max3A_869 = arith.maximumf %while3A_620, %add3A_849 : vector<16xf32>
          %add3A_870 = arith.addf %mul3A_708, %mul3A_714 : vector<16xf32>
          %iota3A_871 = tpu.iota {dimensions = array<i32: 0>} : vector<16xi32>
          %xor3A_872 = arith.constant 1 : i32
          %xor3A_873 = vector.broadcast %xor3A_872 : i32 to vector<16xi32>
          %xor3A_874 = arith.xori %iota3A_871, %xor3A_873 : vector<16xi32>
          %broadcast_in_dim3A_875 = vector.shape_cast %xor3A_874 : vector<16xi32> to vector<16x1xi32>
          %gather3A_876 = vector.shape_cast %broadcast_in_dim3A_875 : vector<16x1xi32> to vector<16xi32>
          %gather3A_877 = tpu.dynamic_gather %add3A_870[%gather3A_876] in [0] : vector<16xf32>, vector<16xi32> -> vector<16xf32>
          %add3A_878 = arith.addf %add3A_870, %gather3A_877 : vector<16xf32>
          %iota3A_879 = tpu.iota {dimensions = array<i32: 0>} : vector<16xi32>
          %xor3A_880 = arith.constant 2 : i32
          %xor3A_881 = vector.broadcast %xor3A_880 : i32 to vector<16xi32>
          %xor3A_882 = arith.xori %iota3A_879, %xor3A_881 : vector<16xi32>
          %broadcast_in_dim3A_883 = vector.shape_cast %xor3A_882 : vector<16xi32> to vector<16x1xi32>
          %gather3A_884 = vector.shape_cast %broadcast_in_dim3A_883 : vector<16x1xi32> to vector<16xi32>
          %gather3A_885 = tpu.dynamic_gather %add3A_878[%gather3A_884] in [0] : vector<16xf32>, vector<16xi32> -> vector<16xf32>
          %add3A_886 = arith.addf %add3A_878, %gather3A_885 : vector<16xf32>
          %iota3A_887 = tpu.iota {dimensions = array<i32: 0>} : vector<16xi32>
          %xor3A_888 = arith.constant 4 : i32
          %xor3A_889 = vector.broadcast %xor3A_888 : i32 to vector<16xi32>
          %xor3A_890 = arith.xori %iota3A_887, %xor3A_889 : vector<16xi32>
          %broadcast_in_dim3A_891 = vector.shape_cast %xor3A_890 : vector<16xi32> to vector<16x1xi32>
          %gather3A_892 = vector.shape_cast %broadcast_in_dim3A_891 : vector<16x1xi32> to vector<16xi32>
          %gather3A_893 = tpu.dynamic_gather %add3A_886[%gather3A_892] in [0] : vector<16xf32>, vector<16xi32> -> vector<16xf32>
          %add3A_894 = arith.addf %add3A_886, %gather3A_893 : vector<16xf32>
          %iota3A_895 = tpu.iota {dimensions = array<i32: 0>} : vector<16xi32>
          %xor3A_896 = arith.constant 8 : i32
          %xor3A_897 = vector.broadcast %xor3A_896 : i32 to vector<16xi32>
          %xor3A_898 = arith.xori %iota3A_895, %xor3A_897 : vector<16xi32>
          %broadcast_in_dim3A_899 = vector.shape_cast %xor3A_898 : vector<16xi32> to vector<16x1xi32>
          %gather3A_900 = vector.shape_cast %broadcast_in_dim3A_899 : vector<16x1xi32> to vector<16xi32>
          %gather3A_901 = tpu.dynamic_gather %add3A_894[%gather3A_900] in [0] : vector<16xf32>, vector<16xi32> -> vector<16xf32>
          %add3A_902 = arith.addf %add3A_894, %gather3A_901 : vector<16xf32>
          %sub3A_903 = arith.subf %add3A_902, %while3A_621 : vector<16xf32>
          %abs3A_904 = math.absf %sub3A_903 : vector<16xf32>
          %neg3A_905 = arith.constant 0.000000e+00 : f32
          %neg3A_906 = vector.broadcast %neg3A_905 : f32 to vector<16xf32>
          %neg3A_907 = arith.subf %neg3A_906, %abs3A_904 : vector<16xf32>
          %exp3A_908 = math.exp %neg3A_907 : vector<16xf32>
          %gt3A_909 = arith.constant 0.000000e+00 : f32
          %gt3A_910 = vector.broadcast %gt3A_909 : f32 to vector<16xf32>
          %gt3A_911 = arith.cmpf ogt, %sub3A_903, %gt3A_910 : vector<16xf32>
          %select_n3A_912 = arith.select %gt3A_911, %exp3A_908, %broadcast_in_dim3A_82 : vector<16xi1>, vector<16xf32>
          %select_n3A_913 = arith.select %gt3A_911, %broadcast_in_dim3A_82, %exp3A_908 : vector<16xi1>, vector<16xf32>
          %mul3A_914 = arith.mulf %while3A_625, %select_n3A_912 : vector<16xf32>
          %add3A_915 = arith.addf %mul3A_914, %select_n3A_913 : vector<16xf32>
          %mul3A_916 = arith.mulf %while3A_632, %select_n3A_912 : vector<16xf32>
          %mul3A_917 = arith.mulf %select_n3A_913, %get3A_662 : vector<16xf32>
          %add3A_918 = arith.addf %mul3A_916, %mul3A_917 : vector<16xf32>
          %mul3A_919 = arith.mulf %while3A_633, %select_n3A_912 : vector<16xf32>
          %mul3A_920 = arith.mulf %select_n3A_913, %get3A_666 : vector<16xf32>
          %add3A_921 = arith.addf %mul3A_919, %mul3A_920 : vector<16xf32>
          %max3A_922 = arith.maximumf %while3A_621, %add3A_902 : vector<16xf32>
          scf.yield %max3A_763, %max3A_816, %max3A_869, %max3A_922, %add3A_756, %add3A_809, %add3A_862, %add3A_915, %add3A_759, %add3A_762, %add3A_812, %add3A_815, %add3A_865, %add3A_868, %add3A_918, %add3A_921 : vector<16xf32>, vector<16xf32>, vector<16xf32>, vector<16xf32>, vector<16xf32>, vector<16xf32>, vector<16xf32>, vector<16xf32>, vector<16xf32>, vector<16xf32>, vector<16xf32>, vector<16xf32>, vector<16xf32>, vector<16xf32>, vector<16xf32>, vector<16xf32>
        }
        %while3A_586 = arith.constant 1 : i32
        %while3A_587:16 = scf.for %while3A_617 = %while3A_583 to %while3A_579 step %while3A_586 iter_args(%while3A_618 = %while3A_585#0, %while3A_619 = %while3A_585#1, %while3A_620 = %while3A_585#2, %while3A_621 = %while3A_585#3, %while3A_622 = %while3A_585#4, %while3A_623 = %while3A_585#5, %while3A_624 = %while3A_585#6, %while3A_625 = %while3A_585#7, %while3A_626 = %while3A_585#8, %while3A_627 = %while3A_585#9, %while3A_628 = %while3A_585#10, %while3A_629 = %while3A_585#11, %while3A_630 = %while3A_585#12, %while3A_631 = %while3A_585#13, %while3A_632 = %while3A_585#14, %while3A_633 = %while3A_585#15) -> (vector<16xf32>, vector<16xf32>, vector<16xf32>, vector<16xf32>, vector<16xf32>, vector<16xf32>, vector<16xf32>, vector<16xf32>, vector<16xf32>, vector<16xf32>, vector<16xf32>, vector<16xf32>, vector<16xf32>, vector<16xf32>, vector<16xf32>, vector<16xf32>)  : i32 {
          %sub3A_634 = arith.subi %while3A_617, %add3A_132 : i32
          %get3A_635 = arith.index_cast %rem3A_134 : i32 to index
          %get3A_636 = arith.index_cast %sub3A_634 : i32 to index
          %get3A_637 = arith.constant 0 : index
          %get3A_638 = tpu.vector_load %arg13[%get3A_635, %get3A_636, %get3A_637] {strides = array<i32>} : memref<2x128x128xf32, #tpu.memory_space<vmem>>, vector<16xf32>,
          %get3A_639 = arith.index_cast %rem3A_134 : i32 to index
          %get3A_640 = arith.index_cast %sub3A_634 : i32 to index
          %get3A_641 = arith.constant 16 : index
          %get3A_642 = tpu.vector_load %arg13[%get3A_639, %get3A_640, %get3A_641] {strides = array<i32>} : memref<2x128x128xf32, #tpu.memory_space<vmem>>, vector<16xf32>,
          %get3A_643 = arith.index_cast %rem3A_134 : i32 to index
          %get3A_644 = arith.index_cast %sub3A_634 : i32 to index
          %get3A_645 = arith.constant 32 : index
          %get3A_646 = tpu.vector_load %arg13[%get3A_643, %get3A_644, %get3A_645] {strides = array<i32>} : memref<2x128x128xf32, #tpu.memory_space<vmem>>, vector<16xf32>,
          %get3A_647 = arith.index_cast %rem3A_134 : i32 to index
          %get3A_648 = arith.index_cast %sub3A_634 : i32 to index
          %get3A_649 = arith.constant 48 : index
          %get3A_650 = tpu.vector_load %arg13[%get3A_647, %get3A_648, %get3A_649] {strides = array<i32>} : memref<2x128x128xf32, #tpu.memory_space<vmem>>, vector<16xf32>,
          %get3A_651 = arith.index_cast %rem3A_134 : i32 to index
          %get3A_652 = arith.index_cast %sub3A_634 : i32 to index
          %get3A_653 = arith.constant 64 : index
          %get3A_654 = tpu.vector_load %arg13[%get3A_651, %get3A_652, %get3A_653] {strides = array<i32>} : memref<2x128x128xf32, #tpu.memory_space<vmem>>, vector<16xf32>,
          %get3A_655 = arith.index_cast %rem3A_134 : i32 to index
          %get3A_656 = arith.index_cast %sub3A_634 : i32 to index
          %get3A_657 = arith.constant 80 : index
          %get3A_658 = tpu.vector_load %arg13[%get3A_655, %get3A_656, %get3A_657] {strides = array<i32>} : memref<2x128x128xf32, #tpu.memory_space<vmem>>, vector<16xf32>,
          %get3A_659 = arith.index_cast %rem3A_134 : i32 to index
          %get3A_660 = arith.index_cast %sub3A_634 : i32 to index
          %get3A_661 = arith.constant 96 : index
          %get3A_662 = tpu.vector_load %arg13[%get3A_659, %get3A_660, %get3A_661] {strides = array<i32>} : memref<2x128x128xf32, #tpu.memory_space<vmem>>, vector<16xf32>,
          %get3A_663 = arith.index_cast %rem3A_134 : i32 to index
          %get3A_664 = arith.index_cast %sub3A_634 : i32 to index
          %get3A_665 = arith.constant 112 : index
          %get3A_666 = tpu.vector_load %arg13[%get3A_663, %get3A_664, %get3A_665] {strides = array<i32>} : memref<2x128x128xf32, #tpu.memory_space<vmem>>, vector<16xf32>,
          %add3A_667 = arith.addf %get3A_638, %get3A_549 : vector<16xf32>
          %mul3A_668 = arith.constant 2.000000e-01 : f32
          %mul3A_669 = vector.broadcast %mul3A_668 : f32 to vector<16xf32>
          %mul3A_670 = arith.mulf %mul3A_669, %add3A_667 : vector<16xf32>
          %max3A_671 = arith.maximumf %add3A_667, %mul3A_670 : vector<16xf32>
          %mul3A_672 = arith.mulf %max3A_671, %get3A_11 : vector<16xf32>
          %add3A_673 = arith.addf %get3A_642, %get3A_553 : vector<16xf32>
          %mul3A_674 = arith.constant 2.000000e-01 : f32
          %mul3A_675 = vector.broadcast %mul3A_674 : f32 to vector<16xf32>
          %mul3A_676 = arith.mulf %mul3A_675, %add3A_673 : vector<16xf32>
          %max3A_677 = arith.maximumf %add3A_673, %mul3A_676 : vector<16xf32>
          %mul3A_678 = arith.mulf %max3A_677, %get3A_13 : vector<16xf32>
          %add3A_679 = arith.addf %get3A_646, %get3A_557 : vector<16xf32>
          %mul3A_680 = arith.constant 2.000000e-01 : f32
          %mul3A_681 = vector.broadcast %mul3A_680 : f32 to vector<16xf32>
          %mul3A_682 = arith.mulf %mul3A_681, %add3A_679 : vector<16xf32>
          %max3A_683 = arith.maximumf %add3A_679, %mul3A_682 : vector<16xf32>
          %mul3A_684 = arith.mulf %max3A_683, %get3A_11 : vector<16xf32>
          %add3A_685 = arith.addf %get3A_650, %get3A_561 : vector<16xf32>
          %mul3A_686 = arith.constant 2.000000e-01 : f32
          %mul3A_687 = vector.broadcast %mul3A_686 : f32 to vector<16xf32>
          %mul3A_688 = arith.mulf %mul3A_687, %add3A_685 : vector<16xf32>
          %max3A_689 = arith.maximumf %add3A_685, %mul3A_688 : vector<16xf32>
          %mul3A_690 = arith.mulf %max3A_689, %get3A_13 : vector<16xf32>
          %add3A_691 = arith.addf %get3A_654, %get3A_565 : vector<16xf32>
          %mul3A_692 = arith.constant 2.000000e-01 : f32
          %mul3A_693 = vector.broadcast %mul3A_692 : f32 to vector<16xf32>
          %mul3A_694 = arith.mulf %mul3A_693, %add3A_691 : vector<16xf32>
          %max3A_695 = arith.maximumf %add3A_691, %mul3A_694 : vector<16xf32>
          %mul3A_696 = arith.mulf %max3A_695, %get3A_11 : vector<16xf32>
          %add3A_697 = arith.addf %get3A_658, %get3A_569 : vector<16xf32>
          %mul3A_698 = arith.constant 2.000000e-01 : f32
          %mul3A_699 = vector.broadcast %mul3A_698 : f32 to vector<16xf32>
          %mul3A_700 = arith.mulf %mul3A_699, %add3A_697 : vector<16xf32>
          %max3A_701 = arith.maximumf %add3A_697, %mul3A_700 : vector<16xf32>
          %mul3A_702 = arith.mulf %max3A_701, %get3A_13 : vector<16xf32>
          %add3A_703 = arith.addf %get3A_662, %get3A_573 : vector<16xf32>
          %mul3A_704 = arith.constant 2.000000e-01 : f32
          %mul3A_705 = vector.broadcast %mul3A_704 : f32 to vector<16xf32>
          %mul3A_706 = arith.mulf %mul3A_705, %add3A_703 : vector<16xf32>
          %max3A_707 = arith.maximumf %add3A_703, %mul3A_706 : vector<16xf32>
          %mul3A_708 = arith.mulf %max3A_707, %get3A_11 : vector<16xf32>
          %add3A_709 = arith.addf %get3A_666, %get3A_577 : vector<16xf32>
          %mul3A_710 = arith.constant 2.000000e-01 : f32
          %mul3A_711 = vector.broadcast %mul3A_710 : f32 to vector<16xf32>
          %mul3A_712 = arith.mulf %mul3A_711, %add3A_709 : vector<16xf32>
          %max3A_713 = arith.maximumf %add3A_709, %mul3A_712 : vector<16xf32>
          %mul3A_714 = arith.mulf %max3A_713, %get3A_13 : vector<16xf32>
          %add3A_715 = arith.addf %mul3A_672, %mul3A_678 : vector<16xf32>
          %iota3A_716 = tpu.iota {dimensions = array<i32: 0>} : vector<16xi32>
          %xor3A = arith.constant 1 : i32
          %xor3A_717 = vector.broadcast %xor3A : i32 to vector<16xi32>
          %xor3A_718 = arith.xori %iota3A_716, %xor3A_717 : vector<16xi32>
          %broadcast_in_dim3A_719 = vector.shape_cast %xor3A_718 : vector<16xi32> to vector<16x1xi32>
          %gather3A_720 = vector.shape_cast %broadcast_in_dim3A_719 : vector<16x1xi32> to vector<16xi32>
          %gather3A_721 = tpu.dynamic_gather %add3A_715[%gather3A_720] in [0] : vector<16xf32>, vector<16xi32> -> vector<16xf32>
          %add3A_722 = arith.addf %add3A_715, %gather3A_721 : vector<16xf32>
          %iota3A_723 = tpu.iota {dimensions = array<i32: 0>} : vector<16xi32>
          %xor3A_724 = arith.constant 2 : i32
          %xor3A_725 = vector.broadcast %xor3A_724 : i32 to vector<16xi32>
          %xor3A_726 = arith.xori %iota3A_723, %xor3A_725 : vector<16xi32>
          %broadcast_in_dim3A_727 = vector.shape_cast %xor3A_726 : vector<16xi32> to vector<16x1xi32>
          %gather3A_728 = vector.shape_cast %broadcast_in_dim3A_727 : vector<16x1xi32> to vector<16xi32>
          %gather3A_729 = tpu.dynamic_gather %add3A_722[%gather3A_728] in [0] : vector<16xf32>, vector<16xi32> -> vector<16xf32>
          %add3A_730 = arith.addf %add3A_722, %gather3A_729 : vector<16xf32>
          %iota3A_731 = tpu.iota {dimensions = array<i32: 0>} : vector<16xi32>
          %xor3A_732 = arith.constant 4 : i32
          %xor3A_733 = vector.broadcast %xor3A_732 : i32 to vector<16xi32>
          %xor3A_734 = arith.xori %iota3A_731, %xor3A_733 : vector<16xi32>
          %broadcast_in_dim3A_735 = vector.shape_cast %xor3A_734 : vector<16xi32> to vector<16x1xi32>
          %gather3A_736 = vector.shape_cast %broadcast_in_dim3A_735 : vector<16x1xi32> to vector<16xi32>
          %gather3A_737 = tpu.dynamic_gather %add3A_730[%gather3A_736] in [0] : vector<16xf32>, vector<16xi32> -> vector<16xf32>
          %add3A_738 = arith.addf %add3A_730, %gather3A_737 : vector<16xf32>
          %iota3A_739 = tpu.iota {dimensions = array<i32: 0>} : vector<16xi32>
          %xor3A_740 = arith.constant 8 : i32
          %xor3A_741 = vector.broadcast %xor3A_740 : i32 to vector<16xi32>
          %xor3A_742 = arith.xori %iota3A_739, %xor3A_741 : vector<16xi32>
          %broadcast_in_dim3A_743 = vector.shape_cast %xor3A_742 : vector<16xi32> to vector<16x1xi32>
          %gather3A_744 = vector.shape_cast %broadcast_in_dim3A_743 : vector<16x1xi32> to vector<16xi32>
          %gather3A_745 = tpu.dynamic_gather %add3A_738[%gather3A_744] in [0] : vector<16xf32>, vector<16xi32> -> vector<16xf32>
          %add3A_746 = arith.addf %add3A_738, %gather3A_745 : vector<16xf32>
          %sub3A_747 = arith.subf %add3A_746, %while3A_618 : vector<16xf32>
          %abs3A = math.absf %sub3A_747 : vector<16xf32>
          %neg3A = arith.constant 0.000000e+00 : f32
          %neg3A_748 = vector.broadcast %neg3A : f32 to vector<16xf32>
          %neg3A_749 = arith.subf %neg3A_748, %abs3A : vector<16xf32>
          %exp3A = math.exp %neg3A_749 : vector<16xf32>
          %gt3A_750 = arith.constant 0.000000e+00 : f32
          %gt3A_751 = vector.broadcast %gt3A_750 : f32 to vector<16xf32>
          %gt3A_752 = arith.cmpf ogt, %sub3A_747, %gt3A_751 : vector<16xf32>
          %select_n3A_753 = arith.select %gt3A_752, %exp3A, %broadcast_in_dim3A_82 : vector<16xi1>, vector<16xf32>
          %select_n3A_754 = arith.select %gt3A_752, %broadcast_in_dim3A_82, %exp3A : vector<16xi1>, vector<16xf32>
          %mul3A_755 = arith.mulf %while3A_622, %select_n3A_753 : vector<16xf32>
          %add3A_756 = arith.addf %mul3A_755, %select_n3A_754 : vector<16xf32>
          %mul3A_757 = arith.mulf %while3A_626, %select_n3A_753 : vector<16xf32>
          %mul3A_758 = arith.mulf %select_n3A_754, %get3A_638 : vector<16xf32>
          %add3A_759 = arith.addf %mul3A_757, %mul3A_758 : vector<16xf32>
          %mul3A_760 = arith.mulf %while3A_627, %select_n3A_753 : vector<16xf32>
          %mul3A_761 = arith.mulf %select_n3A_754, %get3A_642 : vector<16xf32>
          %add3A_762 = arith.addf %mul3A_760, %mul3A_761 : vector<16xf32>
          %max3A_763 = arith.maximumf %while3A_618, %add3A_746 : vector<16xf32>
          %add3A_764 = arith.addf %mul3A_684, %mul3A_690 : vector<16xf32>
          %iota3A_765 = tpu.iota {dimensions = array<i32: 0>} : vector<16xi32>
          %xor3A_766 = arith.constant 1 : i32
          %xor3A_767 = vector.broadcast %xor3A_766 : i32 to vector<16xi32>
          %xor3A_768 = arith.xori %iota3A_765, %xor3A_767 : vector<16xi32>
          %broadcast_in_dim3A_769 = vector.shape_cast %xor3A_768 : vector<16xi32> to vector<16x1xi32>
          %gather3A_770 = vector.shape_cast %broadcast_in_dim3A_769 : vector<16x1xi32> to vector<16xi32>
          %gather3A_771 = tpu.dynamic_gather %add3A_764[%gather3A_770] in [0] : vector<16xf32>, vector<16xi32> -> vector<16xf32>
          %add3A_772 = arith.addf %add3A_764, %gather3A_771 : vector<16xf32>
          %iota3A_773 = tpu.iota {dimensions = array<i32: 0>} : vector<16xi32>
          %xor3A_774 = arith.constant 2 : i32
          %xor3A_775 = vector.broadcast %xor3A_774 : i32 to vector<16xi32>
          %xor3A_776 = arith.xori %iota3A_773, %xor3A_775 : vector<16xi32>
          %broadcast_in_dim3A_777 = vector.shape_cast %xor3A_776 : vector<16xi32> to vector<16x1xi32>
          %gather3A_778 = vector.shape_cast %broadcast_in_dim3A_777 : vector<16x1xi32> to vector<16xi32>
          %gather3A_779 = tpu.dynamic_gather %add3A_772[%gather3A_778] in [0] : vector<16xf32>, vector<16xi32> -> vector<16xf32>
          %add3A_780 = arith.addf %add3A_772, %gather3A_779 : vector<16xf32>
          %iota3A_781 = tpu.iota {dimensions = array<i32: 0>} : vector<16xi32>
          %xor3A_782 = arith.constant 4 : i32
          %xor3A_783 = vector.broadcast %xor3A_782 : i32 to vector<16xi32>
          %xor3A_784 = arith.xori %iota3A_781, %xor3A_783 : vector<16xi32>
          %broadcast_in_dim3A_785 = vector.shape_cast %xor3A_784 : vector<16xi32> to vector<16x1xi32>
          %gather3A_786 = vector.shape_cast %broadcast_in_dim3A_785 : vector<16x1xi32> to vector<16xi32>
          %gather3A_787 = tpu.dynamic_gather %add3A_780[%gather3A_786] in [0] : vector<16xf32>, vector<16xi32> -> vector<16xf32>
          %add3A_788 = arith.addf %add3A_780, %gather3A_787 : vector<16xf32>
          %iota3A_789 = tpu.iota {dimensions = array<i32: 0>} : vector<16xi32>
          %xor3A_790 = arith.constant 8 : i32
          %xor3A_791 = vector.broadcast %xor3A_790 : i32 to vector<16xi32>
          %xor3A_792 = arith.xori %iota3A_789, %xor3A_791 : vector<16xi32>
          %broadcast_in_dim3A_793 = vector.shape_cast %xor3A_792 : vector<16xi32> to vector<16x1xi32>
          %gather3A_794 = vector.shape_cast %broadcast_in_dim3A_793 : vector<16x1xi32> to vector<16xi32>
          %gather3A_795 = tpu.dynamic_gather %add3A_788[%gather3A_794] in [0] : vector<16xf32>, vector<16xi32> -> vector<16xf32>
          %add3A_796 = arith.addf %add3A_788, %gather3A_795 : vector<16xf32>
          %sub3A_797 = arith.subf %add3A_796, %while3A_619 : vector<16xf32>
          %abs3A_798 = math.absf %sub3A_797 : vector<16xf32>
          %neg3A_799 = arith.constant 0.000000e+00 : f32
          %neg3A_800 = vector.broadcast %neg3A_799 : f32 to vector<16xf32>
          %neg3A_801 = arith.subf %neg3A_800, %abs3A_798 : vector<16xf32>
          %exp3A_802 = math.exp %neg3A_801 : vector<16xf32>
          %gt3A_803 = arith.constant 0.000000e+00 : f32
          %gt3A_804 = vector.broadcast %gt3A_803 : f32 to vector<16xf32>
          %gt3A_805 = arith.cmpf ogt, %sub3A_797, %gt3A_804 : vector<16xf32>
          %select_n3A_806 = arith.select %gt3A_805, %exp3A_802, %broadcast_in_dim3A_82 : vector<16xi1>, vector<16xf32>
          %select_n3A_807 = arith.select %gt3A_805, %broadcast_in_dim3A_82, %exp3A_802 : vector<16xi1>, vector<16xf32>
          %mul3A_808 = arith.mulf %while3A_623, %select_n3A_806 : vector<16xf32>
          %add3A_809 = arith.addf %mul3A_808, %select_n3A_807 : vector<16xf32>
          %mul3A_810 = arith.mulf %while3A_628, %select_n3A_806 : vector<16xf32>
          %mul3A_811 = arith.mulf %select_n3A_807, %get3A_646 : vector<16xf32>
          %add3A_812 = arith.addf %mul3A_810, %mul3A_811 : vector<16xf32>
          %mul3A_813 = arith.mulf %while3A_629, %select_n3A_806 : vector<16xf32>
          %mul3A_814 = arith.mulf %select_n3A_807, %get3A_650 : vector<16xf32>
          %add3A_815 = arith.addf %mul3A_813, %mul3A_814 : vector<16xf32>
          %max3A_816 = arith.maximumf %while3A_619, %add3A_796 : vector<16xf32>
          %add3A_817 = arith.addf %mul3A_696, %mul3A_702 : vector<16xf32>
          %iota3A_818 = tpu.iota {dimensions = array<i32: 0>} : vector<16xi32>
          %xor3A_819 = arith.constant 1 : i32
          %xor3A_820 = vector.broadcast %xor3A_819 : i32 to vector<16xi32>
          %xor3A_821 = arith.xori %iota3A_818, %xor3A_820 : vector<16xi32>
          %broadcast_in_dim3A_822 = vector.shape_cast %xor3A_821 : vector<16xi32> to vector<16x1xi32>
          %gather3A_823 = vector.shape_cast %broadcast_in_dim3A_822 : vector<16x1xi32> to vector<16xi32>
          %gather3A_824 = tpu.dynamic_gather %add3A_817[%gather3A_823] in [0] : vector<16xf32>, vector<16xi32> -> vector<16xf32>
          %add3A_825 = arith.addf %add3A_817, %gather3A_824 : vector<16xf32>
          %iota3A_826 = tpu.iota {dimensions = array<i32: 0>} : vector<16xi32>
          %xor3A_827 = arith.constant 2 : i32
          %xor3A_828 = vector.broadcast %xor3A_827 : i32 to vector<16xi32>
          %xor3A_829 = arith.xori %iota3A_826, %xor3A_828 : vector<16xi32>
          %broadcast_in_dim3A_830 = vector.shape_cast %xor3A_829 : vector<16xi32> to vector<16x1xi32>
          %gather3A_831 = vector.shape_cast %broadcast_in_dim3A_830 : vector<16x1xi32> to vector<16xi32>
          %gather3A_832 = tpu.dynamic_gather %add3A_825[%gather3A_831] in [0] : vector<16xf32>, vector<16xi32> -> vector<16xf32>
          %add3A_833 = arith.addf %add3A_825, %gather3A_832 : vector<16xf32>
          %iota3A_834 = tpu.iota {dimensions = array<i32: 0>} : vector<16xi32>
          %xor3A_835 = arith.constant 4 : i32
          %xor3A_836 = vector.broadcast %xor3A_835 : i32 to vector<16xi32>
          %xor3A_837 = arith.xori %iota3A_834, %xor3A_836 : vector<16xi32>
          %broadcast_in_dim3A_838 = vector.shape_cast %xor3A_837 : vector<16xi32> to vector<16x1xi32>
          %gather3A_839 = vector.shape_cast %broadcast_in_dim3A_838 : vector<16x1xi32> to vector<16xi32>
          %gather3A_840 = tpu.dynamic_gather %add3A_833[%gather3A_839] in [0] : vector<16xf32>, vector<16xi32> -> vector<16xf32>
          %add3A_841 = arith.addf %add3A_833, %gather3A_840 : vector<16xf32>
          %iota3A_842 = tpu.iota {dimensions = array<i32: 0>} : vector<16xi32>
          %xor3A_843 = arith.constant 8 : i32
          %xor3A_844 = vector.broadcast %xor3A_843 : i32 to vector<16xi32>
          %xor3A_845 = arith.xori %iota3A_842, %xor3A_844 : vector<16xi32>
          %broadcast_in_dim3A_846 = vector.shape_cast %xor3A_845 : vector<16xi32> to vector<16x1xi32>
          %gather3A_847 = vector.shape_cast %broadcast_in_dim3A_846 : vector<16x1xi32> to vector<16xi32>
          %gather3A_848 = tpu.dynamic_gather %add3A_841[%gather3A_847] in [0] : vector<16xf32>, vector<16xi32> -> vector<16xf32>
          %add3A_849 = arith.addf %add3A_841, %gather3A_848 : vector<16xf32>
          %sub3A_850 = arith.subf %add3A_849, %while3A_620 : vector<16xf32>
          %abs3A_851 = math.absf %sub3A_850 : vector<16xf32>
          %neg3A_852 = arith.constant 0.000000e+00 : f32
          %neg3A_853 = vector.broadcast %neg3A_852 : f32 to vector<16xf32>
          %neg3A_854 = arith.subf %neg3A_853, %abs3A_851 : vector<16xf32>
          %exp3A_855 = math.exp %neg3A_854 : vector<16xf32>
          %gt3A_856 = arith.constant 0.000000e+00 : f32
          %gt3A_857 = vector.broadcast %gt3A_856 : f32 to vector<16xf32>
          %gt3A_858 = arith.cmpf ogt, %sub3A_850, %gt3A_857 : vector<16xf32>
          %select_n3A_859 = arith.select %gt3A_858, %exp3A_855, %broadcast_in_dim3A_82 : vector<16xi1>, vector<16xf32>
          %select_n3A_860 = arith.select %gt3A_858, %broadcast_in_dim3A_82, %exp3A_855 : vector<16xi1>, vector<16xf32>
          %mul3A_861 = arith.mulf %while3A_624, %select_n3A_859 : vector<16xf32>
          %add3A_862 = arith.addf %mul3A_861, %select_n3A_860 : vector<16xf32>
          %mul3A_863 = arith.mulf %while3A_630, %select_n3A_859 : vector<16xf32>
          %mul3A_864 = arith.mulf %select_n3A_860, %get3A_654 : vector<16xf32>
          %add3A_865 = arith.addf %mul3A_863, %mul3A_864 : vector<16xf32>
          %mul3A_866 = arith.mulf %while3A_631, %select_n3A_859 : vector<16xf32>
          %mul3A_867 = arith.mulf %select_n3A_860, %get3A_658 : vector<16xf32>
          %add3A_868 = arith.addf %mul3A_866, %mul3A_867 : vector<16xf32>
          %max3A_869 = arith.maximumf %while3A_620, %add3A_849 : vector<16xf32>
          %add3A_870 = arith.addf %mul3A_708, %mul3A_714 : vector<16xf32>
          %iota3A_871 = tpu.iota {dimensions = array<i32: 0>} : vector<16xi32>
          %xor3A_872 = arith.constant 1 : i32
          %xor3A_873 = vector.broadcast %xor3A_872 : i32 to vector<16xi32>
          %xor3A_874 = arith.xori %iota3A_871, %xor3A_873 : vector<16xi32>
          %broadcast_in_dim3A_875 = vector.shape_cast %xor3A_874 : vector<16xi32> to vector<16x1xi32>
          %gather3A_876 = vector.shape_cast %broadcast_in_dim3A_875 : vector<16x1xi32> to vector<16xi32>
          %gather3A_877 = tpu.dynamic_gather %add3A_870[%gather3A_876] in [0] : vector<16xf32>, vector<16xi32> -> vector<16xf32>
          %add3A_878 = arith.addf %add3A_870, %gather3A_877 : vector<16xf32>
          %iota3A_879 = tpu.iota {dimensions = array<i32: 0>} : vector<16xi32>
          %xor3A_880 = arith.constant 2 : i32
          %xor3A_881 = vector.broadcast %xor3A_880 : i32 to vector<16xi32>
          %xor3A_882 = arith.xori %iota3A_879, %xor3A_881 : vector<16xi32>
          %broadcast_in_dim3A_883 = vector.shape_cast %xor3A_882 : vector<16xi32> to vector<16x1xi32>
          %gather3A_884 = vector.shape_cast %broadcast_in_dim3A_883 : vector<16x1xi32> to vector<16xi32>
          %gather3A_885 = tpu.dynamic_gather %add3A_878[%gather3A_884] in [0] : vector<16xf32>, vector<16xi32> -> vector<16xf32>
          %add3A_886 = arith.addf %add3A_878, %gather3A_885 : vector<16xf32>
          %iota3A_887 = tpu.iota {dimensions = array<i32: 0>} : vector<16xi32>
          %xor3A_888 = arith.constant 4 : i32
          %xor3A_889 = vector.broadcast %xor3A_888 : i32 to vector<16xi32>
          %xor3A_890 = arith.xori %iota3A_887, %xor3A_889 : vector<16xi32>
          %broadcast_in_dim3A_891 = vector.shape_cast %xor3A_890 : vector<16xi32> to vector<16x1xi32>
          %gather3A_892 = vector.shape_cast %broadcast_in_dim3A_891 : vector<16x1xi32> to vector<16xi32>
          %gather3A_893 = tpu.dynamic_gather %add3A_886[%gather3A_892] in [0] : vector<16xf32>, vector<16xi32> -> vector<16xf32>
          %add3A_894 = arith.addf %add3A_886, %gather3A_893 : vector<16xf32>
          %iota3A_895 = tpu.iota {dimensions = array<i32: 0>} : vector<16xi32>
          %xor3A_896 = arith.constant 8 : i32
          %xor3A_897 = vector.broadcast %xor3A_896 : i32 to vector<16xi32>
          %xor3A_898 = arith.xori %iota3A_895, %xor3A_897 : vector<16xi32>
          %broadcast_in_dim3A_899 = vector.shape_cast %xor3A_898 : vector<16xi32> to vector<16x1xi32>
          %gather3A_900 = vector.shape_cast %broadcast_in_dim3A_899 : vector<16x1xi32> to vector<16xi32>
          %gather3A_901 = tpu.dynamic_gather %add3A_894[%gather3A_900] in [0] : vector<16xf32>, vector<16xi32> -> vector<16xf32>
          %add3A_902 = arith.addf %add3A_894, %gather3A_901 : vector<16xf32>
          %sub3A_903 = arith.subf %add3A_902, %while3A_621 : vector<16xf32>
          %abs3A_904 = math.absf %sub3A_903 : vector<16xf32>
          %neg3A_905 = arith.constant 0.000000e+00 : f32
          %neg3A_906 = vector.broadcast %neg3A_905 : f32 to vector<16xf32>
          %neg3A_907 = arith.subf %neg3A_906, %abs3A_904 : vector<16xf32>
          %exp3A_908 = math.exp %neg3A_907 : vector<16xf32>
          %gt3A_909 = arith.constant 0.000000e+00 : f32
          %gt3A_910 = vector.broadcast %gt3A_909 : f32 to vector<16xf32>
          %gt3A_911 = arith.cmpf ogt, %sub3A_903, %gt3A_910 : vector<16xf32>
          %select_n3A_912 = arith.select %gt3A_911, %exp3A_908, %broadcast_in_dim3A_82 : vector<16xi1>, vector<16xf32>
          %select_n3A_913 = arith.select %gt3A_911, %broadcast_in_dim3A_82, %exp3A_908 : vector<16xi1>, vector<16xf32>
          %mul3A_914 = arith.mulf %while3A_625, %select_n3A_912 : vector<16xf32>
          %add3A_915 = arith.addf %mul3A_914, %select_n3A_913 : vector<16xf32>
          %mul3A_916 = arith.mulf %while3A_632, %select_n3A_912 : vector<16xf32>
          %mul3A_917 = arith.mulf %select_n3A_913, %get3A_662 : vector<16xf32>
          %add3A_918 = arith.addf %mul3A_916, %mul3A_917 : vector<16xf32>
          %mul3A_919 = arith.mulf %while3A_633, %select_n3A_912 : vector<16xf32>
          %mul3A_920 = arith.mulf %select_n3A_913, %get3A_666 : vector<16xf32>
          %add3A_921 = arith.addf %mul3A_919, %mul3A_920 : vector<16xf32>
          %max3A_922 = arith.maximumf %while3A_621, %add3A_902 : vector<16xf32>
          scf.yield %max3A_763, %max3A_816, %max3A_869, %max3A_922, %add3A_756, %add3A_809, %add3A_862, %add3A_915, %add3A_759, %add3A_762, %add3A_812, %add3A_815, %add3A_865, %add3A_868, %add3A_918, %add3A_921 : vector<16xf32>, vector<16xf32>, vector<16xf32>, vector<16xf32>, vector<16xf32>, vector<16xf32>, vector<16xf32>, vector<16xf32>, vector<16xf32>, vector<16xf32>, vector<16xf32>, vector<16xf32>, vector<16xf32>, vector<16xf32>, vector<16xf32>, vector<16xf32>
        }
        %lt3A_588 = arith.cmpi slt, %while3A_515, %squeeze3A_501 : i32
        %min3A_589 = arith.constant 127 : i32
        %min3A_590 = vector.broadcast %min3A_589 : i32 to vector<16xi32>
        %min3A_591 = arith.minsi %mul3A_537, %min3A_590 : vector<16xi32>
        %gather3A_592 = tpu.vector_load_idx %arg21[%min3A_591] : memref<160xi32, #tpu.memory_space<vmem>>[vector<16xi32>], vector<16xi32>,
        %slice3A_593 = vector.extract_strided_slice %gather3A_592 {offsets = [0], sizes = [1], strides = [1]} : vector<16xi32> to vector<1xi32>
        %squeeze3A_594 = vector.extract %slice3A_593[0] : i32 from vector<1xi32>
        %convert_element_type3A_595 = arith.extui %lt3A_588 : i1 to i32
        %cond3A_596 = arith.constant 0 : i32
        %cond3A_597 = arith.cmpi ne, %convert_element_type3A_595, %cond3A_596 : i32
        scf.if %cond3A_597 {
          %ge3A_617 = arith.cmpi sge, %while3A_516, %squeeze3A : i32
          %convert_element_type3A_618 = arith.extui %ge3A_617 : i1 to i32
          %cond3A_619 = arith.constant 0 : i32
          %cond3A_620 = arith.cmpi ne, %convert_element_type3A_618, %cond3A_619 : i32
          scf.if %cond3A_620 {
            %div3A_632 = arith.divf %while3A_587#8, %while3A_587#4 : vector<16xf32>
            %swap3A_633 = arith.constant 0 : index
            %swap3A_634 = tpu.vector_load %arg15[%swap3A_633] {strides = array<i32>} : memref<128xf32, #tpu.memory_space<vmem>>, vector<16xf32>,
            tpu.vector_store %arg15[%swap3A_633], %div3A_632 {strides = array<i32>} : memref<128xf32, #tpu.memory_space<vmem>>, vector<16xf32>,
            %div3A_635 = arith.divf %while3A_587#9, %while3A_587#4 : vector<16xf32>
            %swap3A_636 = arith.constant 16 : index
            %swap3A_637 = tpu.vector_load %arg15[%swap3A_636] {strides = array<i32>} : memref<128xf32, #tpu.memory_space<vmem>>, vector<16xf32>,
            tpu.vector_store %arg15[%swap3A_636], %div3A_635 {strides = array<i32>} : memref<128xf32, #tpu.memory_space<vmem>>, vector<16xf32>,
            %div3A_638 = arith.divf %while3A_587#10, %while3A_587#5 : vector<16xf32>
            %swap3A_639 = arith.constant 32 : index
            %swap3A_640 = tpu.vector_load %arg15[%swap3A_639] {strides = array<i32>} : memref<128xf32, #tpu.memory_space<vmem>>, vector<16xf32>,
            tpu.vector_store %arg15[%swap3A_639], %div3A_638 {strides = array<i32>} : memref<128xf32, #tpu.memory_space<vmem>>, vector<16xf32>,
            %div3A_641 = arith.divf %while3A_587#11, %while3A_587#5 : vector<16xf32>
            %swap3A_642 = arith.constant 48 : index
            %swap3A_643 = tpu.vector_load %arg15[%swap3A_642] {strides = array<i32>} : memref<128xf32, #tpu.memory_space<vmem>>, vector<16xf32>,
            tpu.vector_store %arg15[%swap3A_642], %div3A_641 {strides = array<i32>} : memref<128xf32, #tpu.memory_space<vmem>>, vector<16xf32>,
            %div3A_644 = arith.divf %while3A_587#12, %while3A_587#6 : vector<16xf32>
            %swap3A_645 = arith.constant 64 : index
            %swap3A_646 = tpu.vector_load %arg15[%swap3A_645] {strides = array<i32>} : memref<128xf32, #tpu.memory_space<vmem>>, vector<16xf32>,
            tpu.vector_store %arg15[%swap3A_645], %div3A_644 {strides = array<i32>} : memref<128xf32, #tpu.memory_space<vmem>>, vector<16xf32>,
            %div3A_647 = arith.divf %while3A_587#13, %while3A_587#6 : vector<16xf32>
            %swap3A_648 = arith.constant 80 : index
            %swap3A_649 = tpu.vector_load %arg15[%swap3A_648] {strides = array<i32>} : memref<128xf32, #tpu.memory_space<vmem>>, vector<16xf32>,
            tpu.vector_store %arg15[%swap3A_648], %div3A_647 {strides = array<i32>} : memref<128xf32, #tpu.memory_space<vmem>>, vector<16xf32>,
            %div3A_650 = arith.divf %while3A_587#14, %while3A_587#7 : vector<16xf32>
            %swap3A_651 = arith.constant 96 : index
            %swap3A_652 = tpu.vector_load %arg15[%swap3A_651] {strides = array<i32>} : memref<128xf32, #tpu.memory_space<vmem>>, vector<16xf32>,
            tpu.vector_store %arg15[%swap3A_651], %div3A_650 {strides = array<i32>} : memref<128xf32, #tpu.memory_space<vmem>>, vector<16xf32>,
            %div3A_653 = arith.divf %while3A_587#15, %while3A_587#7 : vector<16xf32>
            %swap3A_654 = arith.constant 112 : index
            %swap3A_655 = tpu.vector_load %arg15[%swap3A_654] {strides = array<i32>} : memref<128xf32, #tpu.memory_space<vmem>>, vector<16xf32>,
            tpu.vector_store %arg15[%swap3A_654], %div3A_653 {strides = array<i32>} : memref<128xf32, #tpu.memory_space<vmem>>, vector<16xf32>,
            "tpu.region"() ({
              %run_scoped3A = tpu.sem_alloc : memref<!tpu.dma_semaphore, #tpu.memory_space<semaphore_mem>>
              %dma_start3A = arith.constant 0 : i32
              %dma_start3A_656 = tpu.memref_slice %arg9[%while3A_516, %dma_start3A] : memref<10000x128xf32, #tpu.memory_space<hbm>> -> memref<1x128xf32, #tpu.memory_space<hbm>>
              %dma_start3A_657 = tpu.memref_squeeze %dma_start3A_656 : memref<1x128xf32, #tpu.memory_space<hbm>> -> memref<128xf32, #tpu.memory_space<hbm>>
              %dma_start3A_658 = arith.constant 0 : i32
              %dma_start3A_659 = tpu.memref_slice %arg9[%while3A_516, %dma_start3A_658] : memref<10000x128xf32, #tpu.memory_space<hbm>> -> memref<1x128xf32, #tpu.memory_space<hbm>>
              %dma_start3A_660 = tpu.memref_squeeze %dma_start3A_659 : memref<1x128xf32, #tpu.memory_space<hbm>> -> memref<128xf32, #tpu.memory_space<hbm>>
              tpu.enqueue_dma source(%arg15 : memref<128xf32, #tpu.memory_space<vmem>>) target(%dma_start3A_660 : memref<128xf32, #tpu.memory_space<hbm>>) target_semaphore(%run_scoped3A : memref<!tpu.dma_semaphore, #tpu.memory_space<semaphore_mem>>)
              %dma_wait3A_661 = arith.constant 0 : i32
              %dma_wait3A_662 = tpu.memref_slice %arg9[%while3A_516, %dma_wait3A_661] : memref<10000x128xf32, #tpu.memory_space<hbm>> -> memref<1x128xf32, #tpu.memory_space<hbm>>
              %dma_wait3A_663 = tpu.memref_squeeze %dma_wait3A_662 : memref<1x128xf32, #tpu.memory_space<hbm>> -> memref<128xf32, #tpu.memory_space<hbm>>
              %dma_wait3A_664 = arith.constant 0 : i32
              %dma_wait3A_665 = tpu.memref_slice %arg9[%while3A_516, %dma_wait3A_664] : memref<10000x128xf32, #tpu.memory_space<hbm>> -> memref<1x128xf32, #tpu.memory_space<hbm>>
              %dma_wait3A_666 = tpu.memref_squeeze %dma_wait3A_665 : memref<1x128xf32, #tpu.memory_space<hbm>> -> memref<128xf32, #tpu.memory_space<hbm>>
              tpu.wait_dma2 semaphore(%run_scoped3A : memref<!tpu.dma_semaphore, #tpu.memory_space<semaphore_mem>>) src(%arg15 : memref<128xf32, #tpu.memory_space<vmem>>) dst(%dma_wait3A_666 : memref<128xf32, #tpu.memory_space<hbm>>)
              tpu.yield
            }) : () -> ()
          } else {
          }
          %add3A_621 = arith.constant 1 : i32
          %add3A_622 = arith.addi %while3A_516, %add3A_621 : i32
          %while3A_623 = arith.constant 0 : i32
          %while3A_624 = arith.subi %squeeze3A_594, %add3A_622 : i32
          %while3A_625 = arith.addi %add3A_622, %while3A_624 : i32
          %while3A_626 = arith.constant 1 : i32
          %while3A_627 = arith.divsi %while3A_624, %while3A_626 : i32
          %while3A_628 = arith.muli %while3A_627, %while3A_626 : i32
          %while3A_629 = arith.addi %add3A_622, %while3A_628 : i32
          %while3A_630 = arith.constant 1 : i32
          scf.for %while3A_632 = %add3A_622 to %while3A_629 step %while3A_630  : i32 {
            "tpu.region"() ({
              %run_scoped3A = tpu.sem_alloc : memref<!tpu.dma_semaphore, #tpu.memory_space<semaphore_mem>>
              %dma_start3A = arith.constant 0 : i32
              %dma_start3A_633 = tpu.memref_slice %arg9[%while3A_632, %dma_start3A] : memref<10000x128xf32, #tpu.memory_space<hbm>> -> memref<1x128xf32, #tpu.memory_space<hbm>>
              %dma_start3A_634 = tpu.memref_squeeze %dma_start3A_633 : memref<1x128xf32, #tpu.memory_space<hbm>> -> memref<128xf32, #tpu.memory_space<hbm>>
              %dma_start3A_635 = arith.constant 0 : i32
              %dma_start3A_636 = tpu.memref_slice %arg9[%while3A_632, %dma_start3A_635] : memref<10000x128xf32, #tpu.memory_space<hbm>> -> memref<1x128xf32, #tpu.memory_space<hbm>>
              %dma_start3A_637 = tpu.memref_squeeze %dma_start3A_636 : memref<1x128xf32, #tpu.memory_space<hbm>> -> memref<128xf32, #tpu.memory_space<hbm>>
              tpu.enqueue_dma source(%arg16 : memref<128xf32, #tpu.memory_space<vmem>>) target(%dma_start3A_637 : memref<128xf32, #tpu.memory_space<hbm>>) target_semaphore(%run_scoped3A : memref<!tpu.dma_semaphore, #tpu.memory_space<semaphore_mem>>)
              %dma_wait3A_638 = arith.constant 0 : i32
              %dma_wait3A_639 = tpu.memref_slice %arg9[%while3A_632, %dma_wait3A_638] : memref<10000x128xf32, #tpu.memory_space<hbm>> -> memref<1x128xf32, #tpu.memory_space<hbm>>
              %dma_wait3A_640 = tpu.memref_squeeze %dma_wait3A_639 : memref<1x128xf32, #tpu.memory_space<hbm>> -> memref<128xf32, #tpu.memory_space<hbm>>
              %dma_wait3A_641 = arith.constant 0 : i32
              %dma_wait3A_642 = tpu.memref_slice %arg9[%while3A_632, %dma_wait3A_641] : memref<10000x128xf32, #tpu.memory_space<hbm>> -> memref<1x128xf32, #tpu.memory_space<hbm>>
              %dma_wait3A_643 = tpu.memref_squeeze %dma_wait3A_642 : memref<1x128xf32, #tpu.memory_space<hbm>> -> memref<128xf32, #tpu.memory_space<hbm>>
              tpu.wait_dma2 semaphore(%run_scoped3A : memref<!tpu.dma_semaphore, #tpu.memory_space<semaphore_mem>>) src(%arg16 : memref<128xf32, #tpu.memory_space<vmem>>) dst(%dma_wait3A_643 : memref<128xf32, #tpu.memory_space<hbm>>)
              tpu.yield
            }) : () -> ()
          }
          %while3A_631 = arith.constant 1 : i32
          scf.for %while3A_632 = %while3A_629 to %while3A_625 step %while3A_631  : i32 {
            "tpu.region"() ({
              %run_scoped3A = tpu.sem_alloc : memref<!tpu.dma_semaphore, #tpu.memory_space<semaphore_mem>>
              %dma_start3A = arith.constant 0 : i32
              %dma_start3A_633 = tpu.memref_slice %arg9[%while3A_632, %dma_start3A] : memref<10000x128xf32, #tpu.memory_space<hbm>> -> memref<1x128xf32, #tpu.memory_space<hbm>>
              %dma_start3A_634 = tpu.memref_squeeze %dma_start3A_633 : memref<1x128xf32, #tpu.memory_space<hbm>> -> memref<128xf32, #tpu.memory_space<hbm>>
              %dma_start3A_635 = arith.constant 0 : i32
              %dma_start3A_636 = tpu.memref_slice %arg9[%while3A_632, %dma_start3A_635] : memref<10000x128xf32, #tpu.memory_space<hbm>> -> memref<1x128xf32, #tpu.memory_space<hbm>>
              %dma_start3A_637 = tpu.memref_squeeze %dma_start3A_636 : memref<1x128xf32, #tpu.memory_space<hbm>> -> memref<128xf32, #tpu.memory_space<hbm>>
              tpu.enqueue_dma source(%arg16 : memref<128xf32, #tpu.memory_space<vmem>>) target(%dma_start3A_637 : memref<128xf32, #tpu.memory_space<hbm>>) target_semaphore(%run_scoped3A : memref<!tpu.dma_semaphore, #tpu.memory_space<semaphore_mem>>)
              %dma_wait3A_638 = arith.constant 0 : i32
              %dma_wait3A_639 = tpu.memref_slice %arg9[%while3A_632, %dma_wait3A_638] : memref<10000x128xf32, #tpu.memory_space<hbm>> -> memref<1x128xf32, #tpu.memory_space<hbm>>
              %dma_wait3A_640 = tpu.memref_squeeze %dma_wait3A_639 : memref<1x128xf32, #tpu.memory_space<hbm>> -> memref<128xf32, #tpu.memory_space<hbm>>
              %dma_wait3A_641 = arith.constant 0 : i32
              %dma_wait3A_642 = tpu.memref_slice %arg9[%while3A_632, %dma_wait3A_641] : memref<10000x128xf32, #tpu.memory_space<hbm>> -> memref<1x128xf32, #tpu.memory_space<hbm>>
              %dma_wait3A_643 = tpu.memref_squeeze %dma_wait3A_642 : memref<1x128xf32, #tpu.memory_space<hbm>> -> memref<128xf32, #tpu.memory_space<hbm>>
              tpu.wait_dma2 semaphore(%run_scoped3A : memref<!tpu.dma_semaphore, #tpu.memory_space<semaphore_mem>>) src(%arg16 : memref<128xf32, #tpu.memory_space<vmem>>) dst(%dma_wait3A_643 : memref<128xf32, #tpu.memory_space<hbm>>)
              tpu.yield
            }) : () -> ()
          }
        } else {
        }
        %select_n3A_598 = arith.select %lt3A_588, %squeeze3A_594, %while3A_516 : i32
        %select_n3A_599 = arith.select %lt3A_588, %broadcast_in_dim3A_78, %while3A_587#0 : vector<16xf32>
        %select_n3A_600 = arith.select %lt3A_588, %broadcast_in_dim3A_78, %while3A_587#1 : vector<16xf32>
        %select_n3A_601 = arith.select %lt3A_588, %broadcast_in_dim3A_78, %while3A_587#2 : vector<16xf32>
        %select_n3A_602 = arith.select %lt3A_588, %broadcast_in_dim3A_78, %while3A_587#3 : vector<16xf32>
        %broadcast_in_dim3A_603 = arith.constant 0.000000e+00 : f32
        %broadcast_in_dim3A_604 = vector.broadcast %broadcast_in_dim3A_603 : f32 to vector<16xf32>
        %select_n3A_605 = arith.select %lt3A_588, %broadcast_in_dim3A_604, %while3A_587#4 : vector<16xf32>
        %select_n3A_606 = arith.select %lt3A_588, %broadcast_in_dim3A_604, %while3A_587#5 : vector<16xf32>
        %select_n3A_607 = arith.select %lt3A_588, %broadcast_in_dim3A_604, %while3A_587#6 : vector<16xf32>
        %select_n3A_608 = arith.select %lt3A_588, %broadcast_in_dim3A_604, %while3A_587#7 : vector<16xf32>
        %select_n3A_609 = arith.select %lt3A_588, %broadcast_in_dim3A_604, %while3A_587#8 : vector<16xf32>
        %select_n3A_610 = arith.select %lt3A_588, %broadcast_in_dim3A_604, %while3A_587#9 : vector<16xf32>
        %select_n3A_611 = arith.select %lt3A_588, %broadcast_in_dim3A_604, %while3A_587#10 : vector<16xf32>
        %select_n3A_612 = arith.select %lt3A_588, %broadcast_in_dim3A_604, %while3A_587#11 : vector<16xf32>
        %select_n3A_613 = arith.select %lt3A_588, %broadcast_in_dim3A_604, %while3A_587#12 : vector<16xf32>
        %select_n3A_614 = arith.select %lt3A_588, %broadcast_in_dim3A_604, %while3A_587#13 : vector<16xf32>
        %select_n3A_615 = arith.select %lt3A_588, %broadcast_in_dim3A_604, %while3A_587#14 : vector<16xf32>
        %select_n3A_616 = arith.select %lt3A_588, %broadcast_in_dim3A_604, %while3A_587#15 : vector<16xf32>
        scf.yield %select_n3A_598, %squeeze3A_540, %select_n3A_599, %select_n3A_600, %select_n3A_601, %select_n3A_602, %select_n3A_605, %select_n3A_606, %select_n3A_607, %select_n3A_608, %select_n3A_609, %select_n3A_610, %select_n3A_611, %select_n3A_612, %select_n3A_613, %select_n3A_614, %select_n3A_615, %select_n3A_616 : i32, i32, vector<16xf32>, vector<16xf32>, vector<16xf32>, vector<16xf32>, vector<16xf32>, vector<16xf32>, vector<16xf32>, vector<16xf32>, vector<16xf32>, vector<16xf32>, vector<16xf32>, vector<16xf32>, vector<16xf32>, vector<16xf32>, vector<16xf32>, vector<16xf32>
      }
      scf.yield %while3A_514#0, %while3A_514#1, %while3A_514#2, %while3A_514#3, %while3A_514#4, %while3A_514#5, %while3A_514#6, %while3A_514#7, %while3A_514#8, %while3A_514#9, %while3A_514#10, %while3A_514#11, %while3A_514#12, %while3A_514#13, %while3A_514#14, %while3A_514#15, %while3A_514#16, %while3A_514#17 : i32, i32, vector<16xf32>, vector<16xf32>, vector<16xf32>, vector<16xf32>, vector<16xf32>, vector<16xf32>, vector<16xf32>, vector<16xf32>, vector<16xf32>, vector<16xf32>, vector<16xf32>, vector<16xf32>, vector<16xf32>, vector<16xf32>, vector<16xf32>, vector<16xf32>
    }
    %ge3A = arith.cmpi sge, %while3A_96#0, %squeeze3A : i32
    %convert_element_type3A_97 = arith.extui %ge3A : i1 to i32
    %cond3A_98 = arith.constant 0 : i32
    %cond3A_99 = arith.cmpi ne, %convert_element_type3A_97, %cond3A_98 : i32
    scf.if %cond3A_99 {
      %div3A_111 = arith.divf %while3A_96#10, %while3A_96#6 : vector<16xf32>
      %swap3A_112 = arith.constant 0 : index
      %swap3A_113 = tpu.vector_load %arg15[%swap3A_112] {strides = array<i32>} : memref<128xf32, #tpu.memory_space<vmem>>, vector<16xf32>,
      tpu.vector_store %arg15[%swap3A_112], %div3A_111 {strides = array<i32>} : memref<128xf32, #tpu.memory_space<vmem>>, vector<16xf32>,
      %div3A_114 = arith.divf %while3A_96#11, %while3A_96#6 : vector<16xf32>
      %swap3A_115 = arith.constant 16 : index
      %swap3A_116 = tpu.vector_load %arg15[%swap3A_115] {strides = array<i32>} : memref<128xf32, #tpu.memory_space<vmem>>, vector<16xf32>,
      tpu.vector_store %arg15[%swap3A_115], %div3A_114 {strides = array<i32>} : memref<128xf32, #tpu.memory_space<vmem>>, vector<16xf32>,
      %div3A_117 = arith.divf %while3A_96#12, %while3A_96#7 : vector<16xf32>
      %swap3A_118 = arith.constant 32 : index
      %swap3A_119 = tpu.vector_load %arg15[%swap3A_118] {strides = array<i32>} : memref<128xf32, #tpu.memory_space<vmem>>, vector<16xf32>,
      tpu.vector_store %arg15[%swap3A_118], %div3A_117 {strides = array<i32>} : memref<128xf32, #tpu.memory_space<vmem>>, vector<16xf32>,
      %div3A_120 = arith.divf %while3A_96#13, %while3A_96#7 : vector<16xf32>
      %swap3A_121 = arith.constant 48 : index
      %swap3A_122 = tpu.vector_load %arg15[%swap3A_121] {strides = array<i32>} : memref<128xf32, #tpu.memory_space<vmem>>, vector<16xf32>,
      tpu.vector_store %arg15[%swap3A_121], %div3A_120 {strides = array<i32>} : memref<128xf32, #tpu.memory_space<vmem>>, vector<16xf32>,
      %div3A_123 = arith.divf %while3A_96#14, %while3A_96#8 : vector<16xf32>
      %swap3A_124 = arith.constant 64 : index
      %swap3A_125 = tpu.vector_load %arg15[%swap3A_124] {strides = array<i32>} : memref<128xf32, #tpu.memory_space<vmem>>, vector<16xf32>,
      tpu.vector_store %arg15[%swap3A_124], %div3A_123 {strides = array<i32>} : memref<128xf32, #tpu.memory_space<vmem>>, vector<16xf32>,
      %div3A_126 = arith.divf %while3A_96#15, %while3A_96#8 : vector<16xf32>
      %swap3A_127 = arith.constant 80 : index
      %swap3A_128 = tpu.vector_load %arg15[%swap3A_127] {strides = array<i32>} : memref<128xf32, #tpu.memory_space<vmem>>, vector<16xf32>,
      tpu.vector_store %arg15[%swap3A_127], %div3A_126 {strides = array<i32>} : memref<128xf32, #tpu.memory_space<vmem>>, vector<16xf32>,
      %div3A_129 = arith.divf %while3A_96#16, %while3A_96#9 : vector<16xf32>
      %swap3A_130 = arith.constant 96 : index
      %swap3A_131 = tpu.vector_load %arg15[%swap3A_130] {strides = array<i32>} : memref<128xf32, #tpu.memory_space<vmem>>, vector<16xf32>,
      tpu.vector_store %arg15[%swap3A_130], %div3A_129 {strides = array<i32>} : memref<128xf32, #tpu.memory_space<vmem>>, vector<16xf32>,
      %div3A_132 = arith.divf %while3A_96#17, %while3A_96#9 : vector<16xf32>
      %swap3A_133 = arith.constant 112 : index
      %swap3A_134 = tpu.vector_load %arg15[%swap3A_133] {strides = array<i32>} : memref<128xf32, #tpu.memory_space<vmem>>, vector<16xf32>,
      tpu.vector_store %arg15[%swap3A_133], %div3A_132 {strides = array<i32>} : memref<128xf32, #tpu.memory_space<vmem>>, vector<16xf32>,
      "tpu.region"() ({
        %run_scoped3A = tpu.sem_alloc : memref<!tpu.dma_semaphore, #tpu.memory_space<semaphore_mem>>
        %dma_start3A = arith.constant 0 : i32
        %dma_start3A_135 = tpu.memref_slice %arg9[%while3A_96#0, %dma_start3A] : memref<10000x128xf32, #tpu.memory_space<hbm>> -> memref<1x128xf32, #tpu.memory_space<hbm>>
        %dma_start3A_136 = tpu.memref_squeeze %dma_start3A_135 : memref<1x128xf32, #tpu.memory_space<hbm>> -> memref<128xf32, #tpu.memory_space<hbm>>
        %dma_start3A_137 = arith.constant 0 : i32
        %dma_start3A_138 = tpu.memref_slice %arg9[%while3A_96#0, %dma_start3A_137] : memref<10000x128xf32, #tpu.memory_space<hbm>> -> memref<1x128xf32, #tpu.memory_space<hbm>>
        %dma_start3A_139 = tpu.memref_squeeze %dma_start3A_138 : memref<1x128xf32, #tpu.memory_space<hbm>> -> memref<128xf32, #tpu.memory_space<hbm>>
        tpu.enqueue_dma source(%arg15 : memref<128xf32, #tpu.memory_space<vmem>>) target(%dma_start3A_139 : memref<128xf32, #tpu.memory_space<hbm>>) target_semaphore(%run_scoped3A : memref<!tpu.dma_semaphore, #tpu.memory_space<semaphore_mem>>)
        %dma_wait3A = arith.constant 0 : i32
        %dma_wait3A_140 = tpu.memref_slice %arg9[%while3A_96#0, %dma_wait3A] : memref<10000x128xf32, #tpu.memory_space<hbm>> -> memref<1x128xf32, #tpu.memory_space<hbm>>
        %dma_wait3A_141 = tpu.memref_squeeze %dma_wait3A_140 : memref<1x128xf32, #tpu.memory_space<hbm>> -> memref<128xf32, #tpu.memory_space<hbm>>
        %dma_wait3A_142 = arith.constant 0 : i32
        %dma_wait3A_143 = tpu.memref_slice %arg9[%while3A_96#0, %dma_wait3A_142] : memref<10000x128xf32, #tpu.memory_space<hbm>> -> memref<1x128xf32, #tpu.memory_space<hbm>>
        %dma_wait3A_144 = tpu.memref_squeeze %dma_wait3A_143 : memref<1x128xf32, #tpu.memory_space<hbm>> -> memref<128xf32, #tpu.memory_space<hbm>>
        tpu.wait_dma2 semaphore(%run_scoped3A : memref<!tpu.dma_semaphore, #tpu.memory_space<semaphore_mem>>) src(%arg15 : memref<128xf32, #tpu.memory_space<vmem>>) dst(%dma_wait3A_144 : memref<128xf32, #tpu.memory_space<hbm>>)
        tpu.yield
      }) : () -> ()
    } else {
    }
    %add3A_100 = arith.constant 1 : i32
    %add3A_101 = arith.addi %while3A_96#0, %add3A_100 : i32
    %while3A_102 = arith.constant 0 : i32
    %while3A_103 = arith.subi %squeeze3A_5, %add3A_101 : i32
    %while3A_104 = arith.addi %add3A_101, %while3A_103 : i32
    %while3A_105 = arith.constant 1 : i32
    %while3A_106 = arith.divsi %while3A_103, %while3A_105 : i32
    %while3A_107 = arith.muli %while3A_106, %while3A_105 : i32
    %while3A_108 = arith.addi %add3A_101, %while3A_107 : i32
    %while3A_109 = arith.constant 1 : i32
    scf.for %while3A_111 = %add3A_101 to %while3A_108 step %while3A_109  : i32 {
      "tpu.region"() ({
        %run_scoped3A = tpu.sem_alloc : memref<!tpu.dma_semaphore, #tpu.memory_space<semaphore_mem>>
        %dma_start3A = arith.constant 0 : i32
        %dma_start3A_112 = tpu.memref_slice %arg9[%while3A_111, %dma_start3A] : memref<10000x128xf32, #tpu.memory_space<hbm>> -> memref<1x128xf32, #tpu.memory_space<hbm>>
        %dma_start3A_113 = tpu.memref_squeeze %dma_start3A_112 : memref<1x128xf32, #tpu.memory_space<hbm>> -> memref<128xf32, #tpu.memory_space<hbm>>
        %dma_start3A_114 = arith.constant 0 : i32
        %dma_start3A_115 = tpu.memref_slice %arg9[%while3A_111, %dma_start3A_114] : memref<10000x128xf32, #tpu.memory_space<hbm>> -> memref<1x128xf32, #tpu.memory_space<hbm>>
        %dma_start3A_116 = tpu.memref_squeeze %dma_start3A_115 : memref<1x128xf32, #tpu.memory_space<hbm>> -> memref<128xf32, #tpu.memory_space<hbm>>
        tpu.enqueue_dma source(%arg16 : memref<128xf32, #tpu.memory_space<vmem>>) target(%dma_start3A_116 : memref<128xf32, #tpu.memory_space<hbm>>) target_semaphore(%run_scoped3A : memref<!tpu.dma_semaphore, #tpu.memory_space<semaphore_mem>>)
        %dma_wait3A = arith.constant 0 : i32
        %dma_wait3A_117 = tpu.memref_slice %arg9[%while3A_111, %dma_wait3A] : memref<10000x128xf32, #tpu.memory_space<hbm>> -> memref<1x128xf32, #tpu.memory_space<hbm>>
        %dma_wait3A_118 = tpu.memref_squeeze %dma_wait3A_117 : memref<1x128xf32, #tpu.memory_space<hbm>> -> memref<128xf32, #tpu.memory_space<hbm>>
        %dma_wait3A_119 = arith.constant 0 : i32
        %dma_wait3A_120 = tpu.memref_slice %arg9[%while3A_111, %dma_wait3A_119] : memref<10000x128xf32, #tpu.memory_space<hbm>> -> memref<1x128xf32, #tpu.memory_space<hbm>>
        %dma_wait3A_121 = tpu.memref_squeeze %dma_wait3A_120 : memref<1x128xf32, #tpu.memory_space<hbm>> -> memref<128xf32, #tpu.memory_space<hbm>>
        tpu.wait_dma2 semaphore(%run_scoped3A : memref<!tpu.dma_semaphore, #tpu.memory_space<semaphore_mem>>) src(%arg16 : memref<128xf32, #tpu.memory_space<vmem>>) dst(%dma_wait3A_121 : memref<128xf32, #tpu.memory_space<hbm>>)
        tpu.yield
      }) : () -> ()
    }
    %while3A_110 = arith.constant 1 : i32
    scf.for %while3A_111 = %while3A_108 to %while3A_104 step %while3A_110  : i32 {
      "tpu.region"() ({
        %run_scoped3A = tpu.sem_alloc : memref<!tpu.dma_semaphore, #tpu.memory_space<semaphore_mem>>
        %dma_start3A = arith.constant 0 : i32
        %dma_start3A_112 = tpu.memref_slice %arg9[%while3A_111, %dma_start3A] : memref<10000x128xf32, #tpu.memory_space<hbm>> -> memref<1x128xf32, #tpu.memory_space<hbm>>
        %dma_start3A_113 = tpu.memref_squeeze %dma_start3A_112 : memref<1x128xf32, #tpu.memory_space<hbm>> -> memref<128xf32, #tpu.memory_space<hbm>>
        %dma_start3A_114 = arith.constant 0 : i32
        %dma_start3A_115 = tpu.memref_slice %arg9[%while3A_111, %dma_start3A_114] : memref<10000x128xf32, #tpu.memory_space<hbm>> -> memref<1x128xf32, #tpu.memory_space<hbm>>
        %dma_start3A_116 = tpu.memref_squeeze %dma_start3A_115 : memref<1x128xf32, #tpu.memory_space<hbm>> -> memref<128xf32, #tpu.memory_space<hbm>>
        tpu.enqueue_dma source(%arg16 : memref<128xf32, #tpu.memory_space<vmem>>) target(%dma_start3A_116 : memref<128xf32, #tpu.memory_space<hbm>>) target_semaphore(%run_scoped3A : memref<!tpu.dma_semaphore, #tpu.memory_space<semaphore_mem>>)
        %dma_wait3A = arith.constant 0 : i32
        %dma_wait3A_117 = tpu.memref_slice %arg9[%while3A_111, %dma_wait3A] : memref<10000x128xf32, #tpu.memory_space<hbm>> -> memref<1x128xf32, #tpu.memory_space<hbm>>
        %dma_wait3A_118 = tpu.memref_squeeze %dma_wait3A_117 : memref<1x128xf32, #tpu.memory_space<hbm>> -> memref<128xf32, #tpu.memory_space<hbm>>
        %dma_wait3A_119 = arith.constant 0 : i32
        %dma_wait3A_120 = tpu.memref_slice %arg9[%while3A_111, %dma_wait3A_119] : memref<10000x128xf32, #tpu.memory_space<hbm>> -> memref<1x128xf32, #tpu.memory_space<hbm>>
        %dma_wait3A_121 = tpu.memref_squeeze %dma_wait3A_120 : memref<1x128xf32, #tpu.memory_space<hbm>> -> memref<128xf32, #tpu.memory_space<hbm>>
        tpu.wait_dma2 semaphore(%run_scoped3A : memref<!tpu.dma_semaphore, #tpu.memory_space<semaphore_mem>>) src(%arg16 : memref<128xf32, #tpu.memory_space<vmem>>) dst(%dma_wait3A_121 : memref<128xf32, #tpu.memory_space<hbm>>)
        tpu.yield
      }) : () -> ()
    }
    return
  }
}

module attributes {stable_mosaic.version = 14 : i64} {
  func.func @_proj_body(%arg0: i32, %arg1: memref<1000x128xf32, #tpu.memory_space<vmem>>, %arg2: memref<128x128xf32, #tpu.memory_space<vmem>>, %arg3: memref<1x128xf32, #tpu.memory_space<vmem>>, %arg4: memref<128x128xf32, #tpu.memory_space<vmem>>, %arg5: memref<1x128xf32, #tpu.memory_space<vmem>>, %arg6: memref<1000x128xf32, #tpu.memory_space<vmem>>, %arg7: memref<1000x128xf32, #tpu.memory_space<vmem>>) attributes {dimension_semantics = [#tpu.dimension_semantics<arbitrary>], iteration_bounds = array<i64: 10>, scalar_prefetch = 0 : i64, scratch_operands = 0 : i64, tpu.core_type = #tpu.core_type<tc>, window_params = [{transform_indices = @transform_0, window_bounds = array<i64: 1000, 128>}, {pipeline_mode = #tpu.pipeline_mode<synchronous>, transform_indices = @transform_1, window_bounds = array<i64: 128, 128>}, {pipeline_mode = #tpu.pipeline_mode<synchronous>, transform_indices = @transform_2, window_bounds = array<i64: 1, 128>}, {pipeline_mode = #tpu.pipeline_mode<synchronous>, transform_indices = @transform_3, window_bounds = array<i64: 128, 128>}, {pipeline_mode = #tpu.pipeline_mode<synchronous>, transform_indices = @transform_4, window_bounds = array<i64: 1, 128>}, {transform_indices = @transform_5, window_bounds = array<i64: 1000, 128>}, {transform_indices = @transform_6, window_bounds = array<i64: 1000, 128>}]} {
    %get3A = arith.constant 0 : index
    %get3A_0 = arith.constant 0 : index
    %get3A_1 = vector.load %arg1[%get3A, %get3A_0] : memref<1000x128xf32, #tpu.memory_space<vmem>>, vector<1000x128xf32>
    %get3A_2 = arith.constant 0 : index
    %get3A_3 = arith.constant 0 : index
    %get3A_4 = vector.load %arg2[%get3A_2, %get3A_3] : memref<128x128xf32, #tpu.memory_space<vmem>>, vector<128x128xf32>
    %dot_general3A = arith.constant dense<0.000000e+00> : vector<1000x128xf32>
    %dot_general3A_5 = tpu.matmul %get3A_1, %get3A_4, %dot_general3A {dimension_numbers = #tpu.dot_dimension_numbers<[1], [0], [0], [1], [0, 0, 1, 1], [], []>, transpose_lhs_hint = false} : vector<1000x128xf32>, vector<128x128xf32>, vector<1000x128xf32> -> vector<1000x128xf32>
    %get3A_6 = arith.constant 0 : index
    %get3A_7 = arith.constant 0 : index
    %get3A_8 = vector.load %arg3[%get3A_6, %get3A_7] : memref<1x128xf32, #tpu.memory_space<vmem>>, vector<1x128xf32>
    %add3A = vector.broadcast %get3A_8 : vector<1x128xf32> to vector<1000x128xf32>
    %add3A_9 = arith.addf %dot_general3A_5, %add3A : vector<1000x128xf32>
    %swap3A = arith.constant 0 : index
    %swap3A_10 = arith.constant 0 : index
    %swap3A_11 = vector.load %arg6[%swap3A, %swap3A_10] : memref<1000x128xf32, #tpu.memory_space<vmem>>, vector<1000x128xf32>
    tpu.vector_store %arg6[%swap3A, %swap3A_10], %add3A_9 {strides = array<i32>} : memref<1000x128xf32, #tpu.memory_space<vmem>>, vector<1000x128xf32>,
    %get3A_12 = arith.constant 0 : index
    %get3A_13 = arith.constant 0 : index
    %get3A_14 = vector.load %arg4[%get3A_12, %get3A_13] : memref<128x128xf32, #tpu.memory_space<vmem>>, vector<128x128xf32>
    %dot_general3A_15 = arith.constant dense<0.000000e+00> : vector<1000x128xf32>
    %dot_general3A_16 = tpu.matmul %get3A_1, %get3A_14, %dot_general3A_15 {dimension_numbers = #tpu.dot_dimension_numbers<[1], [0], [0], [1], [0, 0, 1, 1], [], []>, transpose_lhs_hint = false} : vector<1000x128xf32>, vector<128x128xf32>, vector<1000x128xf32> -> vector<1000x128xf32>
    %get3A_17 = arith.constant 0 : index
    %get3A_18 = arith.constant 0 : index
    %get3A_19 = vector.load %arg5[%get3A_17, %get3A_18] : memref<1x128xf32, #tpu.memory_space<vmem>>, vector<1x128xf32>
    %add3A_20 = vector.broadcast %get3A_19 : vector<1x128xf32> to vector<1000x128xf32>
    %add3A_21 = arith.addf %dot_general3A_16, %add3A_20 : vector<1000x128xf32>
    %swap3A_22 = arith.constant 0 : index
    %swap3A_23 = arith.constant 0 : index
    %swap3A_24 = vector.load %arg7[%swap3A_22, %swap3A_23] : memref<1000x128xf32, #tpu.memory_space<vmem>>, vector<1000x128xf32>
    tpu.vector_store %arg7[%swap3A_22, %swap3A_23], %add3A_21 {strides = array<i32>} : memref<1000x128xf32, #tpu.memory_space<vmem>>, vector<1000x128xf32>,
    return
  }
  func.func @transform_0(%arg0: i32) -> (i32, i32) {
    %c0_i32 = arith.constant 0 : i32
    %c0_i32_0 = arith.constant 0 : i32
    return %arg0, %c0_i32 : i32, i32
  }
  func.func @transform_1(%arg0: i32) -> (i32, i32) {
    %c0_i32 = arith.constant 0 : i32
    %c0_i32_0 = arith.constant 0 : i32
    %c0_i32_1 = arith.constant 0 : i32
    return %c0_i32, %c0_i32_0 : i32, i32
  }
  func.func @transform_2(%arg0: i32) -> (i32, i32) {
    %c0_i32 = arith.constant 0 : i32
    %c0_i32_0 = arith.constant 0 : i32
    %c0_i32_1 = arith.constant 0 : i32
    return %c0_i32, %c0_i32_0 : i32, i32
  }
  func.func @transform_3(%arg0: i32) -> (i32, i32) {
    %c0_i32 = arith.constant 0 : i32
    %c0_i32_0 = arith.constant 0 : i32
    %c0_i32_1 = arith.constant 0 : i32
    return %c0_i32, %c0_i32_0 : i32, i32
  }
  func.func @transform_4(%arg0: i32) -> (i32, i32) {
    %c0_i32 = arith.constant 0 : i32
    %c0_i32_0 = arith.constant 0 : i32
    %c0_i32_1 = arith.constant 0 : i32
    return %c0_i32, %c0_i32_0 : i32, i32
  }
  func.func @transform_5(%arg0: i32) -> (i32, i32) {
    %c0_i32 = arith.constant 0 : i32
    %c0_i32_0 = arith.constant 0 : i32
    return %arg0, %c0_i32 : i32, i32
  }
  func.func @transform_6(%arg0: i32) -> (i32, i32) {
    %c0_i32 = arith.constant 0 : i32
    %c0_i32_0 = arith.constant 0 : i32
    return %arg0, %c0_i32 : i32, i32
  }
}

</mosaic_0001>

<sc_bundles>
// kernel: kernel.4.cloned.1.call-start
scs
__scs_entry_jumppad:
0x0: {  	(pc) =	sbr.rel $0x88, $3  }
0x1: {  	(tag) =	ssettag $0x0;
	lr =	simm.s32 $0x1  }
0x2: {  	[smem:$0x3F99] =	sst lr;
	_ =	strace $0xD0000000  }
0x3: {  	_ = 	snop  }
0x4: {  	_ = 	snop  }
0x5: {  	_ = 	snop  }
0x6: {  	_ = 	snop  }
0x7: {  	_ = 	snop  }
__scs_overlays_trampoline_lowered:
0x8: {  	[smem:$0x3FA8] =	sst s0  }
0x9: {  	[smem:$0x3FA9] =	sst s1  }
0xa: {  	[smem:$0x3FAA] =	sst s2  }
0xb: {  	[smem:$0x3FAB] =	sst s3  }
0xc: {  	[smem:$0x3FAC] =	sst s4  }
0xd: {  	[smem:$0x3FAD] =	sst s5  }
0xe: {  	[smem:$0x3FAE] =	sst s6  }
0xf: {  	[smem:$0x3FAF] =	sst s7  }
0x10: {  	[smem:$0x3FB0] =	sst s8  }
0x11: {  	[smem:$0x3FB1] =	sst s9;
	s0 =	simm.s32 @!p0 $0x0  }
0x12: {  	s1 =	sld [smem:$0x3F97];
	s0 =	simm.s32 @p0 $0x1  }
0x13: {  	[smem:$0x3FB2] =	sst s0;
	s0 =	simm.s32 @!p1 $0x0  }
0x14: {  	s2 =	sld [smem:$0x3F96];
	s0 =	simm.s32 @p1 $0x1  }
0x15: {  	[smem:$0x3FB3] =	sst s0;
	s0 =	simm.s32 @!p2 $0x0  }
0x16: {  	s3 =	sld [smem:$0x3FDB];
	s0 =	simm.s32 @p2 $0x1  }
0x17: {  	s4 =	simm.s32 $0x1BF5;
	[smem:$0x3FB5] =	sst s0  }
0x18: {  	s0 =	sld [smem:$0x3F98];
	_ =	swait.ge [sflag:s4], $0x0  }
0x19: {  	s7 =	sld [smem:$0x3F99]  }
0x1a: {  	s8 =	sadd.s32 $0xFFFFE003, lr  }
0x1b: {  	s9 =	sadd.s32 $0xFFFFFEF7, lr;
	s5 =	simm.s32 $0xFFFFFFFF;
	p2 =	slt.u32 s8, $0xFFFFF086  }
0x1c: {  	p1 =	slt.u32 s9, $0xF7A;
	s5 =	simm.s32 @!p2 $0x0  }
0x1d: {  	s5 =	simm.s32 @p1 $0x1;
	p0 =	seq.s32 s7, s2  }
0x1e: {  	s7 =	smul.u32 @!p0 $0xF7A, s2;
	p2 =	seq.s32 @!p0 s5, $0x0  }
0x1f: {  	s9 =	smul.u32 $0xF7A, s1;
	s8 =	simm.s32 @!p0 $0x1BF5;
	p2 =	por !p2, p0  }
0x20: {  	[sflag:s8] =	ssyncset.s32 @!p0 $0xFFFFF086;
	s6 =	sadd.s32 @!p0 s3, s7;
	s7 =	simm.s32 @!p0 $0x108  }
0x21: {  	s3 =	sadd.s32 s3, s9;
	s6 =	sadd.s32 @!p0 $0x88, s6;
	s7 =	simm.s32 @p2 $0x1082  }
0x22: {  	[simem:s7], [sflag:s8] =	dma.local @!p0 [hbm:s6], $0xF7A  }
0x23: {  	s9 =	sor.u32 $0xD0000000, s2;
	s6 =	simm.s32 $0x108;
	_ =	swait.ge @!p0 [sflag:s8], $0x0  }
0x24: {  	s3 =	sadd.s32 $0x88, s3;
	s6 =	simm.s32 @!p1 $0x1082;
	[sflag:s4] =	ssyncset.s32 $0xFFFFF086  }
0x25: {  	[simem:s6], [sflag:s4] =	dma.local [hbm:s3], $0xF7A  }
0x26: {  	[smem:$0x3F99] =	sst s1;
	(tag) =	ssettag s2;
	_ =	strace s9  }
0x27: {  	s1 =	sld [smem:$0x3FA9]  }
0x28: {  	s2 =	sld [smem:$0x3FAA]  }
0x29: {  	s4 =	sld [smem:$0x3FAC]  }
0x2a: {  	p0 =	seq.s32 s5, $0x0;
	s5 =	sld [smem:$0x3FAD]  }
0x2b: {  	s6 =	sld [smem:$0x3FAE]  }
0x2c: {  	s7 =	sld [smem:$0x3FAF]  }
0x2d: {  	s3 =	simm.s32 $0x108;
	s8 =	sld [smem:$0x3FB0]  }
0x2e: {  	s3 =	simm.s32 @!p0 $0x1082;
	s9 =	sld [smem:$0x3FB1]  }
0x2f: {  	lr =	sadd.s32 s0, s3;
	s0 =	sld [smem:$0x3FA8]  }
0x30: {  	s3 =	sld [smem:$0x3FAB]  }
0x31: {  	[smem:$0x3FB4] =	sst s10  }
0x32: {  	s10 =	sld [smem:$0x3FB2];
	_ =	sdelay $0x3  }
0x33: {  	p0 =	seq.s32 s10, $0x1;
	s10 =	sld [smem:$0x3FB4];
	_ =	sdelay $0x3  }
0x34: {  	[smem:$0x3FB4] =	sst s10  }
0x35: {  	s10 =	sld [smem:$0x3FB3];
	_ =	sdelay $0x3  }
0x36: {  	p1 =	seq.s32 s10, $0x1;
	s10 =	sld [smem:$0x3FB4];
	_ =	sdelay $0x3  }
0x37: {  	[smem:$0x3FB4] =	sst s10  }
0x38: {  	s10 =	sld [smem:$0x3FB5]  }
0x39: {  	_ = 	snop;
	(pc) =	sbr.ind lr, $3  }
0x3a: {  	_ = 	snop  }
0x3b: {  	_ = 	snop  }
0x3c: {  	p2 =	seq.s32 s10, $0x1;
	s10 =	sld [smem:$0x3FB4]  }
0x3d: {  	_ =	shalt  }
0x3e: {  	_ =	shalt  }
0x3f: {  	_ =	shalt  }
0x40: {  	_ =	shalt  }
0x41: {  	_ =	shalt  }
0x42: {  	_ =	shalt  }
0x43: {  	_ =	shalt  }
0x44: {  	_ =	shalt  }
0x45: {  	_ =	shalt  }
0x46: {  	_ =	shalt  }
0x47: {  	_ =	shalt  }
0x48: {  	_ =	shalt  }
0x49: {  	_ =	shalt  }
0x4a: {  	_ =	shalt  }
0x4b: {  	_ =	shalt  }
0x4c: {  	_ =	shalt  }
0x4d: {  	_ =	shalt  }
0x4e: {  	_ =	shalt  }
0x4f: {  	_ =	shalt  }
0x50: {  	_ =	shalt  }
0x51: {  	_ =	shalt  }
0x52: {  	_ =	shalt  }
0x53: {  	_ =	shalt  }
0x54: {  	_ =	shalt  }
0x55: {  	_ =	shalt  }
0x56: {  	_ =	shalt  }
0x57: {  	_ =	shalt  }
0x58: {  	_ =	shalt  }
0x59: {  	_ =	shalt  }
0x5a: {  	_ =	shalt  }
0x5b: {  	_ =	shalt  }
0x5c: {  	_ =	shalt  }
0x5d: {  	_ =	shalt  }
0x5e: {  	_ =	shalt  }
0x5f: {  	_ =	shalt  }
0x60: {  	_ =	shalt  }
0x61: {  	_ =	shalt  }
0x62: {  	_ =	shalt  }
0x63: {  	_ =	shalt  }
0x64: {  	_ =	shalt  }
0x65: {  	_ =	shalt  }
0x66: {  	_ =	shalt  }
0x67: {  	_ =	shalt  }
0x68: {  	_ =	shalt  }
0x69: {  	_ =	shalt  }
0x6a: {  	_ =	shalt  }
0x6b: {  	_ =	shalt  }
0x6c: {  	_ =	shalt  }
0x6d: {  	_ =	shalt  }
0x6e: {  	_ =	shalt  }
0x6f: {  	_ =	shalt  }
0x70: {  	_ =	shalt  }
0x71: {  	_ =	shalt  }
0x72: {  	_ =	shalt  }
0x73: {  	_ =	shalt  }
0x74: {  	_ =	shalt  }
0x75: {  	_ =	shalt  }
0x76: {  	_ =	shalt  }
0x77: {  	_ =	shalt  }
0x78: {  	_ =	shalt  }
0x79: {  	_ =	shalt  }
0x7a: {  	_ =	shalt  }
0x7b: {  	_ =	shalt  }
0x7c: {  	_ =	shalt  }
0x7d: {  	_ =	shalt  }
0x7e: {  	_ =	shalt  }
0x7f: {  	_ =	shalt  }
0x80: {  	_ =	shalt  }
0x81: {  	_ =	shalt  }
0x82: {  	_ =	shalt  }
0x83: {  	_ =	shalt  }
0x84: {  	_ =	shalt  }
0x85: {  	_ =	shalt  }
0x86: {  	_ =	shalt  }
0x87: {  	_ =	shalt  }
.Lfunc_end0:
.L_simem_size_0:
called_computation_lowered:
.L_overlay_start_0:
0x88: {  	s2 =	sld [smem:$0x3FD9]  }
0x89: {  	s3 =	sld [smem:$0x3FFE];
	_ =	sdelay $0x1  }
0x8a: {  	s1 =	srdreg.scid  }
0x8b: {  	s0 =	sand.u32 $0x1, s1  }
0x8c: {  	s17 =	sshll.u32 s0, $0xA;
	s2 =	sadd.s32 s3, s2  }
0x8d: {  	s2 =	sadd.s32 s2, s17  }
0x8e: {  	[smem:$0x3FC0] =	sst s2  }
0x8f: {  	_ = 	snop  }
0x90: {  	s2 =	sld [smem:$0x3FC8]  }
0x91: {  	s18 =	sld [smem:$0x3FC7]  }
0x92: {  	s4 =	sld [smem:$0x3FC2]  }
0x93: {  	s5 =	sld [smem:$0x3FD0];
	(tm) =	ssettm $0x1  }
0x94: {  	s6 =	sld [smem:$0x3FFB];
	_ =	sdelay $0x3  }
0x95: {  	_ =	strace s6  }
0x96: {  	s6 =	sld [smem:$0x3FFC];
	_ =	sdelay $0x3  }
0x97: {  	_ =	strace s6  }
0x98: {  	s6 =	sld [smem:$0x3FFD];
	_ =	sdelay $0x3  }
0x99: {  	_ =	strace s6  }
0x9a: {  	_ =	strace $0x8FFFFFFF  }
0x9b: {  	s19 =	sld [smem:$0x3FDB];
	_ =	sdelay $0x1  }
0x9c: {  	s7 =	simm.s32 $_scs_section_size  }
0x9d: {  	s8 =	simm.s32 $_size__tile_overlayer_lowered;
	s9 =	simm.s32 $_tile_overlayer_lowered  }
0x9e: {  	s22 =	simm.s32 $0x1BFF;
	s21 =	sshll.u32 s9, $0x1;
	s6 =	sadd.s32 s7, s19  }
0x9f: {  	s10 =	simm.s32 $0x0;
	s20 =	sshll.u32 s8, $0x1;
	s8 =	sadd.s32 s21, s6  }
0xa0: {  	[timem:s10], [sflag:s22] =	dma.local [hbm:s8], s20  }
0xa1: {  	_ =	swait.ge [sflag:s22], s20  }
0xa2: {  	s7 =	ssub.s32 $0x0, s20;
	[sflag:s22] =	ssyncset.done $0x0  }
0xa3: {  	[sflag:s22] =	ssyncadd.s32 s7;
	_ =	sdelay $0x1  }
0xa4: {  	s23 =	simm.s32 $0x1B8B  }
0xa5: {  	_ =	swait.ge [sflag:s23], $0x1  }
0xa6: {  	[sflag:s23] =	ssyncset.done $0x0  }
0xa7: {  	s25 =	simm.s32 $0x1B8E;
	s24 =	sld [smem:$0x3FFE];
	[sflag:s23] =	ssyncadd.s32 $0xFFFFFFFF  }
0xa8: {  	s26 =	simm.s32 $execute0_lowered;
	[smem:$0x3FD2] =	sst s25  }
0xa9: {  	s8 =	sshll.u32 s26, $0x1;
	_ =	strace $0x80000046;
	[dreg:$0x1] =	wrdreg $0xFFFFFFFF  }
0xaa: {  	s28 =	simm.s32 $_size_execute0_lowered;
	s6 =	sadd.s32 s6, s8;
	[dreg:$0x0] =	wrdreg $0x0  }
0xab: {  	s8 =	sshll.u32 s28, $0x1;
	[dreg:$0x2] =	wrdreg s6  }
0xac: {  	[dreg:$0x3] =	wrdreg s8  }
0xad: {  	[dreg:$0x4] =	wrdreg $0xC0  }
0xae: {  	_ =	task [dreg:s10], $0x5FFFF  }
0xaf: {  	[dreg:$0x1] =	wrdreg $0xFFFFFFFF  }
0xb0: {  	[dreg:$0x0] =	wrdreg $0x60  }
0xb1: {  	[dreg:$0x2] =	wrdreg s24  }
0xb2: {  	[dreg:$0x3] =	wrdreg s2  }
0xb3: {  	[dreg:$0x4] =	wrdreg s18  }
0xb4: {  	[dreg:$0x5] =	wrdreg s4  }
0xb5: {  	[dreg:$0x6] =	wrdreg s5  }
0xb6: {  	[dreg:$0x7] =	wrdreg $0x9  }
0xb7: {  	_ =	task.clear_ibuf [dreg:s10], $0x8FFFF;
	_ =	strace $0x90000046  }
0xb8: {  	s29 =	simm.s32 $0x9;
	_ =	strace $0x80000048  }
0xb9: {  	_ =	swait.ge [sflag:s29], $0x1  }
0xba: {  	[sflag:s29] =	ssyncadd.s32 $0xFFFFFFFF  }
0xbb: {  	_ =	strace $0x90000048  }
0xbc: {  	_ =	sfence  }
0xbd: {  	s30 =	sld [smem:$0x0];
	_ =	sdelay $0x2  }
0xbe: {  	s31 =	sshll.u32 s1, $0xD;
	s1 =	sshrl.u32 s1, $0x2  }
0xbf: {  	s3 =	sand.u32 $0x4000, s31;
	s1 =	sadd.s32 s1, s30  }
0xc0: {  	s0 =	sor.u32 s3, s0;
	s1 =	sshll.u32 s1, $0x11  }
0xc1: {  	s0 =	sor.u32 s1, s0  }
0xc2: {  	s0 =	sadd.s32 $0x8F2B, s0  }
0xc3: {  	[sflag:s0] =	ssyncadd.remote.s32 $0x1  }
0xc4: {  	_ =	sfence.sel $0xFFFF  }
0xc5: {  	[dreg:$0x0] =	wrdreg $0xFFFFFFFF;
	(pc) =	sbr.abs _section_cstart, $3  }
0xc6: {  	[dreg:$0x1] =	wrdreg $0xFFFFFFFF  }
0xc7: {  	_ =	task.clear_ibuf [dreg:s10], $0x2FFFF;
	_ =	strace $0x9FFFFFFF  }
0xc8: {  	(tm) =	ssettm $0x7FFFFFFF  }
0xc9: {  	_ =	shalt  }
tec
execute0_lowered:
.L_overlay_start_1:
0x0: {  	(tag) =	ssettag $0x1  }
0x1: {  	v0 =	vimm.s32 $0xEDCBA987  }
0x2: {  	v1 =	vimm.s32 $0x65432100;
	v2 =	vimm.s32 $0xEFCDAB89;
	v3 =	vimm.s32 $0x67452301  }
0x3: {  	v4 =	vimm.s32 $0xDCFE98BA;
	v61 =	vimm.s32 $0x54761032;
	v6 =	vimm.s32 $0xFEDCBA98  }
0x4: {  	s2 =	rddreg [dreg:$0x0];
	v0 =	vunpack.c.l.s4.s8 v0;
	v2 =	vunpack.c.l.s4.s8 v2;
	v3 =	vunpack.c.l.s4.s8 v3  }
0x5: {  	s0 =	rddreg [dreg:$0x1];
	v62 =	vimm.s32 $0x76543210;
	v1 =	vunpack.c.l.s4.s8 v1;
	v4 =	vunpack.c.l.s4.s8 v4  }
0x6: {  	s1 =	rddreg [dreg:$0x2];
	v0 =	vunpack.c.0.s8.s32 v0;
	v5 =	vunpack.c.0.s8.s32 v2;
	v3 =	vunpack.c.0.s8.s32 v3  }
0x7: {  	s4 =	rddreg [dreg:$0x4];
	s5 =	simm.s32 $0x0;
	s3 =	srdreg.scid;
	v1 =	vunpack.c.0.s8.s32 v1;
	v60 =	vunpack.c.0.s8.s32 v4;
	v4 =	vimm.s32 $0xBA98FEDC  }
0x8: {  	s30 =	stileid.u32;
	s14 =	simm.s32 $0x5;
	s21 =	simm.s32 $0x10600;
	v59 =	vcombine.low v3, v5;
	v3 =	vunpack.c.l.s4.s8 v61;
	v5 =	vimm.s32 $0x32107654  }
0x9: {  	s22 =	simm.s32 $0x10700;
	s23 =	simm.s32 $0x10400;
	s24 =	simm.s32 $0x0;
	v4 =	vunpack.c.l.s4.s8 v4;
	v0 =	vand.u32 $0xF, v0;
	v5 =	vunpack.c.l.s4.s8 v5  }
0xa: {  	[smem:$0x7FF] =	sst s5;
	s3 =	sand.u32 $0x1, s3;
	s6 =	sadd.s32 $0x1C00, s2;
	v6 =	vunpack.c.l.s4.s8 v6;
	v0 =	vcombine.low v1, v0;
	v7 =	vunpack.c.0.s8.s32 v3  }
.Ltmp0:
0xb: {  	s7 =	sadd.s32 $0x28E00, s2;
	v9 =	vunpack.c.l.s4.s8 v62;
	s9 =	ssub.s32 $0x2, s3;
	v8 =	vunpack.c.0.s8.s32 v4;
	v5 =	vunpack.c.0.s8.s32 v5;
	(pc) =	sbr.rel .LBB2_1-.Ltmp0, $4  }
0xc: {  	s8 =	sadd.s32 $0x1800, s2;
	s2 =	sadd.s32 $0x1A00, s2;
	s10 =	sshrl.u32 s9, $0x1;
	[tilespmem:$0x1FFF0] =	vst v0;
	v1 =	vcombine.low v7, v60;
	v7 =	vunpack.c.0.s8.s32 v6  }
0xd: {  	v9 =	vunpack.c.0.s8.s32 v9;
	s9 =	ssub.s32 s9, s10;
	_ =	strace $0x80000047;
	[dreg:$0x6] =	wrdreg s8;
	v8 =	vcombine.low v5, v8  }
0xe: {  	vm0 =	vmmov $0x1;
	s3 =	sshll.u32 s3, $0x4;
	s31 =	smax.u32 s9, $0x1;
	[dreg:$0x7] =	wrdreg s2;
	v6 =	vand.u32 $0xF, v59;
	v63 =	vand.u32 $0xF, v7  }
0xf: {  	s11 =	sor.u32 s30, s3;
	[dreg:$0x8] =	wrdreg s31;
	s8 =	simm.s32 $0x100;
	v7 =	vand.u32 $0xF, v1;
	v8 =	vand.u32 $0xF, v8;
	v9 =	vcombine.low v63, v9  }
.LBB2_25:
0x10: {  	[sflag:s14] =	ssyncset.done $0x0  }
0x11: {  	[sflag:s14] =	ssyncadd.s32 $0xFFFFFF80  }
.LBB2_26:
0x12: {  	s24 =	sadd.s32 $0x1, s24;
	s2 =	rddreg [dreg:$0x8]  }
0x13: {  	p0 =	sne.s32 s24, s2  }
.Ltmp1:
0x14: {  	_ = 	snop;
	(pc) =	sbr.rel @!p0 .LBB2_27-.Ltmp1, $2  }
0x15: {  	_ =	sdelay $0x2  }
0x16: {  	s8 =	simm.s32 $0x100  }
.LBB2_1:
0x17: {  	s2 =	rddreg [dreg:$0x6];
	s3 =	simm.s32 $0x10480  }
0x18: {  	[tilespmem:s3], [sflag:$0x5] =	stream.linear.gather [hbm4b:s2+s5], $0x80, $0x38;
	[tilespmem:$0x10800] =	vst v63  }
0x19: {  	_ =	swait.ge [sflag:s14], $0x80  }
0x1a: {  	[sflag:s14] =	ssyncset.done $0x0  }
0x1b: {  	s12 =	simm.s32 $0x10500;
	s10 =	rddreg [dreg:$0x7];
	[sflag:s14] =	ssyncadd.s32 $0xFFFFFF80  }
0x1c: {  	[tilespmem:s12], [sflag:$0x5] =	stream.linear.gather [hbm4b:s10+s5], $0x80, $0x38;
	[tilespmem:$0x10800] =	vst v63  }
0x1d: {  	_ =	swait.ge [sflag:s14], $0x80  }
0x1e: {  	[sflag:s14] =	ssyncset.done $0x0  }
0x1f: {  	[sflag:s14] =	ssyncadd.s32 $0xFFFFFF80  }
0x20: {  	s15 =	simm.s32 $0x10580;
	s13 =	rddreg [dreg:$0x3]  }
0x21: {  	[tilespmem:s15], [sflag:$0x5] =	stream.linear.gather [hbm4b:s13+s5], $0x80, $0x38;
	[tilespmem:$0x10800] =	vst v63  }
0x22: {  	_ =	swait.ge [sflag:s14], $0x80  }
0x23: {  	[sflag:s14] =	ssyncset.done $0x0  }
0x24: {  	[sflag:s14] =	ssyncadd.s32 $0xFFFFFF80  }
0x25: {  	v0 =	vld [tilespmem:s11+$0x10480];
	_ =	sdelay $0x1  }
0x26: {  	v1 =	vld [tilespmem:s11+$0x10500];
	_ =	sdelay $0x2  }
0x27: {  	(v2sf) =	vpush v0, $0x0  }
0x28: {  	(v2sf) =	vpush v0, $0x1  }
0x29: {  	(v2sf) =	vpush v1, $0x0;
	_ =	sdelay $0x6  }
0x2a: {  	(v2sf) =	vpush v1, $0x1;
	_ =	sdelay $0x5  }
0x2b: {  	s26 =	spop (v2sf)  }
0x2c: {  	s25 =	spop (v2sf)  }
0x2d: {  	s28 =	spop (v2sf)  }
0x2e: {  	s16 =	sand.u32 $0x7F, s28  }
0x2f: {  	s17 =	sshra.s32 s28, $0x1F;
	p0 =	slt.s32 s28, $0x1;
	p1 =	sne.s32 s16, $0x0  }
0x30: {  	s18 =	sshrl.u32 s17, $0x19;
	p0 =	por !p0, !p1  }
0x31: {  	s3 =	simm.s32 $0x1;
	s2 =	sadd.s32 s18, s28;
	p0 =	por !p0, !p0  }
0x32: {  	s2 =	sshra.s32 s2, $0x7;
	s3 =	simm.s32 @!p0 $0x0  }
0x33: {  	s29 =	ssub.s32 s2, s3  }
0x34: {  	s30 =	spop (v2sf);
	s2 =	sshll.u32 s29, $0x7  }
0x35: {  	s19 =	ssub.s32 s30, s2  }
0x36: {  	s3 =	sadd.s32 $0x7F, s19  }
0x37: {  	s9 =	sand.u32 $0x7F, s3  }
0x38: {  	s20 =	sshra.s32 s3, $0x1F;
	p6 =	slt.s32 s3, $0x1;
	p5 =	sne.s32 s9, $0x0  }
0x39: {  	s9 =	sshrl.u32 s20, $0x19;
	p0 =	por !p6, !p5  }
0x3a: {  	v63 =	vimm.f32 $0.0e+00;
	s3 =	sadd.s32 s9, s3;
	s9 =	simm.s32 $0x1;
	p0 =	por !p0, !p0  }
0x3b: {  	[tilespmem:$0x10400] =	vst v63;
	s3 =	sshra.s32 s3, $0x7;
	s9 =	simm.s32 @!p0 $0x0  }
0x3c: {  	[tilespmem:$0x10410] =	vst v63;
	s31 =	ssub.s32 s3, s9  }
0x3d: {  	[tilespmem:$0x10420] =	vst v63;
	p0 =	slt.s32 s31, $0x1  }
.Ltmp2:
0x3e: {  	[tilespmem:$0x10430] =	vst v63;
	(pc) =	sbr.rel @p0 .LBB2_21-.Ltmp2, $4  }
0x3f: {  	[tilespmem:$0x10440] =	vst v63  }
0x40: {  	[tilespmem:$0x10450] =	vst v63  }
0x41: {  	v10 =	vld [tilespmem:$0x10580];
	[tilespmem:$0x10460] =	vst v63  }
0x42: {  	v11 =	vld [tilespmem:$0x10590];
	[tilespmem:$0x10470] =	vst v63  }
0x43: {  	s3 =	sshll.u32 s29, $0x4  }
0x44: {  	s3 =	sand.u32 $0x1FFFFFF0, s3  }
0x45: {  	s9 =	sadd.s32 s0, s3  }
0x46: {  	[tilespmem:s5], [sflag:$0x5] =	stream.linear.gather [hbm4b:s9+s5], $0x80, $0x38;
	[tilespmem:$0x10800] =	vst v63  }
0x47: {  	_ =	swait.ge [sflag:s14], $0x80  }
0x48: {  	[sflag:s14] =	ssyncset.done $0x0  }
0x49: {  	p0 =	sne.s32 s2, $0x0;
	s3 =	sadd.s32 s1, s3;
	[sflag:s14] =	ssyncadd.s32 $0xFFFFFF80  }
0x4a: {  	[tilespmem:s8], [sflag:$0x5] =	stream.linear.gather [hbm4b:s3+s5], $0x80, $0x38;
	[tilespmem:$0x10800] =	vst v63  }
0x4b: {  	s3 =	sadd.s32 @p0 $0xFFFFFFF8, s2;
	_ =	swait.ge [sflag:s14], $0x80  }
0x4c: {  	s13 =	simm.s32 @p0 $0x200;
	s3 =	sshrl.u32 @p0 s3, $0x3;
	[sflag:s14] =	ssyncset.done $0x0  }
0x4d: {  	s9 =	simm.s32 @p0 $0x0;
	s3 =	sadd.s32 @p0 s1, s3;
	[sflag:s14] =	ssyncadd.s32 $0xFFFFFF80  }
0x4e: {  	[tilespmem:s13], [sflag:$0x5] =	stream.linear.gather @p0 [hbm4b:s3+s9], $0x88, $0x38;
	[tilespmem:$0x10800] =	vst v63  }
0x4f: {  	s3 =	simm.s32 @p0 $0x5  }
0x50: {  	_ =	swait.ge @p0 [sflag:s3], $0x88  }
0x51: {  	[sflag:s3] =	ssyncset.done @p0 $0x0  }
0x52: {  	v0 =	vimm.s32 @!p0 $0xFFFFFFFF;
	[sflag:s3] =	ssyncadd.s32 @p0 $0xFFFFFF78  }
0x53: {  	s9 =	simm.s32 @!p0 $0x208;
	s3 =	simm.s32 @!p0 $0x0;
	[tilespmem:$0x200] =	vst @!p0 v0  }
0x54: {  	[tilespmem:s9], [sflag:$0x5] =	stream.linear.gather @!p0 [hbm4b:s1+s3], $0x80, $0x38;
	[tilespmem:$0x10800] =	vst v63  }
0x55: {  	s3 =	simm.s32 @!p0 $0x5  }
0x56: {  	_ =	swait.ge @!p0 [sflag:s3], $0x80  }
0x57: {  	v12 =	vimm.f32 $-9.999999680e+37;
	s19 =	simm.s32 $0x80;
	s10 =	simm.s32 $0x380;
	[sflag:s3] =	ssyncset.done @!p0 $0x0  }
.Ltmp3:
0x58: {  	v26 =	vimm.f32 $0.0e+00;
	v27 =	vimm.f32 $0.0e+00;
	v23 =	vimm.f32 $0.0e+00;
	[sflag:s3] =	ssyncadd.s32 @!p0 $0xFFFFFF80;
	s3 =	simm.s32 $0x0;
	(pc) =	sbr.rel .LBB2_4-.Ltmp3, $4  }
0x59: {  	v25 =	vimm.f32 $0.0e+00;
	v24 =	vimm.f32 $0.0e+00;
	v16 =	vimm.f32 $0.0e+00;
	[tilespmem:s10], [sflag:$0x1] =	stream.indirect.gather [hbm4b:s6+s19], $0x80, s3, s19, $0xb8;
	[tilespmem:$0x10800] =	vst v63  }
0x5a: {  	s20 =	simm.s32 $0x8380;
	v13 =	vimm.f32 $0.0e+00;
	v14 =	vimm.f32 $0.0e+00;
	v22 =	vimm.f32 $0.0e+00;
	s15 =	smov.u32 s28  }
0x5b: {  	v18 =	vimm.f32 $0.0e+00;
	v19 =	vimm.f32 $0.0e+00;
	v15 =	vimm.f32 $0.0e+00;
	[tilespmem:s20], [sflag:$0x3] =	stream.indirect.gather [hbm4b:s7+s19], $0x80, s8, s19, $0xb8;
	[tilespmem:$0x10800] =	vst v63  }
0x5c: {  	v17 =	vimm.f32 $-9.999999680e+37;
	v20 =	vimm.f32 $-9.999999680e+37;
	v21 =	vimm.f32 $-9.999999680e+37;
	s9 =	ssub.s32 $0x0, s2;
	p0 =	por $0x0, $0x0;
	s19 =	sadd.s32 $0xFFFFFFFF, s26  }
.LBB2_5:
0x5d: {  	s18 =	smov.u32 s19;
	s17 =	smov.u32 s15  }
.LBB2_3:
0x5e: {  	p1 =	seq.s32 s3, s31  }
.Ltmp4:
0x5f: {  	_ = 	snop;
	(pc) =	sbr.rel @p1 .LBB2_22-.Ltmp4, $3  }
0x60: {  	_ =	sdelay $0x1  }
0x61: {  	p0 =	por !p0, !p0  }
0x62: {  	s9 =	sadd.s32 $0xFFFFFF80, s9;
	s15 =	smov.u32 s17;
	s19 =	smov.u32 s18  }
.LBB2_4:
0x63: {  	s2 =	sadd.s32 s29, s3;
	s13 =	sand.u32 $0x1, s3;
	s3 =	sadd.s32 $0x1, s3  }
0x64: {  	p1 =	sge.s32 s3, s31  }
0x65: {  	s16 =	sadd.s32 @!p1 s29, s3  }
0x66: {  	s17 =	sshll.u32 @!p1 s16, $0x4  }
0x67: {  	s18 =	sxor.u32 @!p1 $0x1, s13;
	s17 =	sand.u32 @!p1 $0x1FFFFFF0, s17  }
0x68: {  	s10 =	simm.s32 @!p1 $0x0;
	s20 =	sshll.u32 @!p1 s18, $0x7;
	s8 =	sadd.s32 @!p1 s0, s17  }
0x69: {  	[tilespmem:s20], [sflag:$0x5] =	stream.linear.gather @!p1 [hbm4b:s8+s10], $0x80, $0x38;
	[tilespmem:$0x10800] =	vst v63  }
0x6a: {  	s8 =	simm.s32 @!p1 $0x5  }
0x6b: {  	_ =	swait.ge @!p1 [sflag:s8], $0x80  }
0x6c: {  	s16 =	sshll.u32 @!p1 s16, $0x7;
	s12 =	sor.u32 @!p1 $0x100, s20;
	[sflag:s8] =	ssyncset.done @!p1 $0x0  }
0x6d: {  	p2 =	sne.s32 @!p1 s16, $0x0;
	s17 =	sadd.s32 @!p1 s1, s17;
	[sflag:s8] =	ssyncadd.s32 @!p1 $0xFFFFFF80  }
0x6e: {  	[tilespmem:s12], [sflag:$0x5] =	stream.linear.gather @!p1 [hbm4b:s17+s10], $0x80, $0x38;
	[tilespmem:$0x10800] =	vst v63  }
0x6f: {  	p3 =	por !p2, p1;
	s10 =	smul.u32 @!p1 $0x240, s18;
	_ =	swait.ge @!p1 [sflag:s8], $0x80  }
0x70: {  	s16 =	sadd.s32 @!p3 $0xFFFFFFF8, s16;
	[sflag:s8] =	ssyncset.done @!p1 $0x0  }
0x71: {  	[sflag:s8] =	ssyncadd.s32 @!p1 $0xFFFFFF80;
	s8 =	sshrl.u32 @!p1 s10, $0x2;
	s10 =	sshrl.u32 @!p3 s16, $0x3  }
0x72: {  	s17 =	simm.s32 @!p3 $0x0;
	s16 =	sor.u32 @!p1 $0x200, s8;
	s10 =	sadd.s32 @!p3 s1, s10  }
0x73: {  	[tilespmem:s16], [sflag:$0x5] =	stream.linear.gather @!p3 [hbm4b:s10+s17], $0x88, $0x38;
	[tilespmem:$0x10800] =	vst v63  }
0x74: {  	s10 =	simm.s32 @!p3 $0x5  }
0x75: {  	_ =	swait.ge @!p3 [sflag:s10], $0x88  }
0x76: {  	p2 =	por p2, p1;
	[sflag:s10] =	ssyncset.done @!p3 $0x0  }
0x77: {  	v0 =	vimm.s32 @!p2 $0xFFFFFFFF;
	[sflag:s10] =	ssyncadd.s32 @!p3 $0xFFFFFF78  }
0x78: {  	s10 =	simm.s32 @!p2 $0x0;
	[tilespmem:s8+$0x200] =	vst @!p2 v0;
	s8 =	sadd.s32 @!p2 $0x208, s8  }
0x79: {  	[tilespmem:s8], [sflag:$0x5] =	stream.linear.gather @!p2 [hbm4b:s1+s10], $0x80, $0x38;
	[tilespmem:$0x10800] =	vst v63  }
0x7a: {  	s8 =	simm.s32 @!p2 $0x5  }
0x7b: {  	_ =	swait.ge @!p2 [sflag:s8], $0x80  }
0x7c: {  	[sflag:s8] =	ssyncset.done @!p2 $0x0  }
0x7d: {  	[sflag:s8] =	ssyncadd.s32 @!p2 $0xFFFFFF80;
	s8 =	sshll.u32 @!p1 s18, $0xE  }
0x7e: {  	s16 =	sadd.s32 @!p1 $0x1, s18;
	s17 =	simm.s32 @!p1 $0x80;
	s10 =	sor.u32 @!p1 $0x380, s8  }
0x7f: {  	[tilespmem:s10], [sflag:s16] =	stream.indirect.gather @!p1 [hbm4b:s6+s17], $0x80, s20, s17, $0xb8;
	[tilespmem:$0x10800] =	vst v63  }
0x80: {  	s8 =	sor.u32 @!p1 $0x8380, s8;
	s10 =	sadd.s32 @!p1 $0x3, s18  }
0x81: {  	[tilespmem:s8], [sflag:s10] =	stream.indirect.gather @!p1 [hbm4b:s7+s17], $0x80, s12, s17, $0xb8;
	[tilespmem:$0x10800] =	vst v63  }
0x82: {  	s12 =	sadd.s32 $0x1, s13  }
0x83: {  	_ =	swait.ge [sflag:s12], $0x4000  }
0x84: {  	[sflag:s12] =	ssyncset.done $0x0  }
0x85: {  	s16 =	sadd.s32 $0x3, s13;
	[sflag:s12] =	ssyncadd.s32 $0xFFFFC000  }
0x86: {  	s17 =	smul.u32 $0x240, s13;
	_ =	swait.ge [sflag:s16], $0x4000  }
0x87: {  	[sflag:s16] =	ssyncset.done $0x0  }
0x88: {  	s17 =	sshrl.u32 s17, $0x2;
	v44 =	vld [tilespmem:$0x1FFF0];
	[sflag:s16] =	ssyncadd.s32 $0xFFFFC000  }
0x89: {  	v43 =	vld [tilespmem:s17+$0x200]  }
0x8a: {  	v1 =	vld [tilespmem:s17+$0x208];
	_ =	sdelay $0x3  }
0x8b: {  	v2 =	vimm.s32 $0x7  }
0x8c: {  	s20 =	sshll.u32 s2, $0x7;
	v0 =	vperm.xlane v43, v2;
	v28 =	vperm.xlane v1, v44  }
0x8d: {  	v4 =	vlaneseq.u32;
	s2 =	smov.u32 s20;
	p1 =	sgt.s32 s28, s20;
	s16 =	sadd.s32 $0x80, s20  }
0x8e: {  	s2 =	smov.u32 @p1 s28;
	p1 =	slt.s32 s30, s16;
	v0 =	vsel vm0, v0, v28;
	v28 =	vor.u32 s20, v4  }
0x8f: {  	s16 =	smov.u32 @p1 s30;
	vm1 =	vne.s32 v1, v0;
	vm2 =	vge.s32 v28, s2  }
0x90: {  	vm1 =	vmand vm2, vm1;
	vm2 =	vlt.s32 v28, s16  }
0x91: {  	v5 =	vimm.s32 $0x0;
	vm1 =	vmand vm2, vm1  }
0x92: {  	v45 =	vsel vm1, $0x1, v5  }
0x93: {  	(xrf0) =	vadd.scan.msk.s32 $0xffff, v45;
	_ =	sdelay $0x5  }
0x94: {  	v0, _, _ =	vpop (xrf0)  }
0x95: {  	v29 =	vadd.s32 $0xFFFFFFFF, v0;
	_ =	sdelay $0x4  }
0x96: {  	[tilespmem:v29+s21+$0x0] =	vst.idx.msk vm1, v28  }
0x97: {  	[tilespmem:v29+s22+$0x0] =	vst.idx.msk vm1, v1  }
0x98: {  	v28 =	vld [tilespmem:s17+$0x218];
	_ =	sdelay $0x3  }
0x99: {  	v3 =	vimm.s32 $0xF  }
0x9a: {  	v1 =	vperm.xlane v1, v3;
	v29 =	vperm.xlane v28, v44  }
0x9b: {  	s18 =	sor.u32 $0x10, s20  }
0x9c: {  	v1 =	vsel vm0, v1, v29;
	v29 =	vor.u32 s18, v4  }
0x9d: {  	vm1 =	vne.s32 v28, v1;
	vm2 =	vge.s32 v29, s2  }
0x9e: {  	vm1 =	vmand vm2, vm1;
	vm2 =	vlt.s32 v29, s16  }
0x9f: {  	vm1 =	vmand vm2, vm1  }
0xa0: {  	v46 =	vsel vm1, $0x1, v5  }
0xa1: {  	(xrf0) =	vadd.scan.msk.s32 $0xffff, v46;
	_ =	sdelay $0x4  }
0xa2: {  	v0 =	vperm.xlane v0, v3  }
0xa3: {  	v1, _, _ =	vpop (xrf0)  }
0xa4: {  	v30 =	vadd.s32 v1, v0  }
0xa5: {  	v30 =	vadd.s32 $0xFFFFFFFF, v30;
	_ =	sdelay $0x4  }
0xa6: {  	[tilespmem:v30+s21+$0x0] =	vst.idx.msk vm1, v29  }
0xa7: {  	[tilespmem:v30+s22+$0x0] =	vst.idx.msk vm1, v28  }
0xa8: {  	v29 =	vld [tilespmem:s17+$0x228];
	_ =	sdelay $0x4  }
0xa9: {  	v28 =	vperm.xlane v28, v3;
	v47 =	vperm.xlane v29, v44  }
0xaa: {  	s10 =	sor.u32 $0x20, s20  }
0xab: {  	v48 =	vor.u32 s10, v4;
	v28 =	vsel vm0, v28, v47  }
0xac: {  	vm2 =	vge.s32 v48, s2;
	vm1 =	vne.s32 v29, v28  }
0xad: {  	vm1 =	vmand vm2, vm1;
	vm2 =	vlt.s32 v48, s16  }
0xae: {  	vm1 =	vmand vm2, vm1  }
0xaf: {  	v28 =	vsel vm1, $0x1, v5  }
0xb0: {  	(xrf0) =	vadd.scan.msk.s32 $0xffff, v28;
	_ =	sdelay $0x3  }
0xb1: {  	v1 =	vperm.xlane v1, v3;
	_ =	sdelay $0x1  }
0xb2: {  	v0 =	vadd.s32 v0, v1;
	v49, _, _ =	vpop (xrf0)  }
0xb3: {  	v28 =	vadd.s32 v49, v0  }
0xb4: {  	v28 =	vadd.s32 $0xFFFFFFFF, v28;
	_ =	sdelay $0x4  }
0xb5: {  	[tilespmem:v28+s21+$0x0] =	vst.idx.msk vm1, v48  }
0xb6: {  	[tilespmem:v28+s22+$0x0] =	vst.idx.msk vm1, v29  }
0xb7: {  	v28 =	vld [tilespmem:s17+$0x238];
	_ =	sdelay $0x4  }
0xb8: {  	v29 =	vperm.xlane v29, v3;
	v50 =	vperm.xlane v28, v44  }
0xb9: {  	s12 =	sor.u32 $0x30, s20  }
0xba: {  	v51 =	vor.u32 s12, v4;
	v29 =	vsel vm0, v29, v50  }
0xbb: {  	vm2 =	vge.s32 v51, s2;
	vm1 =	vne.s32 v28, v29  }
0xbc: {  	vm1 =	vmand vm2, vm1;
	vm2 =	vlt.s32 v51, s16  }
0xbd: {  	vm1 =	vmand vm2, vm1  }
0xbe: {  	v29 =	vsel vm1, $0x1, v5  }
0xbf: {  	(xrf0) =	vadd.scan.msk.s32 $0xffff, v29;
	_ =	sdelay $0x3  }
0xc0: {  	v1 =	vperm.xlane v49, v3;
	_ =	sdelay $0x1  }
0xc1: {  	v0 =	vadd.s32 v0, v1;
	v52, _, _ =	vpop (xrf0)  }
0xc2: {  	v29 =	vadd.s32 v52, v0  }
0xc3: {  	v29 =	vadd.s32 $0xFFFFFFFF, v29;
	_ =	sdelay $0x4  }
0xc4: {  	[tilespmem:v29+s21+$0x0] =	vst.idx.msk vm1, v51  }
0xc5: {  	[tilespmem:v29+s22+$0x0] =	vst.idx.msk vm1, v28  }
0xc6: {  	v29 =	vld [tilespmem:s17+$0x248];
	_ =	sdelay $0x4  }
0xc7: {  	v28 =	vperm.xlane v28, v3;
	v53 =	vperm.xlane v29, v44  }
0xc8: {  	s18 =	sor.u32 $0x40, s20  }
0xc9: {  	v54 =	vor.u32 s18, v4;
	v28 =	vsel vm0, v28, v53  }
0xca: {  	vm2 =	vge.s32 v54, s2;
	vm1 =	vne.s32 v29, v28  }
0xcb: {  	vm1 =	vmand vm2, vm1;
	vm2 =	vlt.s32 v54, s16  }
0xcc: {  	vm1 =	vmand vm2, vm1  }
0xcd: {  	v28 =	vsel vm1, $0x1, v5  }
0xce: {  	(xrf0) =	vadd.scan.msk.s32 $0xffff, v28;
	_ =	sdelay $0x3  }
0xcf: {  	v1 =	vperm.xlane v52, v3;
	_ =	sdelay $0x1  }
0xd0: {  	v0 =	vadd.s32 v0, v1;
	v55, _, _ =	vpop (xrf0)  }
0xd1: {  	v28 =	vadd.s32 v55, v0  }
0xd2: {  	v28 =	vadd.s32 $0xFFFFFFFF, v28;
	_ =	sdelay $0x4  }
0xd3: {  	[tilespmem:v28+s21+$0x0] =	vst.idx.msk vm1, v54  }
0xd4: {  	[tilespmem:v28+s22+$0x0] =	vst.idx.msk vm1, v29  }
0xd5: {  	v28 =	vld [tilespmem:s17+$0x258];
	_ =	sdelay $0x4  }
0xd6: {  	v29 =	vperm.xlane v29, v3;
	v56 =	vperm.xlane v28, v44  }
0xd7: {  	s10 =	sor.u32 $0x50, s20  }
0xd8: {  	v57 =	vor.u32 s10, v4;
	v29 =	vsel vm0, v29, v56  }
0xd9: {  	vm2 =	vge.s32 v57, s2;
	vm1 =	vne.s32 v28, v29  }
0xda: {  	vm1 =	vmand vm2, vm1;
	vm2 =	vlt.s32 v57, s16  }
0xdb: {  	vm1 =	vmand vm2, vm1  }
0xdc: {  	v29 =	vsel vm1, $0x1, v5  }
0xdd: {  	(xrf0) =	vadd.scan.msk.s32 $0xffff, v29;
	_ =	sdelay $0x3  }
0xde: {  	v1 =	vperm.xlane v55, v3;
	_ =	sdelay $0x1  }
0xdf: {  	v0 =	vadd.s32 v0, v1;
	v58, _, _ =	vpop (xrf0)  }
0xe0: {  	v29 =	vadd.s32 v58, v0  }
0xe1: {  	v29 =	vadd.s32 $0xFFFFFFFF, v29;
	_ =	sdelay $0x4  }
0xe2: {  	[tilespmem:v29+s21+$0x0] =	vst.idx.msk vm1, v57  }
0xe3: {  	[tilespmem:v29+s22+$0x0] =	vst.idx.msk vm1, v28  }
0xe4: {  	v29 =	vld [tilespmem:s17+$0x268];
	_ =	sdelay $0x4  }
0xe5: {  	v28 =	vperm.xlane v28, v3;
	v59 =	vperm.xlane v29, v44  }
0xe6: {  	s12 =	sor.u32 $0x60, s20  }
0xe7: {  	v60 =	vor.u32 s12, v4;
	v28 =	vsel vm0, v28, v59  }
0xe8: {  	vm2 =	vge.s32 v60, s2;
	vm1 =	vne.s32 v29, v28  }
0xe9: {  	vm1 =	vmand vm2, vm1;
	vm2 =	vlt.s32 v60, s16  }
0xea: {  	vm1 =	vmand vm2, vm1  }
0xeb: {  	v28 =	vsel vm1, $0x1, v5  }
0xec: {  	(xrf0) =	vadd.scan.msk.s32 $0xffff, v28;
	_ =	sdelay $0x3  }
0xed: {  	v1 =	vperm.xlane v58, v3;
	_ =	sdelay $0x1  }
0xee: {  	v0 =	vadd.s32 v0, v1;
	v61, _, _ =	vpop (xrf0)  }
0xef: {  	v28 =	vadd.s32 v61, v0  }
0xf0: {  	v28 =	vadd.s32 $0xFFFFFFFF, v28;
	_ =	sdelay $0x4  }
0xf1: {  	[tilespmem:v28+s21+$0x0] =	vst.idx.msk vm1, v60  }
0xf2: {  	[tilespmem:v28+s22+$0x0] =	vst.idx.msk vm1, v29  }
0xf3: {  	v28 =	vld [tilespmem:s17+$0x278];
	_ =	sdelay $0x4  }
0xf4: {  	v29 =	vperm.xlane v29, v3;
	v62 =	vperm.xlane v28, v44  }
0xf5: {  	s18 =	sor.u32 $0x70, s20  }
0xf6: {  	v63 =	vor.u32 s18, v4;
	v29 =	vsel vm0, v29, v62  }
0xf7: {  	vm2 =	vge.s32 v63, s2;
	vm1 =	vne.s32 v28, v29  }
0xf8: {  	vm1 =	vmand vm2, vm1;
	vm2 =	vlt.s32 v63, s16  }
0xf9: {  	vm1 =	vmand vm2, vm1  }
0xfa: {  	v29 =	vsel vm1, $0x1, v5  }
0xfb: {  	(xrf0) =	vadd.scan.msk.s32 $0xffff, v29;
	_ =	sdelay $0x5  }
0xfc: {  	v1 =	vperm.xlane v61, v3;
	v29, _, _ =	vpop (xrf0)  }
0xfd: {  	v31 =	vperm.xlane v29, v3  }
0xfe: {  	v0 =	vadd.s32 v0, v1  }
0xff: {  	v1 =	vadd.s32 v0, v31  }
0x100: {  	(v2sf) =	vpush v1, $0x0;
	_ =	sdelay $0xc  }
0x101: {  	v0 =	vadd.s32 v29, v0  }
0x102: {  	v0 =	vadd.s32 $0xFFFFFFFF, v0  }
0x103: {  	s2 =	spop (v2sf)  }
0x104: {  	p1 =	sgt.u32 s2, $0x7FFFFFFE  }
.Ltmp5:
0x105: {  	_ = 	snop;
	(pc) =	sbr.rel @p1 .LBB2_5-.Ltmp5, $4  }
0x106: {  	_ = 	snop  }
0x107: {  	[tilespmem:v0+s21+$0x0] =	vst.idx.msk vm1, v63  }
0x108: {  	v29 =	vmov s16;
	[tilespmem:v0+s22+$0x0] =	vst.idx.msk vm1, v28  }
0x109: {  	[tilespmem:v1+s21+$0x0] =	vst.idx.msk $0x1, v29  }
.Ltmp6:
0x10a: {  	s8 =	simm.s32 $0x1;
	(pc) =	sbr.rel .LBB2_7-.Ltmp6, $4  }
0x10b: {  	s8 =	simm.s32 @!p0 $0x0  }
0x10c: {  	s10 =	sshll.u32 s13, $0xE;
	s8 =	sshll.u32 s8, $0x10  }
0x10d: {  	s10 =	sor.u32 $0x8380, s10;
	s8 =	sshrl.u32 s8, $0x2  }
0x10e: {  	s16 =	simm.s32 $0x0;
	v28 =	vmov s10;
	s13 =	sadd.s32 $0x3C0, s8  }
.LBB2_16:
0x10f: {  	v26 =	vpsel !p1, $0x0, v26  }
0x110: {  	v27 =	vpsel !p1, $0x0, v27;
	v23 =	vpsel !p1, $0x0, v23;
	v25 =	vpsel !p1, $0x0, v25  }
0x111: {  	v24 =	vpsel !p1, $0x0, v24;
	v16 =	vpsel !p1, $0x0, v16;
	v13 =	vpsel !p1, $0x0, v13  }
0x112: {  	v14 =	vpsel !p1, $0x0, v14;
	v22 =	vpsel !p1, $0x0, v22;
	v18 =	vpsel !p1, $0x0, v18  }
0x113: {  	v19 =	vpsel !p1, $0x0, v19;
	v15 =	vpsel !p1, $0x0, v15;
	v12 =	vpsel !p1, $0xFE967699, v12  }
0x114: {  	v17 =	vpsel !p1, $0xFE967699, v17;
	v20 =	vpsel !p1, $0xFE967699, v20;
	v21 =	vpsel !p1, $0xFE967699, v21;
	s18 =	smov.u32 @p1 s19  }
.LBB2_20:
0x115: {  	p1 =	seq.s32 s16, s2  }
.Ltmp7:
0x116: {  	_ = 	snop;
	(pc) =	sbr.rel @p1 .LBB2_3-.Ltmp7, $3  }
0x117: {  	_ =	sdelay $0x1  }
0x118: {  	s8 =	sadd.s32 $0x1, s16  }
0x119: {  	s15 =	smov.u32 s17;
	s19 =	smov.u32 s18;
	s16 =	smov.u32 s8  }
.LBB2_7:
0x11a: {  	v29 =	vmov s16;
	_ =	sdelay $0x4  }
0x11b: {  	v0 =	vld.idx.msk [tilespmem:v29+s21+$0x0], $0xffff;
	_ =	sdelay $0x4  }
0x11c: {  	(v2sf) =	vpush v0, $0x0;
	_ =	sdelay $0xe  }
0x11d: {  	s17 =	spop (v2sf)  }
0x11e: {  	p1 =	sle.s32 s17, s15  }
.Ltmp8:
0x11f: {  	_ = 	snop;
	(pc) =	sbr.rel @p1 .LBB2_15-.Ltmp8, $1  }
0x120: {  	_ =	sdelay $0x3  }
0x121: {  	s10 =	sadd.s32 s15, s9  }
0x122: {  	s10 =	sshll.u32 s10, $0x9  }
0x123: {  	s10 =	sshra.s32 s10, $0x2  }
0x124: {  	s18 =	sadd.s32 s10, s13  }
0x125: {  	v58 =	vld [tilespmem:s18+$0x20]  }
0x126: {  	v59 =	vld [tilespmem:s18+$0x30]  }
0x127: {  	s8 =	ssub.s32 s15, s20;
	v30 =	vld [tilespmem:s18+$0xFFFFFFC0]  }
0x128: {  	p1 =	sgt.s32 s8, $0x0;
	v50 =	vld [tilespmem:s18+$0x0]  }
0x129: {  	s8 =	simm.s32 @!p1 $0x0;
	v55 =	vld [tilespmem:s18+$0xFFFFFFE0]  }
0x12a: {  	s8 =	smin.u32 s8, $0x7F;
	v48 =	vld [tilespmem:s18+$0xFFFFFFD0]  }
0x12b: {  	s8 =	sshll.u32 s8, $0x7;
	v52 =	vld [tilespmem:s18+$0xFFFFFFF0]  }
0x12c: {  	v31 =	vld.idx.msk [tilespmem:v28+s8+$0x0 ss:$0x1], $0xffff  }
0x12d: {  	v32 =	vld.idx.msk [tilespmem:v28+s8+$0x10 ss:$0x1], $0xffff  }
0x12e: {  	v34 =	vld.idx.msk [tilespmem:v28+s8+$0x60 ss:$0x1], $0xffff  }
0x12f: {  	v35 =	vld.idx.msk [tilespmem:v28+s8+$0x70 ss:$0x1], $0xffff  }
0x130: {  	v37 =	vld.idx.msk [tilespmem:v28+s8+$0x40 ss:$0x1], $0xffff  }
0x131: {  	v33 =	vld.idx.msk [tilespmem:v28+s8+$0x20 ss:$0x1], $0xffff  }
0x132: {  	v36 =	vld.idx.msk [tilespmem:v28+s8+$0x30 ss:$0x1], $0xffff  }
0x133: {  	v0 =	vadd.f32 v58, v34  }
0x134: {  	v1 =	vadd.f32 v59, v35;
	v62 =	vadd.f32 v30, v31  }
0x135: {  	v63 =	vadd.f32 v50, v37;
	v42 =	vadd.f32 v48, v32  }
0x136: {  	v43 =	vadd.f32 v55, v33;
	v39 =	vmul.f32 $2.000000030e-01, v0;
	v40 =	vmul.f32 $2.000000030e-01, v1  }
0x137: {  	v49 =	vld [tilespmem:s18+$0x10];
	v44 =	vadd.f32 v52, v36;
	v41 =	vmul.f32 $2.000000030e-01, v62;
	v46 =	vmul.f32 $2.000000030e-01, v63  }
0x138: {  	v38 =	vld.idx.msk [tilespmem:v28+s8+$0x50 ss:$0x1], $0xffff;
	v51 =	vmul.f32 $2.000000030e-01, v42;
	v47 =	vmul.f32 $2.000000030e-01, v43  }
0x139: {  	v53 =	vmul.f32 $2.000000030e-01, v44;
	v0 =	vmax.f32 v0, v39;
	v1 =	vmax.f32 v1, v40  }
0x13a: {  	v39 =	vmax.f32 v62, v41;
	v0 =	vmul.f32 v0, v10;
	v1 =	vmul.f32 v1, v11  }
0x13b: {  	v41 =	vmax.f32 v42, v51;
	v43 =	vmax.f32 v43, v47;
	v44 =	vmax.f32 v44, v53  }
0x13c: {  	v39 =	vmul.f32 v39, v10;
	v41 =	vmul.f32 v41, v11;
	v0 =	vadd.f32 v1, v0  }
0x13d: {  	v43 =	vmul.f32 v43, v10;
	v44 =	vmul.f32 v44, v11;
	v1 =	vadd.f32 v49, v38  }
0x13e: {  	v40 =	vmax.f32 v63, v46;
	v45 =	vperm.xlane v0, v6  }
0x13f: {  	v39 =	vadd.f32 v41, v39;
	v57 =	vadd.f32 v44, v43;
	v54 =	vmul.f32 $2.000000030e-01, v1  }
0x140: {  	v40 =	vmul.f32 v40, v10;
	v0 =	vadd.f32 v45, v0  }
0x141: {  	v60 =	vperm.xlane v39, v6;
	v43 =	vperm.xlane v57, v6;
	v1 =	vmax.f32 v1, v54  }
0x142: {  	v1 =	vmul.f32 v1, v11;
	v56 =	vperm.xlane v0, v7  }
0x143: {  	v39 =	vadd.f32 v60, v39;
	v41 =	vadd.f32 v43, v57  }
0x144: {  	v1 =	vadd.f32 v1, v40;
	v0 =	vadd.f32 v56, v0  }
0x145: {  	v63 =	vperm.xlane v39, v7;
	v43 =	vperm.xlane v41, v7  }
0x146: {  	v62 =	vperm.xlane v1, v6;
	v61 =	vperm.xlane v0, v8  }
0x147: {  	v39 =	vadd.f32 v63, v39;
	v46 =	vadd.f32 v43, v41  }
0x148: {  	v1 =	vadd.f32 v62, v1;
	v0 =	vadd.f32 v61, v0  }
0x149: {  	v51 =	vperm.xlane v39, v8;
	v43 =	vperm.xlane v46, v8  }
0x14a: {  	v47 =	vperm.xlane v1, v7;
	v45 =	vperm.xlane v0, v9  }
0x14b: {  	v39 =	vadd.f32 v51, v39;
	v40 =	vadd.f32 v43, v46  }
0x14c: {  	v1 =	vadd.f32 v47, v1;
	v0 =	vadd.f32 v45, v0  }
0x14d: {  	v60 =	vperm.xlane v39, v9  }
0x14e: {  	v61 =	vperm.xlane v40, v9;
	v41 =	vperm.xlane v1, v8;
	v54 =	vsub.f32 v0, v12  }
0x14f: {  	s15 =	ssub.s32 s17, s15;
	v39 =	vadd.f32 v60, v39  }
0x150: {  	p2 =	sne.s32 s15, $0x1;
	v40 =	vadd.f32 v61, v40;
	v1 =	vadd.f32 v41, v1;
	v57 =	vand.u32 $0x7FFFFFFF, v54  }
.Ltmp9:
0x151: {  	v56 =	vsub.f32 v39, v21;
	v42 =	vsub.f32 $0.0e+00, v57;
	(pc) =	sbr.rel @!p2 .LBB2_9-.Ltmp9, $4  }
0x152: {  	v53 =	vsub.f32 v40, v20;
	v12 =	vmax.f32 v12, v0;
	v63 =	vperm.xlane v1, v9  }
0x153: {  	v21 =	vmax.f32 v21, v39;
	v20 =	vmax.f32 v20, v40;
	v62 =	vmul.f32 $1.442695020e+00, v42  }
0x154: {  	[tilespmem:$0x1FFD0] =	vst v13;
	v0 =	vand.u32 $0x7FFFFFFF, v56;
	v57 =	vadd.f32 v63, v1;
	v1 =	vand.u32 $0x7FFFFFFF, v53  }
0x155: {  	[tilespmem:$0x1FFE0] =	vst v14;
	s15 =	sadd.s32 $0xFFFFFFFF, s15;
	p1 =	por $0x0, $0x0;
	s18 =	sadd.s32 $0x80, s18;
	v47 =	vsub.f32 $0.0e+00, v0;
	v0 =	vsub.f32 $0.0e+00, v1;
	(erf) = vpow2.f32 v62  }
0x156: {  	_ =	sdelay $0x1  }
0x157: {  	v1 =	vsub.f32 v57, v17;
	v39 =	vld [tilespmem:s18+$0x10]  }
0x158: {  	v46 =	vld [tilespmem:s18+$0xFFFFFFF0]  }
0x159: {  	v0 =	vmul.f32 $1.442695020e+00, v0;
	v41 =	vand.u32 $0x7FFFFFFF, v1  }
0x15a: {  	v42 =	vld [tilespmem:s18+$0x20];
	v44 =	vsub.f32 $0.0e+00, v41  }
0x15b: {  	v43 =	vld [tilespmem:s18+$0x30];
	vm1 =	vgt.f32 v54, $0.0e+00;
	v17 =	vmax.f32 v17, v57  }
0x15c: {  	vm2 =	vgt.f32 v1, $0.0e+00;
	v44 =	vmul.f32 $1.442695020e+00, v44;
	v1 =	vadd.f32 v39, v38  }
0x15d: {  	v45 =	vld [tilespmem:s18+$0xFFFFFFE0];
	vm3 =	vgt.f32 v53, $0.0e+00;
	(erf) = vpow2.f32 v0;
	v4 =	vadd.f32 v46, v36;
	v0 =	vpop (erf)  }
0x15e: {  	v40 =	vld [tilespmem:s18+$0xFFFFFFC0];
	v63 =	vmul.f32 $2.000000030e-01, v1;
	(erf) = vpow2.f32 v44;
	v51 =	vsel vm1, $0x3F800000, v0  }
0x15f: {  	v0 =	vnsel vm1, $0x3F800000, v0;
	vm1 =	vgt.f32 v56, $0.0e+00;
	v56 =	vadd.f32 v42, v34  }
0x160: {  	v41 =	vld [tilespmem:s18+$0x0];
	v54 =	vmul.f32 v51, v59;
	v22 =	vmul.f32 v0, v22;
	v59 =	vadd.f32 v43, v35  }
0x161: {  	v1 =	vmax.f32 v1, v63;
	v27 =	vmul.f32 v0, v27;
	v0 =	vmul.f32 v0, v26  }
0x162: {  	v44 =	vld [tilespmem:s18+$0xFFFFFFD0];
	v63 =	vadd.f32 v45, v33;
	v26 =	vmul.f32 $2.000000030e-01, v56;
	v60 =	vmul.f32 $2.000000030e-01, v59  }
0x163: {  	v57 =	vmul.f32 v51, v58;
	v58 =	vadd.f32 v40, v31;
	v1 =	vmul.f32 v1, v11  }
0x164: {  	v3 =	vmul.f32 $2.000000030e-01, v63;
	v26 =	vmax.f32 v56, v26;
	v60 =	vmax.f32 v59, v60  }
0x165: {  	v61 =	vadd.f32 v41, v37;
	v26 =	vmul.f32 v26, v10;
	v56 =	vmul.f32 v60, v11  }
0x166: {  	v62 =	vmul.f32 $2.000000030e-01, v58;
	v22 =	vadd.f32 v22, v51;
	v3 =	vmax.f32 v63, v3  }
0x167: {  	v53 =	vpop (erf);
	v59 =	vmul.f32 $2.000000030e-01, v61;
	v26 =	vadd.f32 v56, v26;
	v56 =	vadd.f32 v44, v32  }
0x168: {  	v58 =	vmax.f32 v58, v62;
	v62 =	vmul.f32 $2.000000030e-01, v4;
	v60 =	vsel vm3, $0x3F800000, v53  }
0x169: {  	v53 =	vnsel vm3, $0x3F800000, v53;
	v5 =	vperm.xlane v26, v6;
	v51 =	vmul.f32 $2.000000030e-01, v56  }
0x16a: {  	v3 =	vmul.f32 v3, v10;
	v24 =	vmul.f32 v53, v24;
	v4 =	vmax.f32 v4, v62  }
0x16b: {  	v4 =	vmul.f32 v4, v11;
	v5 =	vadd.f32 v5, v26;
	v51 =	vmax.f32 v56, v51  }
0x16c: {  	v62 =	vmax.f32 v61, v59;
	v59 =	vpop (erf);
	v26 =	vmul.f32 v58, v10;
	v51 =	vmul.f32 v51, v11  }
0x16d: {  	v61 =	vnsel vm2, $0x3F800000, v59;
	v58 =	vmul.f32 v62, v10;
	v56 =	vperm.xlane v5, v7  }
0x16e: {  	v3 =	vadd.f32 v4, v3;
	v4 =	vmul.f32 v60, v52;
	v51 =	vadd.f32 v51, v26  }
0x16f: {  	v25 =	vmul.f32 v61, v25;
	v1 =	vadd.f32 v1, v58;
	v5 =	vadd.f32 v56, v5  }
0x170: {  	v26 =	vadd.f32 v54, v0;
	v0 =	vperm.xlane v3, v6;
	v63 =	vperm.xlane v51, v6  }
0x171: {  	v24 =	vadd.f32 v4, v24;
	v58 =	vperm.xlane v1, v6;
	v56 =	vperm.xlane v5, v8  }
0x172: {  	v18 =	vmul.f32 v61, v18;
	v0 =	vadd.f32 v0, v3;
	v4 =	vadd.f32 v63, v51  }
0x173: {  	v3 =	vmul.f32 v61, v23;
	v1 =	vadd.f32 v58, v1;
	v5 =	vadd.f32 v56, v5  }
0x174: {  	v63 =	vperm.xlane v0, v7;
	v23 =	vperm.xlane v4, v7  }
0x175: {  	v27 =	vadd.f32 v57, v27;
	v61 =	vperm.xlane v1, v7;
	v62 =	vperm.xlane v5, v9  }
0x176: {  	v0 =	vadd.f32 v63, v0;
	v4 =	vadd.f32 v23, v4;
	v23 =	vmul.f32 $1.442695020e+00, v47  }
0x177: {  	v55 =	vmul.f32 v60, v55;
	v51 =	vsel vm2, $0x3F800000, v59;
	v5 =	vadd.f32 v62, v5  }
0x178: {  	v1 =	vadd.f32 v61, v1;
	(erf) = vpow2.f32 v23;
	v23 =	vperm.xlane v0, v8  }
0x179: {  	v62 =	vmul.f32 v51, v50;
	v63 =	vperm.xlane v4, v8;
	v54 =	vsub.f32 v5, v12  }
0x17a: {  	v19 =	vmul.f32 v53, v19;
	v58 =	vperm.xlane v1, v8;
	v0 =	vadd.f32 v23, v0  }
0x17b: {  	v25 =	vadd.f32 v62, v25;
	v4 =	vadd.f32 v63, v4;
	v59 =	vand.u32 $0x7FFFFFFF, v54  }
0x17c: {  	v23 =	vmul.f32 v51, v49;
	v47 =	vsub.f32 $0.0e+00, v59;
	v62 =	vperm.xlane v0, v9  }
0x17d: {  	v16 =	vmul.f32 v53, v16;
	v1 =	vadd.f32 v58, v1;
	v61 =	vperm.xlane v4, v9  }
0x17e: {  	v23 =	vadd.f32 v23, v3;
	v3 =	vmul.f32 $1.442695020e+00, v47;
	v0 =	vadd.f32 v62, v0  }
0x17f: {  	v19 =	vadd.f32 v19, v60;
	v63 =	vperm.xlane v1, v9;
	v4 =	vadd.f32 v61, v4  }
0x180: {  	p2 =	sne.s32 s15, $0x1;
	v16 =	vadd.f32 v55, v16;
	v18 =	vadd.f32 v18, v51;
	(erf) = vpow2.f32 v3  }
.Ltmp10:
0x181: {  	v12 =	vmax.f32 v12, v5;
	v57 =	vadd.f32 v63, v1;
	v56 =	vsub.f32 v4, v21;
	(pc) =	sbr.rel @!p2 .LBB2_11-.Ltmp10, $4  }
0x182: {  	v21 =	vmax.f32 v21, v4;
	v53 =	vsub.f32 v0, v20;
	v20 =	vmax.f32 v20, v0;
	v0 =	vpop (erf)  }
0x183: {  	v1 =	vand.u32 $0x7FFFFFFF, v56;
	v62 =	vnsel vm1, $0x3F800000, v0;
	v60 =	vsel vm1, $0x3F800000, v0  }
0x184: {  	v47 =	vsub.f32 $0.0e+00, v1;
	v0 =	vand.u32 $0x7FFFFFFF, v53;
	v63 =	vmul.f32 v60, v48  }
0x185: {  	s15 =	sadd.s32 $0xFFFFFFFF, s15;
	p1 =	por $0x1, $0x1;
	s18 =	sadd.s32 $0x80, s18;
	v51 =	vmovc v15;
	v0 =	vsub.f32 $0.0e+00, v0;
	v61 =	vmul.f32 v62, v14;
	v1 =	vmul.f32 v62, v13  }
.LBB2_12:
0x186: {  	p2 =	sne.s32 s15, $0x1;
	s15 =	sadd.s32 $0xFFFFFFFF, s15;
	v3 =	vsub.f32 v57, v17;
	v4 =	vmul.f32 v62, v51;
	v5 =	vmul.f32 v60, v30;
	v30 =	vmovc v40;
	v40 =	vld [tilespmem:s18+$0xFFFFFFC0]  }
0x187: {  	v17 =	vmax.f32 v17, v57;
	v50 =	vld [tilespmem:s18+$0x20];
	v2 =	vmul.f32 $1.442695020e+00, v0;
	v48 =	vadd.f32 v63, v1  }
0x188: {  	v1 =	vld [tilespmem:s18+$0x30];
	v55 =	vand.u32 $0x7FFFFFFF, v3;
	v51 =	vadd.f32 v4, v60;
	v49 =	vadd.f32 v5, v61  }
0x189: {  	vm1 =	vgt.f32 v54, $0.0e+00;
	v52 =	vld [tilespmem:s18+$0x10];
	v4 =	vsub.f32 $0.0e+00, v55;
	(erf) = vpow2.f32 v2;
	v0 =	vpop (erf)  }
0x18a: {  	v5 =	vld [tilespmem:s18+$0x0];
	v54 =	vnsel vm1, $0x3F800000, v0;
	v0 =	vsel vm1, $0x3F800000, v0  }
0x18b: {  	v55 =	vadd.f32 v40, v31;
	v57 =	vmul.f32 v0, v42;
	v58 =	vmul.f32 v0, v43  }
0x18c: {  	v22 =	vmul.f32 v54, v22;
	v27 =	vmul.f32 v54, v27;
	v42 =	vmov v50  }
0x18d: {  	vm1 =	vgt.f32 v56, $0.0e+00;
	v4 =	vmul.f32 $1.442695020e+00, v4;
	v26 =	vmul.f32 v54, v26;
	v43 =	vmovc v1  }
0x18e: {  	vm2 =	vgt.f32 v3, $0.0e+00;
	v1 =	vadd.f32 v42, v34;
	v54 =	vadd.f32 v43, v35  }
0x18f: {  	v22 =	vadd.f32 v22, v0;
	v3 =	vadd.f32 v5, v37;
	(erf) = vpow2.f32 v4  }
0x190: {  	v4 =	vadd.f32 v52, v38;
	v2 =	vmul.f32 $2.000000030e-01, v1;
	v0 =	vld [tilespmem:s18+$0xFFFFFFE0];
	v59 =	vmul.f32 $2.000000030e-01, v54  }
0x191: {  	vm3 =	vgt.f32 v53, $0.0e+00;
	v60 =	vmul.f32 $2.000000030e-01, v55;
	v50 =	vld [tilespmem:s18+$0xFFFFFFD0];
	v61 =	vmul.f32 $2.000000030e-01, v3  }
0x192: {  	v62 =	vmul.f32 $2.000000030e-01, v4;
	v1 =	vmax.f32 v1, v2;
	v53 =	vld [tilespmem:s18+$0xFFFFFFF0];
	v54 =	vmax.f32 v54, v59;
	v56 =	vpop (erf)  }
0x193: {  	v1 =	vmul.f32 v1, v10;
	v54 =	vmul.f32 v54, v11;
	v59 =	vsel vm3, $0x3F800000, v56  }
0x194: {  	v3 =	vmax.f32 v3, v61;
	v4 =	vmax.f32 v4, v62;
	v61 =	vmul.f32 v59, v45  }
0x195: {  	v56 =	vnsel vm3, $0x3F800000, v56;
	v4 =	vmul.f32 v4, v11;
	v1 =	vadd.f32 v54, v1;
	v45 =	vmovc v0  }
0x196: {  	v24 =	vmul.f32 v56, v24;
	v0 =	vadd.f32 v50, v32;
	v54 =	vadd.f32 v45, v33  }
0x197: {  	v3 =	vmul.f32 v3, v10;
	v62 =	vadd.f32 v53, v36;
	v63 =	vperm.xlane v1, v6  }
0x198: {  	v55 =	vmax.f32 v55, v60;
	v60 =	vmul.f32 $2.000000030e-01, v0;
	v2 =	vmul.f32 $2.000000030e-01, v54;
	v13 =	vpop (erf)  }
0x199: {  	v55 =	vmul.f32 v55, v10;
	v14 =	vmul.f32 $2.000000030e-01, v62;
	v1 =	vadd.f32 v63, v1  }
0x19a: {  	v0 =	vmax.f32 v0, v60;
	v2 =	vmax.f32 v54, v2;
	v54 =	vnsel vm2, $0x3F800000, v13  }
0x19b: {  	v0 =	vmul.f32 v0, v11;
	v14 =	vmax.f32 v62, v14;
	v60 =	vperm.xlane v1, v7  }
0x19c: {  	v3 =	vadd.f32 v4, v3;
	v2 =	vmul.f32 v2, v10;
	v14 =	vmul.f32 v14, v11  }
0x19d: {  	v4 =	vmul.f32 v54, v25;
	v0 =	vadd.f32 v0, v55;
	v1 =	vadd.f32 v60, v1  }
0x19e: {  	v25 =	vmul.f32 v59, v46;
	v46 =	vmovc v53;
	v2 =	vadd.f32 v14, v2;
	v14 =	vperm.xlane v3, v6  }
0x19f: {  	v26 =	vadd.f32 v58, v26;
	v53 =	vperm.xlane v0, v6;
	v55 =	vperm.xlane v1, v8  }
0x1a0: {  	v18 =	vmul.f32 v54, v18;
	v24 =	vadd.f32 v25, v24;
	v58 =	vperm.xlane v2, v6  }
0x1a1: {  	v23 =	vmul.f32 v54, v23;
	v0 =	vadd.f32 v53, v0;
	v1 =	vadd.f32 v55, v1  }
0x1a2: {  	v13 =	vsel vm2, $0x3F800000, v13;
	v3 =	vadd.f32 v14, v3;
	v2 =	vadd.f32 v58, v2  }
0x1a3: {  	v18 =	vadd.f32 v18, v13;
	v14 =	vperm.xlane v0, v7;
	v25 =	vperm.xlane v1, v9  }
0x1a4: {  	v27 =	vadd.f32 v57, v27;
	v54 =	vperm.xlane v3, v7;
	v53 =	vperm.xlane v2, v7  }
0x1a5: {  	v0 =	vadd.f32 v14, v0;
	v1 =	vadd.f32 v25, v1;
	v14 =	vmul.f32 $1.442695020e+00, v47  }
0x1a6: {  	v3 =	vadd.f32 v54, v3;
	v25 =	vmul.f32 v13, v41;
	v41 =	vmovc v5;
	v2 =	vadd.f32 v53, v2  }
0x1a7: {  	v5 =	vperm.xlane v0, v8;
	v54 =	vsub.f32 v1, v12;
	(erf) = vpow2.f32 v14  }
0x1a8: {  	v47 =	vperm.xlane v3, v8;
	v25 =	vadd.f32 v25, v4;
	v14 =	vperm.xlane v2, v8  }
0x1a9: {  	v0 =	vadd.f32 v5, v0;
	v4 =	vand.u32 $0x7FFFFFFF, v54;
	v5 =	vmul.f32 v13, v39;
	v39 =	vmovc v52  }
0x1aa: {  	v13 =	vmul.f32 v56, v19;
	v2 =	vadd.f32 v14, v2;
	v4 =	vsub.f32 $0.0e+00, v4  }
0x1ab: {  	v3 =	vadd.f32 v47, v3;
	v14 =	vperm.xlane v0, v9;
	v23 =	vadd.f32 v5, v23  }
0x1ac: {  	v19 =	vadd.f32 v13, v59;
	v5 =	vperm.xlane v2, v9;
	v4 =	vmul.f32 $1.442695020e+00, v4  }
0x1ad: {  	v13 =	vperm.xlane v3, v9;
	v47 =	vadd.f32 v14, v0;
	v14 =	vmul.f32 v56, v16  }
0x1ae: {  	v12 =	vmax.f32 v12, v1;
	v2 =	vadd.f32 v5, v2;
	(erf) = vpow2.f32 v4  }
.Ltmp11:
0x1af: {  	v57 =	vadd.f32 v13, v3;
	v56 =	vsub.f32 v47, v21;
	v21 =	vmax.f32 v21, v47;
	(pc) =	sbr.rel @p2 .LBB2_12-.Ltmp11, $4  }
0x1b0: {  	v16 =	vadd.f32 v61, v14;
	v53 =	vsub.f32 v2, v20;
	v20 =	vmax.f32 v20, v2;
	v0 =	vpop (erf)  }
0x1b1: {  	v1 =	vand.u32 $0x7FFFFFFF, v56;
	v62 =	vnsel vm1, $0x3F800000, v0;
	v60 =	vsel vm1, $0x3F800000, v0  }
0x1b2: {  	v47 =	vsub.f32 $0.0e+00, v1;
	v0 =	vand.u32 $0x7FFFFFFF, v53;
	v63 =	vmul.f32 v60, v44;
	v44 =	vmovc v50  }
0x1b3: {  	s18 =	sadd.s32 $0x80, s18;
	v61 =	vmul.f32 v62, v49;
	v1 =	vmul.f32 v62, v48;
	v0 =	vsub.f32 $0.0e+00, v0  }
0x1b4: {  	v31 =	vmovc v30;
	v30 =	vmov v40;
	v58 =	vmov v42;
	v59 =	vmov v43  }
0x1b5: {  	v55 =	vmovc v45;
	v52 =	vmovc v46;
	v50 =	vmov v41;
	v49 =	vmov v39;
	v48 =	vmov v44  }
.LBB2_14:
0x1b6: {  	v2 =	vsub.f32 v57, v17;
	v0 =	vmul.f32 $1.442695020e+00, v0;
	_ =	sdelay $0x1  }
0x1b7: {  	v3 =	vand.u32 $0x7FFFFFFF, v2;
	(erf) = vpow2.f32 v0  }
0x1b8: {  	v3 =	vsub.f32 $0.0e+00, v3;
	_ =	sdelay $0x1  }
0x1b9: {  	v3 =	vmul.f32 $1.442695020e+00, v3;
	_ =	sdelay $0x1  }
0x1ba: {  	(erf) = vpow2.f32 v3  }
0x1bb: {  	vm1 =	vgt.f32 v54, $0.0e+00;
	v4 =	vmul.f32 @p1 v60, v31;
	v54 =	vpop (erf)  }
0x1bc: {  	v13 =	vmul.f32 $1.442695020e+00, v47;
	vm2 =	vgt.f32 v53, $0.0e+00;
	v5 =	vsel vm1, $0x3F800000, v54  }
0x1bd: {  	v0 =	vmul.f32 @p1 v62, v51;
	vm3 =	vgt.f32 v2, $0.0e+00;
	v31 =	vmul.f32 v5, v59  }
0x1be: {  	v3 =	vnsel vm1, $0x3F800000, v54;
	vm1 =	vgt.f32 v56, $0.0e+00;
	(erf) = vpow2.f32 v13;
	v32 =	vpop (erf)  }
0x1bf: {  	v13 =	vmul.f32 v3, v22;
	v27 =	vmul.f32 v3, v27;
	v56 =	vnsel vm2, $0x3F800000, v32  }
0x1c0: {  	v0 =	vadd.f32 @p1 v0, v60;
	v3 =	vmul.f32 v3, v26;
	v2 =	vmul.f32 v56, v16;
	v16 =	vld [tilespmem:$0x1FFE0]  }
0x1c1: {  	v1 =	vadd.f32 @p1 v63, v1;
	v4 =	vadd.f32 @p1 v4, v61;
	v14 =	vmul.f32 v5, v58  }
0x1c2: {  	v0 =	vpsel p1, v0, v15;
	v22 =	vadd.f32 v13, v5;
	v26 =	vadd.f32 v31, v3  }
0x1c3: {  	v27 =	vadd.f32 v14, v27;
	v13 =	vsel vm2, $0x3F800000, v32;
	v24 =	vmul.f32 v56, v24;
	v5 =	vpop (erf)  }
0x1c4: {  	v33 =	vmul.f32 v13, v52;
	v58 =	vnsel vm3, $0x3F800000, v5;
	v5 =	vsel vm3, $0x3F800000, v5  }
0x1c5: {  	v61 =	vmul.f32 v13, v55;
	v59 =	vmul.f32 v58, v18;
	v4 =	vpsel p1, v4, v16;
	v16 =	vld [tilespmem:$0x1FFD0]  }
0x1c6: {  	v62 =	vmul.f32 v56, v19;
	v24 =	vadd.f32 v33, v24;
	v25 =	vmul.f32 v58, v25  }
0x1c7: {  	v31 =	vmul.f32 v5, v50;
	v60 =	vmul.f32 v5, v49;
	v18 =	vadd.f32 v59, v5;
	v5 =	vpop (erf)  }
0x1c8: {  	v19 =	vadd.f32 v62, v13;
	v14 =	vnsel vm1, $0x3F800000, v5;
	v5 =	vsel vm1, $0x3F800000, v5  }
0x1c9: {  	v23 =	vmul.f32 v58, v23;
	v25 =	vadd.f32 v31, v25;
	v31 =	vmul.f32 v5, v48  }
0x1ca: {  	v4 =	vmul.f32 v14, v4;
	v0 =	vmul.f32 v14, v0;
	v1 =	vpsel p1, v1, v16  }
0x1cb: {  	v23 =	vadd.f32 v60, v23;
	v63 =	vmul.f32 v5, v30;
	v1 =	vmul.f32 v14, v1  }
0x1cc: {  	v16 =	vadd.f32 v61, v2;
	v15 =	vadd.f32 v0, v5  }
0x1cd: {  	v17 =	vmax.f32 v17, v57;
	v14 =	vadd.f32 v63, v4;
	v13 =	vadd.f32 v31, v1  }
.LBB2_15:
0x1ce: {  	vm1 =	vlt.s32 v29, $0x7F  }
0x1cf: {  	v0 =	vnsel vm1, $0x7F, v29  }
0x1d0: {  	p1 =	sge.s32 s16, s2  }
0x1d1: {  	p2 =	slt.s32 @!p1 s19, s26  }
0x1d2: {  	p2 =	por p2, p1  }
0x1d3: {  	(erf) = vrcp.f32 @!p2 v15  }
0x1d4: {  	v0 =	vld.idx.msk [tilespmem:v0+s22+$0x0], $0xffff  }
0x1d5: {  	(erf) = vrcp.f32 @!p2 v19;
	_ =	sdelay $0x1  }
0x1d6: {  	(erf) = vrcp.f32 @!p2 v18;
	_ =	sdelay $0x1  }
0x1d7: {  	(erf) = vrcp.f32 @!p2 v22;
	(v2sf) =	vpush v0, $0x0;
	_ =	sdelay $0x2  }
0x1d8: {  	v0 =	vpop @!p2 (erf)  }
0x1d9: {  	v1 =	vmul.f32 @!p2 v14, v0  }
0x1da: {  	v2 =	vpop @!p2 (erf);
	v0 =	vmul.f32 @!p2 v13, v0  }
0x1db: {  	[tilespmem:$0x10380] =	vst @!p2 v1;
	v1 =	vmul.f32 @!p2 v16, v2  }
0x1dc: {  	v3 =	vpop @!p2 (erf);
	[tilespmem:$0x10390] =	vst @!p2 v0;
	v0 =	vmul.f32 @!p2 v24, v2  }
0x1dd: {  	[tilespmem:$0x103A0] =	vst @!p2 v1;
	v1 =	vmul.f32 @!p2 v25, v3  }
0x1de: {  	v2 =	vpop @!p2 (erf);
	[tilespmem:$0x103B0] =	vst @!p2 v0;
	v0 =	vmul.f32 @!p2 v23, v3  }
0x1df: {  	[tilespmem:$0x103C0] =	vst @!p2 v1;
	v1 =	vmul.f32 @!p2 v27, v2  }
0x1e0: {  	s8 =	sshll.u32 @!p2 s19, $0x4;
	[tilespmem:$0x103D0] =	vst @!p2 v0;
	v0 =	vmul.f32 @!p2 v26, v2  }
0x1e1: {  	s8 =	sand.u32 @!p2 $0x1FFFFFF0, s8;
	[tilespmem:$0x103E0] =	vst @!p2 v1  }
0x1e2: {  	s10 =	simm.s32 @!p2 $0x0;
	s12 =	simm.s32 @!p2 $0x10380;
	s8 =	sadd.s32 @!p2 s4, s8;
	[tilespmem:$0x103F0] =	vst @!p2 v0  }
0x1e3: {  	[hbm4b:s8+s10] =	stream.linear.scatter @!p2 [tilespmem:s12], [sflag:$0x5], $0x80, $0x38;
	[tilespmem:$0x10800] =	vst v63  }
0x1e4: {  	s10 =	sadd.s32 @!p1 $0x1, s19;
	s18 =	spop (v2sf)  }
0x1e5: {  	p3 =	sge.s32 @!p1 s10, s18  }
0x1e6: {  	p3 =	por p1, p3  }
.Ltmp12:
0x1e7: {  	_ = 	snop;
	(pc) =	sbr.rel @p3 .LBB2_16-.Ltmp12, $4  }
0x1e8: {  	s8 =	simm.s32 @!p2 $0x5  }
0x1e9: {  	_ =	swait.ge @!p2 [sflag:s8], $0x80  }
0x1ea: {  	[sflag:s8] =	ssyncset.done @!p2 $0x0  }
0x1eb: {  	[sflag:s8] =	ssyncadd.s32 @!p2 $0xFFFFFF80  }
0x1ec: {  	s10 =	sxor.u32 $0xFFFFFFFF, s19  }
0x1ed: {  	s10 =	sadd.s32 s18, s10  }
0x1ee: {  	s8 =	sshll.u32 s19, $0x4;
	p1 =	sne.s32 s10, $0x1  }
.Ltmp13:
0x1ef: {  	s8 =	sadd.s32 $0x10, s8;
	(pc) =	sbr.rel @!p1 .LBB2_19-.Ltmp13, $4  }
0x1f0: {  	s12 =	sand.u32 $0x1FFFFFF0, s8  }
0x1f1: {  	s12 =	sadd.s32 s4, s12  }
0x1f2: {  	[hbm4b:s12+s5] =	stream.linear.scatter [tilespmem:s23], [sflag:$0x5], $0x80, $0x38;
	[tilespmem:$0x10800] =	vst v63  }
0x1f3: {  	s15 =	sadd.s32 $0xFFFFFFFF, s10;
	s19 =	sadd.s32 $0x10, s8;
	_ =	swait.ge [sflag:s14], $0x80  }
.LBB2_18:
0x1f4: {  	s8 =	sand.u32 $0x1FFFFFF0, s19;
	[sflag:s14] =	ssyncset.done $0x0;
	p1 =	sne.s32 s15, $0x1  }
.Ltmp14:
0x1f5: {  	s8 =	sadd.s32 s4, s8;
	[sflag:s14] =	ssyncadd.s32 $0xFFFFFF80;
	(pc) =	sbr.rel @p1 .LBB2_18-.Ltmp14, $3  }
0x1f6: {  	[hbm4b:s8+s5] =	stream.linear.scatter [tilespmem:s23], [sflag:$0x5], $0x80, $0x38;
	[tilespmem:$0x10800] =	vst v63  }
0x1f7: {  	s15 =	sadd.s32 $0xFFFFFFFF, s15;
	_ =	sdelay $0x1  }
0x1f8: {  	s19 =	sadd.s32 $0x10, s19;
	_ =	swait.ge [sflag:s14], $0x80  }
.LBB2_19:
0x1f9: {  	v12 =	vimm.f32 $-9.999999680e+37  }
.Ltmp15:
0x1fa: {  	v26 =	vimm.f32 $0.0e+00;
	v27 =	vimm.f32 $0.0e+00;
	v23 =	vimm.f32 $0.0e+00;
	(pc) =	sbr.rel .LBB2_20-.Ltmp15, $4  }
0x1fb: {  	v25 =	vimm.f32 $0.0e+00;
	v24 =	vimm.f32 $0.0e+00;
	v16 =	vimm.f32 $0.0e+00  }
0x1fc: {  	v13 =	vimm.f32 $0.0e+00;
	v14 =	vimm.f32 $0.0e+00;
	v22 =	vimm.f32 $0.0e+00  }
0x1fd: {  	[sflag:s14] =	ssyncset.done $0x0;
	v18 =	vimm.f32 $0.0e+00;
	v19 =	vimm.f32 $0.0e+00;
	v15 =	vimm.f32 $0.0e+00  }
0x1fe: {  	v17 =	vimm.f32 $-9.999999680e+37;
	v20 =	vimm.f32 $-9.999999680e+37;
	v21 =	vimm.f32 $-9.999999680e+37;
	[sflag:s14] =	ssyncadd.s32 $0xFFFFFF80  }
.LBB2_9:
.Ltmp16:
0x1ff: {  	(pc) =	sbr.rel .LBB2_14-.Ltmp16, $2  }
0x200: {  	_ =	sdelay $0x2  }
0x201: {  	v51 =	vmov v15  }
.LBB2_11:
.Ltmp17:
0x202: {  	(pc) =	sbr.rel .LBB2_14-.Ltmp17, $3  }
0x203: {  	_ =	sdelay $0x1  }
0x204: {  	v31 =	vmovc v30;
	v51 =	vmovc v15;
	v30 =	vmov v40;
	v58 =	vmov v42;
	v59 =	vmov v43  }
0x205: {  	v55 =	vmovc v45;
	v52 =	vmovc v46;
	v50 =	vmov v41;
	v49 =	vmov v39;
	v48 =	vmov v44  }
.LBB2_21:
0x206: {  	v15 =	vimm.f32 $0.0e+00;
	v19 =	vimm.f32 $0.0e+00;
	v18 =	vimm.f32 $0.0e+00  }
0x207: {  	v22 =	vimm.f32 $0.0e+00;
	v14 =	vimm.f32 $0.0e+00;
	v13 =	vimm.f32 $0.0e+00  }
0x208: {  	v16 =	vimm.f32 $0.0e+00;
	v24 =	vimm.f32 $0.0e+00;
	v25 =	vimm.f32 $0.0e+00  }
0x209: {  	s18 =	sadd.s32 $0xFFFFFFFF, s26;
	v23 =	vimm.f32 $0.0e+00;
	v27 =	vimm.f32 $0.0e+00;
	v26 =	vimm.f32 $0.0e+00  }
.LBB2_22:
0x20a: {  	p0 =	slt.s32 s18, s26  }
0x20b: {  	(erf) = vrcp.f32 @!p0 v15;
	_ =	sdelay $0x1  }
0x20c: {  	(erf) = vrcp.f32 @!p0 v19;
	_ =	sdelay $0x1  }
0x20d: {  	(erf) = vrcp.f32 @!p0 v18;
	_ =	sdelay $0x1  }
0x20e: {  	(erf) = vrcp.f32 @!p0 v22;
	_ =	sdelay $0x2  }
0x20f: {  	v0 =	vpop @!p0 (erf)  }
0x210: {  	v1 =	vmul.f32 @!p0 v14, v0  }
0x211: {  	v2 =	vpop @!p0 (erf);
	v0 =	vmul.f32 @!p0 v13, v0  }
0x212: {  	[tilespmem:$0x10380] =	vst @!p0 v1;
	v1 =	vmul.f32 @!p0 v16, v2  }
0x213: {  	v3 =	vpop @!p0 (erf);
	[tilespmem:$0x10390] =	vst @!p0 v0;
	v0 =	vmul.f32 @!p0 v24, v2  }
0x214: {  	[tilespmem:$0x103A0] =	vst @!p0 v1;
	v1 =	vmul.f32 @!p0 v25, v3  }
0x215: {  	v2 =	vpop @!p0 (erf);
	[tilespmem:$0x103B0] =	vst @!p0 v0;
	v0 =	vmul.f32 @!p0 v23, v3  }
0x216: {  	[tilespmem:$0x103C0] =	vst @!p0 v1;
	v1 =	vmul.f32 @!p0 v27, v2  }
0x217: {  	s2 =	sshll.u32 @!p0 s18, $0x4;
	[tilespmem:$0x103D0] =	vst @!p0 v0;
	v0 =	vmul.f32 @!p0 v26, v2  }
0x218: {  	s31 =	sadd.s32 $0x1, s18;
	s3 =	simm.s32 @!p0 $0x0;
	s2 =	sand.u32 @!p0 $0x1FFFFFF0, s2;
	[tilespmem:$0x103E0] =	vst @!p0 v1  }
0x219: {  	s8 =	simm.s32 @!p0 $0x10380;
	p1 =	sge.s32 s31, s25;
	s2 =	sadd.s32 @!p0 s4, s2;
	[tilespmem:$0x103F0] =	vst @!p0 v0  }
0x21a: {  	[hbm4b:s2+s3] =	stream.linear.scatter @!p0 [tilespmem:s8], [sflag:$0x5], $0x80, $0x38;
	[tilespmem:$0x10800] =	vst v63  }
.Ltmp18:
0x21b: {  	_ = 	snop;
	(pc) =	sbr.rel @p1 .LBB2_26-.Ltmp18, $4  }
0x21c: {  	s2 =	simm.s32 @!p0 $0x5  }
0x21d: {  	_ =	swait.ge @!p0 [sflag:s2], $0x80  }
0x21e: {  	[sflag:s2] =	ssyncset.done @!p0 $0x0  }
0x21f: {  	[sflag:s2] =	ssyncadd.s32 @!p0 $0xFFFFFF80  }
0x220: {  	s2 =	sshll.u32 s18, $0x4;
	s31 =	sxor.u32 $0xFFFFFFFF, s18  }
0x221: {  	s3 =	sadd.s32 $0x10, s2;
	s2 =	sadd.s32 s25, s31  }
0x222: {  	p0 =	sne.s32 s2, $0x1  }
.Ltmp19:
0x223: {  	_ = 	snop;
	(pc) =	sbr.rel @!p0 .LBB2_25-.Ltmp19, $4  }
0x224: {  	s8 =	sand.u32 $0x1FFFFFF0, s3  }
0x225: {  	s8 =	sadd.s32 s4, s8  }
0x226: {  	[hbm4b:s8+s5] =	stream.linear.scatter [tilespmem:s23], [sflag:$0x5], $0x80, $0x38;
	[tilespmem:$0x10800] =	vst v63  }
0x227: {  	s2 =	sadd.s32 $0xFFFFFFFF, s2;
	s3 =	sadd.s32 $0x10, s3;
	_ =	swait.ge [sflag:s14], $0x80  }
.LBB2_24:
0x228: {  	s8 =	sand.u32 $0x1FFFFFF0, s3;
	[sflag:s14] =	ssyncset.done $0x0;
	p0 =	sne.s32 s2, $0x1  }
.Ltmp20:
0x229: {  	s8 =	sadd.s32 s4, s8;
	[sflag:s14] =	ssyncadd.s32 $0xFFFFFF80;
	(pc) =	sbr.rel @p0 .LBB2_24-.Ltmp20, $3  }
0x22a: {  	[hbm4b:s8+s5] =	stream.linear.scatter [tilespmem:s23], [sflag:$0x5], $0x80, $0x38;
	[tilespmem:$0x10800] =	vst v63  }
0x22b: {  	s2 =	sadd.s32 $0xFFFFFFFF, s2;
	_ =	sdelay $0x1  }
0x22c: {  	s3 =	sadd.s32 $0x10, s3;
	_ =	swait.ge [sflag:s14], $0x80  }
.Ltmp21:
0x22d: {  	_ = 	snop;
	(pc) =	sbr.rel .LBB2_25-.Ltmp21, $1  }
0x22e: {  	_ =	sdelay $0x3  }
.LBB2_27:
0x22f: {  	_ =	sfence.sel $0x180000  }
0x230: {  	[bflag:$0x0] =	sbarrier.arrive $0xFFFF  }
0x231: {  	_ =	strace $0x90000047  }
0x232: {  	s0 =	stileid.u32;
	[bflag:$0x2] =	sbarrier.arrive $0xFFFF  }
0x233: {  	p0 =	sne.s32 s0, $0x0;
	s0 =	rddreg [dreg:$0x5]  }
0x234: {  	s0 =	sadd.s32 @!p0 $0x100000, s0  }
0x235: {  	[sflag:s0] =	ssyncadd.tile.s32 @!p0 $0x1;
	_ =	shalt  }
.Lfunc_end2:
_tile_overlayer_lowered:
.L_overlay_start_2:
0x236: {  	(tag) =	ssettag $0x2  }
0x237: {  	s0 =	rddreg [dreg:$0x0];
	s2 =	stileid.u32  }
0x238: {  	s1 =	rddreg [dreg:$0x1];
	p0 =	sne.s32 s2, $0x0  }
0x239: {  	s3 =	rddreg [dreg:$0x2];
	[bflag:$0x3] =	sbarrier.arrive $0xFFFF;
	s2 =	simm.s32 @!p0 $0x1C05  }
0x23a: {  	[timem:s3], [sflag:s2] =	dma.local @!p0 [hbm:s0], s1  }
0x23b: {  	s0 =	simm.s32 @!p0 $0x5  }
0x23c: {  	_ =	swait.ge @!p0 [sflag:s0], s1  }
0x23d: {  	s1 =	ssub.s32 @!p0 $0x0, s1;
	[sflag:s0] =	ssyncset.done @!p0 $0x0  }
0x23e: {  	[sflag:s0] =	ssyncadd.s32 @!p0 s1  }
0x23f: {  	[bflag:$0x3] =	sbarrier.arrive $0xFFFF  }
0x240: {  	_ =	shalt  }

</sc_bundles>
